<compile_context>
chip_gen: v7x
topology: tpu7x:2x2x1
jax: 0.10.2.dev20260603
libtpu: 0.0.44.dev20260713+nightly
codegen_flags: <defaults>
</compile_context>

<pallas_src>
import functools

import jax
import jax.numpy as jnp
from jax import lax
from jax.experimental import pallas as pl
from jax.experimental.pallas import tpu as pltpu
from jax.experimental.pallas import tpu_sc as plsc

N_NODES = 10000
N_EDGES = 320000
NC = 2
NS = 16
NW = NC * NS
EW = N_EDGES // NW
CH = 80
NCHUNK = 125
EWP = NCHUNK * CH
NB = 5
NP = 10240
ROWS_T = NP // NS
ZR = 128


def _mesh():
    return plsc.VectorSubcoreMesh(core_axis_name="c", subcore_axis_name="s",
                                  num_cores=NC, num_subcores=NS)


def _zero_fill(buf, nwords):
    zv = jnp.zeros((16,), jnp.float32)

    def body(i, _):
        buf[pl.ds(i * 16, 16)] = zv
        return 0

    lax.fori_loop(0, nwords // 16, body, 0)


def _make_segsum(d_feats):

    @functools.partial(
        pl.kernel,
        mesh=_mesh(),
        compiler_params=pltpu.CompilerParams(use_tc_tiling_on_sc=False),
        out_type=jax.ShapeDtypeStruct((NC, NP, d_feats), jnp.float32),
        scratch_types=[
            pltpu.VMEM((NCHUNK, CH), jnp.int32),
            pltpu.VMEM((NCHUNK, CH), jnp.int32),
            pltpu.VMEM((NB, CH, d_feats), jnp.float32),
            pltpu.VMEM((ZR, d_feats), jnp.float32),
            pltpu.VMEM_SHARED((NP, d_feats), jnp.float32),
            pltpu.SemaphoreType.DMA((NB,)),
            pltpu.SemaphoreType.DMA((NB,)),
        ],
    )
    def segsum(hp, er, out, src_v, dst_v, rows_v, zero_v, acc, gsem, ssem):
        c = lax.axis_index("c")
        s = lax.axis_index("s")
        w = c * NS + s

        zv = jnp.zeros((16,), jnp.float32)

        def zbody(i, _):
            for j in range(d_feats // 16):
                zero_v[i, pl.ds(j * 16, 16)] = zv
            return 0

        lax.fori_loop(0, ZR, zbody, 0)
        for k in range(ROWS_T // ZR):
            pltpu.sync_copy(zero_v, acc.at[pl.ds(s * ROWS_T + k * ZR, ZR)])

        pltpu.sync_copy(er.at[0, w], src_v)
        pltpu.sync_copy(er.at[1, w], dst_v)
        plsc.subcore_barrier()

        def wait_gather(b):
            pltpu.make_async_copy(hp.at[pl.ds(0, CH)], rows_v.at[b],
                                  gsem.at[b]).wait()

        def wait_scatter(b):
            pltpu.make_async_copy(rows_v.at[b], acc.at[pl.ds(0, CH)],
                                  ssem.at[b]).wait()

        for b in range(NB):
            pltpu.async_copy(hp.at[src_v.at[b]], rows_v.at[b], gsem.at[b])

        def body(g, _):
            c0 = g * NB
            for b in range(NB):
                wait_gather(b)
                pltpu.async_copy(rows_v.at[b], acc.at[dst_v.at[c0 + b]],
                                 ssem.at[b], add=True)
            for b in range(NB):
                wait_scatter(b)
                pltpu.async_copy(hp.at[src_v.at[c0 + NB + b]], rows_v.at[b],
                                 gsem.at[b])
            return 0

        lax.fori_loop(0, NCHUNK // NB - 1, body, 0)

        c0 = NCHUNK - NB
        for b in range(NB):
            wait_gather(b)
            pltpu.async_copy(rows_v.at[b], acc.at[dst_v.at[c0 + b]],
                             ssem.at[b], add=True)
        for b in range(NB):
            wait_scatter(b)

        plsc.subcore_barrier()
        pltpu.sync_copy(acc.at[pl.ds(s * ROWS_T, ROWS_T)],
                        out.at[c, pl.ds(s * ROWS_T, ROWS_T)])

    return segsum


def _make_hist():

    @functools.partial(
        pl.kernel,
        mesh=_mesh(),
        compiler_params=pltpu.CompilerParams(needs_layout_passes=False),
        out_type=jax.ShapeDtypeStruct((NC, NP), jnp.float32),
        scratch_types=[
            pltpu.VMEM((NCHUNK, CH), jnp.int32),
            pltpu.VMEM((NP,), jnp.float32),
            pltpu.VMEM((NS, ROWS_T), jnp.float32),
            pltpu.VMEM((ROWS_T,), jnp.float32),
            pltpu.VMEM_SHARED((NS, NP), jnp.float32),
        ],
    )
    def hist(er, out, dst_v, tab_v, slab_v, red_v, stage):
        c = lax.axis_index("c")
        s = lax.axis_index("s")
        w = c * NS + s

        _zero_fill(tab_v, NP)
        pltpu.sync_copy(er.at[1, w], dst_v)

        ones = jnp.ones((16,), jnp.float32)

        def body(i, _):
            for j in range(CH // 16):
                idx = dst_v[i, pl.ds(j * 16, 16)]
                plsc.addupdate_scatter(tab_v, [idx], ones)
            return 0

        lax.fori_loop(0, NCHUNK, body, 0)

        pltpu.sync_copy(tab_v, stage.at[s])
        plsc.subcore_barrier()

        pltpu.sync_copy(stage.at[:, pl.ds(s * ROWS_T, ROWS_T)], slab_v)

        def rbody(k, _):
            a = slab_v[0, pl.ds(k * 16, 16)]
            for t in range(1, NS):
                a = a + slab_v[t, pl.ds(k * 16, 16)]
            red_v[pl.ds(k * 16, 16)] = a
            return 0

        lax.fori_loop(0, ROWS_T // 16, rbody, 0)
        pltpu.sync_copy(red_v, out.at[c, pl.ds(s * ROWS_T, ROWS_T)])

    return hist



def _stage_a1_body(x_ref, w1_ref, h_ref):
    h_ref[...] = jnp.dot(x_ref[...], w1_ref[...],
                         preferred_element_type=jnp.float32)


def _stage_a2_body(deg_ref, h_ref, hp_ref, dinv_ref):
    degT = jnp.transpose(deg_ref[...])[:N_NODES]
    deg = degT[:, 0:1] + degT[:, 1:2] + 1.0
    dinv = lax.rsqrt(deg)
    hp_ref[...] = h_ref[...] * dinv
    dinv_ref[...] = dinv


def _stage_b_body(raw_ref, hp_ref, dinv_ref, b1_ref, w2_ref, hp2_ref):
    dinv = dinv_ref[...]
    raw = raw_ref[0, :N_NODES] + raw_ref[1, :N_NODES]
    z = dinv * (raw + hp_ref[...]) + b1_ref[...]
    z = jnp.maximum(z, 0.0)
    hp2_ref[...] = jnp.dot(z, w2_ref[...],
                           preferred_element_type=jnp.float32) * dinv


def _stage_c_body(raw_ref, hp2_ref, dinv_ref, b2_ref, wn_ref, bn_ref, out_ref):
    dinv = dinv_ref[...]
    raw = raw_ref[0, :N_NODES] + raw_ref[1, :N_NODES]
    z = dinv * (raw + hp2_ref[...]) + b2_ref[...]
    z = jnp.maximum(z, 0.0)
    s = jnp.dot(z, wn_ref[...], preferred_element_type=jnp.float32)
    out_ref[...] = (s + bn_ref[...])[:, 0]


def kernel(x, edge_index, W1, b1, W2, b2, Wn, bn):
    er = edge_index.reshape(2, NW, NCHUNK, CH)

    deg_parts = _make_hist()(er)
    h1, = pl.pallas_call(
        _stage_a1_body,
        out_shape=[jax.ShapeDtypeStruct((N_NODES, 64), jnp.float32)],
    )(x, W1)

    hp1, dinv = pl.pallas_call(
        _stage_a2_body,
        out_shape=[jax.ShapeDtypeStruct((N_NODES, 64), jnp.float32),
                   jax.ShapeDtypeStruct((N_NODES, 1), jnp.float32)],
    )(deg_parts, h1)

    raw1 = _make_segsum(64)(hp1, er)

    hp2, = pl.pallas_call(
        _stage_b_body,
        out_shape=[jax.ShapeDtypeStruct((N_NODES, 32), jnp.float32)],
    )(raw1, hp1, dinv, b1, W2)

    raw2 = _make_segsum(32)(hp2, er)

    scores, = pl.pallas_call(
        _stage_c_body,
        out_shape=[jax.ShapeDtypeStruct((N_NODES,), jnp.float32)],
    )(raw2, hp2, dinv, b2, Wn, bn)

    return scores

# --- scband reference (transcript-rebuilt; emitter-appended) ---
"""Pipeline reference for scband-grid-gcn-37357625540609 (READ-ONLY COPY).

The authoritative reference and input builder live on the scoring server;
editing this copy changes nothing except your own understanding.
"""

import jax, jax.numpy as jnp
import numpy as np

N_NODES = 10000
N_EDGES = 320000
IN_FEATS = 128
HIDDEN = 64
OUT2 = 32


def _glorot(key, shape):
    fan_in, fan_out = shape[0], shape[1]
    limit = np.sqrt(6.0 / (fan_in + fan_out))
    return jax.random.uniform(key, shape, dtype=jnp.float32, minval=-limit, maxval=limit)


def setup_inputs(seed: int = 0) -> dict:
    key = jax.random.key(seed)
    ks = jax.random.split(key, 8)
    x = jax.random.normal(ks[0], (N_NODES, IN_FEATS), dtype=jnp.float32)
    edge_index = jax.random.randint(ks[1], (2, N_EDGES), 0, N_NODES, dtype=jnp.int32)
    W1 = _glorot(ks[2], (IN_FEATS, HIDDEN))
    b1 = jnp.zeros((HIDDEN,), dtype=jnp.float32)
    W2 = _glorot(ks[3], (HIDDEN, OUT2))
    b2 = jnp.zeros((OUT2,), dtype=jnp.float32)
    Wn = _glorot(ks[4], (OUT2, 1))
    bn = jnp.zeros((1,), dtype=jnp.float32)
    return {"x": x, "edge_index": edge_index, "W1": W1, "b1": b1, "W2": W2, "b2": b2, "Wn": Wn, "bn": bn}


def _gcn_conv(x, src, dst, W, b):
    # Faithful to PyG GCNConv defaults: add self-loops + symmetric normalization.
    N = x.shape[0]
    h = x @ W
    deg = jnp.zeros((N,), dtype=h.dtype).at[dst].add(1.0) + 1.0  # +1 for self loop
    dinv = jax.lax.rsqrt(deg)
    norm = dinv[src] * dinv[dst]
    agg = jnp.zeros_like(h).at[dst].add(h[src] * norm[:, None])
    agg = agg + h * (dinv * dinv)[:, None]  # self-loop messages
    return agg + b


def reference(x, edge_index, W1, b1, W2, b2, Wn, bn):
    src = edge_index[0]
    dst = edge_index[1]
    h = jax.nn.relu(_gcn_conv(x, src, dst, W1, b1))
    h = jax.nn.relu(_gcn_conv(h, src, dst, W2, b2))
    scores = (h @ Wn + bn).squeeze(-1)
    return scores

if __name__ == "__main__":
    import jax
    _d = setup_inputs()
    print(jax.jit(kernel)(*tuple(_d.values())))

</pallas_src>

<mosaic_0001>
#map = affine_map<(d0, d1) -> (0, 0, 0, 0)>
#map1 = affine_map<(d0, d1) -> (0, 0)>
module attributes {stable_mosaic.version = 14 : i64} {
  func.func @hist(%arg0: i32, %arg1: i32, %arg2: memref<2x32x125x80xi32, #tpu.memory_space<hbm>>, %arg3: memref<2x10240xf32, #tpu.memory_space<hbm>>, %arg4: memref<125x80xi32, #tpu.memory_space<vmem>>, %arg5: memref<10240xf32, #tpu.memory_space<vmem>>, %arg6: memref<16x640xf32, #tpu.memory_space<vmem>>, %arg7: memref<640xf32, #tpu.memory_space<vmem>>, %arg8: memref<16x10240xf32, #tpu.memory_space<vmem_shared>>) attributes {dimension_semantics = [#tpu.dimension_semantics<core_parallel>, #tpu.dimension_semantics<subcore_parallel>], iteration_bounds = array<i64: 2, 16>, scalar_prefetch = 0 : i64, scratch_operands = 5 : i64, tpu.core_type = #tpu.core_type<sc_vector_subcore>, window_params = [{transform_indices = #map}, {transform_indices = #map1}]} {
    %mul3A = arith.constant 16 : i32
    %mul3A_0 = arith.muli %arg0, %mul3A : i32
    %add3A = arith.addi %mul3A_0, %arg1 : i32
    %broadcast_in_dim3A = arith.constant 0.000000e+00 : f32
    %broadcast_in_dim3A_1 = vector.broadcast %broadcast_in_dim3A : f32 to vector<16xf32>
    %scan3A = arith.constant 0 : i32
    %scan3A_2 = arith.constant 0 : i32
    %scan3A_3 = arith.constant 640 : i32
    %scan3A_4 = arith.addi %scan3A_2, %scan3A_3 : i32
    %scan3A_5 = arith.constant 1 : i32
    %scan3A_6 = scf.for %scan3A_28 = %scan3A_2 to %scan3A_4 step %scan3A_5 iter_args(%scan3A_29 = %scan3A) -> (i32)  : i32 {
      %mul3A_30 = arith.constant 16 : i32
      %mul3A_31 = arith.muli %scan3A_28, %mul3A_30 : i32
      %swap3A = arith.index_cast %mul3A_31 : i32 to index
      %swap3A_32 = tpu.vector_load %arg5[%swap3A] {strides = array<i32>} : memref<10240xf32, #tpu.memory_space<vmem>>, vector<16xf32>,
      tpu.vector_store %arg5[%swap3A], %broadcast_in_dim3A_1 {strides = array<i32>} : memref<10240xf32, #tpu.memory_space<vmem>>, vector<16xf32>,
      %scan3A_33 = arith.constant 0 : i32
      scf.yield %scan3A_33 : i32
    }
    %scan3A_7 = arith.constant 640 : i32
    %run_scoped3A = arith.constant 1 : i32
    "tpu.region"() ({
      %run_scoped3A_28 = tpu.sem_alloc : memref<!tpu.dma_semaphore, #tpu.memory_space<semaphore_mem>>
      %dma_start3A = arith.constant 0 : i32
      %dma_start3A_29 = arith.constant 0 : i32
      %dma_start3A_30 = tpu.memref_slice %arg2[%run_scoped3A, %add3A, %dma_start3A, %dma_start3A_29] : memref<2x32x125x80xi32, #tpu.memory_space<hbm>> -> memref<1x1x125x80xi32, #tpu.memory_space<hbm>>
      %dma_start3A_31 = tpu.memref_squeeze %dma_start3A_30 : memref<1x1x125x80xi32, #tpu.memory_space<hbm>> -> memref<125x80xi32, #tpu.memory_space<hbm>>
      %dma_start3A_32 = arith.constant 0 : i32
      %dma_start3A_33 = arith.constant 0 : i32
      %dma_start3A_34 = tpu.memref_slice %arg2[%run_scoped3A, %add3A, %dma_start3A_32, %dma_start3A_33] : memref<2x32x125x80xi32, #tpu.memory_space<hbm>> -> memref<1x1x125x80xi32, #tpu.memory_space<hbm>>
      %dma_start3A_35 = tpu.memref_squeeze %dma_start3A_34 : memref<1x1x125x80xi32, #tpu.memory_space<hbm>> -> memref<125x80xi32, #tpu.memory_space<hbm>>
      tpu.enqueue_dma source(%dma_start3A_35 : memref<125x80xi32, #tpu.memory_space<hbm>>) target(%arg4 : memref<125x80xi32, #tpu.memory_space<vmem>>) target_semaphore(%run_scoped3A_28 : memref<!tpu.dma_semaphore, #tpu.memory_space<semaphore_mem>>)
      %dma_wait3A = arith.constant 0 : i32
      %dma_wait3A_36 = arith.constant 0 : i32
      %dma_wait3A_37 = tpu.memref_slice %arg2[%run_scoped3A, %add3A, %dma_wait3A, %dma_wait3A_36] : memref<2x32x125x80xi32, #tpu.memory_space<hbm>> -> memref<1x1x125x80xi32, #tpu.memory_space<hbm>>
      %dma_wait3A_38 = tpu.memref_squeeze %dma_wait3A_37 : memref<1x1x125x80xi32, #tpu.memory_space<hbm>> -> memref<125x80xi32, #tpu.memory_space<hbm>>
      %dma_wait3A_39 = arith.constant 0 : i32
      %dma_wait3A_40 = arith.constant 0 : i32
      %dma_wait3A_41 = tpu.memref_slice %arg2[%run_scoped3A, %add3A, %dma_wait3A_39, %dma_wait3A_40] : memref<2x32x125x80xi32, #tpu.memory_space<hbm>> -> memref<1x1x125x80xi32, #tpu.memory_space<hbm>>
      %dma_wait3A_42 = tpu.memref_squeeze %dma_wait3A_41 : memref<1x1x125x80xi32, #tpu.memory_space<hbm>> -> memref<125x80xi32, #tpu.memory_space<hbm>>
      tpu.wait_dma2 semaphore(%run_scoped3A_28 : memref<!tpu.dma_semaphore, #tpu.memory_space<semaphore_mem>>) src(%dma_wait3A_42 : memref<125x80xi32, #tpu.memory_space<hbm>>) dst(%arg4 : memref<125x80xi32, #tpu.memory_space<vmem>>)
      tpu.yield
    }) : () -> ()
    %broadcast_in_dim3A_8 = arith.constant 1.000000e+00 : f32
    %broadcast_in_dim3A_9 = vector.broadcast %broadcast_in_dim3A_8 : f32 to vector<16xf32>
    %scan3A_10 = arith.constant 0 : i32
    %scan3A_11 = arith.constant 0 : i32
    %scan3A_12 = arith.constant 125 : i32
    %scan3A_13 = arith.addi %scan3A_11, %scan3A_12 : i32
    %scan3A_14 = arith.constant 1 : i32
    %scan3A_15 = scf.for %scan3A_28 = %scan3A_11 to %scan3A_13 step %scan3A_14 iter_args(%scan3A_29 = %scan3A_10) -> (i32)  : i32 {
      %get3A = arith.index_cast %scan3A_28 : i32 to index
      %get3A_30 = arith.constant 0 : index
      %get3A_31 = tpu.vector_load %arg4[%get3A, %get3A_30] {strides = array<i32>} : memref<125x80xi32, #tpu.memory_space<vmem>>, vector<16xi32>,
      tpu.vector_store_idx %arg5[%get3A_31], %broadcast_in_dim3A_9 {add = true} : memref<10240xf32, #tpu.memory_space<vmem>>[vector<16xi32>], vector<16xf32>,
      %get3A_32 = arith.index_cast %scan3A_28 : i32 to index
      %get3A_33 = arith.constant 16 : index
      %get3A_34 = tpu.vector_load %arg4[%get3A_32, %get3A_33] {strides = array<i32>} : memref<125x80xi32, #tpu.memory_space<vmem>>, vector<16xi32>,
      tpu.vector_store_idx %arg5[%get3A_34], %broadcast_in_dim3A_9 {add = true} : memref<10240xf32, #tpu.memory_space<vmem>>[vector<16xi32>], vector<16xf32>,
      %get3A_35 = arith.index_cast %scan3A_28 : i32 to index
      %get3A_36 = arith.constant 32 : index
      %get3A_37 = tpu.vector_load %arg4[%get3A_35, %get3A_36] {strides = array<i32>} : memref<125x80xi32, #tpu.memory_space<vmem>>, vector<16xi32>,
      tpu.vector_store_idx %arg5[%get3A_37], %broadcast_in_dim3A_9 {add = true} : memref<10240xf32, #tpu.memory_space<vmem>>[vector<16xi32>], vector<16xf32>,
      %get3A_38 = arith.index_cast %scan3A_28 : i32 to index
      %get3A_39 = arith.constant 48 : index
      %get3A_40 = tpu.vector_load %arg4[%get3A_38, %get3A_39] {strides = array<i32>} : memref<125x80xi32, #tpu.memory_space<vmem>>, vector<16xi32>,
      tpu.vector_store_idx %arg5[%get3A_40], %broadcast_in_dim3A_9 {add = true} : memref<10240xf32, #tpu.memory_space<vmem>>[vector<16xi32>], vector<16xf32>,
      %get3A_41 = arith.index_cast %scan3A_28 : i32 to index
      %get3A_42 = arith.constant 64 : index
      %get3A_43 = tpu.vector_load %arg4[%get3A_41, %get3A_42] {strides = array<i32>} : memref<125x80xi32, #tpu.memory_space<vmem>>, vector<16xi32>,
      tpu.vector_store_idx %arg5[%get3A_43], %broadcast_in_dim3A_9 {add = true} : memref<10240xf32, #tpu.memory_space<vmem>>[vector<16xi32>], vector<16xf32>,
      %scan3A_44 = arith.constant 0 : i32
      scf.yield %scan3A_44 : i32
    }
    %scan3A_16 = arith.constant 125 : i32
    "tpu.region"() ({
      %run_scoped3A_28 = tpu.sem_alloc : memref<!tpu.dma_semaphore, #tpu.memory_space<semaphore_mem>>
      %dma_start3A = arith.constant 0 : i32
      %dma_start3A_29 = tpu.memref_slice %arg8[%arg1, %dma_start3A] : memref<16x10240xf32, #tpu.memory_space<vmem_shared>> -> memref<1x10240xf32, #tpu.memory_space<vmem_shared>>
      %dma_start3A_30 = tpu.memref_squeeze %dma_start3A_29 : memref<1x10240xf32, #tpu.memory_space<vmem_shared>> -> memref<10240xf32, #tpu.memory_space<vmem_shared>>
      %dma_start3A_31 = arith.constant 0 : i32
      %dma_start3A_32 = tpu.memref_slice %arg8[%arg1, %dma_start3A_31] : memref<16x10240xf32, #tpu.memory_space<vmem_shared>> -> memref<1x10240xf32, #tpu.memory_space<vmem_shared>>
      %dma_start3A_33 = tpu.memref_squeeze %dma_start3A_32 : memref<1x10240xf32, #tpu.memory_space<vmem_shared>> -> memref<10240xf32, #tpu.memory_space<vmem_shared>>
      tpu.enqueue_dma source(%arg5 : memref<10240xf32, #tpu.memory_space<vmem>>) target(%dma_start3A_33 : memref<10240xf32, #tpu.memory_space<vmem_shared>>) target_semaphore(%run_scoped3A_28 : memref<!tpu.dma_semaphore, #tpu.memory_space<semaphore_mem>>)
      %dma_wait3A = arith.constant 0 : i32
      %dma_wait3A_34 = tpu.memref_slice %arg8[%arg1, %dma_wait3A] : memref<16x10240xf32, #tpu.memory_space<vmem_shared>> -> memref<1x10240xf32, #tpu.memory_space<vmem_shared>>
      %dma_wait3A_35 = tpu.memref_squeeze %dma_wait3A_34 : memref<1x10240xf32, #tpu.memory_space<vmem_shared>> -> memref<10240xf32, #tpu.memory_space<vmem_shared>>
      %dma_wait3A_36 = arith.constant 0 : i32
      %dma_wait3A_37 = tpu.memref_slice %arg8[%arg1, %dma_wait3A_36] : memref<16x10240xf32, #tpu.memory_space<vmem_shared>> -> memref<1x10240xf32, #tpu.memory_space<vmem_shared>>
      %dma_wait3A_38 = tpu.memref_squeeze %dma_wait3A_37 : memref<1x10240xf32, #tpu.memory_space<vmem_shared>> -> memref<10240xf32, #tpu.memory_space<vmem_shared>>
      tpu.wait_dma2 semaphore(%run_scoped3A_28 : memref<!tpu.dma_semaphore, #tpu.memory_space<semaphore_mem>>) src(%arg5 : memref<10240xf32, #tpu.memory_space<vmem>>) dst(%dma_wait3A_38 : memref<10240xf32, #tpu.memory_space<vmem_shared>>)
      tpu.yield
    }) : () -> ()
    %barrier3A = arith.constant 0 : index
    tpu.barrier barrier_id(%barrier3A)
    %mul3A_17 = arith.constant 640 : i32
    %mul3A_18 = arith.muli %arg1, %mul3A_17 : i32
    "tpu.region"() ({
      %run_scoped3A_28 = tpu.sem_alloc : memref<!tpu.dma_semaphore, #tpu.memory_space<semaphore_mem>>
      %dma_start3A = arith.constant 0 : i32
      %dma_start3A_29 = tpu.memref_slice %arg8[%dma_start3A, %mul3A_18] : memref<16x10240xf32, #tpu.memory_space<vmem_shared>> -> memref<16x640xf32, #tpu.memory_space<vmem_shared>>
      %dma_start3A_30 = arith.constant 0 : i32
      %dma_start3A_31 = tpu.memref_slice %arg8[%dma_start3A_30, %mul3A_18] : memref<16x10240xf32, #tpu.memory_space<vmem_shared>> -> memref<16x640xf32, #tpu.memory_space<vmem_shared>>
      tpu.enqueue_dma source(%dma_start3A_31 : memref<16x640xf32, #tpu.memory_space<vmem_shared>>) target(%arg6 : memref<16x640xf32, #tpu.memory_space<vmem>>) target_semaphore(%run_scoped3A_28 : memref<!tpu.dma_semaphore, #tpu.memory_space<semaphore_mem>>)
      %dma_wait3A = arith.constant 0 : i32
      %dma_wait3A_32 = tpu.memref_slice %arg8[%dma_wait3A, %mul3A_18] : memref<16x10240xf32, #tpu.memory_space<vmem_shared>> -> memref<16x640xf32, #tpu.memory_space<vmem_shared>>
      %dma_wait3A_33 = arith.constant 0 : i32
      %dma_wait3A_34 = tpu.memref_slice %arg8[%dma_wait3A_33, %mul3A_18] : memref<16x10240xf32, #tpu.memory_space<vmem_shared>> -> memref<16x640xf32, #tpu.memory_space<vmem_shared>>
      tpu.wait_dma2 semaphore(%run_scoped3A_28 : memref<!tpu.dma_semaphore, #tpu.memory_space<semaphore_mem>>) src(%dma_wait3A_34 : memref<16x640xf32, #tpu.memory_space<vmem_shared>>) dst(%arg6 : memref<16x640xf32, #tpu.memory_space<vmem>>)
      tpu.yield
    }) : () -> ()
    %scan3A_19 = arith.constant 0 : i32
    %scan3A_20 = arith.constant 0 : i32
    %scan3A_21 = arith.constant 40 : i32
    %scan3A_22 = arith.addi %scan3A_20, %scan3A_21 : i32
    %scan3A_23 = arith.constant 1 : i32
    %scan3A_24 = scf.for %scan3A_28 = %scan3A_20 to %scan3A_22 step %scan3A_23 iter_args(%scan3A_29 = %scan3A_19) -> (i32)  : i32 {
      %mul3A_30 = arith.constant 16 : i32
      %mul3A_31 = arith.muli %scan3A_28, %mul3A_30 : i32
      %get3A = arith.constant 0 : i32
      %get3A_32 = arith.index_cast %get3A : i32 to index
      %get3A_33 = arith.index_cast %mul3A_31 : i32 to index
      %get3A_34 = tpu.vector_load %arg6[%get3A_32, %get3A_33] {strides = array<i32>} : memref<16x640xf32, #tpu.memory_space<vmem>>, vector<16xf32>,
      %mul3A_35 = arith.constant 16 : i32
      %mul3A_36 = arith.muli %scan3A_28, %mul3A_35 : i32
      %get3A_37 = arith.constant 1 : i32
      %get3A_38 = arith.index_cast %get3A_37 : i32 to index
      %get3A_39 = arith.index_cast %mul3A_36 : i32 to index
      %get3A_40 = tpu.vector_load %arg6[%get3A_38, %get3A_39] {strides = array<i32>} : memref<16x640xf32, #tpu.memory_space<vmem>>, vector<16xf32>,
      %add3A_41 = arith.addf %get3A_34, %get3A_40 : vector<16xf32>
      %mul3A_42 = arith.constant 16 : i32
      %mul3A_43 = arith.muli %scan3A_28, %mul3A_42 : i32
      %get3A_44 = arith.constant 2 : i32
      %get3A_45 = arith.index_cast %get3A_44 : i32 to index
      %get3A_46 = arith.index_cast %mul3A_43 : i32 to index
      %get3A_47 = tpu.vector_load %arg6[%get3A_45, %get3A_46] {strides = array<i32>} : memref<16x640xf32, #tpu.memory_space<vmem>>, vector<16xf32>,
      %add3A_48 = arith.addf %add3A_41, %get3A_47 : vector<16xf32>
      %mul3A_49 = arith.constant 16 : i32
      %mul3A_50 = arith.muli %scan3A_28, %mul3A_49 : i32
      %get3A_51 = arith.constant 3 : i32
      %get3A_52 = arith.index_cast %get3A_51 : i32 to index
      %get3A_53 = arith.index_cast %mul3A_50 : i32 to index
      %get3A_54 = tpu.vector_load %arg6[%get3A_52, %get3A_53] {strides = array<i32>} : memref<16x640xf32, #tpu.memory_space<vmem>>, vector<16xf32>,
      %add3A_55 = arith.addf %add3A_48, %get3A_54 : vector<16xf32>
      %mul3A_56 = arith.constant 16 : i32
      %mul3A_57 = arith.muli %scan3A_28, %mul3A_56 : i32
      %get3A_58 = arith.constant 4 : i32
      %get3A_59 = arith.index_cast %get3A_58 : i32 to index
      %get3A_60 = arith.index_cast %mul3A_57 : i32 to index
      %get3A_61 = tpu.vector_load %arg6[%get3A_59, %get3A_60] {strides = array<i32>} : memref<16x640xf32, #tpu.memory_space<vmem>>, vector<16xf32>,
      %add3A_62 = arith.addf %add3A_55, %get3A_61 : vector<16xf32>
      %mul3A_63 = arith.constant 16 : i32
      %mul3A_64 = arith.muli %scan3A_28, %mul3A_63 : i32
      %get3A_65 = arith.constant 5 : i32
      %get3A_66 = arith.index_cast %get3A_65 : i32 to index
      %get3A_67 = arith.index_cast %mul3A_64 : i32 to index
      %get3A_68 = tpu.vector_load %arg6[%get3A_66, %get3A_67] {strides = array<i32>} : memref<16x640xf32, #tpu.memory_space<vmem>>, vector<16xf32>,
      %add3A_69 = arith.addf %add3A_62, %get3A_68 : vector<16xf32>
      %mul3A_70 = arith.constant 16 : i32
      %mul3A_71 = arith.muli %scan3A_28, %mul3A_70 : i32
      %get3A_72 = arith.constant 6 : i32
      %get3A_73 = arith.index_cast %get3A_72 : i32 to index
      %get3A_74 = arith.index_cast %mul3A_71 : i32 to index
      %get3A_75 = tpu.vector_load %arg6[%get3A_73, %get3A_74] {strides = array<i32>} : memref<16x640xf32, #tpu.memory_space<vmem>>, vector<16xf32>,
      %add3A_76 = arith.addf %add3A_69, %get3A_75 : vector<16xf32>
      %mul3A_77 = arith.constant 16 : i32
      %mul3A_78 = arith.muli %scan3A_28, %mul3A_77 : i32
      %get3A_79 = arith.constant 7 : i32
      %get3A_80 = arith.index_cast %get3A_79 : i32 to index
      %get3A_81 = arith.index_cast %mul3A_78 : i32 to index
      %get3A_82 = tpu.vector_load %arg6[%get3A_80, %get3A_81] {strides = array<i32>} : memref<16x640xf32, #tpu.memory_space<vmem>>, vector<16xf32>,
      %add3A_83 = arith.addf %add3A_76, %get3A_82 : vector<16xf32>
      %mul3A_84 = arith.constant 16 : i32
      %mul3A_85 = arith.muli %scan3A_28, %mul3A_84 : i32
      %get3A_86 = arith.constant 8 : i32
      %get3A_87 = arith.index_cast %get3A_86 : i32 to index
      %get3A_88 = arith.index_cast %mul3A_85 : i32 to index
      %get3A_89 = tpu.vector_load %arg6[%get3A_87, %get3A_88] {strides = array<i32>} : memref<16x640xf32, #tpu.memory_space<vmem>>, vector<16xf32>,
      %add3A_90 = arith.addf %add3A_83, %get3A_89 : vector<16xf32>
      %mul3A_91 = arith.constant 16 : i32
      %mul3A_92 = arith.muli %scan3A_28, %mul3A_91 : i32
      %get3A_93 = arith.constant 9 : i32
      %get3A_94 = arith.index_cast %get3A_93 : i32 to index
      %get3A_95 = arith.index_cast %mul3A_92 : i32 to index
      %get3A_96 = tpu.vector_load %arg6[%get3A_94, %get3A_95] {strides = array<i32>} : memref<16x640xf32, #tpu.memory_space<vmem>>, vector<16xf32>,
      %add3A_97 = arith.addf %add3A_90, %get3A_96 : vector<16xf32>
      %mul3A_98 = arith.constant 16 : i32
      %mul3A_99 = arith.muli %scan3A_28, %mul3A_98 : i32
      %get3A_100 = arith.constant 10 : i32
      %get3A_101 = arith.index_cast %get3A_100 : i32 to index
      %get3A_102 = arith.index_cast %mul3A_99 : i32 to index
      %get3A_103 = tpu.vector_load %arg6[%get3A_101, %get3A_102] {strides = array<i32>} : memref<16x640xf32, #tpu.memory_space<vmem>>, vector<16xf32>,
      %add3A_104 = arith.addf %add3A_97, %get3A_103 : vector<16xf32>
      %mul3A_105 = arith.constant 16 : i32
      %mul3A_106 = arith.muli %scan3A_28, %mul3A_105 : i32
      %get3A_107 = arith.constant 11 : i32
      %get3A_108 = arith.index_cast %get3A_107 : i32 to index
      %get3A_109 = arith.index_cast %mul3A_106 : i32 to index
      %get3A_110 = tpu.vector_load %arg6[%get3A_108, %get3A_109] {strides = array<i32>} : memref<16x640xf32, #tpu.memory_space<vmem>>, vector<16xf32>,
      %add3A_111 = arith.addf %add3A_104, %get3A_110 : vector<16xf32>
      %mul3A_112 = arith.constant 16 : i32
      %mul3A_113 = arith.muli %scan3A_28, %mul3A_112 : i32
      %get3A_114 = arith.constant 12 : i32
      %get3A_115 = arith.index_cast %get3A_114 : i32 to index
      %get3A_116 = arith.index_cast %mul3A_113 : i32 to index
      %get3A_117 = tpu.vector_load %arg6[%get3A_115, %get3A_116] {strides = array<i32>} : memref<16x640xf32, #tpu.memory_space<vmem>>, vector<16xf32>,
      %add3A_118 = arith.addf %add3A_111, %get3A_117 : vector<16xf32>
      %mul3A_119 = arith.constant 16 : i32
      %mul3A_120 = arith.muli %scan3A_28, %mul3A_119 : i32
      %get3A_121 = arith.constant 13 : i32
      %get3A_122 = arith.index_cast %get3A_121 : i32 to index
      %get3A_123 = arith.index_cast %mul3A_120 : i32 to index
      %get3A_124 = tpu.vector_load %arg6[%get3A_122, %get3A_123] {strides = array<i32>} : memref<16x640xf32, #tpu.memory_space<vmem>>, vector<16xf32>,
      %add3A_125 = arith.addf %add3A_118, %get3A_124 : vector<16xf32>
      %mul3A_126 = arith.constant 16 : i32
      %mul3A_127 = arith.muli %scan3A_28, %mul3A_126 : i32
      %get3A_128 = arith.constant 14 : i32
      %get3A_129 = arith.index_cast %get3A_128 : i32 to index
      %get3A_130 = arith.index_cast %mul3A_127 : i32 to index
      %get3A_131 = tpu.vector_load %arg6[%get3A_129, %get3A_130] {strides = array<i32>} : memref<16x640xf32, #tpu.memory_space<vmem>>, vector<16xf32>,
      %add3A_132 = arith.addf %add3A_125, %get3A_131 : vector<16xf32>
      %mul3A_133 = arith.constant 16 : i32
      %mul3A_134 = arith.muli %scan3A_28, %mul3A_133 : i32
      %get3A_135 = arith.constant 15 : i32
      %get3A_136 = arith.index_cast %get3A_135 : i32 to index
      %get3A_137 = arith.index_cast %mul3A_134 : i32 to index
      %get3A_138 = tpu.vector_load %arg6[%get3A_136, %get3A_137] {strides = array<i32>} : memref<16x640xf32, #tpu.memory_space<vmem>>, vector<16xf32>,
      %add3A_139 = arith.addf %add3A_132, %get3A_138 : vector<16xf32>
      %mul3A_140 = arith.constant 16 : i32
      %mul3A_141 = arith.muli %scan3A_28, %mul3A_140 : i32
      %swap3A = arith.index_cast %mul3A_141 : i32 to index
      %swap3A_142 = tpu.vector_load %arg7[%swap3A] {strides = array<i32>} : memref<640xf32, #tpu.memory_space<vmem>>, vector<16xf32>,
      tpu.vector_store %arg7[%swap3A], %add3A_139 {strides = array<i32>} : memref<640xf32, #tpu.memory_space<vmem>>, vector<16xf32>,
      %scan3A_143 = arith.constant 0 : i32
      scf.yield %scan3A_143 : i32
    }
    %scan3A_25 = arith.constant 40 : i32
    %mul3A_26 = arith.constant 640 : i32
    %mul3A_27 = arith.muli %arg1, %mul3A_26 : i32
    "tpu.region"() ({
      %run_scoped3A_28 = tpu.sem_alloc : memref<!tpu.dma_semaphore, #tpu.memory_space<semaphore_mem>>
      %dma_start3A = tpu.memref_slice %arg3[%arg0, %mul3A_27] : memref<2x10240xf32, #tpu.memory_space<hbm>> -> memref<1x640xf32, #tpu.memory_space<hbm>>
      %dma_start3A_29 = tpu.memref_squeeze %dma_start3A : memref<1x640xf32, #tpu.memory_space<hbm>> -> memref<640xf32, #tpu.memory_space<hbm>>
      %dma_start3A_30 = tpu.memref_slice %arg3[%arg0, %mul3A_27] : memref<2x10240xf32, #tpu.memory_space<hbm>> -> memref<1x640xf32, #tpu.memory_space<hbm>>
      %dma_start3A_31 = tpu.memref_squeeze %dma_start3A_30 : memref<1x640xf32, #tpu.memory_space<hbm>> -> memref<640xf32, #tpu.memory_space<hbm>>
      tpu.enqueue_dma source(%arg7 : memref<640xf32, #tpu.memory_space<vmem>>) target(%dma_start3A_31 : memref<640xf32, #tpu.memory_space<hbm>>) target_semaphore(%run_scoped3A_28 : memref<!tpu.dma_semaphore, #tpu.memory_space<semaphore_mem>>)
      %dma_wait3A = tpu.memref_slice %arg3[%arg0, %mul3A_27] : memref<2x10240xf32, #tpu.memory_space<hbm>> -> memref<1x640xf32, #tpu.memory_space<hbm>>
      %dma_wait3A_32 = tpu.memref_squeeze %dma_wait3A : memref<1x640xf32, #tpu.memory_space<hbm>> -> memref<640xf32, #tpu.memory_space<hbm>>
      %dma_wait3A_33 = tpu.memref_slice %arg3[%arg0, %mul3A_27] : memref<2x10240xf32, #tpu.memory_space<hbm>> -> memref<1x640xf32, #tpu.memory_space<hbm>>
      %dma_wait3A_34 = tpu.memref_squeeze %dma_wait3A_33 : memref<1x640xf32, #tpu.memory_space<hbm>> -> memref<640xf32, #tpu.memory_space<hbm>>
      tpu.wait_dma2 semaphore(%run_scoped3A_28 : memref<!tpu.dma_semaphore, #tpu.memory_space<semaphore_mem>>) src(%arg7 : memref<640xf32, #tpu.memory_space<vmem>>) dst(%dma_wait3A_34 : memref<640xf32, #tpu.memory_space<hbm>>)
      tpu.yield
    }) : () -> ()
    return
  }
}

#map = affine_map<(d0, d1) -> (0, 0)>
#map1 = affine_map<(d0, d1) -> (0, 0, 0, 0)>
#map2 = affine_map<(d0, d1) -> (0, 0, 0)>
module attributes {stable_mosaic.version = 14 : i64} {
  func.func @segsum(%arg0: i32, %arg1: i32, %arg2: memref<10000x32xf32, #tpu.memory_space<hbm>>, %arg3: memref<2x32x125x80xi32, #tpu.memory_space<hbm>>, %arg4: memref<2x10240x32xf32, #tpu.memory_space<hbm>>, %arg5: memref<125x80xi32, #tpu.memory_space<vmem>>, %arg6: memref<125x80xi32, #tpu.memory_space<vmem>>, %arg7: memref<5x80x32xf32, #tpu.memory_space<vmem>>, %arg8: memref<128x32xf32, #tpu.memory_space<vmem>>, %arg9: memref<10240x32xf32, #tpu.memory_space<vmem_shared>>, %arg10: memref<5x!tpu.dma_semaphore, #tpu.memory_space<semaphore_mem>>, %arg11: memref<5x!tpu.dma_semaphore, #tpu.memory_space<semaphore_mem>>) attributes {dimension_semantics = [#tpu.dimension_semantics<core_parallel>, #tpu.dimension_semantics<subcore_parallel>], iteration_bounds = array<i64: 2, 16>, scalar_prefetch = 0 : i64, scratch_operands = 7 : i64, tpu.core_type = #tpu.core_type<sc_vector_subcore>, window_params = [{transform_indices = #map}, {transform_indices = #map1}, {transform_indices = #map2}]} {
    %mul3A = arith.constant 16 : i32
    %mul3A_0 = arith.muli %arg0, %mul3A : i32
    %add3A = arith.addi %mul3A_0, %arg1 : i32
    %broadcast_in_dim3A = arith.constant 0.000000e+00 : f32
    %broadcast_in_dim3A_1 = vector.broadcast %broadcast_in_dim3A : f32 to vector<16xf32>
    %scan3A = arith.constant 0 : i32
    %scan3A_2 = arith.constant 0 : i32
    %scan3A_3 = arith.constant 128 : i32
    %scan3A_4 = arith.addi %scan3A_2, %scan3A_3 : i32
    %scan3A_5 = arith.constant 1 : i32
    %scan3A_6 = scf.for %scan3A_369 = %scan3A_2 to %scan3A_4 step %scan3A_5 iter_args(%scan3A_370 = %scan3A) -> (i32)  : i32 {
      %swap3A = arith.index_cast %scan3A_369 : i32 to index
      %swap3A_371 = arith.constant 0 : index
      %swap3A_372 = tpu.vector_load %arg8[%swap3A, %swap3A_371] {strides = array<i32>} : memref<128x32xf32, #tpu.memory_space<vmem>>, vector<1x16xf32>,
      %swap3A_373 = vector.shape_cast %swap3A_372 : vector<1x16xf32> to vector<16xf32>
      %swap3A_374 = vector.shape_cast %broadcast_in_dim3A_1 : vector<16xf32> to vector<1x16xf32>
      tpu.vector_store %arg8[%swap3A, %swap3A_371], %swap3A_374 {strides = array<i32>} : memref<128x32xf32, #tpu.memory_space<vmem>>, vector<1x16xf32>,
      %swap3A_375 = arith.index_cast %scan3A_369 : i32 to index
      %swap3A_376 = arith.constant 16 : index
      %swap3A_377 = tpu.vector_load %arg8[%swap3A_375, %swap3A_376] {strides = array<i32>} : memref<128x32xf32, #tpu.memory_space<vmem>>, vector<1x16xf32>,
      %swap3A_378 = vector.shape_cast %swap3A_377 : vector<1x16xf32> to vector<16xf32>
      %swap3A_379 = vector.shape_cast %broadcast_in_dim3A_1 : vector<16xf32> to vector<1x16xf32>
      tpu.vector_store %arg8[%swap3A_375, %swap3A_376], %swap3A_379 {strides = array<i32>} : memref<128x32xf32, #tpu.memory_space<vmem>>, vector<1x16xf32>,
      %scan3A_380 = arith.constant 0 : i32
      scf.yield %scan3A_380 : i32
    }
    %scan3A_7 = arith.constant 128 : i32
    %mul3A_8 = arith.constant 640 : i32
    %mul3A_9 = arith.muli %arg1, %mul3A_8 : i32
    %add3A_10 = arith.constant 0 : i32
    %add3A_11 = arith.addi %mul3A_9, %add3A_10 : i32
    "tpu.region"() ({
      %run_scoped3A_369 = tpu.sem_alloc : memref<!tpu.dma_semaphore, #tpu.memory_space<semaphore_mem>>
      %dma_start3A_370 = arith.constant 0 : i32
      %dma_start3A_371 = tpu.memref_slice %arg9[%add3A_11, %dma_start3A_370] : memref<10240x32xf32, #tpu.memory_space<vmem_shared>> -> memref<128x32xf32, #tpu.memory_space<vmem_shared>>
      %dma_start3A_372 = arith.constant 0 : i32
      %dma_start3A_373 = tpu.memref_slice %arg9[%add3A_11, %dma_start3A_372] : memref<10240x32xf32, #tpu.memory_space<vmem_shared>> -> memref<128x32xf32, #tpu.memory_space<vmem_shared>>
      tpu.enqueue_dma source(%arg8 : memref<128x32xf32, #tpu.memory_space<vmem>>) target(%dma_start3A_373 : memref<128x32xf32, #tpu.memory_space<vmem_shared>>) target_semaphore(%run_scoped3A_369 : memref<!tpu.dma_semaphore, #tpu.memory_space<semaphore_mem>>)
      %dma_wait3A_374 = arith.constant 0 : i32
      %dma_wait3A_375 = tpu.memref_slice %arg9[%add3A_11, %dma_wait3A_374] : memref<10240x32xf32, #tpu.memory_space<vmem_shared>> -> memref<128x32xf32, #tpu.memory_space<vmem_shared>>
      %dma_wait3A_376 = arith.constant 0 : i32
      %dma_wait3A_377 = tpu.memref_slice %arg9[%add3A_11, %dma_wait3A_376] : memref<10240x32xf32, #tpu.memory_space<vmem_shared>> -> memref<128x32xf32, #tpu.memory_space<vmem_shared>>
      tpu.wait_dma2 semaphore(%run_scoped3A_369 : memref<!tpu.dma_semaphore, #tpu.memory_space<semaphore_mem>>) src(%arg8 : memref<128x32xf32, #tpu.memory_space<vmem>>) dst(%dma_wait3A_377 : memref<128x32xf32, #tpu.memory_space<vmem_shared>>)
      tpu.yield
    }) : () -> ()
    %mul3A_12 = arith.constant 640 : i32
    %mul3A_13 = arith.muli %arg1, %mul3A_12 : i32
    %add3A_14 = arith.constant 128 : i32
    %add3A_15 = arith.addi %mul3A_13, %add3A_14 : i32
    "tpu.region"() ({
      %run_scoped3A_369 = tpu.sem_alloc : memref<!tpu.dma_semaphore, #tpu.memory_space<semaphore_mem>>
      %dma_start3A_370 = arith.constant 0 : i32
      %dma_start3A_371 = tpu.memref_slice %arg9[%add3A_15, %dma_start3A_370] : memref<10240x32xf32, #tpu.memory_space<vmem_shared>> -> memref<128x32xf32, #tpu.memory_space<vmem_shared>>
      %dma_start3A_372 = arith.constant 0 : i32
      %dma_start3A_373 = tpu.memref_slice %arg9[%add3A_15, %dma_start3A_372] : memref<10240x32xf32, #tpu.memory_space<vmem_shared>> -> memref<128x32xf32, #tpu.memory_space<vmem_shared>>
      tpu.enqueue_dma source(%arg8 : memref<128x32xf32, #tpu.memory_space<vmem>>) target(%dma_start3A_373 : memref<128x32xf32, #tpu.memory_space<vmem_shared>>) target_semaphore(%run_scoped3A_369 : memref<!tpu.dma_semaphore, #tpu.memory_space<semaphore_mem>>)
      %dma_wait3A_374 = arith.constant 0 : i32
      %dma_wait3A_375 = tpu.memref_slice %arg9[%add3A_15, %dma_wait3A_374] : memref<10240x32xf32, #tpu.memory_space<vmem_shared>> -> memref<128x32xf32, #tpu.memory_space<vmem_shared>>
      %dma_wait3A_376 = arith.constant 0 : i32
      %dma_wait3A_377 = tpu.memref_slice %arg9[%add3A_15, %dma_wait3A_376] : memref<10240x32xf32, #tpu.memory_space<vmem_shared>> -> memref<128x32xf32, #tpu.memory_space<vmem_shared>>
      tpu.wait_dma2 semaphore(%run_scoped3A_369 : memref<!tpu.dma_semaphore, #tpu.memory_space<semaphore_mem>>) src(%arg8 : memref<128x32xf32, #tpu.memory_space<vmem>>) dst(%dma_wait3A_377 : memref<128x32xf32, #tpu.memory_space<vmem_shared>>)
      tpu.yield
    }) : () -> ()
    %mul3A_16 = arith.constant 640 : i32
    %mul3A_17 = arith.muli %arg1, %mul3A_16 : i32
    %add3A_18 = arith.constant 256 : i32
    %add3A_19 = arith.addi %mul3A_17, %add3A_18 : i32
    "tpu.region"() ({
      %run_scoped3A_369 = tpu.sem_alloc : memref<!tpu.dma_semaphore, #tpu.memory_space<semaphore_mem>>
      %dma_start3A_370 = arith.constant 0 : i32
      %dma_start3A_371 = tpu.memref_slice %arg9[%add3A_19, %dma_start3A_370] : memref<10240x32xf32, #tpu.memory_space<vmem_shared>> -> memref<128x32xf32, #tpu.memory_space<vmem_shared>>
      %dma_start3A_372 = arith.constant 0 : i32
      %dma_start3A_373 = tpu.memref_slice %arg9[%add3A_19, %dma_start3A_372] : memref<10240x32xf32, #tpu.memory_space<vmem_shared>> -> memref<128x32xf32, #tpu.memory_space<vmem_shared>>
      tpu.enqueue_dma source(%arg8 : memref<128x32xf32, #tpu.memory_space<vmem>>) target(%dma_start3A_373 : memref<128x32xf32, #tpu.memory_space<vmem_shared>>) target_semaphore(%run_scoped3A_369 : memref<!tpu.dma_semaphore, #tpu.memory_space<semaphore_mem>>)
      %dma_wait3A_374 = arith.constant 0 : i32
      %dma_wait3A_375 = tpu.memref_slice %arg9[%add3A_19, %dma_wait3A_374] : memref<10240x32xf32, #tpu.memory_space<vmem_shared>> -> memref<128x32xf32, #tpu.memory_space<vmem_shared>>
      %dma_wait3A_376 = arith.constant 0 : i32
      %dma_wait3A_377 = tpu.memref_slice %arg9[%add3A_19, %dma_wait3A_376] : memref<10240x32xf32, #tpu.memory_space<vmem_shared>> -> memref<128x32xf32, #tpu.memory_space<vmem_shared>>
      tpu.wait_dma2 semaphore(%run_scoped3A_369 : memref<!tpu.dma_semaphore, #tpu.memory_space<semaphore_mem>>) src(%arg8 : memref<128x32xf32, #tpu.memory_space<vmem>>) dst(%dma_wait3A_377 : memref<128x32xf32, #tpu.memory_space<vmem_shared>>)
      tpu.yield
    }) : () -> ()
    %mul3A_20 = arith.constant 640 : i32
    %mul3A_21 = arith.muli %arg1, %mul3A_20 : i32
    %add3A_22 = arith.constant 384 : i32
    %add3A_23 = arith.addi %mul3A_21, %add3A_22 : i32
    "tpu.region"() ({
      %run_scoped3A_369 = tpu.sem_alloc : memref<!tpu.dma_semaphore, #tpu.memory_space<semaphore_mem>>
      %dma_start3A_370 = arith.constant 0 : i32
      %dma_start3A_371 = tpu.memref_slice %arg9[%add3A_23, %dma_start3A_370] : memref<10240x32xf32, #tpu.memory_space<vmem_shared>> -> memref<128x32xf32, #tpu.memory_space<vmem_shared>>
      %dma_start3A_372 = arith.constant 0 : i32
      %dma_start3A_373 = tpu.memref_slice %arg9[%add3A_23, %dma_start3A_372] : memref<10240x32xf32, #tpu.memory_space<vmem_shared>> -> memref<128x32xf32, #tpu.memory_space<vmem_shared>>
      tpu.enqueue_dma source(%arg8 : memref<128x32xf32, #tpu.memory_space<vmem>>) target(%dma_start3A_373 : memref<128x32xf32, #tpu.memory_space<vmem_shared>>) target_semaphore(%run_scoped3A_369 : memref<!tpu.dma_semaphore, #tpu.memory_space<semaphore_mem>>)
      %dma_wait3A_374 = arith.constant 0 : i32
      %dma_wait3A_375 = tpu.memref_slice %arg9[%add3A_23, %dma_wait3A_374] : memref<10240x32xf32, #tpu.memory_space<vmem_shared>> -> memref<128x32xf32, #tpu.memory_space<vmem_shared>>
      %dma_wait3A_376 = arith.constant 0 : i32
      %dma_wait3A_377 = tpu.memref_slice %arg9[%add3A_23, %dma_wait3A_376] : memref<10240x32xf32, #tpu.memory_space<vmem_shared>> -> memref<128x32xf32, #tpu.memory_space<vmem_shared>>
      tpu.wait_dma2 semaphore(%run_scoped3A_369 : memref<!tpu.dma_semaphore, #tpu.memory_space<semaphore_mem>>) src(%arg8 : memref<128x32xf32, #tpu.memory_space<vmem>>) dst(%dma_wait3A_377 : memref<128x32xf32, #tpu.memory_space<vmem_shared>>)
      tpu.yield
    }) : () -> ()
    %mul3A_24 = arith.constant 640 : i32
    %mul3A_25 = arith.muli %arg1, %mul3A_24 : i32
    %add3A_26 = arith.constant 512 : i32
    %add3A_27 = arith.addi %mul3A_25, %add3A_26 : i32
    "tpu.region"() ({
      %run_scoped3A_369 = tpu.sem_alloc : memref<!tpu.dma_semaphore, #tpu.memory_space<semaphore_mem>>
      %dma_start3A_370 = arith.constant 0 : i32
      %dma_start3A_371 = tpu.memref_slice %arg9[%add3A_27, %dma_start3A_370] : memref<10240x32xf32, #tpu.memory_space<vmem_shared>> -> memref<128x32xf32, #tpu.memory_space<vmem_shared>>
      %dma_start3A_372 = arith.constant 0 : i32
      %dma_start3A_373 = tpu.memref_slice %arg9[%add3A_27, %dma_start3A_372] : memref<10240x32xf32, #tpu.memory_space<vmem_shared>> -> memref<128x32xf32, #tpu.memory_space<vmem_shared>>
      tpu.enqueue_dma source(%arg8 : memref<128x32xf32, #tpu.memory_space<vmem>>) target(%dma_start3A_373 : memref<128x32xf32, #tpu.memory_space<vmem_shared>>) target_semaphore(%run_scoped3A_369 : memref<!tpu.dma_semaphore, #tpu.memory_space<semaphore_mem>>)
      %dma_wait3A_374 = arith.constant 0 : i32
      %dma_wait3A_375 = tpu.memref_slice %arg9[%add3A_27, %dma_wait3A_374] : memref<10240x32xf32, #tpu.memory_space<vmem_shared>> -> memref<128x32xf32, #tpu.memory_space<vmem_shared>>
      %dma_wait3A_376 = arith.constant 0 : i32
      %dma_wait3A_377 = tpu.memref_slice %arg9[%add3A_27, %dma_wait3A_376] : memref<10240x32xf32, #tpu.memory_space<vmem_shared>> -> memref<128x32xf32, #tpu.memory_space<vmem_shared>>
      tpu.wait_dma2 semaphore(%run_scoped3A_369 : memref<!tpu.dma_semaphore, #tpu.memory_space<semaphore_mem>>) src(%arg8 : memref<128x32xf32, #tpu.memory_space<vmem>>) dst(%dma_wait3A_377 : memref<128x32xf32, #tpu.memory_space<vmem_shared>>)
      tpu.yield
    }) : () -> ()
    %run_scoped3A = arith.constant 0 : i32
    "tpu.region"() ({
      %run_scoped3A_369 = tpu.sem_alloc : memref<!tpu.dma_semaphore, #tpu.memory_space<semaphore_mem>>
      %dma_start3A_370 = arith.constant 0 : i32
      %dma_start3A_371 = arith.constant 0 : i32
      %dma_start3A_372 = tpu.memref_slice %arg3[%run_scoped3A, %add3A, %dma_start3A_370, %dma_start3A_371] : memref<2x32x125x80xi32, #tpu.memory_space<hbm>> -> memref<1x1x125x80xi32, #tpu.memory_space<hbm>>
      %dma_start3A_373 = tpu.memref_squeeze %dma_start3A_372 : memref<1x1x125x80xi32, #tpu.memory_space<hbm>> -> memref<125x80xi32, #tpu.memory_space<hbm>>
      %dma_start3A_374 = arith.constant 0 : i32
      %dma_start3A_375 = arith.constant 0 : i32
      %dma_start3A_376 = tpu.memref_slice %arg3[%run_scoped3A, %add3A, %dma_start3A_374, %dma_start3A_375] : memref<2x32x125x80xi32, #tpu.memory_space<hbm>> -> memref<1x1x125x80xi32, #tpu.memory_space<hbm>>
      %dma_start3A_377 = tpu.memref_squeeze %dma_start3A_376 : memref<1x1x125x80xi32, #tpu.memory_space<hbm>> -> memref<125x80xi32, #tpu.memory_space<hbm>>
      tpu.enqueue_dma source(%dma_start3A_377 : memref<125x80xi32, #tpu.memory_space<hbm>>) target(%arg5 : memref<125x80xi32, #tpu.memory_space<vmem>>) target_semaphore(%run_scoped3A_369 : memref<!tpu.dma_semaphore, #tpu.memory_space<semaphore_mem>>)
      %dma_wait3A_378 = arith.constant 0 : i32
      %dma_wait3A_379 = arith.constant 0 : i32
      %dma_wait3A_380 = tpu.memref_slice %arg3[%run_scoped3A, %add3A, %dma_wait3A_378, %dma_wait3A_379] : memref<2x32x125x80xi32, #tpu.memory_space<hbm>> -> memref<1x1x125x80xi32, #tpu.memory_space<hbm>>
      %dma_wait3A_381 = tpu.memref_squeeze %dma_wait3A_380 : memref<1x1x125x80xi32, #tpu.memory_space<hbm>> -> memref<125x80xi32, #tpu.memory_space<hbm>>
      %dma_wait3A_382 = arith.constant 0 : i32
      %dma_wait3A_383 = arith.constant 0 : i32
      %dma_wait3A_384 = tpu.memref_slice %arg3[%run_scoped3A, %add3A, %dma_wait3A_382, %dma_wait3A_383] : memref<2x32x125x80xi32, #tpu.memory_space<hbm>> -> memref<1x1x125x80xi32, #tpu.memory_space<hbm>>
      %dma_wait3A_385 = tpu.memref_squeeze %dma_wait3A_384 : memref<1x1x125x80xi32, #tpu.memory_space<hbm>> -> memref<125x80xi32, #tpu.memory_space<hbm>>
      tpu.wait_dma2 semaphore(%run_scoped3A_369 : memref<!tpu.dma_semaphore, #tpu.memory_space<semaphore_mem>>) src(%dma_wait3A_385 : memref<125x80xi32, #tpu.memory_space<hbm>>) dst(%arg5 : memref<125x80xi32, #tpu.memory_space<vmem>>)
      tpu.yield
    }) : () -> ()
    %run_scoped3A_28 = arith.constant 1 : i32
    "tpu.region"() ({
      %run_scoped3A_369 = tpu.sem_alloc : memref<!tpu.dma_semaphore, #tpu.memory_space<semaphore_mem>>
      %dma_start3A_370 = arith.constant 0 : i32
      %dma_start3A_371 = arith.constant 0 : i32
      %dma_start3A_372 = tpu.memref_slice %arg3[%run_scoped3A_28, %add3A, %dma_start3A_370, %dma_start3A_371] : memref<2x32x125x80xi32, #tpu.memory_space<hbm>> -> memref<1x1x125x80xi32, #tpu.memory_space<hbm>>
      %dma_start3A_373 = tpu.memref_squeeze %dma_start3A_372 : memref<1x1x125x80xi32, #tpu.memory_space<hbm>> -> memref<125x80xi32, #tpu.memory_space<hbm>>
      %dma_start3A_374 = arith.constant 0 : i32
      %dma_start3A_375 = arith.constant 0 : i32
      %dma_start3A_376 = tpu.memref_slice %arg3[%run_scoped3A_28, %add3A, %dma_start3A_374, %dma_start3A_375] : memref<2x32x125x80xi32, #tpu.memory_space<hbm>> -> memref<1x1x125x80xi32, #tpu.memory_space<hbm>>
      %dma_start3A_377 = tpu.memref_squeeze %dma_start3A_376 : memref<1x1x125x80xi32, #tpu.memory_space<hbm>> -> memref<125x80xi32, #tpu.memory_space<hbm>>
      tpu.enqueue_dma source(%dma_start3A_377 : memref<125x80xi32, #tpu.memory_space<hbm>>) target(%arg6 : memref<125x80xi32, #tpu.memory_space<vmem>>) target_semaphore(%run_scoped3A_369 : memref<!tpu.dma_semaphore, #tpu.memory_space<semaphore_mem>>)
      %dma_wait3A_378 = arith.constant 0 : i32
      %dma_wait3A_379 = arith.constant 0 : i32
      %dma_wait3A_380 = tpu.memref_slice %arg3[%run_scoped3A_28, %add3A, %dma_wait3A_378, %dma_wait3A_379] : memref<2x32x125x80xi32, #tpu.memory_space<hbm>> -> memref<1x1x125x80xi32, #tpu.memory_space<hbm>>
      %dma_wait3A_381 = tpu.memref_squeeze %dma_wait3A_380 : memref<1x1x125x80xi32, #tpu.memory_space<hbm>> -> memref<125x80xi32, #tpu.memory_space<hbm>>
      %dma_wait3A_382 = arith.constant 0 : i32
      %dma_wait3A_383 = arith.constant 0 : i32
      %dma_wait3A_384 = tpu.memref_slice %arg3[%run_scoped3A_28, %add3A, %dma_wait3A_382, %dma_wait3A_383] : memref<2x32x125x80xi32, #tpu.memory_space<hbm>> -> memref<1x1x125x80xi32, #tpu.memory_space<hbm>>
      %dma_wait3A_385 = tpu.memref_squeeze %dma_wait3A_384 : memref<1x1x125x80xi32, #tpu.memory_space<hbm>> -> memref<125x80xi32, #tpu.memory_space<hbm>>
      tpu.wait_dma2 semaphore(%run_scoped3A_369 : memref<!tpu.dma_semaphore, #tpu.memory_space<semaphore_mem>>) src(%dma_wait3A_385 : memref<125x80xi32, #tpu.memory_space<hbm>>) dst(%arg6 : memref<125x80xi32, #tpu.memory_space<vmem>>)
      tpu.yield
    }) : () -> ()
    %barrier3A = arith.constant 0 : index
    tpu.barrier barrier_id(%barrier3A)
    %dma_start3A = arith.constant 0 : i32
    %dma_start3A_29 = arith.constant 0 : i32
    %dma_start3A_30 = arith.constant 0 : i32
    %dma_start3A_31 = arith.constant 0 : i32
    %dma_start3A_32 = arith.constant 0 : i32
    %dma_start3A_33 = tpu.memref_slice %arg7[%dma_start3A_29, %dma_start3A_31, %dma_start3A_32] : memref<5x80x32xf32, #tpu.memory_space<vmem>> -> memref<1x80x32xf32, #tpu.memory_space<vmem>>
    %dma_start3A_34 = tpu.memref_squeeze %dma_start3A_33 : memref<1x80x32xf32, #tpu.memory_space<vmem>> -> memref<80x32xf32, #tpu.memory_space<vmem>>
    %dma_start3A_35 = arith.constant 0 : i32
    %dma_start3A_36 = tpu.memref_slice %arg5[%dma_start3A, %dma_start3A_35] : memref<125x80xi32, #tpu.memory_space<vmem>> -> memref<1x80xi32, #tpu.memory_space<vmem>>
    %dma_start3A_37 = tpu.memref_squeeze %dma_start3A_36 : memref<1x80xi32, #tpu.memory_space<vmem>> -> memref<80xi32, #tpu.memory_space<vmem>>
    %dma_start3A_38 = arith.constant 0 : i32
    %dma_start3A_39 = arith.constant 0 : i32
    %dma_start3A_40 = tpu.memref_slice %arg2[%dma_start3A_38, %dma_start3A_39] : memref<10000x32xf32, #tpu.memory_space<hbm>> -> memref<10000x32xf32, #tpu.memory_space<hbm>>
    %dma_start3A_41 = tpu.memref_slice %arg10[%dma_start3A_30] : memref<5x!tpu.dma_semaphore, #tpu.memory_space<semaphore_mem>> -> memref<1x!tpu.dma_semaphore, #tpu.memory_space<semaphore_mem>>
    %dma_start3A_42 = tpu.memref_squeeze %dma_start3A_41 : memref<1x!tpu.dma_semaphore, #tpu.memory_space<semaphore_mem>> -> memref<!tpu.dma_semaphore, #tpu.memory_space<semaphore_mem>>
    tpu.enqueue_indirect_dma source(%dma_start3A_40 : memref<10000x32xf32, #tpu.memory_space<hbm>>) target(%dma_start3A_34 : memref<80x32xf32, #tpu.memory_space<vmem>>) offsets(%dma_start3A_37 : memref<80xi32, #tpu.memory_space<vmem>>) semaphore(%dma_start3A_42 : memref<!tpu.dma_semaphore, #tpu.memory_space<semaphore_mem>>)
    %dma_start3A_43 = arith.constant 1 : i32
    %dma_start3A_44 = arith.constant 1 : i32
    %dma_start3A_45 = arith.constant 1 : i32
    %dma_start3A_46 = arith.constant 0 : i32
    %dma_start3A_47 = arith.constant 0 : i32
    %dma_start3A_48 = tpu.memref_slice %arg7[%dma_start3A_44, %dma_start3A_46, %dma_start3A_47] : memref<5x80x32xf32, #tpu.memory_space<vmem>> -> memref<1x80x32xf32, #tpu.memory_space<vmem>>
    %dma_start3A_49 = tpu.memref_squeeze %dma_start3A_48 : memref<1x80x32xf32, #tpu.memory_space<vmem>> -> memref<80x32xf32, #tpu.memory_space<vmem>>
    %dma_start3A_50 = arith.constant 0 : i32
    %dma_start3A_51 = tpu.memref_slice %arg5[%dma_start3A_43, %dma_start3A_50] : memref<125x80xi32, #tpu.memory_space<vmem>> -> memref<1x80xi32, #tpu.memory_space<vmem>>
    %dma_start3A_52 = tpu.memref_squeeze %dma_start3A_51 : memref<1x80xi32, #tpu.memory_space<vmem>> -> memref<80xi32, #tpu.memory_space<vmem>>
    %dma_start3A_53 = arith.constant 0 : i32
    %dma_start3A_54 = arith.constant 0 : i32
    %dma_start3A_55 = tpu.memref_slice %arg2[%dma_start3A_53, %dma_start3A_54] : memref<10000x32xf32, #tpu.memory_space<hbm>> -> memref<10000x32xf32, #tpu.memory_space<hbm>>
    %dma_start3A_56 = tpu.memref_slice %arg10[%dma_start3A_45] : memref<5x!tpu.dma_semaphore, #tpu.memory_space<semaphore_mem>> -> memref<1x!tpu.dma_semaphore, #tpu.memory_space<semaphore_mem>>
    %dma_start3A_57 = tpu.memref_squeeze %dma_start3A_56 : memref<1x!tpu.dma_semaphore, #tpu.memory_space<semaphore_mem>> -> memref<!tpu.dma_semaphore, #tpu.memory_space<semaphore_mem>>
    tpu.enqueue_indirect_dma source(%dma_start3A_55 : memref<10000x32xf32, #tpu.memory_space<hbm>>) target(%dma_start3A_49 : memref<80x32xf32, #tpu.memory_space<vmem>>) offsets(%dma_start3A_52 : memref<80xi32, #tpu.memory_space<vmem>>) semaphore(%dma_start3A_57 : memref<!tpu.dma_semaphore, #tpu.memory_space<semaphore_mem>>)
    %dma_start3A_58 = arith.constant 2 : i32
    %dma_start3A_59 = arith.constant 2 : i32
    %dma_start3A_60 = arith.constant 2 : i32
    %dma_start3A_61 = arith.constant 0 : i32
    %dma_start3A_62 = arith.constant 0 : i32
    %dma_start3A_63 = tpu.memref_slice %arg7[%dma_start3A_59, %dma_start3A_61, %dma_start3A_62] : memref<5x80x32xf32, #tpu.memory_space<vmem>> -> memref<1x80x32xf32, #tpu.memory_space<vmem>>
    %dma_start3A_64 = tpu.memref_squeeze %dma_start3A_63 : memref<1x80x32xf32, #tpu.memory_space<vmem>> -> memref<80x32xf32, #tpu.memory_space<vmem>>
    %dma_start3A_65 = arith.constant 0 : i32
    %dma_start3A_66 = tpu.memref_slice %arg5[%dma_start3A_58, %dma_start3A_65] : memref<125x80xi32, #tpu.memory_space<vmem>> -> memref<1x80xi32, #tpu.memory_space<vmem>>
    %dma_start3A_67 = tpu.memref_squeeze %dma_start3A_66 : memref<1x80xi32, #tpu.memory_space<vmem>> -> memref<80xi32, #tpu.memory_space<vmem>>
    %dma_start3A_68 = arith.constant 0 : i32
    %dma_start3A_69 = arith.constant 0 : i32
    %dma_start3A_70 = tpu.memref_slice %arg2[%dma_start3A_68, %dma_start3A_69] : memref<10000x32xf32, #tpu.memory_space<hbm>> -> memref<10000x32xf32, #tpu.memory_space<hbm>>
    %dma_start3A_71 = tpu.memref_slice %arg10[%dma_start3A_60] : memref<5x!tpu.dma_semaphore, #tpu.memory_space<semaphore_mem>> -> memref<1x!tpu.dma_semaphore, #tpu.memory_space<semaphore_mem>>
    %dma_start3A_72 = tpu.memref_squeeze %dma_start3A_71 : memref<1x!tpu.dma_semaphore, #tpu.memory_space<semaphore_mem>> -> memref<!tpu.dma_semaphore, #tpu.memory_space<semaphore_mem>>
    tpu.enqueue_indirect_dma source(%dma_start3A_70 : memref<10000x32xf32, #tpu.memory_space<hbm>>) target(%dma_start3A_64 : memref<80x32xf32, #tpu.memory_space<vmem>>) offsets(%dma_start3A_67 : memref<80xi32, #tpu.memory_space<vmem>>) semaphore(%dma_start3A_72 : memref<!tpu.dma_semaphore, #tpu.memory_space<semaphore_mem>>)
    %dma_start3A_73 = arith.constant 3 : i32
    %dma_start3A_74 = arith.constant 3 : i32
    %dma_start3A_75 = arith.constant 3 : i32
    %dma_start3A_76 = arith.constant 0 : i32
    %dma_start3A_77 = arith.constant 0 : i32
    %dma_start3A_78 = tpu.memref_slice %arg7[%dma_start3A_74, %dma_start3A_76, %dma_start3A_77] : memref<5x80x32xf32, #tpu.memory_space<vmem>> -> memref<1x80x32xf32, #tpu.memory_space<vmem>>
    %dma_start3A_79 = tpu.memref_squeeze %dma_start3A_78 : memref<1x80x32xf32, #tpu.memory_space<vmem>> -> memref<80x32xf32, #tpu.memory_space<vmem>>
    %dma_start3A_80 = arith.constant 0 : i32
    %dma_start3A_81 = tpu.memref_slice %arg5[%dma_start3A_73, %dma_start3A_80] : memref<125x80xi32, #tpu.memory_space<vmem>> -> memref<1x80xi32, #tpu.memory_space<vmem>>
    %dma_start3A_82 = tpu.memref_squeeze %dma_start3A_81 : memref<1x80xi32, #tpu.memory_space<vmem>> -> memref<80xi32, #tpu.memory_space<vmem>>
    %dma_start3A_83 = arith.constant 0 : i32
    %dma_start3A_84 = arith.constant 0 : i32
    %dma_start3A_85 = tpu.memref_slice %arg2[%dma_start3A_83, %dma_start3A_84] : memref<10000x32xf32, #tpu.memory_space<hbm>> -> memref<10000x32xf32, #tpu.memory_space<hbm>>
    %dma_start3A_86 = tpu.memref_slice %arg10[%dma_start3A_75] : memref<5x!tpu.dma_semaphore, #tpu.memory_space<semaphore_mem>> -> memref<1x!tpu.dma_semaphore, #tpu.memory_space<semaphore_mem>>
    %dma_start3A_87 = tpu.memref_squeeze %dma_start3A_86 : memref<1x!tpu.dma_semaphore, #tpu.memory_space<semaphore_mem>> -> memref<!tpu.dma_semaphore, #tpu.memory_space<semaphore_mem>>
    tpu.enqueue_indirect_dma source(%dma_start3A_85 : memref<10000x32xf32, #tpu.memory_space<hbm>>) target(%dma_start3A_79 : memref<80x32xf32, #tpu.memory_space<vmem>>) offsets(%dma_start3A_82 : memref<80xi32, #tpu.memory_space<vmem>>) semaphore(%dma_start3A_87 : memref<!tpu.dma_semaphore, #tpu.memory_space<semaphore_mem>>)
    %dma_start3A_88 = arith.constant 4 : i32
    %dma_start3A_89 = arith.constant 4 : i32
    %dma_start3A_90 = arith.constant 4 : i32
    %dma_start3A_91 = arith.constant 0 : i32
    %dma_start3A_92 = arith.constant 0 : i32
    %dma_start3A_93 = tpu.memref_slice %arg7[%dma_start3A_89, %dma_start3A_91, %dma_start3A_92] : memref<5x80x32xf32, #tpu.memory_space<vmem>> -> memref<1x80x32xf32, #tpu.memory_space<vmem>>
    %dma_start3A_94 = tpu.memref_squeeze %dma_start3A_93 : memref<1x80x32xf32, #tpu.memory_space<vmem>> -> memref<80x32xf32, #tpu.memory_space<vmem>>
    %dma_start3A_95 = arith.constant 0 : i32
    %dma_start3A_96 = tpu.memref_slice %arg5[%dma_start3A_88, %dma_start3A_95] : memref<125x80xi32, #tpu.memory_space<vmem>> -> memref<1x80xi32, #tpu.memory_space<vmem>>
    %dma_start3A_97 = tpu.memref_squeeze %dma_start3A_96 : memref<1x80xi32, #tpu.memory_space<vmem>> -> memref<80xi32, #tpu.memory_space<vmem>>
    %dma_start3A_98 = arith.constant 0 : i32
    %dma_start3A_99 = arith.constant 0 : i32
    %dma_start3A_100 = tpu.memref_slice %arg2[%dma_start3A_98, %dma_start3A_99] : memref<10000x32xf32, #tpu.memory_space<hbm>> -> memref<10000x32xf32, #tpu.memory_space<hbm>>
    %dma_start3A_101 = tpu.memref_slice %arg10[%dma_start3A_90] : memref<5x!tpu.dma_semaphore, #tpu.memory_space<semaphore_mem>> -> memref<1x!tpu.dma_semaphore, #tpu.memory_space<semaphore_mem>>
    %dma_start3A_102 = tpu.memref_squeeze %dma_start3A_101 : memref<1x!tpu.dma_semaphore, #tpu.memory_space<semaphore_mem>> -> memref<!tpu.dma_semaphore, #tpu.memory_space<semaphore_mem>>
    tpu.enqueue_indirect_dma source(%dma_start3A_100 : memref<10000x32xf32, #tpu.memory_space<hbm>>) target(%dma_start3A_94 : memref<80x32xf32, #tpu.memory_space<vmem>>) offsets(%dma_start3A_97 : memref<80xi32, #tpu.memory_space<vmem>>) semaphore(%dma_start3A_102 : memref<!tpu.dma_semaphore, #tpu.memory_space<semaphore_mem>>)
    %scan3A_103 = arith.constant 0 : i32
    %scan3A_104 = arith.constant 0 : i32
    %scan3A_105 = arith.constant 24 : i32
    %scan3A_106 = arith.addi %scan3A_104, %scan3A_105 : i32
    %scan3A_107 = arith.constant 1 : i32
    %scan3A_108 = scf.for %scan3A_369 = %scan3A_104 to %scan3A_106 step %scan3A_107 iter_args(%scan3A_370 = %scan3A_103) -> (i32)  : i32 {
      %mul3A_371 = arith.constant 5 : i32
      %mul3A_372 = arith.muli %scan3A_369, %mul3A_371 : i32
      %dma_wait3A_373 = arith.constant 0 : i32
      %dma_wait3A_374 = arith.constant 0 : i32
      %dma_wait3A_375 = arith.constant 0 : i32
      %dma_wait3A_376 = arith.constant 0 : i32
      %dma_wait3A_377 = tpu.memref_slice %arg7[%dma_wait3A_373, %dma_wait3A_375, %dma_wait3A_376] : memref<5x80x32xf32, #tpu.memory_space<vmem>> -> memref<1x80x32xf32, #tpu.memory_space<vmem>>
      %dma_wait3A_378 = tpu.memref_squeeze %dma_wait3A_377 : memref<1x80x32xf32, #tpu.memory_space<vmem>> -> memref<80x32xf32, #tpu.memory_space<vmem>>
      %dma_wait3A_379 = arith.constant 0 : i32
      %dma_wait3A_380 = arith.constant 0 : i32
      %dma_wait3A_381 = tpu.memref_slice %arg2[%dma_wait3A_379, %dma_wait3A_380] : memref<10000x32xf32, #tpu.memory_space<hbm>> -> memref<80x32xf32, #tpu.memory_space<hbm>>
      %dma_wait3A_382 = tpu.memref_slice %arg10[%dma_wait3A_374] : memref<5x!tpu.dma_semaphore, #tpu.memory_space<semaphore_mem>> -> memref<1x!tpu.dma_semaphore, #tpu.memory_space<semaphore_mem>>
      %dma_wait3A_383 = tpu.memref_squeeze %dma_wait3A_382 : memref<1x!tpu.dma_semaphore, #tpu.memory_space<semaphore_mem>> -> memref<!tpu.dma_semaphore, #tpu.memory_space<semaphore_mem>>
      %dma_wait3A_384 = arith.constant 0 : i32
      %dma_wait3A_385 = arith.constant 0 : i32
      %dma_wait3A_386 = tpu.memref_slice %arg7[%dma_wait3A_373, %dma_wait3A_384, %dma_wait3A_385] : memref<5x80x32xf32, #tpu.memory_space<vmem>> -> memref<1x80x32xf32, #tpu.memory_space<vmem>>
      %dma_wait3A_387 = tpu.memref_squeeze %dma_wait3A_386 : memref<1x80x32xf32, #tpu.memory_space<vmem>> -> memref<80x32xf32, #tpu.memory_space<vmem>>
      %dma_wait3A_388 = arith.constant 0 : i32
      %dma_wait3A_389 = arith.constant 0 : i32
      %dma_wait3A_390 = tpu.memref_slice %arg2[%dma_wait3A_388, %dma_wait3A_389] : memref<10000x32xf32, #tpu.memory_space<hbm>> -> memref<80x32xf32, #tpu.memory_space<hbm>>
      tpu.wait_dma2 semaphore(%dma_wait3A_383 : memref<!tpu.dma_semaphore, #tpu.memory_space<semaphore_mem>>) src(%dma_wait3A_390 : memref<80x32xf32, #tpu.memory_space<hbm>>) dst(%dma_wait3A_387 : memref<80x32xf32, #tpu.memory_space<vmem>>)
      %add3A_391 = arith.constant 0 : i32
      %add3A_392 = arith.addi %mul3A_372, %add3A_391 : i32
      %dma_start3A_393 = arith.constant 0 : i32
      %dma_start3A_394 = arith.constant 0 : i32
      %dma_start3A_395 = arith.constant 0 : i32
      %dma_start3A_396 = arith.constant 0 : i32
      %dma_start3A_397 = tpu.memref_slice %arg7[%dma_start3A_393, %dma_start3A_395, %dma_start3A_396] : memref<5x80x32xf32, #tpu.memory_space<vmem>> -> memref<1x80x32xf32, #tpu.memory_space<vmem>>
      %dma_start3A_398 = tpu.memref_squeeze %dma_start3A_397 : memref<1x80x32xf32, #tpu.memory_space<vmem>> -> memref<80x32xf32, #tpu.memory_space<vmem>>
      %dma_start3A_399 = arith.constant 0 : i32
      %dma_start3A_400 = tpu.memref_slice %arg6[%add3A_392, %dma_start3A_399] : memref<125x80xi32, #tpu.memory_space<vmem>> -> memref<1x80xi32, #tpu.memory_space<vmem>>
      %dma_start3A_401 = tpu.memref_squeeze %dma_start3A_400 : memref<1x80xi32, #tpu.memory_space<vmem>> -> memref<80xi32, #tpu.memory_space<vmem>>
      %dma_start3A_402 = arith.constant 0 : i32
      %dma_start3A_403 = arith.constant 0 : i32
      %dma_start3A_404 = tpu.memref_slice %arg9[%dma_start3A_402, %dma_start3A_403] : memref<10240x32xf32, #tpu.memory_space<vmem_shared>> -> memref<10240x32xf32, #tpu.memory_space<vmem_shared>>
      %dma_start3A_405 = tpu.memref_slice %arg11[%dma_start3A_394] : memref<5x!tpu.dma_semaphore, #tpu.memory_space<semaphore_mem>> -> memref<1x!tpu.dma_semaphore, #tpu.memory_space<semaphore_mem>>
      %dma_start3A_406 = tpu.memref_squeeze %dma_start3A_405 : memref<1x!tpu.dma_semaphore, #tpu.memory_space<semaphore_mem>> -> memref<!tpu.dma_semaphore, #tpu.memory_space<semaphore_mem>>
      tpu.enqueue_indirect_dma source(%dma_start3A_398 : memref<80x32xf32, #tpu.memory_space<vmem>>) target(%dma_start3A_404 : memref<10240x32xf32, #tpu.memory_space<vmem_shared>>) offsets(%dma_start3A_401 : memref<80xi32, #tpu.memory_space<vmem>>) semaphore(%dma_start3A_406 : memref<!tpu.dma_semaphore, #tpu.memory_space<semaphore_mem>>) {add = true}
      %dma_wait3A_407 = arith.constant 1 : i32
      %dma_wait3A_408 = arith.constant 1 : i32
      %dma_wait3A_409 = arith.constant 0 : i32
      %dma_wait3A_410 = arith.constant 0 : i32
      %dma_wait3A_411 = tpu.memref_slice %arg7[%dma_wait3A_407, %dma_wait3A_409, %dma_wait3A_410] : memref<5x80x32xf32, #tpu.memory_space<vmem>> -> memref<1x80x32xf32, #tpu.memory_space<vmem>>
      %dma_wait3A_412 = tpu.memref_squeeze %dma_wait3A_411 : memref<1x80x32xf32, #tpu.memory_space<vmem>> -> memref<80x32xf32, #tpu.memory_space<vmem>>
      %dma_wait3A_413 = arith.constant 0 : i32
      %dma_wait3A_414 = arith.constant 0 : i32
      %dma_wait3A_415 = tpu.memref_slice %arg2[%dma_wait3A_413, %dma_wait3A_414] : memref<10000x32xf32, #tpu.memory_space<hbm>> -> memref<80x32xf32, #tpu.memory_space<hbm>>
      %dma_wait3A_416 = tpu.memref_slice %arg10[%dma_wait3A_408] : memref<5x!tpu.dma_semaphore, #tpu.memory_space<semaphore_mem>> -> memref<1x!tpu.dma_semaphore, #tpu.memory_space<semaphore_mem>>
      %dma_wait3A_417 = tpu.memref_squeeze %dma_wait3A_416 : memref<1x!tpu.dma_semaphore, #tpu.memory_space<semaphore_mem>> -> memref<!tpu.dma_semaphore, #tpu.memory_space<semaphore_mem>>
      %dma_wait3A_418 = arith.constant 0 : i32
      %dma_wait3A_419 = arith.constant 0 : i32
      %dma_wait3A_420 = tpu.memref_slice %arg7[%dma_wait3A_407, %dma_wait3A_418, %dma_wait3A_419] : memref<5x80x32xf32, #tpu.memory_space<vmem>> -> memref<1x80x32xf32, #tpu.memory_space<vmem>>
      %dma_wait3A_421 = tpu.memref_squeeze %dma_wait3A_420 : memref<1x80x32xf32, #tpu.memory_space<vmem>> -> memref<80x32xf32, #tpu.memory_space<vmem>>
      %dma_wait3A_422 = arith.constant 0 : i32
      %dma_wait3A_423 = arith.constant 0 : i32
      %dma_wait3A_424 = tpu.memref_slice %arg2[%dma_wait3A_422, %dma_wait3A_423] : memref<10000x32xf32, #tpu.memory_space<hbm>> -> memref<80x32xf32, #tpu.memory_space<hbm>>
      tpu.wait_dma2 semaphore(%dma_wait3A_417 : memref<!tpu.dma_semaphore, #tpu.memory_space<semaphore_mem>>) src(%dma_wait3A_424 : memref<80x32xf32, #tpu.memory_space<hbm>>) dst(%dma_wait3A_421 : memref<80x32xf32, #tpu.memory_space<vmem>>)
      %add3A_425 = arith.constant 1 : i32
      %add3A_426 = arith.addi %mul3A_372, %add3A_425 : i32
      %dma_start3A_427 = arith.constant 1 : i32
      %dma_start3A_428 = arith.constant 1 : i32
      %dma_start3A_429 = arith.constant 0 : i32
      %dma_start3A_430 = arith.constant 0 : i32
      %dma_start3A_431 = tpu.memref_slice %arg7[%dma_start3A_427, %dma_start3A_429, %dma_start3A_430] : memref<5x80x32xf32, #tpu.memory_space<vmem>> -> memref<1x80x32xf32, #tpu.memory_space<vmem>>
      %dma_start3A_432 = tpu.memref_squeeze %dma_start3A_431 : memref<1x80x32xf32, #tpu.memory_space<vmem>> -> memref<80x32xf32, #tpu.memory_space<vmem>>
      %dma_start3A_433 = arith.constant 0 : i32
      %dma_start3A_434 = tpu.memref_slice %arg6[%add3A_426, %dma_start3A_433] : memref<125x80xi32, #tpu.memory_space<vmem>> -> memref<1x80xi32, #tpu.memory_space<vmem>>
      %dma_start3A_435 = tpu.memref_squeeze %dma_start3A_434 : memref<1x80xi32, #tpu.memory_space<vmem>> -> memref<80xi32, #tpu.memory_space<vmem>>
      %dma_start3A_436 = arith.constant 0 : i32
      %dma_start3A_437 = arith.constant 0 : i32
      %dma_start3A_438 = tpu.memref_slice %arg9[%dma_start3A_436, %dma_start3A_437] : memref<10240x32xf32, #tpu.memory_space<vmem_shared>> -> memref<10240x32xf32, #tpu.memory_space<vmem_shared>>
      %dma_start3A_439 = tpu.memref_slice %arg11[%dma_start3A_428] : memref<5x!tpu.dma_semaphore, #tpu.memory_space<semaphore_mem>> -> memref<1x!tpu.dma_semaphore, #tpu.memory_space<semaphore_mem>>
      %dma_start3A_440 = tpu.memref_squeeze %dma_start3A_439 : memref<1x!tpu.dma_semaphore, #tpu.memory_space<semaphore_mem>> -> memref<!tpu.dma_semaphore, #tpu.memory_space<semaphore_mem>>
      tpu.enqueue_indirect_dma source(%dma_start3A_432 : memref<80x32xf32, #tpu.memory_space<vmem>>) target(%dma_start3A_438 : memref<10240x32xf32, #tpu.memory_space<vmem_shared>>) offsets(%dma_start3A_435 : memref<80xi32, #tpu.memory_space<vmem>>) semaphore(%dma_start3A_440 : memref<!tpu.dma_semaphore, #tpu.memory_space<semaphore_mem>>) {add = true}
      %dma_wait3A_441 = arith.constant 2 : i32
      %dma_wait3A_442 = arith.constant 2 : i32
      %dma_wait3A_443 = arith.constant 0 : i32
      %dma_wait3A_444 = arith.constant 0 : i32
      %dma_wait3A_445 = tpu.memref_slice %arg7[%dma_wait3A_441, %dma_wait3A_443, %dma_wait3A_444] : memref<5x80x32xf32, #tpu.memory_space<vmem>> -> memref<1x80x32xf32, #tpu.memory_space<vmem>>
      %dma_wait3A_446 = tpu.memref_squeeze %dma_wait3A_445 : memref<1x80x32xf32, #tpu.memory_space<vmem>> -> memref<80x32xf32, #tpu.memory_space<vmem>>
      %dma_wait3A_447 = arith.constant 0 : i32
      %dma_wait3A_448 = arith.constant 0 : i32
      %dma_wait3A_449 = tpu.memref_slice %arg2[%dma_wait3A_447, %dma_wait3A_448] : memref<10000x32xf32, #tpu.memory_space<hbm>> -> memref<80x32xf32, #tpu.memory_space<hbm>>
      %dma_wait3A_450 = tpu.memref_slice %arg10[%dma_wait3A_442] : memref<5x!tpu.dma_semaphore, #tpu.memory_space<semaphore_mem>> -> memref<1x!tpu.dma_semaphore, #tpu.memory_space<semaphore_mem>>
      %dma_wait3A_451 = tpu.memref_squeeze %dma_wait3A_450 : memref<1x!tpu.dma_semaphore, #tpu.memory_space<semaphore_mem>> -> memref<!tpu.dma_semaphore, #tpu.memory_space<semaphore_mem>>
      %dma_wait3A_452 = arith.constant 0 : i32
      %dma_wait3A_453 = arith.constant 0 : i32
      %dma_wait3A_454 = tpu.memref_slice %arg7[%dma_wait3A_441, %dma_wait3A_452, %dma_wait3A_453] : memref<5x80x32xf32, #tpu.memory_space<vmem>> -> memref<1x80x32xf32, #tpu.memory_space<vmem>>
      %dma_wait3A_455 = tpu.memref_squeeze %dma_wait3A_454 : memref<1x80x32xf32, #tpu.memory_space<vmem>> -> memref<80x32xf32, #tpu.memory_space<vmem>>
      %dma_wait3A_456 = arith.constant 0 : i32
      %dma_wait3A_457 = arith.constant 0 : i32
      %dma_wait3A_458 = tpu.memref_slice %arg2[%dma_wait3A_456, %dma_wait3A_457] : memref<10000x32xf32, #tpu.memory_space<hbm>> -> memref<80x32xf32, #tpu.memory_space<hbm>>
      tpu.wait_dma2 semaphore(%dma_wait3A_451 : memref<!tpu.dma_semaphore, #tpu.memory_space<semaphore_mem>>) src(%dma_wait3A_458 : memref<80x32xf32, #tpu.memory_space<hbm>>) dst(%dma_wait3A_455 : memref<80x32xf32, #tpu.memory_space<vmem>>)
      %add3A_459 = arith.constant 2 : i32
      %add3A_460 = arith.addi %mul3A_372, %add3A_459 : i32
      %dma_start3A_461 = arith.constant 2 : i32
      %dma_start3A_462 = arith.constant 2 : i32
      %dma_start3A_463 = arith.constant 0 : i32
      %dma_start3A_464 = arith.constant 0 : i32
      %dma_start3A_465 = tpu.memref_slice %arg7[%dma_start3A_461, %dma_start3A_463, %dma_start3A_464] : memref<5x80x32xf32, #tpu.memory_space<vmem>> -> memref<1x80x32xf32, #tpu.memory_space<vmem>>
      %dma_start3A_466 = tpu.memref_squeeze %dma_start3A_465 : memref<1x80x32xf32, #tpu.memory_space<vmem>> -> memref<80x32xf32, #tpu.memory_space<vmem>>
      %dma_start3A_467 = arith.constant 0 : i32
      %dma_start3A_468 = tpu.memref_slice %arg6[%add3A_460, %dma_start3A_467] : memref<125x80xi32, #tpu.memory_space<vmem>> -> memref<1x80xi32, #tpu.memory_space<vmem>>
      %dma_start3A_469 = tpu.memref_squeeze %dma_start3A_468 : memref<1x80xi32, #tpu.memory_space<vmem>> -> memref<80xi32, #tpu.memory_space<vmem>>
      %dma_start3A_470 = arith.constant 0 : i32
      %dma_start3A_471 = arith.constant 0 : i32
      %dma_start3A_472 = tpu.memref_slice %arg9[%dma_start3A_470, %dma_start3A_471] : memref<10240x32xf32, #tpu.memory_space<vmem_shared>> -> memref<10240x32xf32, #tpu.memory_space<vmem_shared>>
      %dma_start3A_473 = tpu.memref_slice %arg11[%dma_start3A_462] : memref<5x!tpu.dma_semaphore, #tpu.memory_space<semaphore_mem>> -> memref<1x!tpu.dma_semaphore, #tpu.memory_space<semaphore_mem>>
      %dma_start3A_474 = tpu.memref_squeeze %dma_start3A_473 : memref<1x!tpu.dma_semaphore, #tpu.memory_space<semaphore_mem>> -> memref<!tpu.dma_semaphore, #tpu.memory_space<semaphore_mem>>
      tpu.enqueue_indirect_dma source(%dma_start3A_466 : memref<80x32xf32, #tpu.memory_space<vmem>>) target(%dma_start3A_472 : memref<10240x32xf32, #tpu.memory_space<vmem_shared>>) offsets(%dma_start3A_469 : memref<80xi32, #tpu.memory_space<vmem>>) semaphore(%dma_start3A_474 : memref<!tpu.dma_semaphore, #tpu.memory_space<semaphore_mem>>) {add = true}
      %dma_wait3A_475 = arith.constant 3 : i32
      %dma_wait3A_476 = arith.constant 3 : i32
      %dma_wait3A_477 = arith.constant 0 : i32
      %dma_wait3A_478 = arith.constant 0 : i32
      %dma_wait3A_479 = tpu.memref_slice %arg7[%dma_wait3A_475, %dma_wait3A_477, %dma_wait3A_478] : memref<5x80x32xf32, #tpu.memory_space<vmem>> -> memref<1x80x32xf32, #tpu.memory_space<vmem>>
      %dma_wait3A_480 = tpu.memref_squeeze %dma_wait3A_479 : memref<1x80x32xf32, #tpu.memory_space<vmem>> -> memref<80x32xf32, #tpu.memory_space<vmem>>
      %dma_wait3A_481 = arith.constant 0 : i32
      %dma_wait3A_482 = arith.constant 0 : i32
      %dma_wait3A_483 = tpu.memref_slice %arg2[%dma_wait3A_481, %dma_wait3A_482] : memref<10000x32xf32, #tpu.memory_space<hbm>> -> memref<80x32xf32, #tpu.memory_space<hbm>>
      %dma_wait3A_484 = tpu.memref_slice %arg10[%dma_wait3A_476] : memref<5x!tpu.dma_semaphore, #tpu.memory_space<semaphore_mem>> -> memref<1x!tpu.dma_semaphore, #tpu.memory_space<semaphore_mem>>
      %dma_wait3A_485 = tpu.memref_squeeze %dma_wait3A_484 : memref<1x!tpu.dma_semaphore, #tpu.memory_space<semaphore_mem>> -> memref<!tpu.dma_semaphore, #tpu.memory_space<semaphore_mem>>
      %dma_wait3A_486 = arith.constant 0 : i32
      %dma_wait3A_487 = arith.constant 0 : i32
      %dma_wait3A_488 = tpu.memref_slice %arg7[%dma_wait3A_475, %dma_wait3A_486, %dma_wait3A_487] : memref<5x80x32xf32, #tpu.memory_space<vmem>> -> memref<1x80x32xf32, #tpu.memory_space<vmem>>
      %dma_wait3A_489 = tpu.memref_squeeze %dma_wait3A_488 : memref<1x80x32xf32, #tpu.memory_space<vmem>> -> memref<80x32xf32, #tpu.memory_space<vmem>>
      %dma_wait3A_490 = arith.constant 0 : i32
      %dma_wait3A_491 = arith.constant 0 : i32
      %dma_wait3A_492 = tpu.memref_slice %arg2[%dma_wait3A_490, %dma_wait3A_491] : memref<10000x32xf32, #tpu.memory_space<hbm>> -> memref<80x32xf32, #tpu.memory_space<hbm>>
      tpu.wait_dma2 semaphore(%dma_wait3A_485 : memref<!tpu.dma_semaphore, #tpu.memory_space<semaphore_mem>>) src(%dma_wait3A_492 : memref<80x32xf32, #tpu.memory_space<hbm>>) dst(%dma_wait3A_489 : memref<80x32xf32, #tpu.memory_space<vmem>>)
      %add3A_493 = arith.constant 3 : i32
      %add3A_494 = arith.addi %mul3A_372, %add3A_493 : i32
      %dma_start3A_495 = arith.constant 3 : i32
      %dma_start3A_496 = arith.constant 3 : i32
      %dma_start3A_497 = arith.constant 0 : i32
      %dma_start3A_498 = arith.constant 0 : i32
      %dma_start3A_499 = tpu.memref_slice %arg7[%dma_start3A_495, %dma_start3A_497, %dma_start3A_498] : memref<5x80x32xf32, #tpu.memory_space<vmem>> -> memref<1x80x32xf32, #tpu.memory_space<vmem>>
      %dma_start3A_500 = tpu.memref_squeeze %dma_start3A_499 : memref<1x80x32xf32, #tpu.memory_space<vmem>> -> memref<80x32xf32, #tpu.memory_space<vmem>>
      %dma_start3A_501 = arith.constant 0 : i32
      %dma_start3A_502 = tpu.memref_slice %arg6[%add3A_494, %dma_start3A_501] : memref<125x80xi32, #tpu.memory_space<vmem>> -> memref<1x80xi32, #tpu.memory_space<vmem>>
      %dma_start3A_503 = tpu.memref_squeeze %dma_start3A_502 : memref<1x80xi32, #tpu.memory_space<vmem>> -> memref<80xi32, #tpu.memory_space<vmem>>
      %dma_start3A_504 = arith.constant 0 : i32
      %dma_start3A_505 = arith.constant 0 : i32
      %dma_start3A_506 = tpu.memref_slice %arg9[%dma_start3A_504, %dma_start3A_505] : memref<10240x32xf32, #tpu.memory_space<vmem_shared>> -> memref<10240x32xf32, #tpu.memory_space<vmem_shared>>
      %dma_start3A_507 = tpu.memref_slice %arg11[%dma_start3A_496] : memref<5x!tpu.dma_semaphore, #tpu.memory_space<semaphore_mem>> -> memref<1x!tpu.dma_semaphore, #tpu.memory_space<semaphore_mem>>
      %dma_start3A_508 = tpu.memref_squeeze %dma_start3A_507 : memref<1x!tpu.dma_semaphore, #tpu.memory_space<semaphore_mem>> -> memref<!tpu.dma_semaphore, #tpu.memory_space<semaphore_mem>>
      tpu.enqueue_indirect_dma source(%dma_start3A_500 : memref<80x32xf32, #tpu.memory_space<vmem>>) target(%dma_start3A_506 : memref<10240x32xf32, #tpu.memory_space<vmem_shared>>) offsets(%dma_start3A_503 : memref<80xi32, #tpu.memory_space<vmem>>) semaphore(%dma_start3A_508 : memref<!tpu.dma_semaphore, #tpu.memory_space<semaphore_mem>>) {add = true}
      %dma_wait3A_509 = arith.constant 4 : i32
      %dma_wait3A_510 = arith.constant 4 : i32
      %dma_wait3A_511 = arith.constant 0 : i32
      %dma_wait3A_512 = arith.constant 0 : i32
      %dma_wait3A_513 = tpu.memref_slice %arg7[%dma_wait3A_509, %dma_wait3A_511, %dma_wait3A_512] : memref<5x80x32xf32, #tpu.memory_space<vmem>> -> memref<1x80x32xf32, #tpu.memory_space<vmem>>
      %dma_wait3A_514 = tpu.memref_squeeze %dma_wait3A_513 : memref<1x80x32xf32, #tpu.memory_space<vmem>> -> memref<80x32xf32, #tpu.memory_space<vmem>>
      %dma_wait3A_515 = arith.constant 0 : i32
      %dma_wait3A_516 = arith.constant 0 : i32
      %dma_wait3A_517 = tpu.memref_slice %arg2[%dma_wait3A_515, %dma_wait3A_516] : memref<10000x32xf32, #tpu.memory_space<hbm>> -> memref<80x32xf32, #tpu.memory_space<hbm>>
      %dma_wait3A_518 = tpu.memref_slice %arg10[%dma_wait3A_510] : memref<5x!tpu.dma_semaphore, #tpu.memory_space<semaphore_mem>> -> memref<1x!tpu.dma_semaphore, #tpu.memory_space<semaphore_mem>>
      %dma_wait3A_519 = tpu.memref_squeeze %dma_wait3A_518 : memref<1x!tpu.dma_semaphore, #tpu.memory_space<semaphore_mem>> -> memref<!tpu.dma_semaphore, #tpu.memory_space<semaphore_mem>>
      %dma_wait3A_520 = arith.constant 0 : i32
      %dma_wait3A_521 = arith.constant 0 : i32
      %dma_wait3A_522 = tpu.memref_slice %arg7[%dma_wait3A_509, %dma_wait3A_520, %dma_wait3A_521] : memref<5x80x32xf32, #tpu.memory_space<vmem>> -> memref<1x80x32xf32, #tpu.memory_space<vmem>>
      %dma_wait3A_523 = tpu.memref_squeeze %dma_wait3A_522 : memref<1x80x32xf32, #tpu.memory_space<vmem>> -> memref<80x32xf32, #tpu.memory_space<vmem>>
      %dma_wait3A_524 = arith.constant 0 : i32
      %dma_wait3A_525 = arith.constant 0 : i32
      %dma_wait3A_526 = tpu.memref_slice %arg2[%dma_wait3A_524, %dma_wait3A_525] : memref<10000x32xf32, #tpu.memory_space<hbm>> -> memref<80x32xf32, #tpu.memory_space<hbm>>
      tpu.wait_dma2 semaphore(%dma_wait3A_519 : memref<!tpu.dma_semaphore, #tpu.memory_space<semaphore_mem>>) src(%dma_wait3A_526 : memref<80x32xf32, #tpu.memory_space<hbm>>) dst(%dma_wait3A_523 : memref<80x32xf32, #tpu.memory_space<vmem>>)
      %add3A_527 = arith.constant 4 : i32
      %add3A_528 = arith.addi %mul3A_372, %add3A_527 : i32
      %dma_start3A_529 = arith.constant 4 : i32
      %dma_start3A_530 = arith.constant 4 : i32
      %dma_start3A_531 = arith.constant 0 : i32
      %dma_start3A_532 = arith.constant 0 : i32
      %dma_start3A_533 = tpu.memref_slice %arg7[%dma_start3A_529, %dma_start3A_531, %dma_start3A_532] : memref<5x80x32xf32, #tpu.memory_space<vmem>> -> memref<1x80x32xf32, #tpu.memory_space<vmem>>
      %dma_start3A_534 = tpu.memref_squeeze %dma_start3A_533 : memref<1x80x32xf32, #tpu.memory_space<vmem>> -> memref<80x32xf32, #tpu.memory_space<vmem>>
      %dma_start3A_535 = arith.constant 0 : i32
      %dma_start3A_536 = tpu.memref_slice %arg6[%add3A_528, %dma_start3A_535] : memref<125x80xi32, #tpu.memory_space<vmem>> -> memref<1x80xi32, #tpu.memory_space<vmem>>
      %dma_start3A_537 = tpu.memref_squeeze %dma_start3A_536 : memref<1x80xi32, #tpu.memory_space<vmem>> -> memref<80xi32, #tpu.memory_space<vmem>>
      %dma_start3A_538 = arith.constant 0 : i32
      %dma_start3A_539 = arith.constant 0 : i32
      %dma_start3A_540 = tpu.memref_slice %arg9[%dma_start3A_538, %dma_start3A_539] : memref<10240x32xf32, #tpu.memory_space<vmem_shared>> -> memref<10240x32xf32, #tpu.memory_space<vmem_shared>>
      %dma_start3A_541 = tpu.memref_slice %arg11[%dma_start3A_530] : memref<5x!tpu.dma_semaphore, #tpu.memory_space<semaphore_mem>> -> memref<1x!tpu.dma_semaphore, #tpu.memory_space<semaphore_mem>>
      %dma_start3A_542 = tpu.memref_squeeze %dma_start3A_541 : memref<1x!tpu.dma_semaphore, #tpu.memory_space<semaphore_mem>> -> memref<!tpu.dma_semaphore, #tpu.memory_space<semaphore_mem>>
      tpu.enqueue_indirect_dma source(%dma_start3A_534 : memref<80x32xf32, #tpu.memory_space<vmem>>) target(%dma_start3A_540 : memref<10240x32xf32, #tpu.memory_space<vmem_shared>>) offsets(%dma_start3A_537 : memref<80xi32, #tpu.memory_space<vmem>>) semaphore(%dma_start3A_542 : memref<!tpu.dma_semaphore, #tpu.memory_space<semaphore_mem>>) {add = true}
      %dma_wait3A_543 = arith.constant 0 : i32
      %dma_wait3A_544 = arith.constant 0 : i32
      %dma_wait3A_545 = arith.constant 0 : i32
      %dma_wait3A_546 = arith.constant 0 : i32
      %dma_wait3A_547 = tpu.memref_slice %arg7[%dma_wait3A_543, %dma_wait3A_545, %dma_wait3A_546] : memref<5x80x32xf32, #tpu.memory_space<vmem>> -> memref<1x80x32xf32, #tpu.memory_space<vmem>>
      %dma_wait3A_548 = tpu.memref_squeeze %dma_wait3A_547 : memref<1x80x32xf32, #tpu.memory_space<vmem>> -> memref<80x32xf32, #tpu.memory_space<vmem>>
      %dma_wait3A_549 = arith.constant 0 : i32
      %dma_wait3A_550 = arith.constant 0 : i32
      %dma_wait3A_551 = tpu.memref_slice %arg9[%dma_wait3A_549, %dma_wait3A_550] : memref<10240x32xf32, #tpu.memory_space<vmem_shared>> -> memref<80x32xf32, #tpu.memory_space<vmem_shared>>
      %dma_wait3A_552 = tpu.memref_slice %arg11[%dma_wait3A_544] : memref<5x!tpu.dma_semaphore, #tpu.memory_space<semaphore_mem>> -> memref<1x!tpu.dma_semaphore, #tpu.memory_space<semaphore_mem>>
      %dma_wait3A_553 = tpu.memref_squeeze %dma_wait3A_552 : memref<1x!tpu.dma_semaphore, #tpu.memory_space<semaphore_mem>> -> memref<!tpu.dma_semaphore, #tpu.memory_space<semaphore_mem>>
      %dma_wait3A_554 = arith.constant 0 : i32
      %dma_wait3A_555 = arith.constant 0 : i32
      %dma_wait3A_556 = tpu.memref_slice %arg9[%dma_wait3A_554, %dma_wait3A_555] : memref<10240x32xf32, #tpu.memory_space<vmem_shared>> -> memref<80x32xf32, #tpu.memory_space<vmem_shared>>
      %dma_wait3A_557 = arith.constant 0 : i32
      %dma_wait3A_558 = arith.constant 0 : i32
      %dma_wait3A_559 = tpu.memref_slice %arg7[%dma_wait3A_543, %dma_wait3A_557, %dma_wait3A_558] : memref<5x80x32xf32, #tpu.memory_space<vmem>> -> memref<1x80x32xf32, #tpu.memory_space<vmem>>
      %dma_wait3A_560 = tpu.memref_squeeze %dma_wait3A_559 : memref<1x80x32xf32, #tpu.memory_space<vmem>> -> memref<80x32xf32, #tpu.memory_space<vmem>>
      tpu.wait_dma2 semaphore(%dma_wait3A_553 : memref<!tpu.dma_semaphore, #tpu.memory_space<semaphore_mem>>) src(%dma_wait3A_560 : memref<80x32xf32, #tpu.memory_space<vmem>>) dst(%dma_wait3A_556 : memref<80x32xf32, #tpu.memory_space<vmem_shared>>)
      %add3A_561 = arith.constant 5 : i32
      %add3A_562 = arith.addi %mul3A_372, %add3A_561 : i32
      %add3A_563 = arith.constant 0 : i32
      %add3A_564 = arith.addi %add3A_562, %add3A_563 : i32
      %dma_start3A_565 = arith.constant 0 : i32
      %dma_start3A_566 = arith.constant 0 : i32
      %dma_start3A_567 = arith.constant 0 : i32
      %dma_start3A_568 = arith.constant 0 : i32
      %dma_start3A_569 = tpu.memref_slice %arg7[%dma_start3A_565, %dma_start3A_567, %dma_start3A_568] : memref<5x80x32xf32, #tpu.memory_space<vmem>> -> memref<1x80x32xf32, #tpu.memory_space<vmem>>
      %dma_start3A_570 = tpu.memref_squeeze %dma_start3A_569 : memref<1x80x32xf32, #tpu.memory_space<vmem>> -> memref<80x32xf32, #tpu.memory_space<vmem>>
      %dma_start3A_571 = arith.constant 0 : i32
      %dma_start3A_572 = tpu.memref_slice %arg5[%add3A_564, %dma_start3A_571] : memref<125x80xi32, #tpu.memory_space<vmem>> -> memref<1x80xi32, #tpu.memory_space<vmem>>
      %dma_start3A_573 = tpu.memref_squeeze %dma_start3A_572 : memref<1x80xi32, #tpu.memory_space<vmem>> -> memref<80xi32, #tpu.memory_space<vmem>>
      %dma_start3A_574 = arith.constant 0 : i32
      %dma_start3A_575 = arith.constant 0 : i32
      %dma_start3A_576 = tpu.memref_slice %arg2[%dma_start3A_574, %dma_start3A_575] : memref<10000x32xf32, #tpu.memory_space<hbm>> -> memref<10000x32xf32, #tpu.memory_space<hbm>>
      %dma_start3A_577 = tpu.memref_slice %arg10[%dma_start3A_566] : memref<5x!tpu.dma_semaphore, #tpu.memory_space<semaphore_mem>> -> memref<1x!tpu.dma_semaphore, #tpu.memory_space<semaphore_mem>>
      %dma_start3A_578 = tpu.memref_squeeze %dma_start3A_577 : memref<1x!tpu.dma_semaphore, #tpu.memory_space<semaphore_mem>> -> memref<!tpu.dma_semaphore, #tpu.memory_space<semaphore_mem>>
      tpu.enqueue_indirect_dma source(%dma_start3A_576 : memref<10000x32xf32, #tpu.memory_space<hbm>>) target(%dma_start3A_570 : memref<80x32xf32, #tpu.memory_space<vmem>>) offsets(%dma_start3A_573 : memref<80xi32, #tpu.memory_space<vmem>>) semaphore(%dma_start3A_578 : memref<!tpu.dma_semaphore, #tpu.memory_space<semaphore_mem>>)
      %dma_wait3A_579 = arith.constant 1 : i32
      %dma_wait3A_580 = arith.constant 1 : i32
      %dma_wait3A_581 = arith.constant 0 : i32
      %dma_wait3A_582 = arith.constant 0 : i32
      %dma_wait3A_583 = tpu.memref_slice %arg7[%dma_wait3A_579, %dma_wait3A_581, %dma_wait3A_582] : memref<5x80x32xf32, #tpu.memory_space<vmem>> -> memref<1x80x32xf32, #tpu.memory_space<vmem>>
      %dma_wait3A_584 = tpu.memref_squeeze %dma_wait3A_583 : memref<1x80x32xf32, #tpu.memory_space<vmem>> -> memref<80x32xf32, #tpu.memory_space<vmem>>
      %dma_wait3A_585 = arith.constant 0 : i32
      %dma_wait3A_586 = arith.constant 0 : i32
      %dma_wait3A_587 = tpu.memref_slice %arg9[%dma_wait3A_585, %dma_wait3A_586] : memref<10240x32xf32, #tpu.memory_space<vmem_shared>> -> memref<80x32xf32, #tpu.memory_space<vmem_shared>>
      %dma_wait3A_588 = tpu.memref_slice %arg11[%dma_wait3A_580] : memref<5x!tpu.dma_semaphore, #tpu.memory_space<semaphore_mem>> -> memref<1x!tpu.dma_semaphore, #tpu.memory_space<semaphore_mem>>
      %dma_wait3A_589 = tpu.memref_squeeze %dma_wait3A_588 : memref<1x!tpu.dma_semaphore, #tpu.memory_space<semaphore_mem>> -> memref<!tpu.dma_semaphore, #tpu.memory_space<semaphore_mem>>
      %dma_wait3A_590 = arith.constant 0 : i32
      %dma_wait3A_591 = arith.constant 0 : i32
      %dma_wait3A_592 = tpu.memref_slice %arg9[%dma_wait3A_590, %dma_wait3A_591] : memref<10240x32xf32, #tpu.memory_space<vmem_shared>> -> memref<80x32xf32, #tpu.memory_space<vmem_shared>>
      %dma_wait3A_593 = arith.constant 0 : i32
      %dma_wait3A_594 = arith.constant 0 : i32
      %dma_wait3A_595 = tpu.memref_slice %arg7[%dma_wait3A_579, %dma_wait3A_593, %dma_wait3A_594] : memref<5x80x32xf32, #tpu.memory_space<vmem>> -> memref<1x80x32xf32, #tpu.memory_space<vmem>>
      %dma_wait3A_596 = tpu.memref_squeeze %dma_wait3A_595 : memref<1x80x32xf32, #tpu.memory_space<vmem>> -> memref<80x32xf32, #tpu.memory_space<vmem>>
      tpu.wait_dma2 semaphore(%dma_wait3A_589 : memref<!tpu.dma_semaphore, #tpu.memory_space<semaphore_mem>>) src(%dma_wait3A_596 : memref<80x32xf32, #tpu.memory_space<vmem>>) dst(%dma_wait3A_592 : memref<80x32xf32, #tpu.memory_space<vmem_shared>>)
      %add3A_597 = arith.constant 5 : i32
      %add3A_598 = arith.addi %mul3A_372, %add3A_597 : i32
      %add3A_599 = arith.constant 1 : i32
      %add3A_600 = arith.addi %add3A_598, %add3A_599 : i32
      %dma_start3A_601 = arith.constant 1 : i32
      %dma_start3A_602 = arith.constant 1 : i32
      %dma_start3A_603 = arith.constant 0 : i32
      %dma_start3A_604 = arith.constant 0 : i32
      %dma_start3A_605 = tpu.memref_slice %arg7[%dma_start3A_601, %dma_start3A_603, %dma_start3A_604] : memref<5x80x32xf32, #tpu.memory_space<vmem>> -> memref<1x80x32xf32, #tpu.memory_space<vmem>>
      %dma_start3A_606 = tpu.memref_squeeze %dma_start3A_605 : memref<1x80x32xf32, #tpu.memory_space<vmem>> -> memref<80x32xf32, #tpu.memory_space<vmem>>
      %dma_start3A_607 = arith.constant 0 : i32
      %dma_start3A_608 = tpu.memref_slice %arg5[%add3A_600, %dma_start3A_607] : memref<125x80xi32, #tpu.memory_space<vmem>> -> memref<1x80xi32, #tpu.memory_space<vmem>>
      %dma_start3A_609 = tpu.memref_squeeze %dma_start3A_608 : memref<1x80xi32, #tpu.memory_space<vmem>> -> memref<80xi32, #tpu.memory_space<vmem>>
      %dma_start3A_610 = arith.constant 0 : i32
      %dma_start3A_611 = arith.constant 0 : i32
      %dma_start3A_612 = tpu.memref_slice %arg2[%dma_start3A_610, %dma_start3A_611] : memref<10000x32xf32, #tpu.memory_space<hbm>> -> memref<10000x32xf32, #tpu.memory_space<hbm>>
      %dma_start3A_613 = tpu.memref_slice %arg10[%dma_start3A_602] : memref<5x!tpu.dma_semaphore, #tpu.memory_space<semaphore_mem>> -> memref<1x!tpu.dma_semaphore, #tpu.memory_space<semaphore_mem>>
      %dma_start3A_614 = tpu.memref_squeeze %dma_start3A_613 : memref<1x!tpu.dma_semaphore, #tpu.memory_space<semaphore_mem>> -> memref<!tpu.dma_semaphore, #tpu.memory_space<semaphore_mem>>
      tpu.enqueue_indirect_dma source(%dma_start3A_612 : memref<10000x32xf32, #tpu.memory_space<hbm>>) target(%dma_start3A_606 : memref<80x32xf32, #tpu.memory_space<vmem>>) offsets(%dma_start3A_609 : memref<80xi32, #tpu.memory_space<vmem>>) semaphore(%dma_start3A_614 : memref<!tpu.dma_semaphore, #tpu.memory_space<semaphore_mem>>)
      %dma_wait3A_615 = arith.constant 2 : i32
      %dma_wait3A_616 = arith.constant 2 : i32
      %dma_wait3A_617 = arith.constant 0 : i32
      %dma_wait3A_618 = arith.constant 0 : i32
      %dma_wait3A_619 = tpu.memref_slice %arg7[%dma_wait3A_615, %dma_wait3A_617, %dma_wait3A_618] : memref<5x80x32xf32, #tpu.memory_space<vmem>> -> memref<1x80x32xf32, #tpu.memory_space<vmem>>
      %dma_wait3A_620 = tpu.memref_squeeze %dma_wait3A_619 : memref<1x80x32xf32, #tpu.memory_space<vmem>> -> memref<80x32xf32, #tpu.memory_space<vmem>>
      %dma_wait3A_621 = arith.constant 0 : i32
      %dma_wait3A_622 = arith.constant 0 : i32
      %dma_wait3A_623 = tpu.memref_slice %arg9[%dma_wait3A_621, %dma_wait3A_622] : memref<10240x32xf32, #tpu.memory_space<vmem_shared>> -> memref<80x32xf32, #tpu.memory_space<vmem_shared>>
      %dma_wait3A_624 = tpu.memref_slice %arg11[%dma_wait3A_616] : memref<5x!tpu.dma_semaphore, #tpu.memory_space<semaphore_mem>> -> memref<1x!tpu.dma_semaphore, #tpu.memory_space<semaphore_mem>>
      %dma_wait3A_625 = tpu.memref_squeeze %dma_wait3A_624 : memref<1x!tpu.dma_semaphore, #tpu.memory_space<semaphore_mem>> -> memref<!tpu.dma_semaphore, #tpu.memory_space<semaphore_mem>>
      %dma_wait3A_626 = arith.constant 0 : i32
      %dma_wait3A_627 = arith.constant 0 : i32
      %dma_wait3A_628 = tpu.memref_slice %arg9[%dma_wait3A_626, %dma_wait3A_627] : memref<10240x32xf32, #tpu.memory_space<vmem_shared>> -> memref<80x32xf32, #tpu.memory_space<vmem_shared>>
      %dma_wait3A_629 = arith.constant 0 : i32
      %dma_wait3A_630 = arith.constant 0 : i32
      %dma_wait3A_631 = tpu.memref_slice %arg7[%dma_wait3A_615, %dma_wait3A_629, %dma_wait3A_630] : memref<5x80x32xf32, #tpu.memory_space<vmem>> -> memref<1x80x32xf32, #tpu.memory_space<vmem>>
      %dma_wait3A_632 = tpu.memref_squeeze %dma_wait3A_631 : memref<1x80x32xf32, #tpu.memory_space<vmem>> -> memref<80x32xf32, #tpu.memory_space<vmem>>
      tpu.wait_dma2 semaphore(%dma_wait3A_625 : memref<!tpu.dma_semaphore, #tpu.memory_space<semaphore_mem>>) src(%dma_wait3A_632 : memref<80x32xf32, #tpu.memory_space<vmem>>) dst(%dma_wait3A_628 : memref<80x32xf32, #tpu.memory_space<vmem_shared>>)
      %add3A_633 = arith.constant 5 : i32
      %add3A_634 = arith.addi %mul3A_372, %add3A_633 : i32
      %add3A_635 = arith.constant 2 : i32
      %add3A_636 = arith.addi %add3A_634, %add3A_635 : i32
      %dma_start3A_637 = arith.constant 2 : i32
      %dma_start3A_638 = arith.constant 2 : i32
      %dma_start3A_639 = arith.constant 0 : i32
      %dma_start3A_640 = arith.constant 0 : i32
      %dma_start3A_641 = tpu.memref_slice %arg7[%dma_start3A_637, %dma_start3A_639, %dma_start3A_640] : memref<5x80x32xf32, #tpu.memory_space<vmem>> -> memref<1x80x32xf32, #tpu.memory_space<vmem>>
      %dma_start3A_642 = tpu.memref_squeeze %dma_start3A_641 : memref<1x80x32xf32, #tpu.memory_space<vmem>> -> memref<80x32xf32, #tpu.memory_space<vmem>>
      %dma_start3A_643 = arith.constant 0 : i32
      %dma_start3A_644 = tpu.memref_slice %arg5[%add3A_636, %dma_start3A_643] : memref<125x80xi32, #tpu.memory_space<vmem>> -> memref<1x80xi32, #tpu.memory_space<vmem>>
      %dma_start3A_645 = tpu.memref_squeeze %dma_start3A_644 : memref<1x80xi32, #tpu.memory_space<vmem>> -> memref<80xi32, #tpu.memory_space<vmem>>
      %dma_start3A_646 = arith.constant 0 : i32
      %dma_start3A_647 = arith.constant 0 : i32
      %dma_start3A_648 = tpu.memref_slice %arg2[%dma_start3A_646, %dma_start3A_647] : memref<10000x32xf32, #tpu.memory_space<hbm>> -> memref<10000x32xf32, #tpu.memory_space<hbm>>
      %dma_start3A_649 = tpu.memref_slice %arg10[%dma_start3A_638] : memref<5x!tpu.dma_semaphore, #tpu.memory_space<semaphore_mem>> -> memref<1x!tpu.dma_semaphore, #tpu.memory_space<semaphore_mem>>
      %dma_start3A_650 = tpu.memref_squeeze %dma_start3A_649 : memref<1x!tpu.dma_semaphore, #tpu.memory_space<semaphore_mem>> -> memref<!tpu.dma_semaphore, #tpu.memory_space<semaphore_mem>>
      tpu.enqueue_indirect_dma source(%dma_start3A_648 : memref<10000x32xf32, #tpu.memory_space<hbm>>) target(%dma_start3A_642 : memref<80x32xf32, #tpu.memory_space<vmem>>) offsets(%dma_start3A_645 : memref<80xi32, #tpu.memory_space<vmem>>) semaphore(%dma_start3A_650 : memref<!tpu.dma_semaphore, #tpu.memory_space<semaphore_mem>>)
      %dma_wait3A_651 = arith.constant 3 : i32
      %dma_wait3A_652 = arith.constant 3 : i32
      %dma_wait3A_653 = arith.constant 0 : i32
      %dma_wait3A_654 = arith.constant 0 : i32
      %dma_wait3A_655 = tpu.memref_slice %arg7[%dma_wait3A_651, %dma_wait3A_653, %dma_wait3A_654] : memref<5x80x32xf32, #tpu.memory_space<vmem>> -> memref<1x80x32xf32, #tpu.memory_space<vmem>>
      %dma_wait3A_656 = tpu.memref_squeeze %dma_wait3A_655 : memref<1x80x32xf32, #tpu.memory_space<vmem>> -> memref<80x32xf32, #tpu.memory_space<vmem>>
      %dma_wait3A_657 = arith.constant 0 : i32
      %dma_wait3A_658 = arith.constant 0 : i32
      %dma_wait3A_659 = tpu.memref_slice %arg9[%dma_wait3A_657, %dma_wait3A_658] : memref<10240x32xf32, #tpu.memory_space<vmem_shared>> -> memref<80x32xf32, #tpu.memory_space<vmem_shared>>
      %dma_wait3A_660 = tpu.memref_slice %arg11[%dma_wait3A_652] : memref<5x!tpu.dma_semaphore, #tpu.memory_space<semaphore_mem>> -> memref<1x!tpu.dma_semaphore, #tpu.memory_space<semaphore_mem>>
      %dma_wait3A_661 = tpu.memref_squeeze %dma_wait3A_660 : memref<1x!tpu.dma_semaphore, #tpu.memory_space<semaphore_mem>> -> memref<!tpu.dma_semaphore, #tpu.memory_space<semaphore_mem>>
      %dma_wait3A_662 = arith.constant 0 : i32
      %dma_wait3A_663 = arith.constant 0 : i32
      %dma_wait3A_664 = tpu.memref_slice %arg9[%dma_wait3A_662, %dma_wait3A_663] : memref<10240x32xf32, #tpu.memory_space<vmem_shared>> -> memref<80x32xf32, #tpu.memory_space<vmem_shared>>
      %dma_wait3A_665 = arith.constant 0 : i32
      %dma_wait3A_666 = arith.constant 0 : i32
      %dma_wait3A_667 = tpu.memref_slice %arg7[%dma_wait3A_651, %dma_wait3A_665, %dma_wait3A_666] : memref<5x80x32xf32, #tpu.memory_space<vmem>> -> memref<1x80x32xf32, #tpu.memory_space<vmem>>
      %dma_wait3A_668 = tpu.memref_squeeze %dma_wait3A_667 : memref<1x80x32xf32, #tpu.memory_space<vmem>> -> memref<80x32xf32, #tpu.memory_space<vmem>>
      tpu.wait_dma2 semaphore(%dma_wait3A_661 : memref<!tpu.dma_semaphore, #tpu.memory_space<semaphore_mem>>) src(%dma_wait3A_668 : memref<80x32xf32, #tpu.memory_space<vmem>>) dst(%dma_wait3A_664 : memref<80x32xf32, #tpu.memory_space<vmem_shared>>)
      %add3A_669 = arith.constant 5 : i32
      %add3A_670 = arith.addi %mul3A_372, %add3A_669 : i32
      %add3A_671 = arith.constant 3 : i32
      %add3A_672 = arith.addi %add3A_670, %add3A_671 : i32
      %dma_start3A_673 = arith.constant 3 : i32
      %dma_start3A_674 = arith.constant 3 : i32
      %dma_start3A_675 = arith.constant 0 : i32
      %dma_start3A_676 = arith.constant 0 : i32
      %dma_start3A_677 = tpu.memref_slice %arg7[%dma_start3A_673, %dma_start3A_675, %dma_start3A_676] : memref<5x80x32xf32, #tpu.memory_space<vmem>> -> memref<1x80x32xf32, #tpu.memory_space<vmem>>
      %dma_start3A_678 = tpu.memref_squeeze %dma_start3A_677 : memref<1x80x32xf32, #tpu.memory_space<vmem>> -> memref<80x32xf32, #tpu.memory_space<vmem>>
      %dma_start3A_679 = arith.constant 0 : i32
      %dma_start3A_680 = tpu.memref_slice %arg5[%add3A_672, %dma_start3A_679] : memref<125x80xi32, #tpu.memory_space<vmem>> -> memref<1x80xi32, #tpu.memory_space<vmem>>
      %dma_start3A_681 = tpu.memref_squeeze %dma_start3A_680 : memref<1x80xi32, #tpu.memory_space<vmem>> -> memref<80xi32, #tpu.memory_space<vmem>>
      %dma_start3A_682 = arith.constant 0 : i32
      %dma_start3A_683 = arith.constant 0 : i32
      %dma_start3A_684 = tpu.memref_slice %arg2[%dma_start3A_682, %dma_start3A_683] : memref<10000x32xf32, #tpu.memory_space<hbm>> -> memref<10000x32xf32, #tpu.memory_space<hbm>>
      %dma_start3A_685 = tpu.memref_slice %arg10[%dma_start3A_674] : memref<5x!tpu.dma_semaphore, #tpu.memory_space<semaphore_mem>> -> memref<1x!tpu.dma_semaphore, #tpu.memory_space<semaphore_mem>>
      %dma_start3A_686 = tpu.memref_squeeze %dma_start3A_685 : memref<1x!tpu.dma_semaphore, #tpu.memory_space<semaphore_mem>> -> memref<!tpu.dma_semaphore, #tpu.memory_space<semaphore_mem>>
      tpu.enqueue_indirect_dma source(%dma_start3A_684 : memref<10000x32xf32, #tpu.memory_space<hbm>>) target(%dma_start3A_678 : memref<80x32xf32, #tpu.memory_space<vmem>>) offsets(%dma_start3A_681 : memref<80xi32, #tpu.memory_space<vmem>>) semaphore(%dma_start3A_686 : memref<!tpu.dma_semaphore, #tpu.memory_space<semaphore_mem>>)
      %dma_wait3A_687 = arith.constant 4 : i32
      %dma_wait3A_688 = arith.constant 4 : i32
      %dma_wait3A_689 = arith.constant 0 : i32
      %dma_wait3A_690 = arith.constant 0 : i32
      %dma_wait3A_691 = tpu.memref_slice %arg7[%dma_wait3A_687, %dma_wait3A_689, %dma_wait3A_690] : memref<5x80x32xf32, #tpu.memory_space<vmem>> -> memref<1x80x32xf32, #tpu.memory_space<vmem>>
      %dma_wait3A_692 = tpu.memref_squeeze %dma_wait3A_691 : memref<1x80x32xf32, #tpu.memory_space<vmem>> -> memref<80x32xf32, #tpu.memory_space<vmem>>
      %dma_wait3A_693 = arith.constant 0 : i32
      %dma_wait3A_694 = arith.constant 0 : i32
      %dma_wait3A_695 = tpu.memref_slice %arg9[%dma_wait3A_693, %dma_wait3A_694] : memref<10240x32xf32, #tpu.memory_space<vmem_shared>> -> memref<80x32xf32, #tpu.memory_space<vmem_shared>>
      %dma_wait3A_696 = tpu.memref_slice %arg11[%dma_wait3A_688] : memref<5x!tpu.dma_semaphore, #tpu.memory_space<semaphore_mem>> -> memref<1x!tpu.dma_semaphore, #tpu.memory_space<semaphore_mem>>
      %dma_wait3A_697 = tpu.memref_squeeze %dma_wait3A_696 : memref<1x!tpu.dma_semaphore, #tpu.memory_space<semaphore_mem>> -> memref<!tpu.dma_semaphore, #tpu.memory_space<semaphore_mem>>
      %dma_wait3A_698 = arith.constant 0 : i32
      %dma_wait3A_699 = arith.constant 0 : i32
      %dma_wait3A_700 = tpu.memref_slice %arg9[%dma_wait3A_698, %dma_wait3A_699] : memref<10240x32xf32, #tpu.memory_space<vmem_shared>> -> memref<80x32xf32, #tpu.memory_space<vmem_shared>>
      %dma_wait3A_701 = arith.constant 0 : i32
      %dma_wait3A_702 = arith.constant 0 : i32
      %dma_wait3A_703 = tpu.memref_slice %arg7[%dma_wait3A_687, %dma_wait3A_701, %dma_wait3A_702] : memref<5x80x32xf32, #tpu.memory_space<vmem>> -> memref<1x80x32xf32, #tpu.memory_space<vmem>>
      %dma_wait3A_704 = tpu.memref_squeeze %dma_wait3A_703 : memref<1x80x32xf32, #tpu.memory_space<vmem>> -> memref<80x32xf32, #tpu.memory_space<vmem>>
      tpu.wait_dma2 semaphore(%dma_wait3A_697 : memref<!tpu.dma_semaphore, #tpu.memory_space<semaphore_mem>>) src(%dma_wait3A_704 : memref<80x32xf32, #tpu.memory_space<vmem>>) dst(%dma_wait3A_700 : memref<80x32xf32, #tpu.memory_space<vmem_shared>>)
      %add3A_705 = arith.constant 5 : i32
      %add3A_706 = arith.addi %mul3A_372, %add3A_705 : i32
      %add3A_707 = arith.constant 4 : i32
      %add3A_708 = arith.addi %add3A_706, %add3A_707 : i32
      %dma_start3A_709 = arith.constant 4 : i32
      %dma_start3A_710 = arith.constant 4 : i32
      %dma_start3A_711 = arith.constant 0 : i32
      %dma_start3A_712 = arith.constant 0 : i32
      %dma_start3A_713 = tpu.memref_slice %arg7[%dma_start3A_709, %dma_start3A_711, %dma_start3A_712] : memref<5x80x32xf32, #tpu.memory_space<vmem>> -> memref<1x80x32xf32, #tpu.memory_space<vmem>>
      %dma_start3A_714 = tpu.memref_squeeze %dma_start3A_713 : memref<1x80x32xf32, #tpu.memory_space<vmem>> -> memref<80x32xf32, #tpu.memory_space<vmem>>
      %dma_start3A_715 = arith.constant 0 : i32
      %dma_start3A_716 = tpu.memref_slice %arg5[%add3A_708, %dma_start3A_715] : memref<125x80xi32, #tpu.memory_space<vmem>> -> memref<1x80xi32, #tpu.memory_space<vmem>>
      %dma_start3A_717 = tpu.memref_squeeze %dma_start3A_716 : memref<1x80xi32, #tpu.memory_space<vmem>> -> memref<80xi32, #tpu.memory_space<vmem>>
      %dma_start3A_718 = arith.constant 0 : i32
      %dma_start3A_719 = arith.constant 0 : i32
      %dma_start3A_720 = tpu.memref_slice %arg2[%dma_start3A_718, %dma_start3A_719] : memref<10000x32xf32, #tpu.memory_space<hbm>> -> memref<10000x32xf32, #tpu.memory_space<hbm>>
      %dma_start3A_721 = tpu.memref_slice %arg10[%dma_start3A_710] : memref<5x!tpu.dma_semaphore, #tpu.memory_space<semaphore_mem>> -> memref<1x!tpu.dma_semaphore, #tpu.memory_space<semaphore_mem>>
      %dma_start3A_722 = tpu.memref_squeeze %dma_start3A_721 : memref<1x!tpu.dma_semaphore, #tpu.memory_space<semaphore_mem>> -> memref<!tpu.dma_semaphore, #tpu.memory_space<semaphore_mem>>
      tpu.enqueue_indirect_dma source(%dma_start3A_720 : memref<10000x32xf32, #tpu.memory_space<hbm>>) target(%dma_start3A_714 : memref<80x32xf32, #tpu.memory_space<vmem>>) offsets(%dma_start3A_717 : memref<80xi32, #tpu.memory_space<vmem>>) semaphore(%dma_start3A_722 : memref<!tpu.dma_semaphore, #tpu.memory_space<semaphore_mem>>)
      %scan3A_723 = arith.constant 0 : i32
      scf.yield %scan3A_723 : i32
    }
    %scan3A_109 = arith.constant 24 : i32
    %dma_wait3A = arith.constant 0 : i32
    %dma_wait3A_110 = arith.constant 0 : i32
    %dma_wait3A_111 = arith.constant 0 : i32
    %dma_wait3A_112 = arith.constant 0 : i32
    %dma_wait3A_113 = tpu.memref_slice %arg7[%dma_wait3A, %dma_wait3A_111, %dma_wait3A_112] : memref<5x80x32xf32, #tpu.memory_space<vmem>> -> memref<1x80x32xf32, #tpu.memory_space<vmem>>
    %dma_wait3A_114 = tpu.memref_squeeze %dma_wait3A_113 : memref<1x80x32xf32, #tpu.memory_space<vmem>> -> memref<80x32xf32, #tpu.memory_space<vmem>>
    %dma_wait3A_115 = arith.constant 0 : i32
    %dma_wait3A_116 = arith.constant 0 : i32
    %dma_wait3A_117 = tpu.memref_slice %arg2[%dma_wait3A_115, %dma_wait3A_116] : memref<10000x32xf32, #tpu.memory_space<hbm>> -> memref<80x32xf32, #tpu.memory_space<hbm>>
    %dma_wait3A_118 = tpu.memref_slice %arg10[%dma_wait3A_110] : memref<5x!tpu.dma_semaphore, #tpu.memory_space<semaphore_mem>> -> memref<1x!tpu.dma_semaphore, #tpu.memory_space<semaphore_mem>>
    %dma_wait3A_119 = tpu.memref_squeeze %dma_wait3A_118 : memref<1x!tpu.dma_semaphore, #tpu.memory_space<semaphore_mem>> -> memref<!tpu.dma_semaphore, #tpu.memory_space<semaphore_mem>>
    %dma_wait3A_120 = arith.constant 0 : i32
    %dma_wait3A_121 = arith.constant 0 : i32
    %dma_wait3A_122 = tpu.memref_slice %arg7[%dma_wait3A, %dma_wait3A_120, %dma_wait3A_121] : memref<5x80x32xf32, #tpu.memory_space<vmem>> -> memref<1x80x32xf32, #tpu.memory_space<vmem>>
    %dma_wait3A_123 = tpu.memref_squeeze %dma_wait3A_122 : memref<1x80x32xf32, #tpu.memory_space<vmem>> -> memref<80x32xf32, #tpu.memory_space<vmem>>
    %dma_wait3A_124 = arith.constant 0 : i32
    %dma_wait3A_125 = arith.constant 0 : i32
    %dma_wait3A_126 = tpu.memref_slice %arg2[%dma_wait3A_124, %dma_wait3A_125] : memref<10000x32xf32, #tpu.memory_space<hbm>> -> memref<80x32xf32, #tpu.memory_space<hbm>>
    tpu.wait_dma2 semaphore(%dma_wait3A_119 : memref<!tpu.dma_semaphore, #tpu.memory_space<semaphore_mem>>) src(%dma_wait3A_126 : memref<80x32xf32, #tpu.memory_space<hbm>>) dst(%dma_wait3A_123 : memref<80x32xf32, #tpu.memory_space<vmem>>)
    %dma_start3A_127 = arith.constant 0 : i32
    %dma_start3A_128 = arith.constant 120 : i32
    %dma_start3A_129 = arith.constant 0 : i32
    %dma_start3A_130 = arith.constant 0 : i32
    %dma_start3A_131 = arith.constant 0 : i32
    %dma_start3A_132 = tpu.memref_slice %arg7[%dma_start3A_127, %dma_start3A_130, %dma_start3A_131] : memref<5x80x32xf32, #tpu.memory_space<vmem>> -> memref<1x80x32xf32, #tpu.memory_space<vmem>>
    %dma_start3A_133 = tpu.memref_squeeze %dma_start3A_132 : memref<1x80x32xf32, #tpu.memory_space<vmem>> -> memref<80x32xf32, #tpu.memory_space<vmem>>
    %dma_start3A_134 = arith.constant 0 : i32
    %dma_start3A_135 = tpu.memref_slice %arg6[%dma_start3A_128, %dma_start3A_134] : memref<125x80xi32, #tpu.memory_space<vmem>> -> memref<1x80xi32, #tpu.memory_space<vmem>>
    %dma_start3A_136 = tpu.memref_squeeze %dma_start3A_135 : memref<1x80xi32, #tpu.memory_space<vmem>> -> memref<80xi32, #tpu.memory_space<vmem>>
    %dma_start3A_137 = arith.constant 0 : i32
    %dma_start3A_138 = arith.constant 0 : i32
    %dma_start3A_139 = tpu.memref_slice %arg9[%dma_start3A_137, %dma_start3A_138] : memref<10240x32xf32, #tpu.memory_space<vmem_shared>> -> memref<10240x32xf32, #tpu.memory_space<vmem_shared>>
    %dma_start3A_140 = tpu.memref_slice %arg11[%dma_start3A_129] : memref<5x!tpu.dma_semaphore, #tpu.memory_space<semaphore_mem>> -> memref<1x!tpu.dma_semaphore, #tpu.memory_space<semaphore_mem>>
    %dma_start3A_141 = tpu.memref_squeeze %dma_start3A_140 : memref<1x!tpu.dma_semaphore, #tpu.memory_space<semaphore_mem>> -> memref<!tpu.dma_semaphore, #tpu.memory_space<semaphore_mem>>
    tpu.enqueue_indirect_dma source(%dma_start3A_133 : memref<80x32xf32, #tpu.memory_space<vmem>>) target(%dma_start3A_139 : memref<10240x32xf32, #tpu.memory_space<vmem_shared>>) offsets(%dma_start3A_136 : memref<80xi32, #tpu.memory_space<vmem>>) semaphore(%dma_start3A_141 : memref<!tpu.dma_semaphore, #tpu.memory_space<semaphore_mem>>) {add = true}
    %dma_wait3A_142 = arith.constant 1 : i32
    %dma_wait3A_143 = arith.constant 1 : i32
    %dma_wait3A_144 = arith.constant 0 : i32
    %dma_wait3A_145 = arith.constant 0 : i32
    %dma_wait3A_146 = tpu.memref_slice %arg7[%dma_wait3A_142, %dma_wait3A_144, %dma_wait3A_145] : memref<5x80x32xf32, #tpu.memory_space<vmem>> -> memref<1x80x32xf32, #tpu.memory_space<vmem>>
    %dma_wait3A_147 = tpu.memref_squeeze %dma_wait3A_146 : memref<1x80x32xf32, #tpu.memory_space<vmem>> -> memref<80x32xf32, #tpu.memory_space<vmem>>
    %dma_wait3A_148 = arith.constant 0 : i32
    %dma_wait3A_149 = arith.constant 0 : i32
    %dma_wait3A_150 = tpu.memref_slice %arg2[%dma_wait3A_148, %dma_wait3A_149] : memref<10000x32xf32, #tpu.memory_space<hbm>> -> memref<80x32xf32, #tpu.memory_space<hbm>>
    %dma_wait3A_151 = tpu.memref_slice %arg10[%dma_wait3A_143] : memref<5x!tpu.dma_semaphore, #tpu.memory_space<semaphore_mem>> -> memref<1x!tpu.dma_semaphore, #tpu.memory_space<semaphore_mem>>
    %dma_wait3A_152 = tpu.memref_squeeze %dma_wait3A_151 : memref<1x!tpu.dma_semaphore, #tpu.memory_space<semaphore_mem>> -> memref<!tpu.dma_semaphore, #tpu.memory_space<semaphore_mem>>
    %dma_wait3A_153 = arith.constant 0 : i32
    %dma_wait3A_154 = arith.constant 0 : i32
    %dma_wait3A_155 = tpu.memref_slice %arg7[%dma_wait3A_142, %dma_wait3A_153, %dma_wait3A_154] : memref<5x80x32xf32, #tpu.memory_space<vmem>> -> memref<1x80x32xf32, #tpu.memory_space<vmem>>
    %dma_wait3A_156 = tpu.memref_squeeze %dma_wait3A_155 : memref<1x80x32xf32, #tpu.memory_space<vmem>> -> memref<80x32xf32, #tpu.memory_space<vmem>>
    %dma_wait3A_157 = arith.constant 0 : i32
    %dma_wait3A_158 = arith.constant 0 : i32
    %dma_wait3A_159 = tpu.memref_slice %arg2[%dma_wait3A_157, %dma_wait3A_158] : memref<10000x32xf32, #tpu.memory_space<hbm>> -> memref<80x32xf32, #tpu.memory_space<hbm>>
    tpu.wait_dma2 semaphore(%dma_wait3A_152 : memref<!tpu.dma_semaphore, #tpu.memory_space<semaphore_mem>>) src(%dma_wait3A_159 : memref<80x32xf32, #tpu.memory_space<hbm>>) dst(%dma_wait3A_156 : memref<80x32xf32, #tpu.memory_space<vmem>>)
    %dma_start3A_160 = arith.constant 1 : i32
    %dma_start3A_161 = arith.constant 121 : i32
    %dma_start3A_162 = arith.constant 1 : i32
    %dma_start3A_163 = arith.constant 0 : i32
    %dma_start3A_164 = arith.constant 0 : i32
    %dma_start3A_165 = tpu.memref_slice %arg7[%dma_start3A_160, %dma_start3A_163, %dma_start3A_164] : memref<5x80x32xf32, #tpu.memory_space<vmem>> -> memref<1x80x32xf32, #tpu.memory_space<vmem>>
    %dma_start3A_166 = tpu.memref_squeeze %dma_start3A_165 : memref<1x80x32xf32, #tpu.memory_space<vmem>> -> memref<80x32xf32, #tpu.memory_space<vmem>>
    %dma_start3A_167 = arith.constant 0 : i32
    %dma_start3A_168 = tpu.memref_slice %arg6[%dma_start3A_161, %dma_start3A_167] : memref<125x80xi32, #tpu.memory_space<vmem>> -> memref<1x80xi32, #tpu.memory_space<vmem>>
    %dma_start3A_169 = tpu.memref_squeeze %dma_start3A_168 : memref<1x80xi32, #tpu.memory_space<vmem>> -> memref<80xi32, #tpu.memory_space<vmem>>
    %dma_start3A_170 = arith.constant 0 : i32
    %dma_start3A_171 = arith.constant 0 : i32
    %dma_start3A_172 = tpu.memref_slice %arg9[%dma_start3A_170, %dma_start3A_171] : memref<10240x32xf32, #tpu.memory_space<vmem_shared>> -> memref<10240x32xf32, #tpu.memory_space<vmem_shared>>
    %dma_start3A_173 = tpu.memref_slice %arg11[%dma_start3A_162] : memref<5x!tpu.dma_semaphore, #tpu.memory_space<semaphore_mem>> -> memref<1x!tpu.dma_semaphore, #tpu.memory_space<semaphore_mem>>
    %dma_start3A_174 = tpu.memref_squeeze %dma_start3A_173 : memref<1x!tpu.dma_semaphore, #tpu.memory_space<semaphore_mem>> -> memref<!tpu.dma_semaphore, #tpu.memory_space<semaphore_mem>>
    tpu.enqueue_indirect_dma source(%dma_start3A_166 : memref<80x32xf32, #tpu.memory_space<vmem>>) target(%dma_start3A_172 : memref<10240x32xf32, #tpu.memory_space<vmem_shared>>) offsets(%dma_start3A_169 : memref<80xi32, #tpu.memory_space<vmem>>) semaphore(%dma_start3A_174 : memref<!tpu.dma_semaphore, #tpu.memory_space<semaphore_mem>>) {add = true}
    %dma_wait3A_175 = arith.constant 2 : i32
    %dma_wait3A_176 = arith.constant 2 : i32
    %dma_wait3A_177 = arith.constant 0 : i32
    %dma_wait3A_178 = arith.constant 0 : i32
    %dma_wait3A_179 = tpu.memref_slice %arg7[%dma_wait3A_175, %dma_wait3A_177, %dma_wait3A_178] : memref<5x80x32xf32, #tpu.memory_space<vmem>> -> memref<1x80x32xf32, #tpu.memory_space<vmem>>
    %dma_wait3A_180 = tpu.memref_squeeze %dma_wait3A_179 : memref<1x80x32xf32, #tpu.memory_space<vmem>> -> memref<80x32xf32, #tpu.memory_space<vmem>>
    %dma_wait3A_181 = arith.constant 0 : i32
    %dma_wait3A_182 = arith.constant 0 : i32
    %dma_wait3A_183 = tpu.memref_slice %arg2[%dma_wait3A_181, %dma_wait3A_182] : memref<10000x32xf32, #tpu.memory_space<hbm>> -> memref<80x32xf32, #tpu.memory_space<hbm>>
    %dma_wait3A_184 = tpu.memref_slice %arg10[%dma_wait3A_176] : memref<5x!tpu.dma_semaphore, #tpu.memory_space<semaphore_mem>> -> memref<1x!tpu.dma_semaphore, #tpu.memory_space<semaphore_mem>>
    %dma_wait3A_185 = tpu.memref_squeeze %dma_wait3A_184 : memref<1x!tpu.dma_semaphore, #tpu.memory_space<semaphore_mem>> -> memref<!tpu.dma_semaphore, #tpu.memory_space<semaphore_mem>>
    %dma_wait3A_186 = arith.constant 0 : i32
    %dma_wait3A_187 = arith.constant 0 : i32
    %dma_wait3A_188 = tpu.memref_slice %arg7[%dma_wait3A_175, %dma_wait3A_186, %dma_wait3A_187] : memref<5x80x32xf32, #tpu.memory_space<vmem>> -> memref<1x80x32xf32, #tpu.memory_space<vmem>>
    %dma_wait3A_189 = tpu.memref_squeeze %dma_wait3A_188 : memref<1x80x32xf32, #tpu.memory_space<vmem>> -> memref<80x32xf32, #tpu.memory_space<vmem>>
    %dma_wait3A_190 = arith.constant 0 : i32
    %dma_wait3A_191 = arith.constant 0 : i32
    %dma_wait3A_192 = tpu.memref_slice %arg2[%dma_wait3A_190, %dma_wait3A_191] : memref<10000x32xf32, #tpu.memory_space<hbm>> -> memref<80x32xf32, #tpu.memory_space<hbm>>
    tpu.wait_dma2 semaphore(%dma_wait3A_185 : memref<!tpu.dma_semaphore, #tpu.memory_space<semaphore_mem>>) src(%dma_wait3A_192 : memref<80x32xf32, #tpu.memory_space<hbm>>) dst(%dma_wait3A_189 : memref<80x32xf32, #tpu.memory_space<vmem>>)
    %dma_start3A_193 = arith.constant 2 : i32
    %dma_start3A_194 = arith.constant 122 : i32
    %dma_start3A_195 = arith.constant 2 : i32
    %dma_start3A_196 = arith.constant 0 : i32
    %dma_start3A_197 = arith.constant 0 : i32
    %dma_start3A_198 = tpu.memref_slice %arg7[%dma_start3A_193, %dma_start3A_196, %dma_start3A_197] : memref<5x80x32xf32, #tpu.memory_space<vmem>> -> memref<1x80x32xf32, #tpu.memory_space<vmem>>
    %dma_start3A_199 = tpu.memref_squeeze %dma_start3A_198 : memref<1x80x32xf32, #tpu.memory_space<vmem>> -> memref<80x32xf32, #tpu.memory_space<vmem>>
    %dma_start3A_200 = arith.constant 0 : i32
    %dma_start3A_201 = tpu.memref_slice %arg6[%dma_start3A_194, %dma_start3A_200] : memref<125x80xi32, #tpu.memory_space<vmem>> -> memref<1x80xi32, #tpu.memory_space<vmem>>
    %dma_start3A_202 = tpu.memref_squeeze %dma_start3A_201 : memref<1x80xi32, #tpu.memory_space<vmem>> -> memref<80xi32, #tpu.memory_space<vmem>>
    %dma_start3A_203 = arith.constant 0 : i32
    %dma_start3A_204 = arith.constant 0 : i32
    %dma_start3A_205 = tpu.memref_slice %arg9[%dma_start3A_203, %dma_start3A_204] : memref<10240x32xf32, #tpu.memory_space<vmem_shared>> -> memref<10240x32xf32, #tpu.memory_space<vmem_shared>>
    %dma_start3A_206 = tpu.memref_slice %arg11[%dma_start3A_195] : memref<5x!tpu.dma_semaphore, #tpu.memory_space<semaphore_mem>> -> memref<1x!tpu.dma_semaphore, #tpu.memory_space<semaphore_mem>>
    %dma_start3A_207 = tpu.memref_squeeze %dma_start3A_206 : memref<1x!tpu.dma_semaphore, #tpu.memory_space<semaphore_mem>> -> memref<!tpu.dma_semaphore, #tpu.memory_space<semaphore_mem>>
    tpu.enqueue_indirect_dma source(%dma_start3A_199 : memref<80x32xf32, #tpu.memory_space<vmem>>) target(%dma_start3A_205 : memref<10240x32xf32, #tpu.memory_space<vmem_shared>>) offsets(%dma_start3A_202 : memref<80xi32, #tpu.memory_space<vmem>>) semaphore(%dma_start3A_207 : memref<!tpu.dma_semaphore, #tpu.memory_space<semaphore_mem>>) {add = true}
    %dma_wait3A_208 = arith.constant 3 : i32
    %dma_wait3A_209 = arith.constant 3 : i32
    %dma_wait3A_210 = arith.constant 0 : i32
    %dma_wait3A_211 = arith.constant 0 : i32
    %dma_wait3A_212 = tpu.memref_slice %arg7[%dma_wait3A_208, %dma_wait3A_210, %dma_wait3A_211] : memref<5x80x32xf32, #tpu.memory_space<vmem>> -> memref<1x80x32xf32, #tpu.memory_space<vmem>>
    %dma_wait3A_213 = tpu.memref_squeeze %dma_wait3A_212 : memref<1x80x32xf32, #tpu.memory_space<vmem>> -> memref<80x32xf32, #tpu.memory_space<vmem>>
    %dma_wait3A_214 = arith.constant 0 : i32
    %dma_wait3A_215 = arith.constant 0 : i32
    %dma_wait3A_216 = tpu.memref_slice %arg2[%dma_wait3A_214, %dma_wait3A_215] : memref<10000x32xf32, #tpu.memory_space<hbm>> -> memref<80x32xf32, #tpu.memory_space<hbm>>
    %dma_wait3A_217 = tpu.memref_slice %arg10[%dma_wait3A_209] : memref<5x!tpu.dma_semaphore, #tpu.memory_space<semaphore_mem>> -> memref<1x!tpu.dma_semaphore, #tpu.memory_space<semaphore_mem>>
    %dma_wait3A_218 = tpu.memref_squeeze %dma_wait3A_217 : memref<1x!tpu.dma_semaphore, #tpu.memory_space<semaphore_mem>> -> memref<!tpu.dma_semaphore, #tpu.memory_space<semaphore_mem>>
    %dma_wait3A_219 = arith.constant 0 : i32
    %dma_wait3A_220 = arith.constant 0 : i32
    %dma_wait3A_221 = tpu.memref_slice %arg7[%dma_wait3A_208, %dma_wait3A_219, %dma_wait3A_220] : memref<5x80x32xf32, #tpu.memory_space<vmem>> -> memref<1x80x32xf32, #tpu.memory_space<vmem>>
    %dma_wait3A_222 = tpu.memref_squeeze %dma_wait3A_221 : memref<1x80x32xf32, #tpu.memory_space<vmem>> -> memref<80x32xf32, #tpu.memory_space<vmem>>
    %dma_wait3A_223 = arith.constant 0 : i32
    %dma_wait3A_224 = arith.constant 0 : i32
    %dma_wait3A_225 = tpu.memref_slice %arg2[%dma_wait3A_223, %dma_wait3A_224] : memref<10000x32xf32, #tpu.memory_space<hbm>> -> memref<80x32xf32, #tpu.memory_space<hbm>>
    tpu.wait_dma2 semaphore(%dma_wait3A_218 : memref<!tpu.dma_semaphore, #tpu.memory_space<semaphore_mem>>) src(%dma_wait3A_225 : memref<80x32xf32, #tpu.memory_space<hbm>>) dst(%dma_wait3A_222 : memref<80x32xf32, #tpu.memory_space<vmem>>)
    %dma_start3A_226 = arith.constant 3 : i32
    %dma_start3A_227 = arith.constant 123 : i32
    %dma_start3A_228 = arith.constant 3 : i32
    %dma_start3A_229 = arith.constant 0 : i32
    %dma_start3A_230 = arith.constant 0 : i32
    %dma_start3A_231 = tpu.memref_slice %arg7[%dma_start3A_226, %dma_start3A_229, %dma_start3A_230] : memref<5x80x32xf32, #tpu.memory_space<vmem>> -> memref<1x80x32xf32, #tpu.memory_space<vmem>>
    %dma_start3A_232 = tpu.memref_squeeze %dma_start3A_231 : memref<1x80x32xf32, #tpu.memory_space<vmem>> -> memref<80x32xf32, #tpu.memory_space<vmem>>
    %dma_start3A_233 = arith.constant 0 : i32
    %dma_start3A_234 = tpu.memref_slice %arg6[%dma_start3A_227, %dma_start3A_233] : memref<125x80xi32, #tpu.memory_space<vmem>> -> memref<1x80xi32, #tpu.memory_space<vmem>>
    %dma_start3A_235 = tpu.memref_squeeze %dma_start3A_234 : memref<1x80xi32, #tpu.memory_space<vmem>> -> memref<80xi32, #tpu.memory_space<vmem>>
    %dma_start3A_236 = arith.constant 0 : i32
    %dma_start3A_237 = arith.constant 0 : i32
    %dma_start3A_238 = tpu.memref_slice %arg9[%dma_start3A_236, %dma_start3A_237] : memref<10240x32xf32, #tpu.memory_space<vmem_shared>> -> memref<10240x32xf32, #tpu.memory_space<vmem_shared>>
    %dma_start3A_239 = tpu.memref_slice %arg11[%dma_start3A_228] : memref<5x!tpu.dma_semaphore, #tpu.memory_space<semaphore_mem>> -> memref<1x!tpu.dma_semaphore, #tpu.memory_space<semaphore_mem>>
    %dma_start3A_240 = tpu.memref_squeeze %dma_start3A_239 : memref<1x!tpu.dma_semaphore, #tpu.memory_space<semaphore_mem>> -> memref<!tpu.dma_semaphore, #tpu.memory_space<semaphore_mem>>
    tpu.enqueue_indirect_dma source(%dma_start3A_232 : memref<80x32xf32, #tpu.memory_space<vmem>>) target(%dma_start3A_238 : memref<10240x32xf32, #tpu.memory_space<vmem_shared>>) offsets(%dma_start3A_235 : memref<80xi32, #tpu.memory_space<vmem>>) semaphore(%dma_start3A_240 : memref<!tpu.dma_semaphore, #tpu.memory_space<semaphore_mem>>) {add = true}
    %dma_wait3A_241 = arith.constant 4 : i32
    %dma_wait3A_242 = arith.constant 4 : i32
    %dma_wait3A_243 = arith.constant 0 : i32
    %dma_wait3A_244 = arith.constant 0 : i32
    %dma_wait3A_245 = tpu.memref_slice %arg7[%dma_wait3A_241, %dma_wait3A_243, %dma_wait3A_244] : memref<5x80x32xf32, #tpu.memory_space<vmem>> -> memref<1x80x32xf32, #tpu.memory_space<vmem>>
    %dma_wait3A_246 = tpu.memref_squeeze %dma_wait3A_245 : memref<1x80x32xf32, #tpu.memory_space<vmem>> -> memref<80x32xf32, #tpu.memory_space<vmem>>
    %dma_wait3A_247 = arith.constant 0 : i32
    %dma_wait3A_248 = arith.constant 0 : i32
    %dma_wait3A_249 = tpu.memref_slice %arg2[%dma_wait3A_247, %dma_wait3A_248] : memref<10000x32xf32, #tpu.memory_space<hbm>> -> memref<80x32xf32, #tpu.memory_space<hbm>>
    %dma_wait3A_250 = tpu.memref_slice %arg10[%dma_wait3A_242] : memref<5x!tpu.dma_semaphore, #tpu.memory_space<semaphore_mem>> -> memref<1x!tpu.dma_semaphore, #tpu.memory_space<semaphore_mem>>
    %dma_wait3A_251 = tpu.memref_squeeze %dma_wait3A_250 : memref<1x!tpu.dma_semaphore, #tpu.memory_space<semaphore_mem>> -> memref<!tpu.dma_semaphore, #tpu.memory_space<semaphore_mem>>
    %dma_wait3A_252 = arith.constant 0 : i32
    %dma_wait3A_253 = arith.constant 0 : i32
    %dma_wait3A_254 = tpu.memref_slice %arg7[%dma_wait3A_241, %dma_wait3A_252, %dma_wait3A_253] : memref<5x80x32xf32, #tpu.memory_space<vmem>> -> memref<1x80x32xf32, #tpu.memory_space<vmem>>
    %dma_wait3A_255 = tpu.memref_squeeze %dma_wait3A_254 : memref<1x80x32xf32, #tpu.memory_space<vmem>> -> memref<80x32xf32, #tpu.memory_space<vmem>>
    %dma_wait3A_256 = arith.constant 0 : i32
    %dma_wait3A_257 = arith.constant 0 : i32
    %dma_wait3A_258 = tpu.memref_slice %arg2[%dma_wait3A_256, %dma_wait3A_257] : memref<10000x32xf32, #tpu.memory_space<hbm>> -> memref<80x32xf32, #tpu.memory_space<hbm>>
    tpu.wait_dma2 semaphore(%dma_wait3A_251 : memref<!tpu.dma_semaphore, #tpu.memory_space<semaphore_mem>>) src(%dma_wait3A_258 : memref<80x32xf32, #tpu.memory_space<hbm>>) dst(%dma_wait3A_255 : memref<80x32xf32, #tpu.memory_space<vmem>>)
    %dma_start3A_259 = arith.constant 4 : i32
    %dma_start3A_260 = arith.constant 124 : i32
    %dma_start3A_261 = arith.constant 4 : i32
    %dma_start3A_262 = arith.constant 0 : i32
    %dma_start3A_263 = arith.constant 0 : i32
    %dma_start3A_264 = tpu.memref_slice %arg7[%dma_start3A_259, %dma_start3A_262, %dma_start3A_263] : memref<5x80x32xf32, #tpu.memory_space<vmem>> -> memref<1x80x32xf32, #tpu.memory_space<vmem>>
    %dma_start3A_265 = tpu.memref_squeeze %dma_start3A_264 : memref<1x80x32xf32, #tpu.memory_space<vmem>> -> memref<80x32xf32, #tpu.memory_space<vmem>>
    %dma_start3A_266 = arith.constant 0 : i32
    %dma_start3A_267 = tpu.memref_slice %arg6[%dma_start3A_260, %dma_start3A_266] : memref<125x80xi32, #tpu.memory_space<vmem>> -> memref<1x80xi32, #tpu.memory_space<vmem>>
    %dma_start3A_268 = tpu.memref_squeeze %dma_start3A_267 : memref<1x80xi32, #tpu.memory_space<vmem>> -> memref<80xi32, #tpu.memory_space<vmem>>
    %dma_start3A_269 = arith.constant 0 : i32
    %dma_start3A_270 = arith.constant 0 : i32
    %dma_start3A_271 = tpu.memref_slice %arg9[%dma_start3A_269, %dma_start3A_270] : memref<10240x32xf32, #tpu.memory_space<vmem_shared>> -> memref<10240x32xf32, #tpu.memory_space<vmem_shared>>
    %dma_start3A_272 = tpu.memref_slice %arg11[%dma_start3A_261] : memref<5x!tpu.dma_semaphore, #tpu.memory_space<semaphore_mem>> -> memref<1x!tpu.dma_semaphore, #tpu.memory_space<semaphore_mem>>
    %dma_start3A_273 = tpu.memref_squeeze %dma_start3A_272 : memref<1x!tpu.dma_semaphore, #tpu.memory_space<semaphore_mem>> -> memref<!tpu.dma_semaphore, #tpu.memory_space<semaphore_mem>>
    tpu.enqueue_indirect_dma source(%dma_start3A_265 : memref<80x32xf32, #tpu.memory_space<vmem>>) target(%dma_start3A_271 : memref<10240x32xf32, #tpu.memory_space<vmem_shared>>) offsets(%dma_start3A_268 : memref<80xi32, #tpu.memory_space<vmem>>) semaphore(%dma_start3A_273 : memref<!tpu.dma_semaphore, #tpu.memory_space<semaphore_mem>>) {add = true}
    %dma_wait3A_274 = arith.constant 0 : i32
    %dma_wait3A_275 = arith.constant 0 : i32
    %dma_wait3A_276 = arith.constant 0 : i32
    %dma_wait3A_277 = arith.constant 0 : i32
    %dma_wait3A_278 = tpu.memref_slice %arg7[%dma_wait3A_274, %dma_wait3A_276, %dma_wait3A_277] : memref<5x80x32xf32, #tpu.memory_space<vmem>> -> memref<1x80x32xf32, #tpu.memory_space<vmem>>
    %dma_wait3A_279 = tpu.memref_squeeze %dma_wait3A_278 : memref<1x80x32xf32, #tpu.memory_space<vmem>> -> memref<80x32xf32, #tpu.memory_space<vmem>>
    %dma_wait3A_280 = arith.constant 0 : i32
    %dma_wait3A_281 = arith.constant 0 : i32
    %dma_wait3A_282 = tpu.memref_slice %arg9[%dma_wait3A_280, %dma_wait3A_281] : memref<10240x32xf32, #tpu.memory_space<vmem_shared>> -> memref<80x32xf32, #tpu.memory_space<vmem_shared>>
    %dma_wait3A_283 = tpu.memref_slice %arg11[%dma_wait3A_275] : memref<5x!tpu.dma_semaphore, #tpu.memory_space<semaphore_mem>> -> memref<1x!tpu.dma_semaphore, #tpu.memory_space<semaphore_mem>>
    %dma_wait3A_284 = tpu.memref_squeeze %dma_wait3A_283 : memref<1x!tpu.dma_semaphore, #tpu.memory_space<semaphore_mem>> -> memref<!tpu.dma_semaphore, #tpu.memory_space<semaphore_mem>>
    %dma_wait3A_285 = arith.constant 0 : i32
    %dma_wait3A_286 = arith.constant 0 : i32
    %dma_wait3A_287 = tpu.memref_slice %arg9[%dma_wait3A_285, %dma_wait3A_286] : memref<10240x32xf32, #tpu.memory_space<vmem_shared>> -> memref<80x32xf32, #tpu.memory_space<vmem_shared>>
    %dma_wait3A_288 = arith.constant 0 : i32
    %dma_wait3A_289 = arith.constant 0 : i32
    %dma_wait3A_290 = tpu.memref_slice %arg7[%dma_wait3A_274, %dma_wait3A_288, %dma_wait3A_289] : memref<5x80x32xf32, #tpu.memory_space<vmem>> -> memref<1x80x32xf32, #tpu.memory_space<vmem>>
    %dma_wait3A_291 = tpu.memref_squeeze %dma_wait3A_290 : memref<1x80x32xf32, #tpu.memory_space<vmem>> -> memref<80x32xf32, #tpu.memory_space<vmem>>
    tpu.wait_dma2 semaphore(%dma_wait3A_284 : memref<!tpu.dma_semaphore, #tpu.memory_space<semaphore_mem>>) src(%dma_wait3A_291 : memref<80x32xf32, #tpu.memory_space<vmem>>) dst(%dma_wait3A_287 : memref<80x32xf32, #tpu.memory_space<vmem_shared>>)
    %dma_wait3A_292 = arith.constant 1 : i32
    %dma_wait3A_293 = arith.constant 1 : i32
    %dma_wait3A_294 = arith.constant 0 : i32
    %dma_wait3A_295 = arith.constant 0 : i32
    %dma_wait3A_296 = tpu.memref_slice %arg7[%dma_wait3A_292, %dma_wait3A_294, %dma_wait3A_295] : memref<5x80x32xf32, #tpu.memory_space<vmem>> -> memref<1x80x32xf32, #tpu.memory_space<vmem>>
    %dma_wait3A_297 = tpu.memref_squeeze %dma_wait3A_296 : memref<1x80x32xf32, #tpu.memory_space<vmem>> -> memref<80x32xf32, #tpu.memory_space<vmem>>
    %dma_wait3A_298 = arith.constant 0 : i32
    %dma_wait3A_299 = arith.constant 0 : i32
    %dma_wait3A_300 = tpu.memref_slice %arg9[%dma_wait3A_298, %dma_wait3A_299] : memref<10240x32xf32, #tpu.memory_space<vmem_shared>> -> memref<80x32xf32, #tpu.memory_space<vmem_shared>>
    %dma_wait3A_301 = tpu.memref_slice %arg11[%dma_wait3A_293] : memref<5x!tpu.dma_semaphore, #tpu.memory_space<semaphore_mem>> -> memref<1x!tpu.dma_semaphore, #tpu.memory_space<semaphore_mem>>
    %dma_wait3A_302 = tpu.memref_squeeze %dma_wait3A_301 : memref<1x!tpu.dma_semaphore, #tpu.memory_space<semaphore_mem>> -> memref<!tpu.dma_semaphore, #tpu.memory_space<semaphore_mem>>
    %dma_wait3A_303 = arith.constant 0 : i32
    %dma_wait3A_304 = arith.constant 0 : i32
    %dma_wait3A_305 = tpu.memref_slice %arg9[%dma_wait3A_303, %dma_wait3A_304] : memref<10240x32xf32, #tpu.memory_space<vmem_shared>> -> memref<80x32xf32, #tpu.memory_space<vmem_shared>>
    %dma_wait3A_306 = arith.constant 0 : i32
    %dma_wait3A_307 = arith.constant 0 : i32
    %dma_wait3A_308 = tpu.memref_slice %arg7[%dma_wait3A_292, %dma_wait3A_306, %dma_wait3A_307] : memref<5x80x32xf32, #tpu.memory_space<vmem>> -> memref<1x80x32xf32, #tpu.memory_space<vmem>>
    %dma_wait3A_309 = tpu.memref_squeeze %dma_wait3A_308 : memref<1x80x32xf32, #tpu.memory_space<vmem>> -> memref<80x32xf32, #tpu.memory_space<vmem>>
    tpu.wait_dma2 semaphore(%dma_wait3A_302 : memref<!tpu.dma_semaphore, #tpu.memory_space<semaphore_mem>>) src(%dma_wait3A_309 : memref<80x32xf32, #tpu.memory_space<vmem>>) dst(%dma_wait3A_305 : memref<80x32xf32, #tpu.memory_space<vmem_shared>>)
    %dma_wait3A_310 = arith.constant 2 : i32
    %dma_wait3A_311 = arith.constant 2 : i32
    %dma_wait3A_312 = arith.constant 0 : i32
    %dma_wait3A_313 = arith.constant 0 : i32
    %dma_wait3A_314 = tpu.memref_slice %arg7[%dma_wait3A_310, %dma_wait3A_312, %dma_wait3A_313] : memref<5x80x32xf32, #tpu.memory_space<vmem>> -> memref<1x80x32xf32, #tpu.memory_space<vmem>>
    %dma_wait3A_315 = tpu.memref_squeeze %dma_wait3A_314 : memref<1x80x32xf32, #tpu.memory_space<vmem>> -> memref<80x32xf32, #tpu.memory_space<vmem>>
    %dma_wait3A_316 = arith.constant 0 : i32
    %dma_wait3A_317 = arith.constant 0 : i32
    %dma_wait3A_318 = tpu.memref_slice %arg9[%dma_wait3A_316, %dma_wait3A_317] : memref<10240x32xf32, #tpu.memory_space<vmem_shared>> -> memref<80x32xf32, #tpu.memory_space<vmem_shared>>
    %dma_wait3A_319 = tpu.memref_slice %arg11[%dma_wait3A_311] : memref<5x!tpu.dma_semaphore, #tpu.memory_space<semaphore_mem>> -> memref<1x!tpu.dma_semaphore, #tpu.memory_space<semaphore_mem>>
    %dma_wait3A_320 = tpu.memref_squeeze %dma_wait3A_319 : memref<1x!tpu.dma_semaphore, #tpu.memory_space<semaphore_mem>> -> memref<!tpu.dma_semaphore, #tpu.memory_space<semaphore_mem>>
    %dma_wait3A_321 = arith.constant 0 : i32
    %dma_wait3A_322 = arith.constant 0 : i32
    %dma_wait3A_323 = tpu.memref_slice %arg9[%dma_wait3A_321, %dma_wait3A_322] : memref<10240x32xf32, #tpu.memory_space<vmem_shared>> -> memref<80x32xf32, #tpu.memory_space<vmem_shared>>
    %dma_wait3A_324 = arith.constant 0 : i32
    %dma_wait3A_325 = arith.constant 0 : i32
    %dma_wait3A_326 = tpu.memref_slice %arg7[%dma_wait3A_310, %dma_wait3A_324, %dma_wait3A_325] : memref<5x80x32xf32, #tpu.memory_space<vmem>> -> memref<1x80x32xf32, #tpu.memory_space<vmem>>
    %dma_wait3A_327 = tpu.memref_squeeze %dma_wait3A_326 : memref<1x80x32xf32, #tpu.memory_space<vmem>> -> memref<80x32xf32, #tpu.memory_space<vmem>>
    tpu.wait_dma2 semaphore(%dma_wait3A_320 : memref<!tpu.dma_semaphore, #tpu.memory_space<semaphore_mem>>) src(%dma_wait3A_327 : memref<80x32xf32, #tpu.memory_space<vmem>>) dst(%dma_wait3A_323 : memref<80x32xf32, #tpu.memory_space<vmem_shared>>)
    %dma_wait3A_328 = arith.constant 3 : i32
    %dma_wait3A_329 = arith.constant 3 : i32
    %dma_wait3A_330 = arith.constant 0 : i32
    %dma_wait3A_331 = arith.constant 0 : i32
    %dma_wait3A_332 = tpu.memref_slice %arg7[%dma_wait3A_328, %dma_wait3A_330, %dma_wait3A_331] : memref<5x80x32xf32, #tpu.memory_space<vmem>> -> memref<1x80x32xf32, #tpu.memory_space<vmem>>
    %dma_wait3A_333 = tpu.memref_squeeze %dma_wait3A_332 : memref<1x80x32xf32, #tpu.memory_space<vmem>> -> memref<80x32xf32, #tpu.memory_space<vmem>>
    %dma_wait3A_334 = arith.constant 0 : i32
    %dma_wait3A_335 = arith.constant 0 : i32
    %dma_wait3A_336 = tpu.memref_slice %arg9[%dma_wait3A_334, %dma_wait3A_335] : memref<10240x32xf32, #tpu.memory_space<vmem_shared>> -> memref<80x32xf32, #tpu.memory_space<vmem_shared>>
    %dma_wait3A_337 = tpu.memref_slice %arg11[%dma_wait3A_329] : memref<5x!tpu.dma_semaphore, #tpu.memory_space<semaphore_mem>> -> memref<1x!tpu.dma_semaphore, #tpu.memory_space<semaphore_mem>>
    %dma_wait3A_338 = tpu.memref_squeeze %dma_wait3A_337 : memref<1x!tpu.dma_semaphore, #tpu.memory_space<semaphore_mem>> -> memref<!tpu.dma_semaphore, #tpu.memory_space<semaphore_mem>>
    %dma_wait3A_339 = arith.constant 0 : i32
    %dma_wait3A_340 = arith.constant 0 : i32
    %dma_wait3A_341 = tpu.memref_slice %arg9[%dma_wait3A_339, %dma_wait3A_340] : memref<10240x32xf32, #tpu.memory_space<vmem_shared>> -> memref<80x32xf32, #tpu.memory_space<vmem_shared>>
    %dma_wait3A_342 = arith.constant 0 : i32
    %dma_wait3A_343 = arith.constant 0 : i32
    %dma_wait3A_344 = tpu.memref_slice %arg7[%dma_wait3A_328, %dma_wait3A_342, %dma_wait3A_343] : memref<5x80x32xf32, #tpu.memory_space<vmem>> -> memref<1x80x32xf32, #tpu.memory_space<vmem>>
    %dma_wait3A_345 = tpu.memref_squeeze %dma_wait3A_344 : memref<1x80x32xf32, #tpu.memory_space<vmem>> -> memref<80x32xf32, #tpu.memory_space<vmem>>
    tpu.wait_dma2 semaphore(%dma_wait3A_338 : memref<!tpu.dma_semaphore, #tpu.memory_space<semaphore_mem>>) src(%dma_wait3A_345 : memref<80x32xf32, #tpu.memory_space<vmem>>) dst(%dma_wait3A_341 : memref<80x32xf32, #tpu.memory_space<vmem_shared>>)
    %dma_wait3A_346 = arith.constant 4 : i32
    %dma_wait3A_347 = arith.constant 4 : i32
    %dma_wait3A_348 = arith.constant 0 : i32
    %dma_wait3A_349 = arith.constant 0 : i32
    %dma_wait3A_350 = tpu.memref_slice %arg7[%dma_wait3A_346, %dma_wait3A_348, %dma_wait3A_349] : memref<5x80x32xf32, #tpu.memory_space<vmem>> -> memref<1x80x32xf32, #tpu.memory_space<vmem>>
    %dma_wait3A_351 = tpu.memref_squeeze %dma_wait3A_350 : memref<1x80x32xf32, #tpu.memory_space<vmem>> -> memref<80x32xf32, #tpu.memory_space<vmem>>
    %dma_wait3A_352 = arith.constant 0 : i32
    %dma_wait3A_353 = arith.constant 0 : i32
    %dma_wait3A_354 = tpu.memref_slice %arg9[%dma_wait3A_352, %dma_wait3A_353] : memref<10240x32xf32, #tpu.memory_space<vmem_shared>> -> memref<80x32xf32, #tpu.memory_space<vmem_shared>>
    %dma_wait3A_355 = tpu.memref_slice %arg11[%dma_wait3A_347] : memref<5x!tpu.dma_semaphore, #tpu.memory_space<semaphore_mem>> -> memref<1x!tpu.dma_semaphore, #tpu.memory_space<semaphore_mem>>
    %dma_wait3A_356 = tpu.memref_squeeze %dma_wait3A_355 : memref<1x!tpu.dma_semaphore, #tpu.memory_space<semaphore_mem>> -> memref<!tpu.dma_semaphore, #tpu.memory_space<semaphore_mem>>
    %dma_wait3A_357 = arith.constant 0 : i32
    %dma_wait3A_358 = arith.constant 0 : i32
    %dma_wait3A_359 = tpu.memref_slice %arg9[%dma_wait3A_357, %dma_wait3A_358] : memref<10240x32xf32, #tpu.memory_space<vmem_shared>> -> memref<80x32xf32, #tpu.memory_space<vmem_shared>>
    %dma_wait3A_360 = arith.constant 0 : i32
    %dma_wait3A_361 = arith.constant 0 : i32
    %dma_wait3A_362 = tpu.memref_slice %arg7[%dma_wait3A_346, %dma_wait3A_360, %dma_wait3A_361] : memref<5x80x32xf32, #tpu.memory_space<vmem>> -> memref<1x80x32xf32, #tpu.memory_space<vmem>>
    %dma_wait3A_363 = tpu.memref_squeeze %dma_wait3A_362 : memref<1x80x32xf32, #tpu.memory_space<vmem>> -> memref<80x32xf32, #tpu.memory_space<vmem>>
    tpu.wait_dma2 semaphore(%dma_wait3A_356 : memref<!tpu.dma_semaphore, #tpu.memory_space<semaphore_mem>>) src(%dma_wait3A_363 : memref<80x32xf32, #tpu.memory_space<vmem>>) dst(%dma_wait3A_359 : memref<80x32xf32, #tpu.memory_space<vmem_shared>>)
    %barrier3A_364 = arith.constant 0 : index
    tpu.barrier barrier_id(%barrier3A_364)
    %mul3A_365 = arith.constant 640 : i32
    %mul3A_366 = arith.muli %arg1, %mul3A_365 : i32
    %mul3A_367 = arith.constant 640 : i32
    %mul3A_368 = arith.muli %arg1, %mul3A_367 : i32
    "tpu.region"() ({
      %run_scoped3A_369 = tpu.sem_alloc : memref<!tpu.dma_semaphore, #tpu.memory_space<semaphore_mem>>
      %dma_start3A_370 = arith.constant 0 : i32
      %dma_start3A_371 = tpu.memref_slice %arg4[%arg0, %mul3A_368, %dma_start3A_370] : memref<2x10240x32xf32, #tpu.memory_space<hbm>> -> memref<1x640x32xf32, #tpu.memory_space<hbm>>
      %dma_start3A_372 = tpu.memref_squeeze %dma_start3A_371 : memref<1x640x32xf32, #tpu.memory_space<hbm>> -> memref<640x32xf32, #tpu.memory_space<hbm>>
      %dma_start3A_373 = arith.constant 0 : i32
      %dma_start3A_374 = tpu.memref_slice %arg9[%mul3A_366, %dma_start3A_373] : memref<10240x32xf32, #tpu.memory_space<vmem_shared>> -> memref<640x32xf32, #tpu.memory_space<vmem_shared>>
      tpu.enqueue_dma source(%dma_start3A_374 : memref<640x32xf32, #tpu.memory_space<vmem_shared>>) target(%dma_start3A_372 : memref<640x32xf32, #tpu.memory_space<hbm>>) target_semaphore(%run_scoped3A_369 : memref<!tpu.dma_semaphore, #tpu.memory_space<semaphore_mem>>)
      %dma_wait3A_375 = arith.constant 0 : i32
      %dma_wait3A_376 = tpu.memref_slice %arg4[%arg0, %mul3A_368, %dma_wait3A_375] : memref<2x10240x32xf32, #tpu.memory_space<hbm>> -> memref<1x640x32xf32, #tpu.memory_space<hbm>>
      %dma_wait3A_377 = tpu.memref_squeeze %dma_wait3A_376 : memref<1x640x32xf32, #tpu.memory_space<hbm>> -> memref<640x32xf32, #tpu.memory_space<hbm>>
      %dma_wait3A_378 = arith.constant 0 : i32
      %dma_wait3A_379 = tpu.memref_slice %arg9[%mul3A_366, %dma_wait3A_378] : memref<10240x32xf32, #tpu.memory_space<vmem_shared>> -> memref<640x32xf32, #tpu.memory_space<vmem_shared>>
      tpu.wait_dma2 semaphore(%run_scoped3A_369 : memref<!tpu.dma_semaphore, #tpu.memory_space<semaphore_mem>>) src(%dma_wait3A_379 : memref<640x32xf32, #tpu.memory_space<vmem_shared>>) dst(%dma_wait3A_377 : memref<640x32xf32, #tpu.memory_space<hbm>>)
      tpu.yield
    }) : () -> ()
    return
  }
}

#map = affine_map<(d0, d1) -> (0, 0)>
#map1 = affine_map<(d0, d1) -> (0, 0, 0, 0)>
#map2 = affine_map<(d0, d1) -> (0, 0, 0)>
module attributes {stable_mosaic.version = 14 : i64} {
  func.func @segsum(%arg0: i32, %arg1: i32, %arg2: memref<10000x64xf32, #tpu.memory_space<hbm>>, %arg3: memref<2x32x125x80xi32, #tpu.memory_space<hbm>>, %arg4: memref<2x10240x64xf32, #tpu.memory_space<hbm>>, %arg5: memref<125x80xi32, #tpu.memory_space<vmem>>, %arg6: memref<125x80xi32, #tpu.memory_space<vmem>>, %arg7: memref<5x80x64xf32, #tpu.memory_space<vmem>>, %arg8: memref<128x64xf32, #tpu.memory_space<vmem>>, %arg9: memref<10240x64xf32, #tpu.memory_space<vmem_shared>>, %arg10: memref<5x!tpu.dma_semaphore, #tpu.memory_space<semaphore_mem>>, %arg11: memref<5x!tpu.dma_semaphore, #tpu.memory_space<semaphore_mem>>) attributes {dimension_semantics = [#tpu.dimension_semantics<core_parallel>, #tpu.dimension_semantics<subcore_parallel>], iteration_bounds = array<i64: 2, 16>, scalar_prefetch = 0 : i64, scratch_operands = 7 : i64, tpu.core_type = #tpu.core_type<sc_vector_subcore>, window_params = [{transform_indices = #map}, {transform_indices = #map1}, {transform_indices = #map2}]} {
    %mul3A = arith.constant 16 : i32
    %mul3A_0 = arith.muli %arg0, %mul3A : i32
    %add3A = arith.addi %mul3A_0, %arg1 : i32
    %broadcast_in_dim3A = arith.constant 0.000000e+00 : f32
    %broadcast_in_dim3A_1 = vector.broadcast %broadcast_in_dim3A : f32 to vector<16xf32>
    %scan3A = arith.constant 0 : i32
    %scan3A_2 = arith.constant 0 : i32
    %scan3A_3 = arith.constant 128 : i32
    %scan3A_4 = arith.addi %scan3A_2, %scan3A_3 : i32
    %scan3A_5 = arith.constant 1 : i32
    %scan3A_6 = scf.for %scan3A_369 = %scan3A_2 to %scan3A_4 step %scan3A_5 iter_args(%scan3A_370 = %scan3A) -> (i32)  : i32 {
      %swap3A = arith.index_cast %scan3A_369 : i32 to index
      %swap3A_371 = arith.constant 0 : index
      %swap3A_372 = tpu.vector_load %arg8[%swap3A, %swap3A_371] {strides = array<i32>} : memref<128x64xf32, #tpu.memory_space<vmem>>, vector<1x16xf32>,
      %swap3A_373 = vector.shape_cast %swap3A_372 : vector<1x16xf32> to vector<16xf32>
      %swap3A_374 = vector.shape_cast %broadcast_in_dim3A_1 : vector<16xf32> to vector<1x16xf32>
      tpu.vector_store %arg8[%swap3A, %swap3A_371], %swap3A_374 {strides = array<i32>} : memref<128x64xf32, #tpu.memory_space<vmem>>, vector<1x16xf32>,
      %swap3A_375 = arith.index_cast %scan3A_369 : i32 to index
      %swap3A_376 = arith.constant 16 : index
      %swap3A_377 = tpu.vector_load %arg8[%swap3A_375, %swap3A_376] {strides = array<i32>} : memref<128x64xf32, #tpu.memory_space<vmem>>, vector<1x16xf32>,
      %swap3A_378 = vector.shape_cast %swap3A_377 : vector<1x16xf32> to vector<16xf32>
      %swap3A_379 = vector.shape_cast %broadcast_in_dim3A_1 : vector<16xf32> to vector<1x16xf32>
      tpu.vector_store %arg8[%swap3A_375, %swap3A_376], %swap3A_379 {strides = array<i32>} : memref<128x64xf32, #tpu.memory_space<vmem>>, vector<1x16xf32>,
      %swap3A_380 = arith.index_cast %scan3A_369 : i32 to index
      %swap3A_381 = arith.constant 32 : index
      %swap3A_382 = tpu.vector_load %arg8[%swap3A_380, %swap3A_381] {strides = array<i32>} : memref<128x64xf32, #tpu.memory_space<vmem>>, vector<1x16xf32>,
      %swap3A_383 = vector.shape_cast %swap3A_382 : vector<1x16xf32> to vector<16xf32>
      %swap3A_384 = vector.shape_cast %broadcast_in_dim3A_1 : vector<16xf32> to vector<1x16xf32>
      tpu.vector_store %arg8[%swap3A_380, %swap3A_381], %swap3A_384 {strides = array<i32>} : memref<128x64xf32, #tpu.memory_space<vmem>>, vector<1x16xf32>,
      %swap3A_385 = arith.index_cast %scan3A_369 : i32 to index
      %swap3A_386 = arith.constant 48 : index
      %swap3A_387 = tpu.vector_load %arg8[%swap3A_385, %swap3A_386] {strides = array<i32>} : memref<128x64xf32, #tpu.memory_space<vmem>>, vector<1x16xf32>,
      %swap3A_388 = vector.shape_cast %swap3A_387 : vector<1x16xf32> to vector<16xf32>
      %swap3A_389 = vector.shape_cast %broadcast_in_dim3A_1 : vector<16xf32> to vector<1x16xf32>
      tpu.vector_store %arg8[%swap3A_385, %swap3A_386], %swap3A_389 {strides = array<i32>} : memref<128x64xf32, #tpu.memory_space<vmem>>, vector<1x16xf32>,
      %scan3A_390 = arith.constant 0 : i32
      scf.yield %scan3A_390 : i32
    }
    %scan3A_7 = arith.constant 128 : i32
    %mul3A_8 = arith.constant 640 : i32
    %mul3A_9 = arith.muli %arg1, %mul3A_8 : i32
    %add3A_10 = arith.constant 0 : i32
    %add3A_11 = arith.addi %mul3A_9, %add3A_10 : i32
    "tpu.region"() ({
      %run_scoped3A_369 = tpu.sem_alloc : memref<!tpu.dma_semaphore, #tpu.memory_space<semaphore_mem>>
      %dma_start3A_370 = arith.constant 0 : i32
      %dma_start3A_371 = tpu.memref_slice %arg9[%add3A_11, %dma_start3A_370] : memref<10240x64xf32, #tpu.memory_space<vmem_shared>> -> memref<128x64xf32, #tpu.memory_space<vmem_shared>>
      %dma_start3A_372 = arith.constant 0 : i32
      %dma_start3A_373 = tpu.memref_slice %arg9[%add3A_11, %dma_start3A_372] : memref<10240x64xf32, #tpu.memory_space<vmem_shared>> -> memref<128x64xf32, #tpu.memory_space<vmem_shared>>
      tpu.enqueue_dma source(%arg8 : memref<128x64xf32, #tpu.memory_space<vmem>>) target(%dma_start3A_373 : memref<128x64xf32, #tpu.memory_space<vmem_shared>>) target_semaphore(%run_scoped3A_369 : memref<!tpu.dma_semaphore, #tpu.memory_space<semaphore_mem>>)
      %dma_wait3A_374 = arith.constant 0 : i32
      %dma_wait3A_375 = tpu.memref_slice %arg9[%add3A_11, %dma_wait3A_374] : memref<10240x64xf32, #tpu.memory_space<vmem_shared>> -> memref<128x64xf32, #tpu.memory_space<vmem_shared>>
      %dma_wait3A_376 = arith.constant 0 : i32
      %dma_wait3A_377 = tpu.memref_slice %arg9[%add3A_11, %dma_wait3A_376] : memref<10240x64xf32, #tpu.memory_space<vmem_shared>> -> memref<128x64xf32, #tpu.memory_space<vmem_shared>>
      tpu.wait_dma2 semaphore(%run_scoped3A_369 : memref<!tpu.dma_semaphore, #tpu.memory_space<semaphore_mem>>) src(%arg8 : memref<128x64xf32, #tpu.memory_space<vmem>>) dst(%dma_wait3A_377 : memref<128x64xf32, #tpu.memory_space<vmem_shared>>)
      tpu.yield
    }) : () -> ()
    %mul3A_12 = arith.constant 640 : i32
    %mul3A_13 = arith.muli %arg1, %mul3A_12 : i32
    %add3A_14 = arith.constant 128 : i32
    %add3A_15 = arith.addi %mul3A_13, %add3A_14 : i32
    "tpu.region"() ({
      %run_scoped3A_369 = tpu.sem_alloc : memref<!tpu.dma_semaphore, #tpu.memory_space<semaphore_mem>>
      %dma_start3A_370 = arith.constant 0 : i32
      %dma_start3A_371 = tpu.memref_slice %arg9[%add3A_15, %dma_start3A_370] : memref<10240x64xf32, #tpu.memory_space<vmem_shared>> -> memref<128x64xf32, #tpu.memory_space<vmem_shared>>
      %dma_start3A_372 = arith.constant 0 : i32
      %dma_start3A_373 = tpu.memref_slice %arg9[%add3A_15, %dma_start3A_372] : memref<10240x64xf32, #tpu.memory_space<vmem_shared>> -> memref<128x64xf32, #tpu.memory_space<vmem_shared>>
      tpu.enqueue_dma source(%arg8 : memref<128x64xf32, #tpu.memory_space<vmem>>) target(%dma_start3A_373 : memref<128x64xf32, #tpu.memory_space<vmem_shared>>) target_semaphore(%run_scoped3A_369 : memref<!tpu.dma_semaphore, #tpu.memory_space<semaphore_mem>>)
      %dma_wait3A_374 = arith.constant 0 : i32
      %dma_wait3A_375 = tpu.memref_slice %arg9[%add3A_15, %dma_wait3A_374] : memref<10240x64xf32, #tpu.memory_space<vmem_shared>> -> memref<128x64xf32, #tpu.memory_space<vmem_shared>>
      %dma_wait3A_376 = arith.constant 0 : i32
      %dma_wait3A_377 = tpu.memref_slice %arg9[%add3A_15, %dma_wait3A_376] : memref<10240x64xf32, #tpu.memory_space<vmem_shared>> -> memref<128x64xf32, #tpu.memory_space<vmem_shared>>
      tpu.wait_dma2 semaphore(%run_scoped3A_369 : memref<!tpu.dma_semaphore, #tpu.memory_space<semaphore_mem>>) src(%arg8 : memref<128x64xf32, #tpu.memory_space<vmem>>) dst(%dma_wait3A_377 : memref<128x64xf32, #tpu.memory_space<vmem_shared>>)
      tpu.yield
    }) : () -> ()
    %mul3A_16 = arith.constant 640 : i32
    %mul3A_17 = arith.muli %arg1, %mul3A_16 : i32
    %add3A_18 = arith.constant 256 : i32
    %add3A_19 = arith.addi %mul3A_17, %add3A_18 : i32
    "tpu.region"() ({
      %run_scoped3A_369 = tpu.sem_alloc : memref<!tpu.dma_semaphore, #tpu.memory_space<semaphore_mem>>
      %dma_start3A_370 = arith.constant 0 : i32
      %dma_start3A_371 = tpu.memref_slice %arg9[%add3A_19, %dma_start3A_370] : memref<10240x64xf32, #tpu.memory_space<vmem_shared>> -> memref<128x64xf32, #tpu.memory_space<vmem_shared>>
      %dma_start3A_372 = arith.constant 0 : i32
      %dma_start3A_373 = tpu.memref_slice %arg9[%add3A_19, %dma_start3A_372] : memref<10240x64xf32, #tpu.memory_space<vmem_shared>> -> memref<128x64xf32, #tpu.memory_space<vmem_shared>>
      tpu.enqueue_dma source(%arg8 : memref<128x64xf32, #tpu.memory_space<vmem>>) target(%dma_start3A_373 : memref<128x64xf32, #tpu.memory_space<vmem_shared>>) target_semaphore(%run_scoped3A_369 : memref<!tpu.dma_semaphore, #tpu.memory_space<semaphore_mem>>)
      %dma_wait3A_374 = arith.constant 0 : i32
      %dma_wait3A_375 = tpu.memref_slice %arg9[%add3A_19, %dma_wait3A_374] : memref<10240x64xf32, #tpu.memory_space<vmem_shared>> -> memref<128x64xf32, #tpu.memory_space<vmem_shared>>
      %dma_wait3A_376 = arith.constant 0 : i32
      %dma_wait3A_377 = tpu.memref_slice %arg9[%add3A_19, %dma_wait3A_376] : memref<10240x64xf32, #tpu.memory_space<vmem_shared>> -> memref<128x64xf32, #tpu.memory_space<vmem_shared>>
      tpu.wait_dma2 semaphore(%run_scoped3A_369 : memref<!tpu.dma_semaphore, #tpu.memory_space<semaphore_mem>>) src(%arg8 : memref<128x64xf32, #tpu.memory_space<vmem>>) dst(%dma_wait3A_377 : memref<128x64xf32, #tpu.memory_space<vmem_shared>>)
      tpu.yield
    }) : () -> ()
    %mul3A_20 = arith.constant 640 : i32
    %mul3A_21 = arith.muli %arg1, %mul3A_20 : i32
    %add3A_22 = arith.constant 384 : i32
    %add3A_23 = arith.addi %mul3A_21, %add3A_22 : i32
    "tpu.region"() ({
      %run_scoped3A_369 = tpu.sem_alloc : memref<!tpu.dma_semaphore, #tpu.memory_space<semaphore_mem>>
      %dma_start3A_370 = arith.constant 0 : i32
      %dma_start3A_371 = tpu.memref_slice %arg9[%add3A_23, %dma_start3A_370] : memref<10240x64xf32, #tpu.memory_space<vmem_shared>> -> memref<128x64xf32, #tpu.memory_space<vmem_shared>>
      %dma_start3A_372 = arith.constant 0 : i32
      %dma_start3A_373 = tpu.memref_slice %arg9[%add3A_23, %dma_start3A_372] : memref<10240x64xf32, #tpu.memory_space<vmem_shared>> -> memref<128x64xf32, #tpu.memory_space<vmem_shared>>
      tpu.enqueue_dma source(%arg8 : memref<128x64xf32, #tpu.memory_space<vmem>>) target(%dma_start3A_373 : memref<128x64xf32, #tpu.memory_space<vmem_shared>>) target_semaphore(%run_scoped3A_369 : memref<!tpu.dma_semaphore, #tpu.memory_space<semaphore_mem>>)
      %dma_wait3A_374 = arith.constant 0 : i32
      %dma_wait3A_375 = tpu.memref_slice %arg9[%add3A_23, %dma_wait3A_374] : memref<10240x64xf32, #tpu.memory_space<vmem_shared>> -> memref<128x64xf32, #tpu.memory_space<vmem_shared>>
      %dma_wait3A_376 = arith.constant 0 : i32
      %dma_wait3A_377 = tpu.memref_slice %arg9[%add3A_23, %dma_wait3A_376] : memref<10240x64xf32, #tpu.memory_space<vmem_shared>> -> memref<128x64xf32, #tpu.memory_space<vmem_shared>>
      tpu.wait_dma2 semaphore(%run_scoped3A_369 : memref<!tpu.dma_semaphore, #tpu.memory_space<semaphore_mem>>) src(%arg8 : memref<128x64xf32, #tpu.memory_space<vmem>>) dst(%dma_wait3A_377 : memref<128x64xf32, #tpu.memory_space<vmem_shared>>)
      tpu.yield
    }) : () -> ()
    %mul3A_24 = arith.constant 640 : i32
    %mul3A_25 = arith.muli %arg1, %mul3A_24 : i32
    %add3A_26 = arith.constant 512 : i32
    %add3A_27 = arith.addi %mul3A_25, %add3A_26 : i32
    "tpu.region"() ({
      %run_scoped3A_369 = tpu.sem_alloc : memref<!tpu.dma_semaphore, #tpu.memory_space<semaphore_mem>>
      %dma_start3A_370 = arith.constant 0 : i32
      %dma_start3A_371 = tpu.memref_slice %arg9[%add3A_27, %dma_start3A_370] : memref<10240x64xf32, #tpu.memory_space<vmem_shared>> -> memref<128x64xf32, #tpu.memory_space<vmem_shared>>
      %dma_start3A_372 = arith.constant 0 : i32
      %dma_start3A_373 = tpu.memref_slice %arg9[%add3A_27, %dma_start3A_372] : memref<10240x64xf32, #tpu.memory_space<vmem_shared>> -> memref<128x64xf32, #tpu.memory_space<vmem_shared>>
      tpu.enqueue_dma source(%arg8 : memref<128x64xf32, #tpu.memory_space<vmem>>) target(%dma_start3A_373 : memref<128x64xf32, #tpu.memory_space<vmem_shared>>) target_semaphore(%run_scoped3A_369 : memref<!tpu.dma_semaphore, #tpu.memory_space<semaphore_mem>>)
      %dma_wait3A_374 = arith.constant 0 : i32
      %dma_wait3A_375 = tpu.memref_slice %arg9[%add3A_27, %dma_wait3A_374] : memref<10240x64xf32, #tpu.memory_space<vmem_shared>> -> memref<128x64xf32, #tpu.memory_space<vmem_shared>>
      %dma_wait3A_376 = arith.constant 0 : i32
      %dma_wait3A_377 = tpu.memref_slice %arg9[%add3A_27, %dma_wait3A_376] : memref<10240x64xf32, #tpu.memory_space<vmem_shared>> -> memref<128x64xf32, #tpu.memory_space<vmem_shared>>
      tpu.wait_dma2 semaphore(%run_scoped3A_369 : memref<!tpu.dma_semaphore, #tpu.memory_space<semaphore_mem>>) src(%arg8 : memref<128x64xf32, #tpu.memory_space<vmem>>) dst(%dma_wait3A_377 : memref<128x64xf32, #tpu.memory_space<vmem_shared>>)
      tpu.yield
    }) : () -> ()
    %run_scoped3A = arith.constant 0 : i32
    "tpu.region"() ({
      %run_scoped3A_369 = tpu.sem_alloc : memref<!tpu.dma_semaphore, #tpu.memory_space<semaphore_mem>>
      %dma_start3A_370 = arith.constant 0 : i32
      %dma_start3A_371 = arith.constant 0 : i32
      %dma_start3A_372 = tpu.memref_slice %arg3[%run_scoped3A, %add3A, %dma_start3A_370, %dma_start3A_371] : memref<2x32x125x80xi32, #tpu.memory_space<hbm>> -> memref<1x1x125x80xi32, #tpu.memory_space<hbm>>
      %dma_start3A_373 = tpu.memref_squeeze %dma_start3A_372 : memref<1x1x125x80xi32, #tpu.memory_space<hbm>> -> memref<125x80xi32, #tpu.memory_space<hbm>>
      %dma_start3A_374 = arith.constant 0 : i32
      %dma_start3A_375 = arith.constant 0 : i32
      %dma_start3A_376 = tpu.memref_slice %arg3[%run_scoped3A, %add3A, %dma_start3A_374, %dma_start3A_375] : memref<2x32x125x80xi32, #tpu.memory_space<hbm>> -> memref<1x1x125x80xi32, #tpu.memory_space<hbm>>
      %dma_start3A_377 = tpu.memref_squeeze %dma_start3A_376 : memref<1x1x125x80xi32, #tpu.memory_space<hbm>> -> memref<125x80xi32, #tpu.memory_space<hbm>>
      tpu.enqueue_dma source(%dma_start3A_377 : memref<125x80xi32, #tpu.memory_space<hbm>>) target(%arg5 : memref<125x80xi32, #tpu.memory_space<vmem>>) target_semaphore(%run_scoped3A_369 : memref<!tpu.dma_semaphore, #tpu.memory_space<semaphore_mem>>)
      %dma_wait3A_378 = arith.constant 0 : i32
      %dma_wait3A_379 = arith.constant 0 : i32
      %dma_wait3A_380 = tpu.memref_slice %arg3[%run_scoped3A, %add3A, %dma_wait3A_378, %dma_wait3A_379] : memref<2x32x125x80xi32, #tpu.memory_space<hbm>> -> memref<1x1x125x80xi32, #tpu.memory_space<hbm>>
      %dma_wait3A_381 = tpu.memref_squeeze %dma_wait3A_380 : memref<1x1x125x80xi32, #tpu.memory_space<hbm>> -> memref<125x80xi32, #tpu.memory_space<hbm>>
      %dma_wait3A_382 = arith.constant 0 : i32
      %dma_wait3A_383 = arith.constant 0 : i32
      %dma_wait3A_384 = tpu.memref_slice %arg3[%run_scoped3A, %add3A, %dma_wait3A_382, %dma_wait3A_383] : memref<2x32x125x80xi32, #tpu.memory_space<hbm>> -> memref<1x1x125x80xi32, #tpu.memory_space<hbm>>
      %dma_wait3A_385 = tpu.memref_squeeze %dma_wait3A_384 : memref<1x1x125x80xi32, #tpu.memory_space<hbm>> -> memref<125x80xi32, #tpu.memory_space<hbm>>
      tpu.wait_dma2 semaphore(%run_scoped3A_369 : memref<!tpu.dma_semaphore, #tpu.memory_space<semaphore_mem>>) src(%dma_wait3A_385 : memref<125x80xi32, #tpu.memory_space<hbm>>) dst(%arg5 : memref<125x80xi32, #tpu.memory_space<vmem>>)
      tpu.yield
    }) : () -> ()
    %run_scoped3A_28 = arith.constant 1 : i32
    "tpu.region"() ({
      %run_scoped3A_369 = tpu.sem_alloc : memref<!tpu.dma_semaphore, #tpu.memory_space<semaphore_mem>>
      %dma_start3A_370 = arith.constant 0 : i32
      %dma_start3A_371 = arith.constant 0 : i32
      %dma_start3A_372 = tpu.memref_slice %arg3[%run_scoped3A_28, %add3A, %dma_start3A_370, %dma_start3A_371] : memref<2x32x125x80xi32, #tpu.memory_space<hbm>> -> memref<1x1x125x80xi32, #tpu.memory_space<hbm>>
      %dma_start3A_373 = tpu.memref_squeeze %dma_start3A_372 : memref<1x1x125x80xi32, #tpu.memory_space<hbm>> -> memref<125x80xi32, #tpu.memory_space<hbm>>
      %dma_start3A_374 = arith.constant 0 : i32
      %dma_start3A_375 = arith.constant 0 : i32
      %dma_start3A_376 = tpu.memref_slice %arg3[%run_scoped3A_28, %add3A, %dma_start3A_374, %dma_start3A_375] : memref<2x32x125x80xi32, #tpu.memory_space<hbm>> -> memref<1x1x125x80xi32, #tpu.memory_space<hbm>>
      %dma_start3A_377 = tpu.memref_squeeze %dma_start3A_376 : memref<1x1x125x80xi32, #tpu.memory_space<hbm>> -> memref<125x80xi32, #tpu.memory_space<hbm>>
      tpu.enqueue_dma source(%dma_start3A_377 : memref<125x80xi32, #tpu.memory_space<hbm>>) target(%arg6 : memref<125x80xi32, #tpu.memory_space<vmem>>) target_semaphore(%run_scoped3A_369 : memref<!tpu.dma_semaphore, #tpu.memory_space<semaphore_mem>>)
      %dma_wait3A_378 = arith.constant 0 : i32
      %dma_wait3A_379 = arith.constant 0 : i32
      %dma_wait3A_380 = tpu.memref_slice %arg3[%run_scoped3A_28, %add3A, %dma_wait3A_378, %dma_wait3A_379] : memref<2x32x125x80xi32, #tpu.memory_space<hbm>> -> memref<1x1x125x80xi32, #tpu.memory_space<hbm>>
      %dma_wait3A_381 = tpu.memref_squeeze %dma_wait3A_380 : memref<1x1x125x80xi32, #tpu.memory_space<hbm>> -> memref<125x80xi32, #tpu.memory_space<hbm>>
      %dma_wait3A_382 = arith.constant 0 : i32
      %dma_wait3A_383 = arith.constant 0 : i32
      %dma_wait3A_384 = tpu.memref_slice %arg3[%run_scoped3A_28, %add3A, %dma_wait3A_382, %dma_wait3A_383] : memref<2x32x125x80xi32, #tpu.memory_space<hbm>> -> memref<1x1x125x80xi32, #tpu.memory_space<hbm>>
      %dma_wait3A_385 = tpu.memref_squeeze %dma_wait3A_384 : memref<1x1x125x80xi32, #tpu.memory_space<hbm>> -> memref<125x80xi32, #tpu.memory_space<hbm>>
      tpu.wait_dma2 semaphore(%run_scoped3A_369 : memref<!tpu.dma_semaphore, #tpu.memory_space<semaphore_mem>>) src(%dma_wait3A_385 : memref<125x80xi32, #tpu.memory_space<hbm>>) dst(%arg6 : memref<125x80xi32, #tpu.memory_space<vmem>>)
      tpu.yield
    }) : () -> ()
    %barrier3A = arith.constant 0 : index
    tpu.barrier barrier_id(%barrier3A)
    %dma_start3A = arith.constant 0 : i32
    %dma_start3A_29 = arith.constant 0 : i32
    %dma_start3A_30 = arith.constant 0 : i32
    %dma_start3A_31 = arith.constant 0 : i32
    %dma_start3A_32 = arith.constant 0 : i32
    %dma_start3A_33 = tpu.memref_slice %arg7[%dma_start3A_29, %dma_start3A_31, %dma_start3A_32] : memref<5x80x64xf32, #tpu.memory_space<vmem>> -> memref<1x80x64xf32, #tpu.memory_space<vmem>>
    %dma_start3A_34 = tpu.memref_squeeze %dma_start3A_33 : memref<1x80x64xf32, #tpu.memory_space<vmem>> -> memref<80x64xf32, #tpu.memory_space<vmem>>
    %dma_start3A_35 = arith.constant 0 : i32
    %dma_start3A_36 = tpu.memref_slice %arg5[%dma_start3A, %dma_start3A_35] : memref<125x80xi32, #tpu.memory_space<vmem>> -> memref<1x80xi32, #tpu.memory_space<vmem>>
    %dma_start3A_37 = tpu.memref_squeeze %dma_start3A_36 : memref<1x80xi32, #tpu.memory_space<vmem>> -> memref<80xi32, #tpu.memory_space<vmem>>
    %dma_start3A_38 = arith.constant 0 : i32
    %dma_start3A_39 = arith.constant 0 : i32
    %dma_start3A_40 = tpu.memref_slice %arg2[%dma_start3A_38, %dma_start3A_39] : memref<10000x64xf32, #tpu.memory_space<hbm>> -> memref<10000x64xf32, #tpu.memory_space<hbm>>
    %dma_start3A_41 = tpu.memref_slice %arg10[%dma_start3A_30] : memref<5x!tpu.dma_semaphore, #tpu.memory_space<semaphore_mem>> -> memref<1x!tpu.dma_semaphore, #tpu.memory_space<semaphore_mem>>
    %dma_start3A_42 = tpu.memref_squeeze %dma_start3A_41 : memref<1x!tpu.dma_semaphore, #tpu.memory_space<semaphore_mem>> -> memref<!tpu.dma_semaphore, #tpu.memory_space<semaphore_mem>>
    tpu.enqueue_indirect_dma source(%dma_start3A_40 : memref<10000x64xf32, #tpu.memory_space<hbm>>) target(%dma_start3A_34 : memref<80x64xf32, #tpu.memory_space<vmem>>) offsets(%dma_start3A_37 : memref<80xi32, #tpu.memory_space<vmem>>) semaphore(%dma_start3A_42 : memref<!tpu.dma_semaphore, #tpu.memory_space<semaphore_mem>>)
    %dma_start3A_43 = arith.constant 1 : i32
    %dma_start3A_44 = arith.constant 1 : i32
    %dma_start3A_45 = arith.constant 1 : i32
    %dma_start3A_46 = arith.constant 0 : i32
    %dma_start3A_47 = arith.constant 0 : i32
    %dma_start3A_48 = tpu.memref_slice %arg7[%dma_start3A_44, %dma_start3A_46, %dma_start3A_47] : memref<5x80x64xf32, #tpu.memory_space<vmem>> -> memref<1x80x64xf32, #tpu.memory_space<vmem>>
    %dma_start3A_49 = tpu.memref_squeeze %dma_start3A_48 : memref<1x80x64xf32, #tpu.memory_space<vmem>> -> memref<80x64xf32, #tpu.memory_space<vmem>>
    %dma_start3A_50 = arith.constant 0 : i32
    %dma_start3A_51 = tpu.memref_slice %arg5[%dma_start3A_43, %dma_start3A_50] : memref<125x80xi32, #tpu.memory_space<vmem>> -> memref<1x80xi32, #tpu.memory_space<vmem>>
    %dma_start3A_52 = tpu.memref_squeeze %dma_start3A_51 : memref<1x80xi32, #tpu.memory_space<vmem>> -> memref<80xi32, #tpu.memory_space<vmem>>
    %dma_start3A_53 = arith.constant 0 : i32
    %dma_start3A_54 = arith.constant 0 : i32
    %dma_start3A_55 = tpu.memref_slice %arg2[%dma_start3A_53, %dma_start3A_54] : memref<10000x64xf32, #tpu.memory_space<hbm>> -> memref<10000x64xf32, #tpu.memory_space<hbm>>
    %dma_start3A_56 = tpu.memref_slice %arg10[%dma_start3A_45] : memref<5x!tpu.dma_semaphore, #tpu.memory_space<semaphore_mem>> -> memref<1x!tpu.dma_semaphore, #tpu.memory_space<semaphore_mem>>
    %dma_start3A_57 = tpu.memref_squeeze %dma_start3A_56 : memref<1x!tpu.dma_semaphore, #tpu.memory_space<semaphore_mem>> -> memref<!tpu.dma_semaphore, #tpu.memory_space<semaphore_mem>>
    tpu.enqueue_indirect_dma source(%dma_start3A_55 : memref<10000x64xf32, #tpu.memory_space<hbm>>) target(%dma_start3A_49 : memref<80x64xf32, #tpu.memory_space<vmem>>) offsets(%dma_start3A_52 : memref<80xi32, #tpu.memory_space<vmem>>) semaphore(%dma_start3A_57 : memref<!tpu.dma_semaphore, #tpu.memory_space<semaphore_mem>>)
    %dma_start3A_58 = arith.constant 2 : i32
    %dma_start3A_59 = arith.constant 2 : i32
    %dma_start3A_60 = arith.constant 2 : i32
    %dma_start3A_61 = arith.constant 0 : i32
    %dma_start3A_62 = arith.constant 0 : i32
    %dma_start3A_63 = tpu.memref_slice %arg7[%dma_start3A_59, %dma_start3A_61, %dma_start3A_62] : memref<5x80x64xf32, #tpu.memory_space<vmem>> -> memref<1x80x64xf32, #tpu.memory_space<vmem>>
    %dma_start3A_64 = tpu.memref_squeeze %dma_start3A_63 : memref<1x80x64xf32, #tpu.memory_space<vmem>> -> memref<80x64xf32, #tpu.memory_space<vmem>>
    %dma_start3A_65 = arith.constant 0 : i32
    %dma_start3A_66 = tpu.memref_slice %arg5[%dma_start3A_58, %dma_start3A_65] : memref<125x80xi32, #tpu.memory_space<vmem>> -> memref<1x80xi32, #tpu.memory_space<vmem>>
    %dma_start3A_67 = tpu.memref_squeeze %dma_start3A_66 : memref<1x80xi32, #tpu.memory_space<vmem>> -> memref<80xi32, #tpu.memory_space<vmem>>
    %dma_start3A_68 = arith.constant 0 : i32
    %dma_start3A_69 = arith.constant 0 : i32
    %dma_start3A_70 = tpu.memref_slice %arg2[%dma_start3A_68, %dma_start3A_69] : memref<10000x64xf32, #tpu.memory_space<hbm>> -> memref<10000x64xf32, #tpu.memory_space<hbm>>
    %dma_start3A_71 = tpu.memref_slice %arg10[%dma_start3A_60] : memref<5x!tpu.dma_semaphore, #tpu.memory_space<semaphore_mem>> -> memref<1x!tpu.dma_semaphore, #tpu.memory_space<semaphore_mem>>
    %dma_start3A_72 = tpu.memref_squeeze %dma_start3A_71 : memref<1x!tpu.dma_semaphore, #tpu.memory_space<semaphore_mem>> -> memref<!tpu.dma_semaphore, #tpu.memory_space<semaphore_mem>>
    tpu.enqueue_indirect_dma source(%dma_start3A_70 : memref<10000x64xf32, #tpu.memory_space<hbm>>) target(%dma_start3A_64 : memref<80x64xf32, #tpu.memory_space<vmem>>) offsets(%dma_start3A_67 : memref<80xi32, #tpu.memory_space<vmem>>) semaphore(%dma_start3A_72 : memref<!tpu.dma_semaphore, #tpu.memory_space<semaphore_mem>>)
    %dma_start3A_73 = arith.constant 3 : i32
    %dma_start3A_74 = arith.constant 3 : i32
    %dma_start3A_75 = arith.constant 3 : i32
    %dma_start3A_76 = arith.constant 0 : i32
    %dma_start3A_77 = arith.constant 0 : i32
    %dma_start3A_78 = tpu.memref_slice %arg7[%dma_start3A_74, %dma_start3A_76, %dma_start3A_77] : memref<5x80x64xf32, #tpu.memory_space<vmem>> -> memref<1x80x64xf32, #tpu.memory_space<vmem>>
    %dma_start3A_79 = tpu.memref_squeeze %dma_start3A_78 : memref<1x80x64xf32, #tpu.memory_space<vmem>> -> memref<80x64xf32, #tpu.memory_space<vmem>>
    %dma_start3A_80 = arith.constant 0 : i32
    %dma_start3A_81 = tpu.memref_slice %arg5[%dma_start3A_73, %dma_start3A_80] : memref<125x80xi32, #tpu.memory_space<vmem>> -> memref<1x80xi32, #tpu.memory_space<vmem>>
    %dma_start3A_82 = tpu.memref_squeeze %dma_start3A_81 : memref<1x80xi32, #tpu.memory_space<vmem>> -> memref<80xi32, #tpu.memory_space<vmem>>
    %dma_start3A_83 = arith.constant 0 : i32
    %dma_start3A_84 = arith.constant 0 : i32
    %dma_start3A_85 = tpu.memref_slice %arg2[%dma_start3A_83, %dma_start3A_84] : memref<10000x64xf32, #tpu.memory_space<hbm>> -> memref<10000x64xf32, #tpu.memory_space<hbm>>
    %dma_start3A_86 = tpu.memref_slice %arg10[%dma_start3A_75] : memref<5x!tpu.dma_semaphore, #tpu.memory_space<semaphore_mem>> -> memref<1x!tpu.dma_semaphore, #tpu.memory_space<semaphore_mem>>
    %dma_start3A_87 = tpu.memref_squeeze %dma_start3A_86 : memref<1x!tpu.dma_semaphore, #tpu.memory_space<semaphore_mem>> -> memref<!tpu.dma_semaphore, #tpu.memory_space<semaphore_mem>>
    tpu.enqueue_indirect_dma source(%dma_start3A_85 : memref<10000x64xf32, #tpu.memory_space<hbm>>) target(%dma_start3A_79 : memref<80x64xf32, #tpu.memory_space<vmem>>) offsets(%dma_start3A_82 : memref<80xi32, #tpu.memory_space<vmem>>) semaphore(%dma_start3A_87 : memref<!tpu.dma_semaphore, #tpu.memory_space<semaphore_mem>>)
    %dma_start3A_88 = arith.constant 4 : i32
    %dma_start3A_89 = arith.constant 4 : i32
    %dma_start3A_90 = arith.constant 4 : i32
    %dma_start3A_91 = arith.constant 0 : i32
    %dma_start3A_92 = arith.constant 0 : i32
    %dma_start3A_93 = tpu.memref_slice %arg7[%dma_start3A_89, %dma_start3A_91, %dma_start3A_92] : memref<5x80x64xf32, #tpu.memory_space<vmem>> -> memref<1x80x64xf32, #tpu.memory_space<vmem>>
    %dma_start3A_94 = tpu.memref_squeeze %dma_start3A_93 : memref<1x80x64xf32, #tpu.memory_space<vmem>> -> memref<80x64xf32, #tpu.memory_space<vmem>>
    %dma_start3A_95 = arith.constant 0 : i32
    %dma_start3A_96 = tpu.memref_slice %arg5[%dma_start3A_88, %dma_start3A_95] : memref<125x80xi32, #tpu.memory_space<vmem>> -> memref<1x80xi32, #tpu.memory_space<vmem>>
    %dma_start3A_97 = tpu.memref_squeeze %dma_start3A_96 : memref<1x80xi32, #tpu.memory_space<vmem>> -> memref<80xi32, #tpu.memory_space<vmem>>
    %dma_start3A_98 = arith.constant 0 : i32
    %dma_start3A_99 = arith.constant 0 : i32
    %dma_start3A_100 = tpu.memref_slice %arg2[%dma_start3A_98, %dma_start3A_99] : memref<10000x64xf32, #tpu.memory_space<hbm>> -> memref<10000x64xf32, #tpu.memory_space<hbm>>
    %dma_start3A_101 = tpu.memref_slice %arg10[%dma_start3A_90] : memref<5x!tpu.dma_semaphore, #tpu.memory_space<semaphore_mem>> -> memref<1x!tpu.dma_semaphore, #tpu.memory_space<semaphore_mem>>
    %dma_start3A_102 = tpu.memref_squeeze %dma_start3A_101 : memref<1x!tpu.dma_semaphore, #tpu.memory_space<semaphore_mem>> -> memref<!tpu.dma_semaphore, #tpu.memory_space<semaphore_mem>>
    tpu.enqueue_indirect_dma source(%dma_start3A_100 : memref<10000x64xf32, #tpu.memory_space<hbm>>) target(%dma_start3A_94 : memref<80x64xf32, #tpu.memory_space<vmem>>) offsets(%dma_start3A_97 : memref<80xi32, #tpu.memory_space<vmem>>) semaphore(%dma_start3A_102 : memref<!tpu.dma_semaphore, #tpu.memory_space<semaphore_mem>>)
    %scan3A_103 = arith.constant 0 : i32
    %scan3A_104 = arith.constant 0 : i32
    %scan3A_105 = arith.constant 24 : i32
    %scan3A_106 = arith.addi %scan3A_104, %scan3A_105 : i32
    %scan3A_107 = arith.constant 1 : i32
    %scan3A_108 = scf.for %scan3A_369 = %scan3A_104 to %scan3A_106 step %scan3A_107 iter_args(%scan3A_370 = %scan3A_103) -> (i32)  : i32 {
      %mul3A_371 = arith.constant 5 : i32
      %mul3A_372 = arith.muli %scan3A_369, %mul3A_371 : i32
      %dma_wait3A_373 = arith.constant 0 : i32
      %dma_wait3A_374 = arith.constant 0 : i32
      %dma_wait3A_375 = arith.constant 0 : i32
      %dma_wait3A_376 = arith.constant 0 : i32
      %dma_wait3A_377 = tpu.memref_slice %arg7[%dma_wait3A_373, %dma_wait3A_375, %dma_wait3A_376] : memref<5x80x64xf32, #tpu.memory_space<vmem>> -> memref<1x80x64xf32, #tpu.memory_space<vmem>>
      %dma_wait3A_378 = tpu.memref_squeeze %dma_wait3A_377 : memref<1x80x64xf32, #tpu.memory_space<vmem>> -> memref<80x64xf32, #tpu.memory_space<vmem>>
      %dma_wait3A_379 = arith.constant 0 : i32
      %dma_wait3A_380 = arith.constant 0 : i32
      %dma_wait3A_381 = tpu.memref_slice %arg2[%dma_wait3A_379, %dma_wait3A_380] : memref<10000x64xf32, #tpu.memory_space<hbm>> -> memref<80x64xf32, #tpu.memory_space<hbm>>
      %dma_wait3A_382 = tpu.memref_slice %arg10[%dma_wait3A_374] : memref<5x!tpu.dma_semaphore, #tpu.memory_space<semaphore_mem>> -> memref<1x!tpu.dma_semaphore, #tpu.memory_space<semaphore_mem>>
      %dma_wait3A_383 = tpu.memref_squeeze %dma_wait3A_382 : memref<1x!tpu.dma_semaphore, #tpu.memory_space<semaphore_mem>> -> memref<!tpu.dma_semaphore, #tpu.memory_space<semaphore_mem>>
      %dma_wait3A_384 = arith.constant 0 : i32
      %dma_wait3A_385 = arith.constant 0 : i32
      %dma_wait3A_386 = tpu.memref_slice %arg7[%dma_wait3A_373, %dma_wait3A_384, %dma_wait3A_385] : memref<5x80x64xf32, #tpu.memory_space<vmem>> -> memref<1x80x64xf32, #tpu.memory_space<vmem>>
      %dma_wait3A_387 = tpu.memref_squeeze %dma_wait3A_386 : memref<1x80x64xf32, #tpu.memory_space<vmem>> -> memref<80x64xf32, #tpu.memory_space<vmem>>
      %dma_wait3A_388 = arith.constant 0 : i32
      %dma_wait3A_389 = arith.constant 0 : i32
      %dma_wait3A_390 = tpu.memref_slice %arg2[%dma_wait3A_388, %dma_wait3A_389] : memref<10000x64xf32, #tpu.memory_space<hbm>> -> memref<80x64xf32, #tpu.memory_space<hbm>>
      tpu.wait_dma2 semaphore(%dma_wait3A_383 : memref<!tpu.dma_semaphore, #tpu.memory_space<semaphore_mem>>) src(%dma_wait3A_390 : memref<80x64xf32, #tpu.memory_space<hbm>>) dst(%dma_wait3A_387 : memref<80x64xf32, #tpu.memory_space<vmem>>)
      %add3A_391 = arith.constant 0 : i32
      %add3A_392 = arith.addi %mul3A_372, %add3A_391 : i32
      %dma_start3A_393 = arith.constant 0 : i32
      %dma_start3A_394 = arith.constant 0 : i32
      %dma_start3A_395 = arith.constant 0 : i32
      %dma_start3A_396 = arith.constant 0 : i32
      %dma_start3A_397 = tpu.memref_slice %arg7[%dma_start3A_393, %dma_start3A_395, %dma_start3A_396] : memref<5x80x64xf32, #tpu.memory_space<vmem>> -> memref<1x80x64xf32, #tpu.memory_space<vmem>>
      %dma_start3A_398 = tpu.memref_squeeze %dma_start3A_397 : memref<1x80x64xf32, #tpu.memory_space<vmem>> -> memref<80x64xf32, #tpu.memory_space<vmem>>
      %dma_start3A_399 = arith.constant 0 : i32
      %dma_start3A_400 = tpu.memref_slice %arg6[%add3A_392, %dma_start3A_399] : memref<125x80xi32, #tpu.memory_space<vmem>> -> memref<1x80xi32, #tpu.memory_space<vmem>>
      %dma_start3A_401 = tpu.memref_squeeze %dma_start3A_400 : memref<1x80xi32, #tpu.memory_space<vmem>> -> memref<80xi32, #tpu.memory_space<vmem>>
      %dma_start3A_402 = arith.constant 0 : i32
      %dma_start3A_403 = arith.constant 0 : i32
      %dma_start3A_404 = tpu.memref_slice %arg9[%dma_start3A_402, %dma_start3A_403] : memref<10240x64xf32, #tpu.memory_space<vmem_shared>> -> memref<10240x64xf32, #tpu.memory_space<vmem_shared>>
      %dma_start3A_405 = tpu.memref_slice %arg11[%dma_start3A_394] : memref<5x!tpu.dma_semaphore, #tpu.memory_space<semaphore_mem>> -> memref<1x!tpu.dma_semaphore, #tpu.memory_space<semaphore_mem>>
      %dma_start3A_406 = tpu.memref_squeeze %dma_start3A_405 : memref<1x!tpu.dma_semaphore, #tpu.memory_space<semaphore_mem>> -> memref<!tpu.dma_semaphore, #tpu.memory_space<semaphore_mem>>
      tpu.enqueue_indirect_dma source(%dma_start3A_398 : memref<80x64xf32, #tpu.memory_space<vmem>>) target(%dma_start3A_404 : memref<10240x64xf32, #tpu.memory_space<vmem_shared>>) offsets(%dma_start3A_401 : memref<80xi32, #tpu.memory_space<vmem>>) semaphore(%dma_start3A_406 : memref<!tpu.dma_semaphore, #tpu.memory_space<semaphore_mem>>) {add = true}
      %dma_wait3A_407 = arith.constant 1 : i32
      %dma_wait3A_408 = arith.constant 1 : i32
      %dma_wait3A_409 = arith.constant 0 : i32
      %dma_wait3A_410 = arith.constant 0 : i32
      %dma_wait3A_411 = tpu.memref_slice %arg7[%dma_wait3A_407, %dma_wait3A_409, %dma_wait3A_410] : memref<5x80x64xf32, #tpu.memory_space<vmem>> -> memref<1x80x64xf32, #tpu.memory_space<vmem>>
      %dma_wait3A_412 = tpu.memref_squeeze %dma_wait3A_411 : memref<1x80x64xf32, #tpu.memory_space<vmem>> -> memref<80x64xf32, #tpu.memory_space<vmem>>
      %dma_wait3A_413 = arith.constant 0 : i32
      %dma_wait3A_414 = arith.constant 0 : i32
      %dma_wait3A_415 = tpu.memref_slice %arg2[%dma_wait3A_413, %dma_wait3A_414] : memref<10000x64xf32, #tpu.memory_space<hbm>> -> memref<80x64xf32, #tpu.memory_space<hbm>>
      %dma_wait3A_416 = tpu.memref_slice %arg10[%dma_wait3A_408] : memref<5x!tpu.dma_semaphore, #tpu.memory_space<semaphore_mem>> -> memref<1x!tpu.dma_semaphore, #tpu.memory_space<semaphore_mem>>
      %dma_wait3A_417 = tpu.memref_squeeze %dma_wait3A_416 : memref<1x!tpu.dma_semaphore, #tpu.memory_space<semaphore_mem>> -> memref<!tpu.dma_semaphore, #tpu.memory_space<semaphore_mem>>
      %dma_wait3A_418 = arith.constant 0 : i32
      %dma_wait3A_419 = arith.constant 0 : i32
      %dma_wait3A_420 = tpu.memref_slice %arg7[%dma_wait3A_407, %dma_wait3A_418, %dma_wait3A_419] : memref<5x80x64xf32, #tpu.memory_space<vmem>> -> memref<1x80x64xf32, #tpu.memory_space<vmem>>
      %dma_wait3A_421 = tpu.memref_squeeze %dma_wait3A_420 : memref<1x80x64xf32, #tpu.memory_space<vmem>> -> memref<80x64xf32, #tpu.memory_space<vmem>>
      %dma_wait3A_422 = arith.constant 0 : i32
      %dma_wait3A_423 = arith.constant 0 : i32
      %dma_wait3A_424 = tpu.memref_slice %arg2[%dma_wait3A_422, %dma_wait3A_423] : memref<10000x64xf32, #tpu.memory_space<hbm>> -> memref<80x64xf32, #tpu.memory_space<hbm>>
      tpu.wait_dma2 semaphore(%dma_wait3A_417 : memref<!tpu.dma_semaphore, #tpu.memory_space<semaphore_mem>>) src(%dma_wait3A_424 : memref<80x64xf32, #tpu.memory_space<hbm>>) dst(%dma_wait3A_421 : memref<80x64xf32, #tpu.memory_space<vmem>>)
      %add3A_425 = arith.constant 1 : i32
      %add3A_426 = arith.addi %mul3A_372, %add3A_425 : i32
      %dma_start3A_427 = arith.constant 1 : i32
      %dma_start3A_428 = arith.constant 1 : i32
      %dma_start3A_429 = arith.constant 0 : i32
      %dma_start3A_430 = arith.constant 0 : i32
      %dma_start3A_431 = tpu.memref_slice %arg7[%dma_start3A_427, %dma_start3A_429, %dma_start3A_430] : memref<5x80x64xf32, #tpu.memory_space<vmem>> -> memref<1x80x64xf32, #tpu.memory_space<vmem>>
      %dma_start3A_432 = tpu.memref_squeeze %dma_start3A_431 : memref<1x80x64xf32, #tpu.memory_space<vmem>> -> memref<80x64xf32, #tpu.memory_space<vmem>>
      %dma_start3A_433 = arith.constant 0 : i32
      %dma_start3A_434 = tpu.memref_slice %arg6[%add3A_426, %dma_start3A_433] : memref<125x80xi32, #tpu.memory_space<vmem>> -> memref<1x80xi32, #tpu.memory_space<vmem>>
      %dma_start3A_435 = tpu.memref_squeeze %dma_start3A_434 : memref<1x80xi32, #tpu.memory_space<vmem>> -> memref<80xi32, #tpu.memory_space<vmem>>
      %dma_start3A_436 = arith.constant 0 : i32
      %dma_start3A_437 = arith.constant 0 : i32
      %dma_start3A_438 = tpu.memref_slice %arg9[%dma_start3A_436, %dma_start3A_437] : memref<10240x64xf32, #tpu.memory_space<vmem_shared>> -> memref<10240x64xf32, #tpu.memory_space<vmem_shared>>
      %dma_start3A_439 = tpu.memref_slice %arg11[%dma_start3A_428] : memref<5x!tpu.dma_semaphore, #tpu.memory_space<semaphore_mem>> -> memref<1x!tpu.dma_semaphore, #tpu.memory_space<semaphore_mem>>
      %dma_start3A_440 = tpu.memref_squeeze %dma_start3A_439 : memref<1x!tpu.dma_semaphore, #tpu.memory_space<semaphore_mem>> -> memref<!tpu.dma_semaphore, #tpu.memory_space<semaphore_mem>>
      tpu.enqueue_indirect_dma source(%dma_start3A_432 : memref<80x64xf32, #tpu.memory_space<vmem>>) target(%dma_start3A_438 : memref<10240x64xf32, #tpu.memory_space<vmem_shared>>) offsets(%dma_start3A_435 : memref<80xi32, #tpu.memory_space<vmem>>) semaphore(%dma_start3A_440 : memref<!tpu.dma_semaphore, #tpu.memory_space<semaphore_mem>>) {add = true}
      %dma_wait3A_441 = arith.constant 2 : i32
      %dma_wait3A_442 = arith.constant 2 : i32
      %dma_wait3A_443 = arith.constant 0 : i32
      %dma_wait3A_444 = arith.constant 0 : i32
      %dma_wait3A_445 = tpu.memref_slice %arg7[%dma_wait3A_441, %dma_wait3A_443, %dma_wait3A_444] : memref<5x80x64xf32, #tpu.memory_space<vmem>> -> memref<1x80x64xf32, #tpu.memory_space<vmem>>
      %dma_wait3A_446 = tpu.memref_squeeze %dma_wait3A_445 : memref<1x80x64xf32, #tpu.memory_space<vmem>> -> memref<80x64xf32, #tpu.memory_space<vmem>>
      %dma_wait3A_447 = arith.constant 0 : i32
      %dma_wait3A_448 = arith.constant 0 : i32
      %dma_wait3A_449 = tpu.memref_slice %arg2[%dma_wait3A_447, %dma_wait3A_448] : memref<10000x64xf32, #tpu.memory_space<hbm>> -> memref<80x64xf32, #tpu.memory_space<hbm>>
      %dma_wait3A_450 = tpu.memref_slice %arg10[%dma_wait3A_442] : memref<5x!tpu.dma_semaphore, #tpu.memory_space<semaphore_mem>> -> memref<1x!tpu.dma_semaphore, #tpu.memory_space<semaphore_mem>>
      %dma_wait3A_451 = tpu.memref_squeeze %dma_wait3A_450 : memref<1x!tpu.dma_semaphore, #tpu.memory_space<semaphore_mem>> -> memref<!tpu.dma_semaphore, #tpu.memory_space<semaphore_mem>>
      %dma_wait3A_452 = arith.constant 0 : i32
      %dma_wait3A_453 = arith.constant 0 : i32
      %dma_wait3A_454 = tpu.memref_slice %arg7[%dma_wait3A_441, %dma_wait3A_452, %dma_wait3A_453] : memref<5x80x64xf32, #tpu.memory_space<vmem>> -> memref<1x80x64xf32, #tpu.memory_space<vmem>>
      %dma_wait3A_455 = tpu.memref_squeeze %dma_wait3A_454 : memref<1x80x64xf32, #tpu.memory_space<vmem>> -> memref<80x64xf32, #tpu.memory_space<vmem>>
      %dma_wait3A_456 = arith.constant 0 : i32
      %dma_wait3A_457 = arith.constant 0 : i32
      %dma_wait3A_458 = tpu.memref_slice %arg2[%dma_wait3A_456, %dma_wait3A_457] : memref<10000x64xf32, #tpu.memory_space<hbm>> -> memref<80x64xf32, #tpu.memory_space<hbm>>
      tpu.wait_dma2 semaphore(%dma_wait3A_451 : memref<!tpu.dma_semaphore, #tpu.memory_space<semaphore_mem>>) src(%dma_wait3A_458 : memref<80x64xf32, #tpu.memory_space<hbm>>) dst(%dma_wait3A_455 : memref<80x64xf32, #tpu.memory_space<vmem>>)
      %add3A_459 = arith.constant 2 : i32
      %add3A_460 = arith.addi %mul3A_372, %add3A_459 : i32
      %dma_start3A_461 = arith.constant 2 : i32
      %dma_start3A_462 = arith.constant 2 : i32
      %dma_start3A_463 = arith.constant 0 : i32
      %dma_start3A_464 = arith.constant 0 : i32
      %dma_start3A_465 = tpu.memref_slice %arg7[%dma_start3A_461, %dma_start3A_463, %dma_start3A_464] : memref<5x80x64xf32, #tpu.memory_space<vmem>> -> memref<1x80x64xf32, #tpu.memory_space<vmem>>
      %dma_start3A_466 = tpu.memref_squeeze %dma_start3A_465 : memref<1x80x64xf32, #tpu.memory_space<vmem>> -> memref<80x64xf32, #tpu.memory_space<vmem>>
      %dma_start3A_467 = arith.constant 0 : i32
      %dma_start3A_468 = tpu.memref_slice %arg6[%add3A_460, %dma_start3A_467] : memref<125x80xi32, #tpu.memory_space<vmem>> -> memref<1x80xi32, #tpu.memory_space<vmem>>
      %dma_start3A_469 = tpu.memref_squeeze %dma_start3A_468 : memref<1x80xi32, #tpu.memory_space<vmem>> -> memref<80xi32, #tpu.memory_space<vmem>>
      %dma_start3A_470 = arith.constant 0 : i32
      %dma_start3A_471 = arith.constant 0 : i32
      %dma_start3A_472 = tpu.memref_slice %arg9[%dma_start3A_470, %dma_start3A_471] : memref<10240x64xf32, #tpu.memory_space<vmem_shared>> -> memref<10240x64xf32, #tpu.memory_space<vmem_shared>>
      %dma_start3A_473 = tpu.memref_slice %arg11[%dma_start3A_462] : memref<5x!tpu.dma_semaphore, #tpu.memory_space<semaphore_mem>> -> memref<1x!tpu.dma_semaphore, #tpu.memory_space<semaphore_mem>>
      %dma_start3A_474 = tpu.memref_squeeze %dma_start3A_473 : memref<1x!tpu.dma_semaphore, #tpu.memory_space<semaphore_mem>> -> memref<!tpu.dma_semaphore, #tpu.memory_space<semaphore_mem>>
      tpu.enqueue_indirect_dma source(%dma_start3A_466 : memref<80x64xf32, #tpu.memory_space<vmem>>) target(%dma_start3A_472 : memref<10240x64xf32, #tpu.memory_space<vmem_shared>>) offsets(%dma_start3A_469 : memref<80xi32, #tpu.memory_space<vmem>>) semaphore(%dma_start3A_474 : memref<!tpu.dma_semaphore, #tpu.memory_space<semaphore_mem>>) {add = true}
      %dma_wait3A_475 = arith.constant 3 : i32
      %dma_wait3A_476 = arith.constant 3 : i32
      %dma_wait3A_477 = arith.constant 0 : i32
      %dma_wait3A_478 = arith.constant 0 : i32
      %dma_wait3A_479 = tpu.memref_slice %arg7[%dma_wait3A_475, %dma_wait3A_477, %dma_wait3A_478] : memref<5x80x64xf32, #tpu.memory_space<vmem>> -> memref<1x80x64xf32, #tpu.memory_space<vmem>>
      %dma_wait3A_480 = tpu.memref_squeeze %dma_wait3A_479 : memref<1x80x64xf32, #tpu.memory_space<vmem>> -> memref<80x64xf32, #tpu.memory_space<vmem>>
      %dma_wait3A_481 = arith.constant 0 : i32
      %dma_wait3A_482 = arith.constant 0 : i32
      %dma_wait3A_483 = tpu.memref_slice %arg2[%dma_wait3A_481, %dma_wait3A_482] : memref<10000x64xf32, #tpu.memory_space<hbm>> -> memref<80x64xf32, #tpu.memory_space<hbm>>
      %dma_wait3A_484 = tpu.memref_slice %arg10[%dma_wait3A_476] : memref<5x!tpu.dma_semaphore, #tpu.memory_space<semaphore_mem>> -> memref<1x!tpu.dma_semaphore, #tpu.memory_space<semaphore_mem>>
      %dma_wait3A_485 = tpu.memref_squeeze %dma_wait3A_484 : memref<1x!tpu.dma_semaphore, #tpu.memory_space<semaphore_mem>> -> memref<!tpu.dma_semaphore, #tpu.memory_space<semaphore_mem>>
      %dma_wait3A_486 = arith.constant 0 : i32
      %dma_wait3A_487 = arith.constant 0 : i32
      %dma_wait3A_488 = tpu.memref_slice %arg7[%dma_wait3A_475, %dma_wait3A_486, %dma_wait3A_487] : memref<5x80x64xf32, #tpu.memory_space<vmem>> -> memref<1x80x64xf32, #tpu.memory_space<vmem>>
      %dma_wait3A_489 = tpu.memref_squeeze %dma_wait3A_488 : memref<1x80x64xf32, #tpu.memory_space<vmem>> -> memref<80x64xf32, #tpu.memory_space<vmem>>
      %dma_wait3A_490 = arith.constant 0 : i32
      %dma_wait3A_491 = arith.constant 0 : i32
      %dma_wait3A_492 = tpu.memref_slice %arg2[%dma_wait3A_490, %dma_wait3A_491] : memref<10000x64xf32, #tpu.memory_space<hbm>> -> memref<80x64xf32, #tpu.memory_space<hbm>>
      tpu.wait_dma2 semaphore(%dma_wait3A_485 : memref<!tpu.dma_semaphore, #tpu.memory_space<semaphore_mem>>) src(%dma_wait3A_492 : memref<80x64xf32, #tpu.memory_space<hbm>>) dst(%dma_wait3A_489 : memref<80x64xf32, #tpu.memory_space<vmem>>)
      %add3A_493 = arith.constant 3 : i32
      %add3A_494 = arith.addi %mul3A_372, %add3A_493 : i32
      %dma_start3A_495 = arith.constant 3 : i32
      %dma_start3A_496 = arith.constant 3 : i32
      %dma_start3A_497 = arith.constant 0 : i32
      %dma_start3A_498 = arith.constant 0 : i32
      %dma_start3A_499 = tpu.memref_slice %arg7[%dma_start3A_495, %dma_start3A_497, %dma_start3A_498] : memref<5x80x64xf32, #tpu.memory_space<vmem>> -> memref<1x80x64xf32, #tpu.memory_space<vmem>>
      %dma_start3A_500 = tpu.memref_squeeze %dma_start3A_499 : memref<1x80x64xf32, #tpu.memory_space<vmem>> -> memref<80x64xf32, #tpu.memory_space<vmem>>
      %dma_start3A_501 = arith.constant 0 : i32
      %dma_start3A_502 = tpu.memref_slice %arg6[%add3A_494, %dma_start3A_501] : memref<125x80xi32, #tpu.memory_space<vmem>> -> memref<1x80xi32, #tpu.memory_space<vmem>>
      %dma_start3A_503 = tpu.memref_squeeze %dma_start3A_502 : memref<1x80xi32, #tpu.memory_space<vmem>> -> memref<80xi32, #tpu.memory_space<vmem>>
      %dma_start3A_504 = arith.constant 0 : i32
      %dma_start3A_505 = arith.constant 0 : i32
      %dma_start3A_506 = tpu.memref_slice %arg9[%dma_start3A_504, %dma_start3A_505] : memref<10240x64xf32, #tpu.memory_space<vmem_shared>> -> memref<10240x64xf32, #tpu.memory_space<vmem_shared>>
      %dma_start3A_507 = tpu.memref_slice %arg11[%dma_start3A_496] : memref<5x!tpu.dma_semaphore, #tpu.memory_space<semaphore_mem>> -> memref<1x!tpu.dma_semaphore, #tpu.memory_space<semaphore_mem>>
      %dma_start3A_508 = tpu.memref_squeeze %dma_start3A_507 : memref<1x!tpu.dma_semaphore, #tpu.memory_space<semaphore_mem>> -> memref<!tpu.dma_semaphore, #tpu.memory_space<semaphore_mem>>
      tpu.enqueue_indirect_dma source(%dma_start3A_500 : memref<80x64xf32, #tpu.memory_space<vmem>>) target(%dma_start3A_506 : memref<10240x64xf32, #tpu.memory_space<vmem_shared>>) offsets(%dma_start3A_503 : memref<80xi32, #tpu.memory_space<vmem>>) semaphore(%dma_start3A_508 : memref<!tpu.dma_semaphore, #tpu.memory_space<semaphore_mem>>) {add = true}
      %dma_wait3A_509 = arith.constant 4 : i32
      %dma_wait3A_510 = arith.constant 4 : i32
      %dma_wait3A_511 = arith.constant 0 : i32
      %dma_wait3A_512 = arith.constant 0 : i32
      %dma_wait3A_513 = tpu.memref_slice %arg7[%dma_wait3A_509, %dma_wait3A_511, %dma_wait3A_512] : memref<5x80x64xf32, #tpu.memory_space<vmem>> -> memref<1x80x64xf32, #tpu.memory_space<vmem>>
      %dma_wait3A_514 = tpu.memref_squeeze %dma_wait3A_513 : memref<1x80x64xf32, #tpu.memory_space<vmem>> -> memref<80x64xf32, #tpu.memory_space<vmem>>
      %dma_wait3A_515 = arith.constant 0 : i32
      %dma_wait3A_516 = arith.constant 0 : i32
      %dma_wait3A_517 = tpu.memref_slice %arg2[%dma_wait3A_515, %dma_wait3A_516] : memref<10000x64xf32, #tpu.memory_space<hbm>> -> memref<80x64xf32, #tpu.memory_space<hbm>>
      %dma_wait3A_518 = tpu.memref_slice %arg10[%dma_wait3A_510] : memref<5x!tpu.dma_semaphore, #tpu.memory_space<semaphore_mem>> -> memref<1x!tpu.dma_semaphore, #tpu.memory_space<semaphore_mem>>
      %dma_wait3A_519 = tpu.memref_squeeze %dma_wait3A_518 : memref<1x!tpu.dma_semaphore, #tpu.memory_space<semaphore_mem>> -> memref<!tpu.dma_semaphore, #tpu.memory_space<semaphore_mem>>
      %dma_wait3A_520 = arith.constant 0 : i32
      %dma_wait3A_521 = arith.constant 0 : i32
      %dma_wait3A_522 = tpu.memref_slice %arg7[%dma_wait3A_509, %dma_wait3A_520, %dma_wait3A_521] : memref<5x80x64xf32, #tpu.memory_space<vmem>> -> memref<1x80x64xf32, #tpu.memory_space<vmem>>
      %dma_wait3A_523 = tpu.memref_squeeze %dma_wait3A_522 : memref<1x80x64xf32, #tpu.memory_space<vmem>> -> memref<80x64xf32, #tpu.memory_space<vmem>>
      %dma_wait3A_524 = arith.constant 0 : i32
      %dma_wait3A_525 = arith.constant 0 : i32
      %dma_wait3A_526 = tpu.memref_slice %arg2[%dma_wait3A_524, %dma_wait3A_525] : memref<10000x64xf32, #tpu.memory_space<hbm>> -> memref<80x64xf32, #tpu.memory_space<hbm>>
      tpu.wait_dma2 semaphore(%dma_wait3A_519 : memref<!tpu.dma_semaphore, #tpu.memory_space<semaphore_mem>>) src(%dma_wait3A_526 : memref<80x64xf32, #tpu.memory_space<hbm>>) dst(%dma_wait3A_523 : memref<80x64xf32, #tpu.memory_space<vmem>>)
      %add3A_527 = arith.constant 4 : i32
      %add3A_528 = arith.addi %mul3A_372, %add3A_527 : i32
      %dma_start3A_529 = arith.constant 4 : i32
      %dma_start3A_530 = arith.constant 4 : i32
      %dma_start3A_531 = arith.constant 0 : i32
      %dma_start3A_532 = arith.constant 0 : i32
      %dma_start3A_533 = tpu.memref_slice %arg7[%dma_start3A_529, %dma_start3A_531, %dma_start3A_532] : memref<5x80x64xf32, #tpu.memory_space<vmem>> -> memref<1x80x64xf32, #tpu.memory_space<vmem>>
      %dma_start3A_534 = tpu.memref_squeeze %dma_start3A_533 : memref<1x80x64xf32, #tpu.memory_space<vmem>> -> memref<80x64xf32, #tpu.memory_space<vmem>>
      %dma_start3A_535 = arith.constant 0 : i32
      %dma_start3A_536 = tpu.memref_slice %arg6[%add3A_528, %dma_start3A_535] : memref<125x80xi32, #tpu.memory_space<vmem>> -> memref<1x80xi32, #tpu.memory_space<vmem>>
      %dma_start3A_537 = tpu.memref_squeeze %dma_start3A_536 : memref<1x80xi32, #tpu.memory_space<vmem>> -> memref<80xi32, #tpu.memory_space<vmem>>
      %dma_start3A_538 = arith.constant 0 : i32
      %dma_start3A_539 = arith.constant 0 : i32
      %dma_start3A_540 = tpu.memref_slice %arg9[%dma_start3A_538, %dma_start3A_539] : memref<10240x64xf32, #tpu.memory_space<vmem_shared>> -> memref<10240x64xf32, #tpu.memory_space<vmem_shared>>
      %dma_start3A_541 = tpu.memref_slice %arg11[%dma_start3A_530] : memref<5x!tpu.dma_semaphore, #tpu.memory_space<semaphore_mem>> -> memref<1x!tpu.dma_semaphore, #tpu.memory_space<semaphore_mem>>
      %dma_start3A_542 = tpu.memref_squeeze %dma_start3A_541 : memref<1x!tpu.dma_semaphore, #tpu.memory_space<semaphore_mem>> -> memref<!tpu.dma_semaphore, #tpu.memory_space<semaphore_mem>>
      tpu.enqueue_indirect_dma source(%dma_start3A_534 : memref<80x64xf32, #tpu.memory_space<vmem>>) target(%dma_start3A_540 : memref<10240x64xf32, #tpu.memory_space<vmem_shared>>) offsets(%dma_start3A_537 : memref<80xi32, #tpu.memory_space<vmem>>) semaphore(%dma_start3A_542 : memref<!tpu.dma_semaphore, #tpu.memory_space<semaphore_mem>>) {add = true}
      %dma_wait3A_543 = arith.constant 0 : i32
      %dma_wait3A_544 = arith.constant 0 : i32
      %dma_wait3A_545 = arith.constant 0 : i32
      %dma_wait3A_546 = arith.constant 0 : i32
      %dma_wait3A_547 = tpu.memref_slice %arg7[%dma_wait3A_543, %dma_wait3A_545, %dma_wait3A_546] : memref<5x80x64xf32, #tpu.memory_space<vmem>> -> memref<1x80x64xf32, #tpu.memory_space<vmem>>
      %dma_wait3A_548 = tpu.memref_squeeze %dma_wait3A_547 : memref<1x80x64xf32, #tpu.memory_space<vmem>> -> memref<80x64xf32, #tpu.memory_space<vmem>>
      %dma_wait3A_549 = arith.constant 0 : i32
      %dma_wait3A_550 = arith.constant 0 : i32
      %dma_wait3A_551 = tpu.memref_slice %arg9[%dma_wait3A_549, %dma_wait3A_550] : memref<10240x64xf32, #tpu.memory_space<vmem_shared>> -> memref<80x64xf32, #tpu.memory_space<vmem_shared>>
      %dma_wait3A_552 = tpu.memref_slice %arg11[%dma_wait3A_544] : memref<5x!tpu.dma_semaphore, #tpu.memory_space<semaphore_mem>> -> memref<1x!tpu.dma_semaphore, #tpu.memory_space<semaphore_mem>>
      %dma_wait3A_553 = tpu.memref_squeeze %dma_wait3A_552 : memref<1x!tpu.dma_semaphore, #tpu.memory_space<semaphore_mem>> -> memref<!tpu.dma_semaphore, #tpu.memory_space<semaphore_mem>>
      %dma_wait3A_554 = arith.constant 0 : i32
      %dma_wait3A_555 = arith.constant 0 : i32
      %dma_wait3A_556 = tpu.memref_slice %arg9[%dma_wait3A_554, %dma_wait3A_555] : memref<10240x64xf32, #tpu.memory_space<vmem_shared>> -> memref<80x64xf32, #tpu.memory_space<vmem_shared>>
      %dma_wait3A_557 = arith.constant 0 : i32
      %dma_wait3A_558 = arith.constant 0 : i32
      %dma_wait3A_559 = tpu.memref_slice %arg7[%dma_wait3A_543, %dma_wait3A_557, %dma_wait3A_558] : memref<5x80x64xf32, #tpu.memory_space<vmem>> -> memref<1x80x64xf32, #tpu.memory_space<vmem>>
      %dma_wait3A_560 = tpu.memref_squeeze %dma_wait3A_559 : memref<1x80x64xf32, #tpu.memory_space<vmem>> -> memref<80x64xf32, #tpu.memory_space<vmem>>
      tpu.wait_dma2 semaphore(%dma_wait3A_553 : memref<!tpu.dma_semaphore, #tpu.memory_space<semaphore_mem>>) src(%dma_wait3A_560 : memref<80x64xf32, #tpu.memory_space<vmem>>) dst(%dma_wait3A_556 : memref<80x64xf32, #tpu.memory_space<vmem_shared>>)
      %add3A_561 = arith.constant 5 : i32
      %add3A_562 = arith.addi %mul3A_372, %add3A_561 : i32
      %add3A_563 = arith.constant 0 : i32
      %add3A_564 = arith.addi %add3A_562, %add3A_563 : i32
      %dma_start3A_565 = arith.constant 0 : i32
      %dma_start3A_566 = arith.constant 0 : i32
      %dma_start3A_567 = arith.constant 0 : i32
      %dma_start3A_568 = arith.constant 0 : i32
      %dma_start3A_569 = tpu.memref_slice %arg7[%dma_start3A_565, %dma_start3A_567, %dma_start3A_568] : memref<5x80x64xf32, #tpu.memory_space<vmem>> -> memref<1x80x64xf32, #tpu.memory_space<vmem>>
      %dma_start3A_570 = tpu.memref_squeeze %dma_start3A_569 : memref<1x80x64xf32, #tpu.memory_space<vmem>> -> memref<80x64xf32, #tpu.memory_space<vmem>>
      %dma_start3A_571 = arith.constant 0 : i32
      %dma_start3A_572 = tpu.memref_slice %arg5[%add3A_564, %dma_start3A_571] : memref<125x80xi32, #tpu.memory_space<vmem>> -> memref<1x80xi32, #tpu.memory_space<vmem>>
      %dma_start3A_573 = tpu.memref_squeeze %dma_start3A_572 : memref<1x80xi32, #tpu.memory_space<vmem>> -> memref<80xi32, #tpu.memory_space<vmem>>
      %dma_start3A_574 = arith.constant 0 : i32
      %dma_start3A_575 = arith.constant 0 : i32
      %dma_start3A_576 = tpu.memref_slice %arg2[%dma_start3A_574, %dma_start3A_575] : memref<10000x64xf32, #tpu.memory_space<hbm>> -> memref<10000x64xf32, #tpu.memory_space<hbm>>
      %dma_start3A_577 = tpu.memref_slice %arg10[%dma_start3A_566] : memref<5x!tpu.dma_semaphore, #tpu.memory_space<semaphore_mem>> -> memref<1x!tpu.dma_semaphore, #tpu.memory_space<semaphore_mem>>
      %dma_start3A_578 = tpu.memref_squeeze %dma_start3A_577 : memref<1x!tpu.dma_semaphore, #tpu.memory_space<semaphore_mem>> -> memref<!tpu.dma_semaphore, #tpu.memory_space<semaphore_mem>>
      tpu.enqueue_indirect_dma source(%dma_start3A_576 : memref<10000x64xf32, #tpu.memory_space<hbm>>) target(%dma_start3A_570 : memref<80x64xf32, #tpu.memory_space<vmem>>) offsets(%dma_start3A_573 : memref<80xi32, #tpu.memory_space<vmem>>) semaphore(%dma_start3A_578 : memref<!tpu.dma_semaphore, #tpu.memory_space<semaphore_mem>>)
      %dma_wait3A_579 = arith.constant 1 : i32
      %dma_wait3A_580 = arith.constant 1 : i32
      %dma_wait3A_581 = arith.constant 0 : i32
      %dma_wait3A_582 = arith.constant 0 : i32
      %dma_wait3A_583 = tpu.memref_slice %arg7[%dma_wait3A_579, %dma_wait3A_581, %dma_wait3A_582] : memref<5x80x64xf32, #tpu.memory_space<vmem>> -> memref<1x80x64xf32, #tpu.memory_space<vmem>>
      %dma_wait3A_584 = tpu.memref_squeeze %dma_wait3A_583 : memref<1x80x64xf32, #tpu.memory_space<vmem>> -> memref<80x64xf32, #tpu.memory_space<vmem>>
      %dma_wait3A_585 = arith.constant 0 : i32
      %dma_wait3A_586 = arith.constant 0 : i32
      %dma_wait3A_587 = tpu.memref_slice %arg9[%dma_wait3A_585, %dma_wait3A_586] : memref<10240x64xf32, #tpu.memory_space<vmem_shared>> -> memref<80x64xf32, #tpu.memory_space<vmem_shared>>
      %dma_wait3A_588 = tpu.memref_slice %arg11[%dma_wait3A_580] : memref<5x!tpu.dma_semaphore, #tpu.memory_space<semaphore_mem>> -> memref<1x!tpu.dma_semaphore, #tpu.memory_space<semaphore_mem>>
      %dma_wait3A_589 = tpu.memref_squeeze %dma_wait3A_588 : memref<1x!tpu.dma_semaphore, #tpu.memory_space<semaphore_mem>> -> memref<!tpu.dma_semaphore, #tpu.memory_space<semaphore_mem>>
      %dma_wait3A_590 = arith.constant 0 : i32
      %dma_wait3A_591 = arith.constant 0 : i32
      %dma_wait3A_592 = tpu.memref_slice %arg9[%dma_wait3A_590, %dma_wait3A_591] : memref<10240x64xf32, #tpu.memory_space<vmem_shared>> -> memref<80x64xf32, #tpu.memory_space<vmem_shared>>
      %dma_wait3A_593 = arith.constant 0 : i32
      %dma_wait3A_594 = arith.constant 0 : i32
      %dma_wait3A_595 = tpu.memref_slice %arg7[%dma_wait3A_579, %dma_wait3A_593, %dma_wait3A_594] : memref<5x80x64xf32, #tpu.memory_space<vmem>> -> memref<1x80x64xf32, #tpu.memory_space<vmem>>
      %dma_wait3A_596 = tpu.memref_squeeze %dma_wait3A_595 : memref<1x80x64xf32, #tpu.memory_space<vmem>> -> memref<80x64xf32, #tpu.memory_space<vmem>>
      tpu.wait_dma2 semaphore(%dma_wait3A_589 : memref<!tpu.dma_semaphore, #tpu.memory_space<semaphore_mem>>) src(%dma_wait3A_596 : memref<80x64xf32, #tpu.memory_space<vmem>>) dst(%dma_wait3A_592 : memref<80x64xf32, #tpu.memory_space<vmem_shared>>)
      %add3A_597 = arith.constant 5 : i32
      %add3A_598 = arith.addi %mul3A_372, %add3A_597 : i32
      %add3A_599 = arith.constant 1 : i32
      %add3A_600 = arith.addi %add3A_598, %add3A_599 : i32
      %dma_start3A_601 = arith.constant 1 : i32
      %dma_start3A_602 = arith.constant 1 : i32
      %dma_start3A_603 = arith.constant 0 : i32
      %dma_start3A_604 = arith.constant 0 : i32
      %dma_start3A_605 = tpu.memref_slice %arg7[%dma_start3A_601, %dma_start3A_603, %dma_start3A_604] : memref<5x80x64xf32, #tpu.memory_space<vmem>> -> memref<1x80x64xf32, #tpu.memory_space<vmem>>
      %dma_start3A_606 = tpu.memref_squeeze %dma_start3A_605 : memref<1x80x64xf32, #tpu.memory_space<vmem>> -> memref<80x64xf32, #tpu.memory_space<vmem>>
      %dma_start3A_607 = arith.constant 0 : i32
      %dma_start3A_608 = tpu.memref_slice %arg5[%add3A_600, %dma_start3A_607] : memref<125x80xi32, #tpu.memory_space<vmem>> -> memref<1x80xi32, #tpu.memory_space<vmem>>
      %dma_start3A_609 = tpu.memref_squeeze %dma_start3A_608 : memref<1x80xi32, #tpu.memory_space<vmem>> -> memref<80xi32, #tpu.memory_space<vmem>>
      %dma_start3A_610 = arith.constant 0 : i32
      %dma_start3A_611 = arith.constant 0 : i32
      %dma_start3A_612 = tpu.memref_slice %arg2[%dma_start3A_610, %dma_start3A_611] : memref<10000x64xf32, #tpu.memory_space<hbm>> -> memref<10000x64xf32, #tpu.memory_space<hbm>>
      %dma_start3A_613 = tpu.memref_slice %arg10[%dma_start3A_602] : memref<5x!tpu.dma_semaphore, #tpu.memory_space<semaphore_mem>> -> memref<1x!tpu.dma_semaphore, #tpu.memory_space<semaphore_mem>>
      %dma_start3A_614 = tpu.memref_squeeze %dma_start3A_613 : memref<1x!tpu.dma_semaphore, #tpu.memory_space<semaphore_mem>> -> memref<!tpu.dma_semaphore, #tpu.memory_space<semaphore_mem>>
      tpu.enqueue_indirect_dma source(%dma_start3A_612 : memref<10000x64xf32, #tpu.memory_space<hbm>>) target(%dma_start3A_606 : memref<80x64xf32, #tpu.memory_space<vmem>>) offsets(%dma_start3A_609 : memref<80xi32, #tpu.memory_space<vmem>>) semaphore(%dma_start3A_614 : memref<!tpu.dma_semaphore, #tpu.memory_space<semaphore_mem>>)
      %dma_wait3A_615 = arith.constant 2 : i32
      %dma_wait3A_616 = arith.constant 2 : i32
      %dma_wait3A_617 = arith.constant 0 : i32
      %dma_wait3A_618 = arith.constant 0 : i32
      %dma_wait3A_619 = tpu.memref_slice %arg7[%dma_wait3A_615, %dma_wait3A_617, %dma_wait3A_618] : memref<5x80x64xf32, #tpu.memory_space<vmem>> -> memref<1x80x64xf32, #tpu.memory_space<vmem>>
      %dma_wait3A_620 = tpu.memref_squeeze %dma_wait3A_619 : memref<1x80x64xf32, #tpu.memory_space<vmem>> -> memref<80x64xf32, #tpu.memory_space<vmem>>
      %dma_wait3A_621 = arith.constant 0 : i32
      %dma_wait3A_622 = arith.constant 0 : i32
      %dma_wait3A_623 = tpu.memref_slice %arg9[%dma_wait3A_621, %dma_wait3A_622] : memref<10240x64xf32, #tpu.memory_space<vmem_shared>> -> memref<80x64xf32, #tpu.memory_space<vmem_shared>>
      %dma_wait3A_624 = tpu.memref_slice %arg11[%dma_wait3A_616] : memref<5x!tpu.dma_semaphore, #tpu.memory_space<semaphore_mem>> -> memref<1x!tpu.dma_semaphore, #tpu.memory_space<semaphore_mem>>
      %dma_wait3A_625 = tpu.memref_squeeze %dma_wait3A_624 : memref<1x!tpu.dma_semaphore, #tpu.memory_space<semaphore_mem>> -> memref<!tpu.dma_semaphore, #tpu.memory_space<semaphore_mem>>
      %dma_wait3A_626 = arith.constant 0 : i32
      %dma_wait3A_627 = arith.constant 0 : i32
      %dma_wait3A_628 = tpu.memref_slice %arg9[%dma_wait3A_626, %dma_wait3A_627] : memref<10240x64xf32, #tpu.memory_space<vmem_shared>> -> memref<80x64xf32, #tpu.memory_space<vmem_shared>>
      %dma_wait3A_629 = arith.constant 0 : i32
      %dma_wait3A_630 = arith.constant 0 : i32
      %dma_wait3A_631 = tpu.memref_slice %arg7[%dma_wait3A_615, %dma_wait3A_629, %dma_wait3A_630] : memref<5x80x64xf32, #tpu.memory_space<vmem>> -> memref<1x80x64xf32, #tpu.memory_space<vmem>>
      %dma_wait3A_632 = tpu.memref_squeeze %dma_wait3A_631 : memref<1x80x64xf32, #tpu.memory_space<vmem>> -> memref<80x64xf32, #tpu.memory_space<vmem>>
      tpu.wait_dma2 semaphore(%dma_wait3A_625 : memref<!tpu.dma_semaphore, #tpu.memory_space<semaphore_mem>>) src(%dma_wait3A_632 : memref<80x64xf32, #tpu.memory_space<vmem>>) dst(%dma_wait3A_628 : memref<80x64xf32, #tpu.memory_space<vmem_shared>>)
      %add3A_633 = arith.constant 5 : i32
      %add3A_634 = arith.addi %mul3A_372, %add3A_633 : i32
      %add3A_635 = arith.constant 2 : i32
      %add3A_636 = arith.addi %add3A_634, %add3A_635 : i32
      %dma_start3A_637 = arith.constant 2 : i32
      %dma_start3A_638 = arith.constant 2 : i32
      %dma_start3A_639 = arith.constant 0 : i32
      %dma_start3A_640 = arith.constant 0 : i32
      %dma_start3A_641 = tpu.memref_slice %arg7[%dma_start3A_637, %dma_start3A_639, %dma_start3A_640] : memref<5x80x64xf32, #tpu.memory_space<vmem>> -> memref<1x80x64xf32, #tpu.memory_space<vmem>>
      %dma_start3A_642 = tpu.memref_squeeze %dma_start3A_641 : memref<1x80x64xf32, #tpu.memory_space<vmem>> -> memref<80x64xf32, #tpu.memory_space<vmem>>
      %dma_start3A_643 = arith.constant 0 : i32
      %dma_start3A_644 = tpu.memref_slice %arg5[%add3A_636, %dma_start3A_643] : memref<125x80xi32, #tpu.memory_space<vmem>> -> memref<1x80xi32, #tpu.memory_space<vmem>>
      %dma_start3A_645 = tpu.memref_squeeze %dma_start3A_644 : memref<1x80xi32, #tpu.memory_space<vmem>> -> memref<80xi32, #tpu.memory_space<vmem>>
      %dma_start3A_646 = arith.constant 0 : i32
      %dma_start3A_647 = arith.constant 0 : i32
      %dma_start3A_648 = tpu.memref_slice %arg2[%dma_start3A_646, %dma_start3A_647] : memref<10000x64xf32, #tpu.memory_space<hbm>> -> memref<10000x64xf32, #tpu.memory_space<hbm>>
      %dma_start3A_649 = tpu.memref_slice %arg10[%dma_start3A_638] : memref<5x!tpu.dma_semaphore, #tpu.memory_space<semaphore_mem>> -> memref<1x!tpu.dma_semaphore, #tpu.memory_space<semaphore_mem>>
      %dma_start3A_650 = tpu.memref_squeeze %dma_start3A_649 : memref<1x!tpu.dma_semaphore, #tpu.memory_space<semaphore_mem>> -> memref<!tpu.dma_semaphore, #tpu.memory_space<semaphore_mem>>
      tpu.enqueue_indirect_dma source(%dma_start3A_648 : memref<10000x64xf32, #tpu.memory_space<hbm>>) target(%dma_start3A_642 : memref<80x64xf32, #tpu.memory_space<vmem>>) offsets(%dma_start3A_645 : memref<80xi32, #tpu.memory_space<vmem>>) semaphore(%dma_start3A_650 : memref<!tpu.dma_semaphore, #tpu.memory_space<semaphore_mem>>)
      %dma_wait3A_651 = arith.constant 3 : i32
      %dma_wait3A_652 = arith.constant 3 : i32
      %dma_wait3A_653 = arith.constant 0 : i32
      %dma_wait3A_654 = arith.constant 0 : i32
      %dma_wait3A_655 = tpu.memref_slice %arg7[%dma_wait3A_651, %dma_wait3A_653, %dma_wait3A_654] : memref<5x80x64xf32, #tpu.memory_space<vmem>> -> memref<1x80x64xf32, #tpu.memory_space<vmem>>
      %dma_wait3A_656 = tpu.memref_squeeze %dma_wait3A_655 : memref<1x80x64xf32, #tpu.memory_space<vmem>> -> memref<80x64xf32, #tpu.memory_space<vmem>>
      %dma_wait3A_657 = arith.constant 0 : i32
      %dma_wait3A_658 = arith.constant 0 : i32
      %dma_wait3A_659 = tpu.memref_slice %arg9[%dma_wait3A_657, %dma_wait3A_658] : memref<10240x64xf32, #tpu.memory_space<vmem_shared>> -> memref<80x64xf32, #tpu.memory_space<vmem_shared>>
      %dma_wait3A_660 = tpu.memref_slice %arg11[%dma_wait3A_652] : memref<5x!tpu.dma_semaphore, #tpu.memory_space<semaphore_mem>> -> memref<1x!tpu.dma_semaphore, #tpu.memory_space<semaphore_mem>>
      %dma_wait3A_661 = tpu.memref_squeeze %dma_wait3A_660 : memref<1x!tpu.dma_semaphore, #tpu.memory_space<semaphore_mem>> -> memref<!tpu.dma_semaphore, #tpu.memory_space<semaphore_mem>>
      %dma_wait3A_662 = arith.constant 0 : i32
      %dma_wait3A_663 = arith.constant 0 : i32
      %dma_wait3A_664 = tpu.memref_slice %arg9[%dma_wait3A_662, %dma_wait3A_663] : memref<10240x64xf32, #tpu.memory_space<vmem_shared>> -> memref<80x64xf32, #tpu.memory_space<vmem_shared>>
      %dma_wait3A_665 = arith.constant 0 : i32
      %dma_wait3A_666 = arith.constant 0 : i32
      %dma_wait3A_667 = tpu.memref_slice %arg7[%dma_wait3A_651, %dma_wait3A_665, %dma_wait3A_666] : memref<5x80x64xf32, #tpu.memory_space<vmem>> -> memref<1x80x64xf32, #tpu.memory_space<vmem>>
      %dma_wait3A_668 = tpu.memref_squeeze %dma_wait3A_667 : memref<1x80x64xf32, #tpu.memory_space<vmem>> -> memref<80x64xf32, #tpu.memory_space<vmem>>
      tpu.wait_dma2 semaphore(%dma_wait3A_661 : memref<!tpu.dma_semaphore, #tpu.memory_space<semaphore_mem>>) src(%dma_wait3A_668 : memref<80x64xf32, #tpu.memory_space<vmem>>) dst(%dma_wait3A_664 : memref<80x64xf32, #tpu.memory_space<vmem_shared>>)
      %add3A_669 = arith.constant 5 : i32
      %add3A_670 = arith.addi %mul3A_372, %add3A_669 : i32
      %add3A_671 = arith.constant 3 : i32
      %add3A_672 = arith.addi %add3A_670, %add3A_671 : i32
      %dma_start3A_673 = arith.constant 3 : i32
      %dma_start3A_674 = arith.constant 3 : i32
      %dma_start3A_675 = arith.constant 0 : i32
      %dma_start3A_676 = arith.constant 0 : i32
      %dma_start3A_677 = tpu.memref_slice %arg7[%dma_start3A_673, %dma_start3A_675, %dma_start3A_676] : memref<5x80x64xf32, #tpu.memory_space<vmem>> -> memref<1x80x64xf32, #tpu.memory_space<vmem>>
      %dma_start3A_678 = tpu.memref_squeeze %dma_start3A_677 : memref<1x80x64xf32, #tpu.memory_space<vmem>> -> memref<80x64xf32, #tpu.memory_space<vmem>>
      %dma_start3A_679 = arith.constant 0 : i32
      %dma_start3A_680 = tpu.memref_slice %arg5[%add3A_672, %dma_start3A_679] : memref<125x80xi32, #tpu.memory_space<vmem>> -> memref<1x80xi32, #tpu.memory_space<vmem>>
      %dma_start3A_681 = tpu.memref_squeeze %dma_start3A_680 : memref<1x80xi32, #tpu.memory_space<vmem>> -> memref<80xi32, #tpu.memory_space<vmem>>
      %dma_start3A_682 = arith.constant 0 : i32
      %dma_start3A_683 = arith.constant 0 : i32
      %dma_start3A_684 = tpu.memref_slice %arg2[%dma_start3A_682, %dma_start3A_683] : memref<10000x64xf32, #tpu.memory_space<hbm>> -> memref<10000x64xf32, #tpu.memory_space<hbm>>
      %dma_start3A_685 = tpu.memref_slice %arg10[%dma_start3A_674] : memref<5x!tpu.dma_semaphore, #tpu.memory_space<semaphore_mem>> -> memref<1x!tpu.dma_semaphore, #tpu.memory_space<semaphore_mem>>
      %dma_start3A_686 = tpu.memref_squeeze %dma_start3A_685 : memref<1x!tpu.dma_semaphore, #tpu.memory_space<semaphore_mem>> -> memref<!tpu.dma_semaphore, #tpu.memory_space<semaphore_mem>>
      tpu.enqueue_indirect_dma source(%dma_start3A_684 : memref<10000x64xf32, #tpu.memory_space<hbm>>) target(%dma_start3A_678 : memref<80x64xf32, #tpu.memory_space<vmem>>) offsets(%dma_start3A_681 : memref<80xi32, #tpu.memory_space<vmem>>) semaphore(%dma_start3A_686 : memref<!tpu.dma_semaphore, #tpu.memory_space<semaphore_mem>>)
      %dma_wait3A_687 = arith.constant 4 : i32
      %dma_wait3A_688 = arith.constant 4 : i32
      %dma_wait3A_689 = arith.constant 0 : i32
      %dma_wait3A_690 = arith.constant 0 : i32
      %dma_wait3A_691 = tpu.memref_slice %arg7[%dma_wait3A_687, %dma_wait3A_689, %dma_wait3A_690] : memref<5x80x64xf32, #tpu.memory_space<vmem>> -> memref<1x80x64xf32, #tpu.memory_space<vmem>>
      %dma_wait3A_692 = tpu.memref_squeeze %dma_wait3A_691 : memref<1x80x64xf32, #tpu.memory_space<vmem>> -> memref<80x64xf32, #tpu.memory_space<vmem>>
      %dma_wait3A_693 = arith.constant 0 : i32
      %dma_wait3A_694 = arith.constant 0 : i32
      %dma_wait3A_695 = tpu.memref_slice %arg9[%dma_wait3A_693, %dma_wait3A_694] : memref<10240x64xf32, #tpu.memory_space<vmem_shared>> -> memref<80x64xf32, #tpu.memory_space<vmem_shared>>
      %dma_wait3A_696 = tpu.memref_slice %arg11[%dma_wait3A_688] : memref<5x!tpu.dma_semaphore, #tpu.memory_space<semaphore_mem>> -> memref<1x!tpu.dma_semaphore, #tpu.memory_space<semaphore_mem>>
      %dma_wait3A_697 = tpu.memref_squeeze %dma_wait3A_696 : memref<1x!tpu.dma_semaphore, #tpu.memory_space<semaphore_mem>> -> memref<!tpu.dma_semaphore, #tpu.memory_space<semaphore_mem>>
      %dma_wait3A_698 = arith.constant 0 : i32
      %dma_wait3A_699 = arith.constant 0 : i32
      %dma_wait3A_700 = tpu.memref_slice %arg9[%dma_wait3A_698, %dma_wait3A_699] : memref<10240x64xf32, #tpu.memory_space<vmem_shared>> -> memref<80x64xf32, #tpu.memory_space<vmem_shared>>
      %dma_wait3A_701 = arith.constant 0 : i32
      %dma_wait3A_702 = arith.constant 0 : i32
      %dma_wait3A_703 = tpu.memref_slice %arg7[%dma_wait3A_687, %dma_wait3A_701, %dma_wait3A_702] : memref<5x80x64xf32, #tpu.memory_space<vmem>> -> memref<1x80x64xf32, #tpu.memory_space<vmem>>
      %dma_wait3A_704 = tpu.memref_squeeze %dma_wait3A_703 : memref<1x80x64xf32, #tpu.memory_space<vmem>> -> memref<80x64xf32, #tpu.memory_space<vmem>>
      tpu.wait_dma2 semaphore(%dma_wait3A_697 : memref<!tpu.dma_semaphore, #tpu.memory_space<semaphore_mem>>) src(%dma_wait3A_704 : memref<80x64xf32, #tpu.memory_space<vmem>>) dst(%dma_wait3A_700 : memref<80x64xf32, #tpu.memory_space<vmem_shared>>)
      %add3A_705 = arith.constant 5 : i32
      %add3A_706 = arith.addi %mul3A_372, %add3A_705 : i32
      %add3A_707 = arith.constant 4 : i32
      %add3A_708 = arith.addi %add3A_706, %add3A_707 : i32
      %dma_start3A_709 = arith.constant 4 : i32
      %dma_start3A_710 = arith.constant 4 : i32
      %dma_start3A_711 = arith.constant 0 : i32
      %dma_start3A_712 = arith.constant 0 : i32
      %dma_start3A_713 = tpu.memref_slice %arg7[%dma_start3A_709, %dma_start3A_711, %dma_start3A_712] : memref<5x80x64xf32, #tpu.memory_space<vmem>> -> memref<1x80x64xf32, #tpu.memory_space<vmem>>
      %dma_start3A_714 = tpu.memref_squeeze %dma_start3A_713 : memref<1x80x64xf32, #tpu.memory_space<vmem>> -> memref<80x64xf32, #tpu.memory_space<vmem>>
      %dma_start3A_715 = arith.constant 0 : i32
      %dma_start3A_716 = tpu.memref_slice %arg5[%add3A_708, %dma_start3A_715] : memref<125x80xi32, #tpu.memory_space<vmem>> -> memref<1x80xi32, #tpu.memory_space<vmem>>
      %dma_start3A_717 = tpu.memref_squeeze %dma_start3A_716 : memref<1x80xi32, #tpu.memory_space<vmem>> -> memref<80xi32, #tpu.memory_space<vmem>>
      %dma_start3A_718 = arith.constant 0 : i32
      %dma_start3A_719 = arith.constant 0 : i32
      %dma_start3A_720 = tpu.memref_slice %arg2[%dma_start3A_718, %dma_start3A_719] : memref<10000x64xf32, #tpu.memory_space<hbm>> -> memref<10000x64xf32, #tpu.memory_space<hbm>>
      %dma_start3A_721 = tpu.memref_slice %arg10[%dma_start3A_710] : memref<5x!tpu.dma_semaphore, #tpu.memory_space<semaphore_mem>> -> memref<1x!tpu.dma_semaphore, #tpu.memory_space<semaphore_mem>>
      %dma_start3A_722 = tpu.memref_squeeze %dma_start3A_721 : memref<1x!tpu.dma_semaphore, #tpu.memory_space<semaphore_mem>> -> memref<!tpu.dma_semaphore, #tpu.memory_space<semaphore_mem>>
      tpu.enqueue_indirect_dma source(%dma_start3A_720 : memref<10000x64xf32, #tpu.memory_space<hbm>>) target(%dma_start3A_714 : memref<80x64xf32, #tpu.memory_space<vmem>>) offsets(%dma_start3A_717 : memref<80xi32, #tpu.memory_space<vmem>>) semaphore(%dma_start3A_722 : memref<!tpu.dma_semaphore, #tpu.memory_space<semaphore_mem>>)
      %scan3A_723 = arith.constant 0 : i32
      scf.yield %scan3A_723 : i32
    }
    %scan3A_109 = arith.constant 24 : i32
    %dma_wait3A = arith.constant 0 : i32
    %dma_wait3A_110 = arith.constant 0 : i32
    %dma_wait3A_111 = arith.constant 0 : i32
    %dma_wait3A_112 = arith.constant 0 : i32
    %dma_wait3A_113 = tpu.memref_slice %arg7[%dma_wait3A, %dma_wait3A_111, %dma_wait3A_112] : memref<5x80x64xf32, #tpu.memory_space<vmem>> -> memref<1x80x64xf32, #tpu.memory_space<vmem>>
    %dma_wait3A_114 = tpu.memref_squeeze %dma_wait3A_113 : memref<1x80x64xf32, #tpu.memory_space<vmem>> -> memref<80x64xf32, #tpu.memory_space<vmem>>
    %dma_wait3A_115 = arith.constant 0 : i32
    %dma_wait3A_116 = arith.constant 0 : i32
    %dma_wait3A_117 = tpu.memref_slice %arg2[%dma_wait3A_115, %dma_wait3A_116] : memref<10000x64xf32, #tpu.memory_space<hbm>> -> memref<80x64xf32, #tpu.memory_space<hbm>>
    %dma_wait3A_118 = tpu.memref_slice %arg10[%dma_wait3A_110] : memref<5x!tpu.dma_semaphore, #tpu.memory_space<semaphore_mem>> -> memref<1x!tpu.dma_semaphore, #tpu.memory_space<semaphore_mem>>
    %dma_wait3A_119 = tpu.memref_squeeze %dma_wait3A_118 : memref<1x!tpu.dma_semaphore, #tpu.memory_space<semaphore_mem>> -> memref<!tpu.dma_semaphore, #tpu.memory_space<semaphore_mem>>
    %dma_wait3A_120 = arith.constant 0 : i32
    %dma_wait3A_121 = arith.constant 0 : i32
    %dma_wait3A_122 = tpu.memref_slice %arg7[%dma_wait3A, %dma_wait3A_120, %dma_wait3A_121] : memref<5x80x64xf32, #tpu.memory_space<vmem>> -> memref<1x80x64xf32, #tpu.memory_space<vmem>>
    %dma_wait3A_123 = tpu.memref_squeeze %dma_wait3A_122 : memref<1x80x64xf32, #tpu.memory_space<vmem>> -> memref<80x64xf32, #tpu.memory_space<vmem>>
    %dma_wait3A_124 = arith.constant 0 : i32
    %dma_wait3A_125 = arith.constant 0 : i32
    %dma_wait3A_126 = tpu.memref_slice %arg2[%dma_wait3A_124, %dma_wait3A_125] : memref<10000x64xf32, #tpu.memory_space<hbm>> -> memref<80x64xf32, #tpu.memory_space<hbm>>
    tpu.wait_dma2 semaphore(%dma_wait3A_119 : memref<!tpu.dma_semaphore, #tpu.memory_space<semaphore_mem>>) src(%dma_wait3A_126 : memref<80x64xf32, #tpu.memory_space<hbm>>) dst(%dma_wait3A_123 : memref<80x64xf32, #tpu.memory_space<vmem>>)
    %dma_start3A_127 = arith.constant 0 : i32
    %dma_start3A_128 = arith.constant 120 : i32
    %dma_start3A_129 = arith.constant 0 : i32
    %dma_start3A_130 = arith.constant 0 : i32
    %dma_start3A_131 = arith.constant 0 : i32
    %dma_start3A_132 = tpu.memref_slice %arg7[%dma_start3A_127, %dma_start3A_130, %dma_start3A_131] : memref<5x80x64xf32, #tpu.memory_space<vmem>> -> memref<1x80x64xf32, #tpu.memory_space<vmem>>
    %dma_start3A_133 = tpu.memref_squeeze %dma_start3A_132 : memref<1x80x64xf32, #tpu.memory_space<vmem>> -> memref<80x64xf32, #tpu.memory_space<vmem>>
    %dma_start3A_134 = arith.constant 0 : i32
    %dma_start3A_135 = tpu.memref_slice %arg6[%dma_start3A_128, %dma_start3A_134] : memref<125x80xi32, #tpu.memory_space<vmem>> -> memref<1x80xi32, #tpu.memory_space<vmem>>
    %dma_start3A_136 = tpu.memref_squeeze %dma_start3A_135 : memref<1x80xi32, #tpu.memory_space<vmem>> -> memref<80xi32, #tpu.memory_space<vmem>>
    %dma_start3A_137 = arith.constant 0 : i32
    %dma_start3A_138 = arith.constant 0 : i32
    %dma_start3A_139 = tpu.memref_slice %arg9[%dma_start3A_137, %dma_start3A_138] : memref<10240x64xf32, #tpu.memory_space<vmem_shared>> -> memref<10240x64xf32, #tpu.memory_space<vmem_shared>>
    %dma_start3A_140 = tpu.memref_slice %arg11[%dma_start3A_129] : memref<5x!tpu.dma_semaphore, #tpu.memory_space<semaphore_mem>> -> memref<1x!tpu.dma_semaphore, #tpu.memory_space<semaphore_mem>>
    %dma_start3A_141 = tpu.memref_squeeze %dma_start3A_140 : memref<1x!tpu.dma_semaphore, #tpu.memory_space<semaphore_mem>> -> memref<!tpu.dma_semaphore, #tpu.memory_space<semaphore_mem>>
    tpu.enqueue_indirect_dma source(%dma_start3A_133 : memref<80x64xf32, #tpu.memory_space<vmem>>) target(%dma_start3A_139 : memref<10240x64xf32, #tpu.memory_space<vmem_shared>>) offsets(%dma_start3A_136 : memref<80xi32, #tpu.memory_space<vmem>>) semaphore(%dma_start3A_141 : memref<!tpu.dma_semaphore, #tpu.memory_space<semaphore_mem>>) {add = true}
    %dma_wait3A_142 = arith.constant 1 : i32
    %dma_wait3A_143 = arith.constant 1 : i32
    %dma_wait3A_144 = arith.constant 0 : i32
    %dma_wait3A_145 = arith.constant 0 : i32
    %dma_wait3A_146 = tpu.memref_slice %arg7[%dma_wait3A_142, %dma_wait3A_144, %dma_wait3A_145] : memref<5x80x64xf32, #tpu.memory_space<vmem>> -> memref<1x80x64xf32, #tpu.memory_space<vmem>>
    %dma_wait3A_147 = tpu.memref_squeeze %dma_wait3A_146 : memref<1x80x64xf32, #tpu.memory_space<vmem>> -> memref<80x64xf32, #tpu.memory_space<vmem>>
    %dma_wait3A_148 = arith.constant 0 : i32
    %dma_wait3A_149 = arith.constant 0 : i32
    %dma_wait3A_150 = tpu.memref_slice %arg2[%dma_wait3A_148, %dma_wait3A_149] : memref<10000x64xf32, #tpu.memory_space<hbm>> -> memref<80x64xf32, #tpu.memory_space<hbm>>
    %dma_wait3A_151 = tpu.memref_slice %arg10[%dma_wait3A_143] : memref<5x!tpu.dma_semaphore, #tpu.memory_space<semaphore_mem>> -> memref<1x!tpu.dma_semaphore, #tpu.memory_space<semaphore_mem>>
    %dma_wait3A_152 = tpu.memref_squeeze %dma_wait3A_151 : memref<1x!tpu.dma_semaphore, #tpu.memory_space<semaphore_mem>> -> memref<!tpu.dma_semaphore, #tpu.memory_space<semaphore_mem>>
    %dma_wait3A_153 = arith.constant 0 : i32
    %dma_wait3A_154 = arith.constant 0 : i32
    %dma_wait3A_155 = tpu.memref_slice %arg7[%dma_wait3A_142, %dma_wait3A_153, %dma_wait3A_154] : memref<5x80x64xf32, #tpu.memory_space<vmem>> -> memref<1x80x64xf32, #tpu.memory_space<vmem>>
    %dma_wait3A_156 = tpu.memref_squeeze %dma_wait3A_155 : memref<1x80x64xf32, #tpu.memory_space<vmem>> -> memref<80x64xf32, #tpu.memory_space<vmem>>
    %dma_wait3A_157 = arith.constant 0 : i32
    %dma_wait3A_158 = arith.constant 0 : i32
    %dma_wait3A_159 = tpu.memref_slice %arg2[%dma_wait3A_157, %dma_wait3A_158] : memref<10000x64xf32, #tpu.memory_space<hbm>> -> memref<80x64xf32, #tpu.memory_space<hbm>>
    tpu.wait_dma2 semaphore(%dma_wait3A_152 : memref<!tpu.dma_semaphore, #tpu.memory_space<semaphore_mem>>) src(%dma_wait3A_159 : memref<80x64xf32, #tpu.memory_space<hbm>>) dst(%dma_wait3A_156 : memref<80x64xf32, #tpu.memory_space<vmem>>)
    %dma_start3A_160 = arith.constant 1 : i32
    %dma_start3A_161 = arith.constant 121 : i32
    %dma_start3A_162 = arith.constant 1 : i32
    %dma_start3A_163 = arith.constant 0 : i32
    %dma_start3A_164 = arith.constant 0 : i32
    %dma_start3A_165 = tpu.memref_slice %arg7[%dma_start3A_160, %dma_start3A_163, %dma_start3A_164] : memref<5x80x64xf32, #tpu.memory_space<vmem>> -> memref<1x80x64xf32, #tpu.memory_space<vmem>>
    %dma_start3A_166 = tpu.memref_squeeze %dma_start3A_165 : memref<1x80x64xf32, #tpu.memory_space<vmem>> -> memref<80x64xf32, #tpu.memory_space<vmem>>
    %dma_start3A_167 = arith.constant 0 : i32
    %dma_start3A_168 = tpu.memref_slice %arg6[%dma_start3A_161, %dma_start3A_167] : memref<125x80xi32, #tpu.memory_space<vmem>> -> memref<1x80xi32, #tpu.memory_space<vmem>>
    %dma_start3A_169 = tpu.memref_squeeze %dma_start3A_168 : memref<1x80xi32, #tpu.memory_space<vmem>> -> memref<80xi32, #tpu.memory_space<vmem>>
    %dma_start3A_170 = arith.constant 0 : i32
    %dma_start3A_171 = arith.constant 0 : i32
    %dma_start3A_172 = tpu.memref_slice %arg9[%dma_start3A_170, %dma_start3A_171] : memref<10240x64xf32, #tpu.memory_space<vmem_shared>> -> memref<10240x64xf32, #tpu.memory_space<vmem_shared>>
    %dma_start3A_173 = tpu.memref_slice %arg11[%dma_start3A_162] : memref<5x!tpu.dma_semaphore, #tpu.memory_space<semaphore_mem>> -> memref<1x!tpu.dma_semaphore, #tpu.memory_space<semaphore_mem>>
    %dma_start3A_174 = tpu.memref_squeeze %dma_start3A_173 : memref<1x!tpu.dma_semaphore, #tpu.memory_space<semaphore_mem>> -> memref<!tpu.dma_semaphore, #tpu.memory_space<semaphore_mem>>
    tpu.enqueue_indirect_dma source(%dma_start3A_166 : memref<80x64xf32, #tpu.memory_space<vmem>>) target(%dma_start3A_172 : memref<10240x64xf32, #tpu.memory_space<vmem_shared>>) offsets(%dma_start3A_169 : memref<80xi32, #tpu.memory_space<vmem>>) semaphore(%dma_start3A_174 : memref<!tpu.dma_semaphore, #tpu.memory_space<semaphore_mem>>) {add = true}
    %dma_wait3A_175 = arith.constant 2 : i32
    %dma_wait3A_176 = arith.constant 2 : i32
    %dma_wait3A_177 = arith.constant 0 : i32
    %dma_wait3A_178 = arith.constant 0 : i32
    %dma_wait3A_179 = tpu.memref_slice %arg7[%dma_wait3A_175, %dma_wait3A_177, %dma_wait3A_178] : memref<5x80x64xf32, #tpu.memory_space<vmem>> -> memref<1x80x64xf32, #tpu.memory_space<vmem>>
    %dma_wait3A_180 = tpu.memref_squeeze %dma_wait3A_179 : memref<1x80x64xf32, #tpu.memory_space<vmem>> -> memref<80x64xf32, #tpu.memory_space<vmem>>
    %dma_wait3A_181 = arith.constant 0 : i32
    %dma_wait3A_182 = arith.constant 0 : i32
    %dma_wait3A_183 = tpu.memref_slice %arg2[%dma_wait3A_181, %dma_wait3A_182] : memref<10000x64xf32, #tpu.memory_space<hbm>> -> memref<80x64xf32, #tpu.memory_space<hbm>>
    %dma_wait3A_184 = tpu.memref_slice %arg10[%dma_wait3A_176] : memref<5x!tpu.dma_semaphore, #tpu.memory_space<semaphore_mem>> -> memref<1x!tpu.dma_semaphore, #tpu.memory_space<semaphore_mem>>
    %dma_wait3A_185 = tpu.memref_squeeze %dma_wait3A_184 : memref<1x!tpu.dma_semaphore, #tpu.memory_space<semaphore_mem>> -> memref<!tpu.dma_semaphore, #tpu.memory_space<semaphore_mem>>
    %dma_wait3A_186 = arith.constant 0 : i32
    %dma_wait3A_187 = arith.constant 0 : i32
    %dma_wait3A_188 = tpu.memref_slice %arg7[%dma_wait3A_175, %dma_wait3A_186, %dma_wait3A_187] : memref<5x80x64xf32, #tpu.memory_space<vmem>> -> memref<1x80x64xf32, #tpu.memory_space<vmem>>
    %dma_wait3A_189 = tpu.memref_squeeze %dma_wait3A_188 : memref<1x80x64xf32, #tpu.memory_space<vmem>> -> memref<80x64xf32, #tpu.memory_space<vmem>>
    %dma_wait3A_190 = arith.constant 0 : i32
    %dma_wait3A_191 = arith.constant 0 : i32
    %dma_wait3A_192 = tpu.memref_slice %arg2[%dma_wait3A_190, %dma_wait3A_191] : memref<10000x64xf32, #tpu.memory_space<hbm>> -> memref<80x64xf32, #tpu.memory_space<hbm>>
    tpu.wait_dma2 semaphore(%dma_wait3A_185 : memref<!tpu.dma_semaphore, #tpu.memory_space<semaphore_mem>>) src(%dma_wait3A_192 : memref<80x64xf32, #tpu.memory_space<hbm>>) dst(%dma_wait3A_189 : memref<80x64xf32, #tpu.memory_space<vmem>>)
    %dma_start3A_193 = arith.constant 2 : i32
    %dma_start3A_194 = arith.constant 122 : i32
    %dma_start3A_195 = arith.constant 2 : i32
    %dma_start3A_196 = arith.constant 0 : i32
    %dma_start3A_197 = arith.constant 0 : i32
    %dma_start3A_198 = tpu.memref_slice %arg7[%dma_start3A_193, %dma_start3A_196, %dma_start3A_197] : memref<5x80x64xf32, #tpu.memory_space<vmem>> -> memref<1x80x64xf32, #tpu.memory_space<vmem>>
    %dma_start3A_199 = tpu.memref_squeeze %dma_start3A_198 : memref<1x80x64xf32, #tpu.memory_space<vmem>> -> memref<80x64xf32, #tpu.memory_space<vmem>>
    %dma_start3A_200 = arith.constant 0 : i32
    %dma_start3A_201 = tpu.memref_slice %arg6[%dma_start3A_194, %dma_start3A_200] : memref<125x80xi32, #tpu.memory_space<vmem>> -> memref<1x80xi32, #tpu.memory_space<vmem>>
    %dma_start3A_202 = tpu.memref_squeeze %dma_start3A_201 : memref<1x80xi32, #tpu.memory_space<vmem>> -> memref<80xi32, #tpu.memory_space<vmem>>
    %dma_start3A_203 = arith.constant 0 : i32
    %dma_start3A_204 = arith.constant 0 : i32
    %dma_start3A_205 = tpu.memref_slice %arg9[%dma_start3A_203, %dma_start3A_204] : memref<10240x64xf32, #tpu.memory_space<vmem_shared>> -> memref<10240x64xf32, #tpu.memory_space<vmem_shared>>
    %dma_start3A_206 = tpu.memref_slice %arg11[%dma_start3A_195] : memref<5x!tpu.dma_semaphore, #tpu.memory_space<semaphore_mem>> -> memref<1x!tpu.dma_semaphore, #tpu.memory_space<semaphore_mem>>
    %dma_start3A_207 = tpu.memref_squeeze %dma_start3A_206 : memref<1x!tpu.dma_semaphore, #tpu.memory_space<semaphore_mem>> -> memref<!tpu.dma_semaphore, #tpu.memory_space<semaphore_mem>>
    tpu.enqueue_indirect_dma source(%dma_start3A_199 : memref<80x64xf32, #tpu.memory_space<vmem>>) target(%dma_start3A_205 : memref<10240x64xf32, #tpu.memory_space<vmem_shared>>) offsets(%dma_start3A_202 : memref<80xi32, #tpu.memory_space<vmem>>) semaphore(%dma_start3A_207 : memref<!tpu.dma_semaphore, #tpu.memory_space<semaphore_mem>>) {add = true}
    %dma_wait3A_208 = arith.constant 3 : i32
    %dma_wait3A_209 = arith.constant 3 : i32
    %dma_wait3A_210 = arith.constant 0 : i32
    %dma_wait3A_211 = arith.constant 0 : i32
    %dma_wait3A_212 = tpu.memref_slice %arg7[%dma_wait3A_208, %dma_wait3A_210, %dma_wait3A_211] : memref<5x80x64xf32, #tpu.memory_space<vmem>> -> memref<1x80x64xf32, #tpu.memory_space<vmem>>
    %dma_wait3A_213 = tpu.memref_squeeze %dma_wait3A_212 : memref<1x80x64xf32, #tpu.memory_space<vmem>> -> memref<80x64xf32, #tpu.memory_space<vmem>>
    %dma_wait3A_214 = arith.constant 0 : i32
    %dma_wait3A_215 = arith.constant 0 : i32
    %dma_wait3A_216 = tpu.memref_slice %arg2[%dma_wait3A_214, %dma_wait3A_215] : memref<10000x64xf32, #tpu.memory_space<hbm>> -> memref<80x64xf32, #tpu.memory_space<hbm>>
    %dma_wait3A_217 = tpu.memref_slice %arg10[%dma_wait3A_209] : memref<5x!tpu.dma_semaphore, #tpu.memory_space<semaphore_mem>> -> memref<1x!tpu.dma_semaphore, #tpu.memory_space<semaphore_mem>>
    %dma_wait3A_218 = tpu.memref_squeeze %dma_wait3A_217 : memref<1x!tpu.dma_semaphore, #tpu.memory_space<semaphore_mem>> -> memref<!tpu.dma_semaphore, #tpu.memory_space<semaphore_mem>>
    %dma_wait3A_219 = arith.constant 0 : i32
    %dma_wait3A_220 = arith.constant 0 : i32
    %dma_wait3A_221 = tpu.memref_slice %arg7[%dma_wait3A_208, %dma_wait3A_219, %dma_wait3A_220] : memref<5x80x64xf32, #tpu.memory_space<vmem>> -> memref<1x80x64xf32, #tpu.memory_space<vmem>>
    %dma_wait3A_222 = tpu.memref_squeeze %dma_wait3A_221 : memref<1x80x64xf32, #tpu.memory_space<vmem>> -> memref<80x64xf32, #tpu.memory_space<vmem>>
    %dma_wait3A_223 = arith.constant 0 : i32
    %dma_wait3A_224 = arith.constant 0 : i32
    %dma_wait3A_225 = tpu.memref_slice %arg2[%dma_wait3A_223, %dma_wait3A_224] : memref<10000x64xf32, #tpu.memory_space<hbm>> -> memref<80x64xf32, #tpu.memory_space<hbm>>
    tpu.wait_dma2 semaphore(%dma_wait3A_218 : memref<!tpu.dma_semaphore, #tpu.memory_space<semaphore_mem>>) src(%dma_wait3A_225 : memref<80x64xf32, #tpu.memory_space<hbm>>) dst(%dma_wait3A_222 : memref<80x64xf32, #tpu.memory_space<vmem>>)
    %dma_start3A_226 = arith.constant 3 : i32
    %dma_start3A_227 = arith.constant 123 : i32
    %dma_start3A_228 = arith.constant 3 : i32
    %dma_start3A_229 = arith.constant 0 : i32
    %dma_start3A_230 = arith.constant 0 : i32
    %dma_start3A_231 = tpu.memref_slice %arg7[%dma_start3A_226, %dma_start3A_229, %dma_start3A_230] : memref<5x80x64xf32, #tpu.memory_space<vmem>> -> memref<1x80x64xf32, #tpu.memory_space<vmem>>
    %dma_start3A_232 = tpu.memref_squeeze %dma_start3A_231 : memref<1x80x64xf32, #tpu.memory_space<vmem>> -> memref<80x64xf32, #tpu.memory_space<vmem>>
    %dma_start3A_233 = arith.constant 0 : i32
    %dma_start3A_234 = tpu.memref_slice %arg6[%dma_start3A_227, %dma_start3A_233] : memref<125x80xi32, #tpu.memory_space<vmem>> -> memref<1x80xi32, #tpu.memory_space<vmem>>
    %dma_start3A_235 = tpu.memref_squeeze %dma_start3A_234 : memref<1x80xi32, #tpu.memory_space<vmem>> -> memref<80xi32, #tpu.memory_space<vmem>>
    %dma_start3A_236 = arith.constant 0 : i32
    %dma_start3A_237 = arith.constant 0 : i32
    %dma_start3A_238 = tpu.memref_slice %arg9[%dma_start3A_236, %dma_start3A_237] : memref<10240x64xf32, #tpu.memory_space<vmem_shared>> -> memref<10240x64xf32, #tpu.memory_space<vmem_shared>>
    %dma_start3A_239 = tpu.memref_slice %arg11[%dma_start3A_228] : memref<5x!tpu.dma_semaphore, #tpu.memory_space<semaphore_mem>> -> memref<1x!tpu.dma_semaphore, #tpu.memory_space<semaphore_mem>>
    %dma_start3A_240 = tpu.memref_squeeze %dma_start3A_239 : memref<1x!tpu.dma_semaphore, #tpu.memory_space<semaphore_mem>> -> memref<!tpu.dma_semaphore, #tpu.memory_space<semaphore_mem>>
    tpu.enqueue_indirect_dma source(%dma_start3A_232 : memref<80x64xf32, #tpu.memory_space<vmem>>) target(%dma_start3A_238 : memref<10240x64xf32, #tpu.memory_space<vmem_shared>>) offsets(%dma_start3A_235 : memref<80xi32, #tpu.memory_space<vmem>>) semaphore(%dma_start3A_240 : memref<!tpu.dma_semaphore, #tpu.memory_space<semaphore_mem>>) {add = true}
    %dma_wait3A_241 = arith.constant 4 : i32
    %dma_wait3A_242 = arith.constant 4 : i32
    %dma_wait3A_243 = arith.constant 0 : i32
    %dma_wait3A_244 = arith.constant 0 : i32
    %dma_wait3A_245 = tpu.memref_slice %arg7[%dma_wait3A_241, %dma_wait3A_243, %dma_wait3A_244] : memref<5x80x64xf32, #tpu.memory_space<vmem>> -> memref<1x80x64xf32, #tpu.memory_space<vmem>>
    %dma_wait3A_246 = tpu.memref_squeeze %dma_wait3A_245 : memref<1x80x64xf32, #tpu.memory_space<vmem>> -> memref<80x64xf32, #tpu.memory_space<vmem>>
    %dma_wait3A_247 = arith.constant 0 : i32
    %dma_wait3A_248 = arith.constant 0 : i32
    %dma_wait3A_249 = tpu.memref_slice %arg2[%dma_wait3A_247, %dma_wait3A_248] : memref<10000x64xf32, #tpu.memory_space<hbm>> -> memref<80x64xf32, #tpu.memory_space<hbm>>
    %dma_wait3A_250 = tpu.memref_slice %arg10[%dma_wait3A_242] : memref<5x!tpu.dma_semaphore, #tpu.memory_space<semaphore_mem>> -> memref<1x!tpu.dma_semaphore, #tpu.memory_space<semaphore_mem>>
    %dma_wait3A_251 = tpu.memref_squeeze %dma_wait3A_250 : memref<1x!tpu.dma_semaphore, #tpu.memory_space<semaphore_mem>> -> memref<!tpu.dma_semaphore, #tpu.memory_space<semaphore_mem>>
    %dma_wait3A_252 = arith.constant 0 : i32
    %dma_wait3A_253 = arith.constant 0 : i32
    %dma_wait3A_254 = tpu.memref_slice %arg7[%dma_wait3A_241, %dma_wait3A_252, %dma_wait3A_253] : memref<5x80x64xf32, #tpu.memory_space<vmem>> -> memref<1x80x64xf32, #tpu.memory_space<vmem>>
    %dma_wait3A_255 = tpu.memref_squeeze %dma_wait3A_254 : memref<1x80x64xf32, #tpu.memory_space<vmem>> -> memref<80x64xf32, #tpu.memory_space<vmem>>
    %dma_wait3A_256 = arith.constant 0 : i32
    %dma_wait3A_257 = arith.constant 0 : i32
    %dma_wait3A_258 = tpu.memref_slice %arg2[%dma_wait3A_256, %dma_wait3A_257] : memref<10000x64xf32, #tpu.memory_space<hbm>> -> memref<80x64xf32, #tpu.memory_space<hbm>>
    tpu.wait_dma2 semaphore(%dma_wait3A_251 : memref<!tpu.dma_semaphore, #tpu.memory_space<semaphore_mem>>) src(%dma_wait3A_258 : memref<80x64xf32, #tpu.memory_space<hbm>>) dst(%dma_wait3A_255 : memref<80x64xf32, #tpu.memory_space<vmem>>)
    %dma_start3A_259 = arith.constant 4 : i32
    %dma_start3A_260 = arith.constant 124 : i32
    %dma_start3A_261 = arith.constant 4 : i32
    %dma_start3A_262 = arith.constant 0 : i32
    %dma_start3A_263 = arith.constant 0 : i32
    %dma_start3A_264 = tpu.memref_slice %arg7[%dma_start3A_259, %dma_start3A_262, %dma_start3A_263] : memref<5x80x64xf32, #tpu.memory_space<vmem>> -> memref<1x80x64xf32, #tpu.memory_space<vmem>>
    %dma_start3A_265 = tpu.memref_squeeze %dma_start3A_264 : memref<1x80x64xf32, #tpu.memory_space<vmem>> -> memref<80x64xf32, #tpu.memory_space<vmem>>
    %dma_start3A_266 = arith.constant 0 : i32
    %dma_start3A_267 = tpu.memref_slice %arg6[%dma_start3A_260, %dma_start3A_266] : memref<125x80xi32, #tpu.memory_space<vmem>> -> memref<1x80xi32, #tpu.memory_space<vmem>>
    %dma_start3A_268 = tpu.memref_squeeze %dma_start3A_267 : memref<1x80xi32, #tpu.memory_space<vmem>> -> memref<80xi32, #tpu.memory_space<vmem>>
    %dma_start3A_269 = arith.constant 0 : i32
    %dma_start3A_270 = arith.constant 0 : i32
    %dma_start3A_271 = tpu.memref_slice %arg9[%dma_start3A_269, %dma_start3A_270] : memref<10240x64xf32, #tpu.memory_space<vmem_shared>> -> memref<10240x64xf32, #tpu.memory_space<vmem_shared>>
    %dma_start3A_272 = tpu.memref_slice %arg11[%dma_start3A_261] : memref<5x!tpu.dma_semaphore, #tpu.memory_space<semaphore_mem>> -> memref<1x!tpu.dma_semaphore, #tpu.memory_space<semaphore_mem>>
    %dma_start3A_273 = tpu.memref_squeeze %dma_start3A_272 : memref<1x!tpu.dma_semaphore, #tpu.memory_space<semaphore_mem>> -> memref<!tpu.dma_semaphore, #tpu.memory_space<semaphore_mem>>
    tpu.enqueue_indirect_dma source(%dma_start3A_265 : memref<80x64xf32, #tpu.memory_space<vmem>>) target(%dma_start3A_271 : memref<10240x64xf32, #tpu.memory_space<vmem_shared>>) offsets(%dma_start3A_268 : memref<80xi32, #tpu.memory_space<vmem>>) semaphore(%dma_start3A_273 : memref<!tpu.dma_semaphore, #tpu.memory_space<semaphore_mem>>) {add = true}
    %dma_wait3A_274 = arith.constant 0 : i32
    %dma_wait3A_275 = arith.constant 0 : i32
    %dma_wait3A_276 = arith.constant 0 : i32
    %dma_wait3A_277 = arith.constant 0 : i32
    %dma_wait3A_278 = tpu.memref_slice %arg7[%dma_wait3A_274, %dma_wait3A_276, %dma_wait3A_277] : memref<5x80x64xf32, #tpu.memory_space<vmem>> -> memref<1x80x64xf32, #tpu.memory_space<vmem>>
    %dma_wait3A_279 = tpu.memref_squeeze %dma_wait3A_278 : memref<1x80x64xf32, #tpu.memory_space<vmem>> -> memref<80x64xf32, #tpu.memory_space<vmem>>
    %dma_wait3A_280 = arith.constant 0 : i32
    %dma_wait3A_281 = arith.constant 0 : i32
    %dma_wait3A_282 = tpu.memref_slice %arg9[%dma_wait3A_280, %dma_wait3A_281] : memref<10240x64xf32, #tpu.memory_space<vmem_shared>> -> memref<80x64xf32, #tpu.memory_space<vmem_shared>>
    %dma_wait3A_283 = tpu.memref_slice %arg11[%dma_wait3A_275] : memref<5x!tpu.dma_semaphore, #tpu.memory_space<semaphore_mem>> -> memref<1x!tpu.dma_semaphore, #tpu.memory_space<semaphore_mem>>
    %dma_wait3A_284 = tpu.memref_squeeze %dma_wait3A_283 : memref<1x!tpu.dma_semaphore, #tpu.memory_space<semaphore_mem>> -> memref<!tpu.dma_semaphore, #tpu.memory_space<semaphore_mem>>
    %dma_wait3A_285 = arith.constant 0 : i32
    %dma_wait3A_286 = arith.constant 0 : i32
    %dma_wait3A_287 = tpu.memref_slice %arg9[%dma_wait3A_285, %dma_wait3A_286] : memref<10240x64xf32, #tpu.memory_space<vmem_shared>> -> memref<80x64xf32, #tpu.memory_space<vmem_shared>>
    %dma_wait3A_288 = arith.constant 0 : i32
    %dma_wait3A_289 = arith.constant 0 : i32
    %dma_wait3A_290 = tpu.memref_slice %arg7[%dma_wait3A_274, %dma_wait3A_288, %dma_wait3A_289] : memref<5x80x64xf32, #tpu.memory_space<vmem>> -> memref<1x80x64xf32, #tpu.memory_space<vmem>>
    %dma_wait3A_291 = tpu.memref_squeeze %dma_wait3A_290 : memref<1x80x64xf32, #tpu.memory_space<vmem>> -> memref<80x64xf32, #tpu.memory_space<vmem>>
    tpu.wait_dma2 semaphore(%dma_wait3A_284 : memref<!tpu.dma_semaphore, #tpu.memory_space<semaphore_mem>>) src(%dma_wait3A_291 : memref<80x64xf32, #tpu.memory_space<vmem>>) dst(%dma_wait3A_287 : memref<80x64xf32, #tpu.memory_space<vmem_shared>>)
    %dma_wait3A_292 = arith.constant 1 : i32
    %dma_wait3A_293 = arith.constant 1 : i32
    %dma_wait3A_294 = arith.constant 0 : i32
    %dma_wait3A_295 = arith.constant 0 : i32
    %dma_wait3A_296 = tpu.memref_slice %arg7[%dma_wait3A_292, %dma_wait3A_294, %dma_wait3A_295] : memref<5x80x64xf32, #tpu.memory_space<vmem>> -> memref<1x80x64xf32, #tpu.memory_space<vmem>>
    %dma_wait3A_297 = tpu.memref_squeeze %dma_wait3A_296 : memref<1x80x64xf32, #tpu.memory_space<vmem>> -> memref<80x64xf32, #tpu.memory_space<vmem>>
    %dma_wait3A_298 = arith.constant 0 : i32
    %dma_wait3A_299 = arith.constant 0 : i32
    %dma_wait3A_300 = tpu.memref_slice %arg9[%dma_wait3A_298, %dma_wait3A_299] : memref<10240x64xf32, #tpu.memory_space<vmem_shared>> -> memref<80x64xf32, #tpu.memory_space<vmem_shared>>
    %dma_wait3A_301 = tpu.memref_slice %arg11[%dma_wait3A_293] : memref<5x!tpu.dma_semaphore, #tpu.memory_space<semaphore_mem>> -> memref<1x!tpu.dma_semaphore, #tpu.memory_space<semaphore_mem>>
    %dma_wait3A_302 = tpu.memref_squeeze %dma_wait3A_301 : memref<1x!tpu.dma_semaphore, #tpu.memory_space<semaphore_mem>> -> memref<!tpu.dma_semaphore, #tpu.memory_space<semaphore_mem>>
    %dma_wait3A_303 = arith.constant 0 : i32
    %dma_wait3A_304 = arith.constant 0 : i32
    %dma_wait3A_305 = tpu.memref_slice %arg9[%dma_wait3A_303, %dma_wait3A_304] : memref<10240x64xf32, #tpu.memory_space<vmem_shared>> -> memref<80x64xf32, #tpu.memory_space<vmem_shared>>
    %dma_wait3A_306 = arith.constant 0 : i32
    %dma_wait3A_307 = arith.constant 0 : i32
    %dma_wait3A_308 = tpu.memref_slice %arg7[%dma_wait3A_292, %dma_wait3A_306, %dma_wait3A_307] : memref<5x80x64xf32, #tpu.memory_space<vmem>> -> memref<1x80x64xf32, #tpu.memory_space<vmem>>
    %dma_wait3A_309 = tpu.memref_squeeze %dma_wait3A_308 : memref<1x80x64xf32, #tpu.memory_space<vmem>> -> memref<80x64xf32, #tpu.memory_space<vmem>>
    tpu.wait_dma2 semaphore(%dma_wait3A_302 : memref<!tpu.dma_semaphore, #tpu.memory_space<semaphore_mem>>) src(%dma_wait3A_309 : memref<80x64xf32, #tpu.memory_space<vmem>>) dst(%dma_wait3A_305 : memref<80x64xf32, #tpu.memory_space<vmem_shared>>)
    %dma_wait3A_310 = arith.constant 2 : i32
    %dma_wait3A_311 = arith.constant 2 : i32
    %dma_wait3A_312 = arith.constant 0 : i32
    %dma_wait3A_313 = arith.constant 0 : i32
    %dma_wait3A_314 = tpu.memref_slice %arg7[%dma_wait3A_310, %dma_wait3A_312, %dma_wait3A_313] : memref<5x80x64xf32, #tpu.memory_space<vmem>> -> memref<1x80x64xf32, #tpu.memory_space<vmem>>
    %dma_wait3A_315 = tpu.memref_squeeze %dma_wait3A_314 : memref<1x80x64xf32, #tpu.memory_space<vmem>> -> memref<80x64xf32, #tpu.memory_space<vmem>>
    %dma_wait3A_316 = arith.constant 0 : i32
    %dma_wait3A_317 = arith.constant 0 : i32
    %dma_wait3A_318 = tpu.memref_slice %arg9[%dma_wait3A_316, %dma_wait3A_317] : memref<10240x64xf32, #tpu.memory_space<vmem_shared>> -> memref<80x64xf32, #tpu.memory_space<vmem_shared>>
    %dma_wait3A_319 = tpu.memref_slice %arg11[%dma_wait3A_311] : memref<5x!tpu.dma_semaphore, #tpu.memory_space<semaphore_mem>> -> memref<1x!tpu.dma_semaphore, #tpu.memory_space<semaphore_mem>>
    %dma_wait3A_320 = tpu.memref_squeeze %dma_wait3A_319 : memref<1x!tpu.dma_semaphore, #tpu.memory_space<semaphore_mem>> -> memref<!tpu.dma_semaphore, #tpu.memory_space<semaphore_mem>>
    %dma_wait3A_321 = arith.constant 0 : i32
    %dma_wait3A_322 = arith.constant 0 : i32
    %dma_wait3A_323 = tpu.memref_slice %arg9[%dma_wait3A_321, %dma_wait3A_322] : memref<10240x64xf32, #tpu.memory_space<vmem_shared>> -> memref<80x64xf32, #tpu.memory_space<vmem_shared>>
    %dma_wait3A_324 = arith.constant 0 : i32
    %dma_wait3A_325 = arith.constant 0 : i32
    %dma_wait3A_326 = tpu.memref_slice %arg7[%dma_wait3A_310, %dma_wait3A_324, %dma_wait3A_325] : memref<5x80x64xf32, #tpu.memory_space<vmem>> -> memref<1x80x64xf32, #tpu.memory_space<vmem>>
    %dma_wait3A_327 = tpu.memref_squeeze %dma_wait3A_326 : memref<1x80x64xf32, #tpu.memory_space<vmem>> -> memref<80x64xf32, #tpu.memory_space<vmem>>
    tpu.wait_dma2 semaphore(%dma_wait3A_320 : memref<!tpu.dma_semaphore, #tpu.memory_space<semaphore_mem>>) src(%dma_wait3A_327 : memref<80x64xf32, #tpu.memory_space<vmem>>) dst(%dma_wait3A_323 : memref<80x64xf32, #tpu.memory_space<vmem_shared>>)
    %dma_wait3A_328 = arith.constant 3 : i32
    %dma_wait3A_329 = arith.constant 3 : i32
    %dma_wait3A_330 = arith.constant 0 : i32
    %dma_wait3A_331 = arith.constant 0 : i32
    %dma_wait3A_332 = tpu.memref_slice %arg7[%dma_wait3A_328, %dma_wait3A_330, %dma_wait3A_331] : memref<5x80x64xf32, #tpu.memory_space<vmem>> -> memref<1x80x64xf32, #tpu.memory_space<vmem>>
    %dma_wait3A_333 = tpu.memref_squeeze %dma_wait3A_332 : memref<1x80x64xf32, #tpu.memory_space<vmem>> -> memref<80x64xf32, #tpu.memory_space<vmem>>
    %dma_wait3A_334 = arith.constant 0 : i32
    %dma_wait3A_335 = arith.constant 0 : i32
    %dma_wait3A_336 = tpu.memref_slice %arg9[%dma_wait3A_334, %dma_wait3A_335] : memref<10240x64xf32, #tpu.memory_space<vmem_shared>> -> memref<80x64xf32, #tpu.memory_space<vmem_shared>>
    %dma_wait3A_337 = tpu.memref_slice %arg11[%dma_wait3A_329] : memref<5x!tpu.dma_semaphore, #tpu.memory_space<semaphore_mem>> -> memref<1x!tpu.dma_semaphore, #tpu.memory_space<semaphore_mem>>
    %dma_wait3A_338 = tpu.memref_squeeze %dma_wait3A_337 : memref<1x!tpu.dma_semaphore, #tpu.memory_space<semaphore_mem>> -> memref<!tpu.dma_semaphore, #tpu.memory_space<semaphore_mem>>
    %dma_wait3A_339 = arith.constant 0 : i32
    %dma_wait3A_340 = arith.constant 0 : i32
    %dma_wait3A_341 = tpu.memref_slice %arg9[%dma_wait3A_339, %dma_wait3A_340] : memref<10240x64xf32, #tpu.memory_space<vmem_shared>> -> memref<80x64xf32, #tpu.memory_space<vmem_shared>>
    %dma_wait3A_342 = arith.constant 0 : i32
    %dma_wait3A_343 = arith.constant 0 : i32
    %dma_wait3A_344 = tpu.memref_slice %arg7[%dma_wait3A_328, %dma_wait3A_342, %dma_wait3A_343] : memref<5x80x64xf32, #tpu.memory_space<vmem>> -> memref<1x80x64xf32, #tpu.memory_space<vmem>>
    %dma_wait3A_345 = tpu.memref_squeeze %dma_wait3A_344 : memref<1x80x64xf32, #tpu.memory_space<vmem>> -> memref<80x64xf32, #tpu.memory_space<vmem>>
    tpu.wait_dma2 semaphore(%dma_wait3A_338 : memref<!tpu.dma_semaphore, #tpu.memory_space<semaphore_mem>>) src(%dma_wait3A_345 : memref<80x64xf32, #tpu.memory_space<vmem>>) dst(%dma_wait3A_341 : memref<80x64xf32, #tpu.memory_space<vmem_shared>>)
    %dma_wait3A_346 = arith.constant 4 : i32
    %dma_wait3A_347 = arith.constant 4 : i32
    %dma_wait3A_348 = arith.constant 0 : i32
    %dma_wait3A_349 = arith.constant 0 : i32
    %dma_wait3A_350 = tpu.memref_slice %arg7[%dma_wait3A_346, %dma_wait3A_348, %dma_wait3A_349] : memref<5x80x64xf32, #tpu.memory_space<vmem>> -> memref<1x80x64xf32, #tpu.memory_space<vmem>>
    %dma_wait3A_351 = tpu.memref_squeeze %dma_wait3A_350 : memref<1x80x64xf32, #tpu.memory_space<vmem>> -> memref<80x64xf32, #tpu.memory_space<vmem>>
    %dma_wait3A_352 = arith.constant 0 : i32
    %dma_wait3A_353 = arith.constant 0 : i32
    %dma_wait3A_354 = tpu.memref_slice %arg9[%dma_wait3A_352, %dma_wait3A_353] : memref<10240x64xf32, #tpu.memory_space<vmem_shared>> -> memref<80x64xf32, #tpu.memory_space<vmem_shared>>
    %dma_wait3A_355 = tpu.memref_slice %arg11[%dma_wait3A_347] : memref<5x!tpu.dma_semaphore, #tpu.memory_space<semaphore_mem>> -> memref<1x!tpu.dma_semaphore, #tpu.memory_space<semaphore_mem>>
    %dma_wait3A_356 = tpu.memref_squeeze %dma_wait3A_355 : memref<1x!tpu.dma_semaphore, #tpu.memory_space<semaphore_mem>> -> memref<!tpu.dma_semaphore, #tpu.memory_space<semaphore_mem>>
    %dma_wait3A_357 = arith.constant 0 : i32
    %dma_wait3A_358 = arith.constant 0 : i32
    %dma_wait3A_359 = tpu.memref_slice %arg9[%dma_wait3A_357, %dma_wait3A_358] : memref<10240x64xf32, #tpu.memory_space<vmem_shared>> -> memref<80x64xf32, #tpu.memory_space<vmem_shared>>
    %dma_wait3A_360 = arith.constant 0 : i32
    %dma_wait3A_361 = arith.constant 0 : i32
    %dma_wait3A_362 = tpu.memref_slice %arg7[%dma_wait3A_346, %dma_wait3A_360, %dma_wait3A_361] : memref<5x80x64xf32, #tpu.memory_space<vmem>> -> memref<1x80x64xf32, #tpu.memory_space<vmem>>
    %dma_wait3A_363 = tpu.memref_squeeze %dma_wait3A_362 : memref<1x80x64xf32, #tpu.memory_space<vmem>> -> memref<80x64xf32, #tpu.memory_space<vmem>>
    tpu.wait_dma2 semaphore(%dma_wait3A_356 : memref<!tpu.dma_semaphore, #tpu.memory_space<semaphore_mem>>) src(%dma_wait3A_363 : memref<80x64xf32, #tpu.memory_space<vmem>>) dst(%dma_wait3A_359 : memref<80x64xf32, #tpu.memory_space<vmem_shared>>)
    %barrier3A_364 = arith.constant 0 : index
    tpu.barrier barrier_id(%barrier3A_364)
    %mul3A_365 = arith.constant 640 : i32
    %mul3A_366 = arith.muli %arg1, %mul3A_365 : i32
    %mul3A_367 = arith.constant 640 : i32
    %mul3A_368 = arith.muli %arg1, %mul3A_367 : i32
    "tpu.region"() ({
      %run_scoped3A_369 = tpu.sem_alloc : memref<!tpu.dma_semaphore, #tpu.memory_space<semaphore_mem>>
      %dma_start3A_370 = arith.constant 0 : i32
      %dma_start3A_371 = tpu.memref_slice %arg4[%arg0, %mul3A_368, %dma_start3A_370] : memref<2x10240x64xf32, #tpu.memory_space<hbm>> -> memref<1x640x64xf32, #tpu.memory_space<hbm>>
      %dma_start3A_372 = tpu.memref_squeeze %dma_start3A_371 : memref<1x640x64xf32, #tpu.memory_space<hbm>> -> memref<640x64xf32, #tpu.memory_space<hbm>>
      %dma_start3A_373 = arith.constant 0 : i32
      %dma_start3A_374 = tpu.memref_slice %arg9[%mul3A_366, %dma_start3A_373] : memref<10240x64xf32, #tpu.memory_space<vmem_shared>> -> memref<640x64xf32, #tpu.memory_space<vmem_shared>>
      tpu.enqueue_dma source(%dma_start3A_374 : memref<640x64xf32, #tpu.memory_space<vmem_shared>>) target(%dma_start3A_372 : memref<640x64xf32, #tpu.memory_space<hbm>>) target_semaphore(%run_scoped3A_369 : memref<!tpu.dma_semaphore, #tpu.memory_space<semaphore_mem>>)
      %dma_wait3A_375 = arith.constant 0 : i32
      %dma_wait3A_376 = tpu.memref_slice %arg4[%arg0, %mul3A_368, %dma_wait3A_375] : memref<2x10240x64xf32, #tpu.memory_space<hbm>> -> memref<1x640x64xf32, #tpu.memory_space<hbm>>
      %dma_wait3A_377 = tpu.memref_squeeze %dma_wait3A_376 : memref<1x640x64xf32, #tpu.memory_space<hbm>> -> memref<640x64xf32, #tpu.memory_space<hbm>>
      %dma_wait3A_378 = arith.constant 0 : i32
      %dma_wait3A_379 = tpu.memref_slice %arg9[%mul3A_366, %dma_wait3A_378] : memref<10240x64xf32, #tpu.memory_space<vmem_shared>> -> memref<640x64xf32, #tpu.memory_space<vmem_shared>>
      tpu.wait_dma2 semaphore(%run_scoped3A_369 : memref<!tpu.dma_semaphore, #tpu.memory_space<semaphore_mem>>) src(%dma_wait3A_379 : memref<640x64xf32, #tpu.memory_space<vmem_shared>>) dst(%dma_wait3A_377 : memref<640x64xf32, #tpu.memory_space<hbm>>)
      tpu.yield
    }) : () -> ()
    return
  }
}

module attributes {stable_mosaic.version = 14 : i64} {
  func.func @_stage_a1_body(%arg0: memref<10000x128xf32, #tpu.memory_space<vmem>>, %arg1: memref<128x64xf32, #tpu.memory_space<vmem>>, %arg2: memref<10000x64xf32, #tpu.memory_space<vmem>>) attributes {dimension_semantics = [], scalar_prefetch = 0 : i64, scratch_operands = 0 : i64, tpu.core_type = #tpu.core_type<tc>} {
    %get3A = arith.constant 0 : index
    %get3A_0 = arith.constant 0 : index
    %get3A_1 = vector.load %arg0[%get3A, %get3A_0] : memref<10000x128xf32, #tpu.memory_space<vmem>>, vector<10000x128xf32>
    %get3A_2 = arith.constant 0 : index
    %get3A_3 = arith.constant 0 : index
    %get3A_4 = vector.load %arg1[%get3A_2, %get3A_3] : memref<128x64xf32, #tpu.memory_space<vmem>>, vector<128x64xf32>
    %dot_general3A = arith.constant dense<0.000000e+00> : vector<10000x64xf32>
    %dot_general3A_5 = tpu.matmul %get3A_1, %get3A_4, %dot_general3A {dimension_numbers = #tpu.dot_dimension_numbers<[1], [0], [0], [1], [0, 0, 1, 1], [], []>, transpose_lhs_hint = false} : vector<10000x128xf32>, vector<128x64xf32>, vector<10000x64xf32> -> vector<10000x64xf32>
    %swap3A = arith.constant 0 : index
    %swap3A_6 = arith.constant 0 : index
    %swap3A_7 = vector.load %arg2[%swap3A, %swap3A_6] : memref<10000x64xf32, #tpu.memory_space<vmem>>, vector<10000x64xf32>
    tpu.vector_store %arg2[%swap3A, %swap3A_6], %dot_general3A_5 {strides = array<i32>} : memref<10000x64xf32, #tpu.memory_space<vmem>>, vector<10000x64xf32>,
    return
  }
}

module attributes {stable_mosaic.version = 14 : i64} {
  func.func @_stage_a2_body(%arg0: memref<2x10240xf32, #tpu.memory_space<vmem>>, %arg1: memref<10000x64xf32, #tpu.memory_space<vmem>>, %arg2: memref<10000x64xf32, #tpu.memory_space<vmem>>, %arg3: memref<10000x1xf32, #tpu.memory_space<vmem>>) attributes {dimension_semantics = [], scalar_prefetch = 0 : i64, scratch_operands = 0 : i64, tpu.core_type = #tpu.core_type<tc>} {
    %get3A = arith.constant 0 : index
    %get3A_0 = arith.constant 0 : index
    %get3A_1 = vector.load %arg0[%get3A, %get3A_0] : memref<2x10240xf32, #tpu.memory_space<vmem>>, vector<2x10240xf32>
    %transpose3A = tpu.transpose %get3A_1, [1, 0] : vector<2x10240xf32> -> vector<10240x2xf32>
    %slice3A = vector.extract_strided_slice %transpose3A {offsets = [0, 0], sizes = [10000, 2], strides = [1, 1]} : vector<10240x2xf32> to vector<10000x2xf32>
    %slice3A_2 = vector.extract_strided_slice %slice3A {offsets = [0, 0], sizes = [10000, 1], strides = [1, 1]} : vector<10000x2xf32> to vector<10000x1xf32>
    %slice3A_3 = vector.extract_strided_slice %slice3A {offsets = [0, 1], sizes = [10000, 1], strides = [1, 1]} : vector<10000x2xf32> to vector<10000x1xf32>
    %add3A = arith.addf %slice3A_2, %slice3A_3 : vector<10000x1xf32>
    %add3A_4 = arith.constant 1.000000e+00 : f32
    %add3A_5 = vector.broadcast %add3A_4 : f32 to vector<10000x1xf32>
    %add3A_6 = arith.addf %add3A, %add3A_5 : vector<10000x1xf32>
    %rsqrt3A = math.rsqrt %add3A_6 : vector<10000x1xf32>
    %get3A_7 = arith.constant 0 : index
    %get3A_8 = arith.constant 0 : index
    %get3A_9 = vector.load %arg1[%get3A_7, %get3A_8] : memref<10000x64xf32, #tpu.memory_space<vmem>>, vector<10000x64xf32>
    %mul3A = vector.broadcast %rsqrt3A : vector<10000x1xf32> to vector<10000x64xf32>
    %mul3A_10 = arith.mulf %get3A_9, %mul3A : vector<10000x64xf32>
    %swap3A = arith.constant 0 : index
    %swap3A_11 = arith.constant 0 : index
    %swap3A_12 = vector.load %arg2[%swap3A, %swap3A_11] : memref<10000x64xf32, #tpu.memory_space<vmem>>, vector<10000x64xf32>
    tpu.vector_store %arg2[%swap3A, %swap3A_11], %mul3A_10 {strides = array<i32>} : memref<10000x64xf32, #tpu.memory_space<vmem>>, vector<10000x64xf32>,
    %swap3A_13 = arith.constant 0 : index
    %swap3A_14 = arith.constant 0 : index
    %swap3A_15 = vector.load %arg3[%swap3A_13, %swap3A_14] : memref<10000x1xf32, #tpu.memory_space<vmem>>, vector<10000x1xf32>
    tpu.vector_store %arg3[%swap3A_13, %swap3A_14], %rsqrt3A {strides = array<i32>} : memref<10000x1xf32, #tpu.memory_space<vmem>>, vector<10000x1xf32>,
    return
  }
}

module attributes {stable_mosaic.version = 14 : i64} {
  func.func @_stage_b_body(%arg0: memref<2x10240x64xf32, #tpu.memory_space<vmem>>, %arg1: memref<10000x64xf32, #tpu.memory_space<vmem>>, %arg2: memref<10000x1xf32, #tpu.memory_space<vmem>>, %arg3: memref<64xf32, #tpu.memory_space<vmem>>, %arg4: memref<64x32xf32, #tpu.memory_space<vmem>>, %arg5: memref<10000x32xf32, #tpu.memory_space<vmem>>) attributes {dimension_semantics = [], scalar_prefetch = 0 : i64, scratch_operands = 0 : i64, tpu.core_type = #tpu.core_type<tc>} {
    %get3A = arith.constant 0 : index
    %get3A_0 = arith.constant 0 : index
    %get3A_1 = vector.load %arg2[%get3A, %get3A_0] : memref<10000x1xf32, #tpu.memory_space<vmem>>, vector<10000x1xf32>
    %get3A_2 = arith.constant 0 : index
    %get3A_3 = arith.constant 0 : index
    %get3A_4 = arith.constant 0 : index
    %get3A_5 = vector.load %arg0[%get3A_2, %get3A_3, %get3A_4] : memref<2x10240x64xf32, #tpu.memory_space<vmem>>, vector<1x10000x64xf32>
    %get3A_6 = vector.shape_cast %get3A_5 : vector<1x10000x64xf32> to vector<10000x64xf32>
    %get3A_7 = arith.constant 1 : index
    %get3A_8 = arith.constant 0 : index
    %get3A_9 = arith.constant 0 : index
    %get3A_10 = vector.load %arg0[%get3A_7, %get3A_8, %get3A_9] : memref<2x10240x64xf32, #tpu.memory_space<vmem>>, vector<1x10000x64xf32>
    %get3A_11 = vector.shape_cast %get3A_10 : vector<1x10000x64xf32> to vector<10000x64xf32>
    %add3A = arith.addf %get3A_6, %get3A_11 : vector<10000x64xf32>
    %get3A_12 = arith.constant 0 : index
    %get3A_13 = arith.constant 0 : index
    %get3A_14 = vector.load %arg1[%get3A_12, %get3A_13] : memref<10000x64xf32, #tpu.memory_space<vmem>>, vector<10000x64xf32>
    %add3A_15 = arith.addf %add3A, %get3A_14 : vector<10000x64xf32>
    %mul3A = vector.broadcast %get3A_1 : vector<10000x1xf32> to vector<10000x64xf32>
    %mul3A_16 = arith.mulf %mul3A, %add3A_15 : vector<10000x64xf32>
    %get3A_17 = arith.constant 0 : index
    %get3A_18 = vector.load %arg3[%get3A_17] : memref<64xf32, #tpu.memory_space<vmem>>, vector<64xf32>
    %broadcast_in_dim3A = vector.shape_cast %get3A_18 : vector<64xf32> to vector<1x64xf32>
    %add3A_19 = vector.broadcast %broadcast_in_dim3A : vector<1x64xf32> to vector<10000x64xf32>
    %add3A_20 = arith.addf %mul3A_16, %add3A_19 : vector<10000x64xf32>
    %max3A = arith.constant 0.000000e+00 : f32
    %max3A_21 = vector.broadcast %max3A : f32 to vector<10000x64xf32>
    %max3A_22 = arith.maximumf %add3A_20, %max3A_21 : vector<10000x64xf32>
    %get3A_23 = arith.constant 0 : index
    %get3A_24 = arith.constant 0 : index
    %get3A_25 = vector.load %arg4[%get3A_23, %get3A_24] : memref<64x32xf32, #tpu.memory_space<vmem>>, vector<64x32xf32>
    %dot_general3A = arith.constant dense<0.000000e+00> : vector<10000x32xf32>
    %dot_general3A_26 = tpu.matmul %max3A_22, %get3A_25, %dot_general3A {dimension_numbers = #tpu.dot_dimension_numbers<[1], [0], [0], [1], [0, 0, 1, 1], [], []>, transpose_lhs_hint = false} : vector<10000x64xf32>, vector<64x32xf32>, vector<10000x32xf32> -> vector<10000x32xf32>
    %mul3A_27 = vector.broadcast %get3A_1 : vector<10000x1xf32> to vector<10000x32xf32>
    %mul3A_28 = arith.mulf %dot_general3A_26, %mul3A_27 : vector<10000x32xf32>
    %swap3A = arith.constant 0 : index
    %swap3A_29 = arith.constant 0 : index
    %swap3A_30 = vector.load %arg5[%swap3A, %swap3A_29] : memref<10000x32xf32, #tpu.memory_space<vmem>>, vector<10000x32xf32>
    tpu.vector_store %arg5[%swap3A, %swap3A_29], %mul3A_28 {strides = array<i32>} : memref<10000x32xf32, #tpu.memory_space<vmem>>, vector<10000x32xf32>,
    return
  }
}

module attributes {stable_mosaic.version = 14 : i64} {
  func.func @_stage_c_body(%arg0: memref<2x10240x32xf32, #tpu.memory_space<vmem>>, %arg1: memref<10000x32xf32, #tpu.memory_space<vmem>>, %arg2: memref<10000x1xf32, #tpu.memory_space<vmem>>, %arg3: memref<32xf32, #tpu.memory_space<vmem>>, %arg4: memref<32x1xf32, #tpu.memory_space<vmem>>, %arg5: memref<1xf32, #tpu.memory_space<vmem>>, %arg6: memref<10000xf32, #tpu.memory_space<vmem>>) attributes {dimension_semantics = [], scalar_prefetch = 0 : i64, scratch_operands = 0 : i64, tpu.core_type = #tpu.core_type<tc>} {
    %get3A = arith.constant 0 : index
    %get3A_0 = arith.constant 0 : index
    %get3A_1 = vector.load %arg2[%get3A, %get3A_0] : memref<10000x1xf32, #tpu.memory_space<vmem>>, vector<10000x1xf32>
    %get3A_2 = arith.constant 0 : index
    %get3A_3 = arith.constant 0 : index
    %get3A_4 = arith.constant 0 : index
    %get3A_5 = vector.load %arg0[%get3A_2, %get3A_3, %get3A_4] : memref<2x10240x32xf32, #tpu.memory_space<vmem>>, vector<1x10000x32xf32>
    %get3A_6 = vector.shape_cast %get3A_5 : vector<1x10000x32xf32> to vector<10000x32xf32>
    %get3A_7 = arith.constant 1 : index
    %get3A_8 = arith.constant 0 : index
    %get3A_9 = arith.constant 0 : index
    %get3A_10 = vector.load %arg0[%get3A_7, %get3A_8, %get3A_9] : memref<2x10240x32xf32, #tpu.memory_space<vmem>>, vector<1x10000x32xf32>
    %get3A_11 = vector.shape_cast %get3A_10 : vector<1x10000x32xf32> to vector<10000x32xf32>
    %add3A = arith.addf %get3A_6, %get3A_11 : vector<10000x32xf32>
    %get3A_12 = arith.constant 0 : index
    %get3A_13 = arith.constant 0 : index
    %get3A_14 = vector.load %arg1[%get3A_12, %get3A_13] : memref<10000x32xf32, #tpu.memory_space<vmem>>, vector<10000x32xf32>
    %add3A_15 = arith.addf %add3A, %get3A_14 : vector<10000x32xf32>
    %mul3A = vector.broadcast %get3A_1 : vector<10000x1xf32> to vector<10000x32xf32>
    %mul3A_16 = arith.mulf %mul3A, %add3A_15 : vector<10000x32xf32>
    %get3A_17 = arith.constant 0 : index
    %get3A_18 = vector.load %arg3[%get3A_17] : memref<32xf32, #tpu.memory_space<vmem>>, vector<32xf32>
    %broadcast_in_dim3A = vector.shape_cast %get3A_18 : vector<32xf32> to vector<1x32xf32>
    %add3A_19 = vector.broadcast %broadcast_in_dim3A : vector<1x32xf32> to vector<10000x32xf32>
    %add3A_20 = arith.addf %mul3A_16, %add3A_19 : vector<10000x32xf32>
    %max3A = arith.constant 0.000000e+00 : f32
    %max3A_21 = vector.broadcast %max3A : f32 to vector<10000x32xf32>
    %max3A_22 = arith.maximumf %add3A_20, %max3A_21 : vector<10000x32xf32>
    %get3A_23 = arith.constant 0 : index
    %get3A_24 = arith.constant 0 : index
    %get3A_25 = vector.load %arg4[%get3A_23, %get3A_24] : memref<32x1xf32, #tpu.memory_space<vmem>>, vector<32x1xf32>
    %dot_general3A = arith.constant dense<0.000000e+00> : vector<10000x1xf32>
    %dot_general3A_26 = tpu.matmul %max3A_22, %get3A_25, %dot_general3A {dimension_numbers = #tpu.dot_dimension_numbers<[1], [0], [0], [1], [0, 0, 1, 1], [], []>, transpose_lhs_hint = false} : vector<10000x32xf32>, vector<32x1xf32>, vector<10000x1xf32> -> vector<10000x1xf32>
    %get3A_27 = arith.constant 0 : index
    %get3A_28 = vector.load %arg5[%get3A_27] : memref<1xf32, #tpu.memory_space<vmem>>, vector<1xf32>
    %broadcast_in_dim3A_29 = vector.shape_cast %get3A_28 : vector<1xf32> to vector<1x1xf32>
    %add3A_30 = vector.broadcast %broadcast_in_dim3A_29 : vector<1x1xf32> to vector<10000x1xf32>
    %add3A_31 = arith.addf %dot_general3A_26, %add3A_30 : vector<10000x1xf32>
    %squeeze3A = vector.shape_cast %add3A_31 : vector<10000x1xf32> to vector<10000xf32>
    %swap3A = arith.constant 0 : index
    %swap3A_32 = vector.load %arg6[%swap3A] : memref<10000xf32, #tpu.memory_space<vmem>>, vector<10000xf32>
    tpu.vector_store %arg6[%swap3A], %squeeze3A {strides = array<i32>} : memref<10000xf32, #tpu.memory_space<vmem>>, vector<10000xf32>,
    return
  }
}

</mosaic_0001>

<sc_bundles>
// kernel: kernel.12.cloned.1.call-start
scs
__scs_entry_jumppad:
0x0: {  	(pc) =	sbr.rel $0x88, $3  }
0x1: {  	(tag) =	ssettag $0x0;
	lr =	simm.s32 $0x1  }
0x2: {  	[smem:$0x3F99] =	sst lr;
	_ =	strace $0xD0000000  }
0x3: {  	_ = 	snop  }
0x4: {  	_ = 	snop  }
0x5: {  	_ = 	snop  }
0x6: {  	_ = 	snop  }
0x7: {  	_ = 	snop  }
__scs_overlays_trampoline_lowered:
0x8: {  	[smem:$0x3FA8] =	sst s0  }
0x9: {  	[smem:$0x3FA9] =	sst s1  }
0xa: {  	[smem:$0x3FAA] =	sst s2  }
0xb: {  	[smem:$0x3FAB] =	sst s3  }
0xc: {  	[smem:$0x3FAC] =	sst s4  }
0xd: {  	[smem:$0x3FAD] =	sst s5  }
0xe: {  	[smem:$0x3FAE] =	sst s6  }
0xf: {  	[smem:$0x3FAF] =	sst s7  }
0x10: {  	[smem:$0x3FB0] =	sst s8  }
0x11: {  	[smem:$0x3FB1] =	sst s9;
	s0 =	simm.s32 @!p0 $0x0  }
0x12: {  	s1 =	sld [smem:$0x3F97];
	s0 =	simm.s32 @p0 $0x1  }
0x13: {  	[smem:$0x3FB2] =	sst s0;
	s0 =	simm.s32 @!p1 $0x0  }
0x14: {  	s2 =	sld [smem:$0x3F96];
	s0 =	simm.s32 @p1 $0x1  }
0x15: {  	[smem:$0x3FB3] =	sst s0;
	s0 =	simm.s32 @!p2 $0x0  }
0x16: {  	s3 =	sld [smem:$0x3FDB];
	s0 =	simm.s32 @p2 $0x1  }
0x17: {  	s4 =	simm.s32 $0x1BF5;
	[smem:$0x3FB5] =	sst s0  }
0x18: {  	s0 =	sld [smem:$0x3F98];
	_ =	swait.ge [sflag:s4], $0x0  }
0x19: {  	s7 =	sld [smem:$0x3F99]  }
0x1a: {  	s8 =	sadd.s32 $0xFFFFE003, lr  }
0x1b: {  	s9 =	sadd.s32 $0xFFFFFEF7, lr;
	s5 =	simm.s32 $0xFFFFFFFF;
	p2 =	slt.u32 s8, $0xFFFFF086  }
0x1c: {  	p1 =	slt.u32 s9, $0xF7A;
	s5 =	simm.s32 @!p2 $0x0  }
0x1d: {  	s5 =	simm.s32 @p1 $0x1;
	p0 =	seq.s32 s7, s2  }
0x1e: {  	s7 =	smul.u32 @!p0 $0xF7A, s2;
	p2 =	seq.s32 @!p0 s5, $0x0  }
0x1f: {  	s9 =	smul.u32 $0xF7A, s1;
	s8 =	simm.s32 @!p0 $0x1BF5;
	p2 =	por !p2, p0  }
0x20: {  	[sflag:s8] =	ssyncset.s32 @!p0 $0xFFFFF086;
	s6 =	sadd.s32 @!p0 s3, s7;
	s7 =	simm.s32 @!p0 $0x108  }
0x21: {  	s3 =	sadd.s32 s3, s9;
	s6 =	sadd.s32 @!p0 $0x88, s6;
	s7 =	simm.s32 @p2 $0x1082  }
0x22: {  	[simem:s7], [sflag:s8] =	dma.local @!p0 [hbm:s6], $0xF7A  }
0x23: {  	s9 =	sor.u32 $0xD0000000, s2;
	s6 =	simm.s32 $0x108;
	_ =	swait.ge @!p0 [sflag:s8], $0x0  }
0x24: {  	s3 =	sadd.s32 $0x88, s3;
	s6 =	simm.s32 @!p1 $0x1082;
	[sflag:s4] =	ssyncset.s32 $0xFFFFF086  }
0x25: {  	[simem:s6], [sflag:s4] =	dma.local [hbm:s3], $0xF7A  }
0x26: {  	[smem:$0x3F99] =	sst s1;
	(tag) =	ssettag s2;
	_ =	strace s9  }
0x27: {  	s1 =	sld [smem:$0x3FA9]  }
0x28: {  	s2 =	sld [smem:$0x3FAA]  }
0x29: {  	s4 =	sld [smem:$0x3FAC]  }
0x2a: {  	p0 =	seq.s32 s5, $0x0;
	s5 =	sld [smem:$0x3FAD]  }
0x2b: {  	s6 =	sld [smem:$0x3FAE]  }
0x2c: {  	s7 =	sld [smem:$0x3FAF]  }
0x2d: {  	s3 =	simm.s32 $0x108;
	s8 =	sld [smem:$0x3FB0]  }
0x2e: {  	s3 =	simm.s32 @!p0 $0x1082;
	s9 =	sld [smem:$0x3FB1]  }
0x2f: {  	lr =	sadd.s32 s0, s3;
	s0 =	sld [smem:$0x3FA8]  }
0x30: {  	s3 =	sld [smem:$0x3FAB]  }
0x31: {  	[smem:$0x3FB4] =	sst s10  }
0x32: {  	s10 =	sld [smem:$0x3FB2];
	_ =	sdelay $0x3  }
0x33: {  	p0 =	seq.s32 s10, $0x1;
	s10 =	sld [smem:$0x3FB4];
	_ =	sdelay $0x3  }
0x34: {  	[smem:$0x3FB4] =	sst s10  }
0x35: {  	s10 =	sld [smem:$0x3FB3];
	_ =	sdelay $0x3  }
0x36: {  	p1 =	seq.s32 s10, $0x1;
	s10 =	sld [smem:$0x3FB4];
	_ =	sdelay $0x3  }
0x37: {  	[smem:$0x3FB4] =	sst s10  }
0x38: {  	s10 =	sld [smem:$0x3FB5]  }
0x39: {  	_ = 	snop;
	(pc) =	sbr.ind lr, $3  }
0x3a: {  	_ = 	snop  }
0x3b: {  	_ = 	snop  }
0x3c: {  	p2 =	seq.s32 s10, $0x1;
	s10 =	sld [smem:$0x3FB4]  }
0x3d: {  	_ =	shalt  }
0x3e: {  	_ =	shalt  }
0x3f: {  	_ =	shalt  }
0x40: {  	_ =	shalt  }
0x41: {  	_ =	shalt  }
0x42: {  	_ =	shalt  }
0x43: {  	_ =	shalt  }
0x44: {  	_ =	shalt  }
0x45: {  	_ =	shalt  }
0x46: {  	_ =	shalt  }
0x47: {  	_ =	shalt  }
0x48: {  	_ =	shalt  }
0x49: {  	_ =	shalt  }
0x4a: {  	_ =	shalt  }
0x4b: {  	_ =	shalt  }
0x4c: {  	_ =	shalt  }
0x4d: {  	_ =	shalt  }
0x4e: {  	_ =	shalt  }
0x4f: {  	_ =	shalt  }
0x50: {  	_ =	shalt  }
0x51: {  	_ =	shalt  }
0x52: {  	_ =	shalt  }
0x53: {  	_ =	shalt  }
0x54: {  	_ =	shalt  }
0x55: {  	_ =	shalt  }
0x56: {  	_ =	shalt  }
0x57: {  	_ =	shalt  }
0x58: {  	_ =	shalt  }
0x59: {  	_ =	shalt  }
0x5a: {  	_ =	shalt  }
0x5b: {  	_ =	shalt  }
0x5c: {  	_ =	shalt  }
0x5d: {  	_ =	shalt  }
0x5e: {  	_ =	shalt  }
0x5f: {  	_ =	shalt  }
0x60: {  	_ =	shalt  }
0x61: {  	_ =	shalt  }
0x62: {  	_ =	shalt  }
0x63: {  	_ =	shalt  }
0x64: {  	_ =	shalt  }
0x65: {  	_ =	shalt  }
0x66: {  	_ =	shalt  }
0x67: {  	_ =	shalt  }
0x68: {  	_ =	shalt  }
0x69: {  	_ =	shalt  }
0x6a: {  	_ =	shalt  }
0x6b: {  	_ =	shalt  }
0x6c: {  	_ =	shalt  }
0x6d: {  	_ =	shalt  }
0x6e: {  	_ =	shalt  }
0x6f: {  	_ =	shalt  }
0x70: {  	_ =	shalt  }
0x71: {  	_ =	shalt  }
0x72: {  	_ =	shalt  }
0x73: {  	_ =	shalt  }
0x74: {  	_ =	shalt  }
0x75: {  	_ =	shalt  }
0x76: {  	_ =	shalt  }
0x77: {  	_ =	shalt  }
0x78: {  	_ =	shalt  }
0x79: {  	_ =	shalt  }
0x7a: {  	_ =	shalt  }
0x7b: {  	_ =	shalt  }
0x7c: {  	_ =	shalt  }
0x7d: {  	_ =	shalt  }
0x7e: {  	_ =	shalt  }
0x7f: {  	_ =	shalt  }
0x80: {  	_ =	shalt  }
0x81: {  	_ =	shalt  }
0x82: {  	_ =	shalt  }
0x83: {  	_ =	shalt  }
0x84: {  	_ =	shalt  }
0x85: {  	_ =	shalt  }
0x86: {  	_ =	shalt  }
0x87: {  	_ =	shalt  }
.Lfunc_end0:
.L_simem_size_0:
called_computation.1_lowered:
.L_overlay_start_0:
0x88: {  	s2 =	sld [smem:$0x3FD9]  }
0x89: {  	s3 =	sld [smem:$0x3FFE];
	_ =	sdelay $0x1  }
0x8a: {  	s1 =	srdreg.scid  }
0x8b: {  	s0 =	sand.u32 $0x1, s1  }
0x8c: {  	s16 =	sshll.u32 s0, $0xA;
	s2 =	sadd.s32 s3, s2  }
0x8d: {  	s2 =	sadd.s32 s2, s16  }
0x8e: {  	[smem:$0x3FC0] =	sst s2  }
0x8f: {  	_ = 	snop  }
0x90: {  	(tm) =	ssettm $0x1  }
0x91: {  	s17 =	sld [smem:$0x3FFB];
	_ =	sdelay $0x3  }
0x92: {  	_ =	strace s17  }
0x93: {  	s2 =	sld [smem:$0x3FFC];
	_ =	sdelay $0x3  }
0x94: {  	_ =	strace s2  }
0x95: {  	s2 =	sld [smem:$0x3FFD];
	_ =	sdelay $0x3  }
0x96: {  	_ =	strace s2  }
0x97: {  	_ =	strace $0x8FFFFFFF  }
0x98: {  	s18 =	sld [smem:$0x3FDB];
	_ =	sdelay $0x1  }
0x99: {  	s19 =	simm.s32 $_scs_section_size  }
0x9a: {  	s4 =	simm.s32 $_size__tile_overlayer_lowered;
	s5 =	simm.s32 $_tile_overlayer_lowered  }
0x9b: {  	s22 =	simm.s32 $0x1BFF;
	s21 =	sshll.u32 s5, $0x1;
	s2 =	sadd.s32 s19, s18  }
0x9c: {  	s6 =	simm.s32 $0x0;
	s20 =	sshll.u32 s4, $0x1;
	s4 =	sadd.s32 s21, s2  }
0x9d: {  	[timem:s6], [sflag:s22] =	dma.local [hbm:s4], s20  }
0x9e: {  	_ =	swait.ge [sflag:s22], s20  }
0x9f: {  	s3 =	ssub.s32 $0x0, s20;
	[sflag:s22] =	ssyncset.done $0x0  }
0xa0: {  	[sflag:s22] =	ssyncadd.s32 s3;
	_ =	sdelay $0x1  }
0xa1: {  	s23 =	simm.s32 $0x1B8B  }
0xa2: {  	_ =	swait.ge [sflag:s23], $0x1  }
0xa3: {  	[sflag:s23] =	ssyncset.done $0x0  }
0xa4: {  	s25 =	simm.s32 $0x1B8E;
	s24 =	sld [smem:$0x3FFE];
	[sflag:s23] =	ssyncadd.s32 $0xFFFFFFFF  }
0xa5: {  	s26 =	simm.s32 $execute0_lowered;
	[smem:$0x3FD2] =	sst s25  }
0xa6: {  	s4 =	sshll.u32 s26, $0x1;
	_ =	strace $0x80000049;
	[dreg:$0x1] =	wrdreg $0xFFFFFFFF  }
0xa7: {  	s28 =	simm.s32 $_size_execute0_lowered;
	s2 =	sadd.s32 s2, s4;
	[dreg:$0x0] =	wrdreg $0x0  }
0xa8: {  	s4 =	sshll.u32 s28, $0x1;
	[dreg:$0x2] =	wrdreg s2  }
0xa9: {  	[dreg:$0x3] =	wrdreg s4  }
0xaa: {  	[dreg:$0x4] =	wrdreg $0xC0  }
0xab: {  	_ =	task [dreg:s6], $0x5FFFF  }
0xac: {  	[dreg:$0x1] =	wrdreg $0xFFFFFFFF  }
0xad: {  	[dreg:$0x0] =	wrdreg $0x60  }
0xae: {  	[dreg:$0x2] =	wrdreg s24  }
0xaf: {  	[dreg:$0x3] =	wrdreg $0xD2200  }
0xb0: {  	[dreg:$0x4] =	wrdreg $0x9  }
0xb1: {  	_ =	task.clear_ibuf [dreg:s6], $0x5FFFF;
	_ =	strace $0x90000049  }
0xb2: {  	s29 =	simm.s32 $0x9;
	_ =	strace $0x8000004B  }
0xb3: {  	_ =	swait.ge [sflag:s29], $0x1  }
0xb4: {  	[sflag:s29] =	ssyncadd.s32 $0xFFFFFFFF  }
0xb5: {  	_ =	strace $0x9000004B  }
0xb6: {  	_ =	sfence  }
0xb7: {  	s30 =	sld [smem:$0x0];
	_ =	sdelay $0x2  }
0xb8: {  	s31 =	sshll.u32 s1, $0xD;
	s1 =	sshrl.u32 s1, $0x2  }
0xb9: {  	s3 =	sand.u32 $0x4000, s31;
	s1 =	sadd.s32 s1, s30  }
0xba: {  	s0 =	sor.u32 s3, s0;
	s1 =	sshll.u32 s1, $0x11  }
0xbb: {  	s0 =	sor.u32 s1, s0  }
0xbc: {  	s0 =	sadd.s32 $0x8F2B, s0  }
0xbd: {  	[sflag:s0] =	ssyncadd.remote.s32 $0x1  }
0xbe: {  	_ =	sfence.sel $0xFFFF  }
0xbf: {  	[dreg:$0x0] =	wrdreg $0xFFFFFFFF;
	(pc) =	sbr.abs _section_cstart, $3  }
0xc0: {  	[dreg:$0x1] =	wrdreg $0xFFFFFFFF  }
0xc1: {  	_ =	task.clear_ibuf [dreg:s6], $0x2FFFF;
	_ =	strace $0x9FFFFFFF  }
0xc2: {  	(tm) =	ssettm $0x7FFFFFFF  }
0xc3: {  	_ =	shalt  }
tec
execute0_lowered:
.L_overlay_start_1:
0x0: {  	(tag) =	ssettag $0x1  }
0x1: {  	s0 =	srdreg.scid  }
0x2: {  	s1 =	rddreg [dreg:$0x0];
	s8 =	stileid.u32  }
0x3: {  	s2 =	rddreg [dreg:$0x1];
	s14 =	simm.s32 $0xB220;
	s15 =	simm.s32 $0xB  }
0x4: {  	s17 =	simm.s32 $0x50;
	s18 =	simm.s32 $0x4E20;
	s19 =	simm.s32 $0x6220  }
0x5: {  	s21 =	simm.s32 $0x7620;
	s28 =	simm.s32 $0x2;
	s29 =	simm.s32 $0x3  }
0x6: {  	s30 =	simm.s32 $0x4;
	s31 =	simm.s32 $0x5;
	s16 =	simm.s32 $0x8  }
0x7: {  	s20 =	simm.s32 $0x9;
	s0 =	sand.u32 $0x1, s0;
	s6 =	smul.u32 $0xA000, s8  }
0x8: {  	s22 =	simm.s32 $0xA;
	s3 =	sshll.u32 s0, $0x4;
	s7 =	smul.u32 $0xA0000, s0  }
0x9: {  	s0 =	ssub.s32 $0x2, s0;
	s4 =	sor.u32 s8, s3;
	s8 =	smul.u32 $0x28000, s8  }
0xa: {  	s3 =	simm.s32 $0x0;
	s24 =	sshrl.u32 s0, $0x1;
	s5 =	smul.u32 $0x2710, s4  }
0xb: {  	[smem:$0x7FF] =	sst s3;
	s4 =	sadd.s32 $0x2400, s1;
	s23 =	sadd.s32 s6, s7  }
0xc: {  	s0 =	ssub.s32 s0, s24;
	_ =	strace $0x8000004A;
	s8 =	sshrl.u32 s8, $0x2  }
0xd: {  	s13 =	smax.u32 s0, $0x1;
	s0 =	simm.s32 $0x7;
	s5 =	sshrl.u32 s5, $0x3  }
0xe: {  	s9 =	sadd.s32 s8, s2;
	s11 =	sadd.s32 s5, s1;
	s5 =	sshrl.u32 s23, $0x3  }
0xf: {  	s25 =	sadd.s32 $0x2000, s9;
	s26 =	sadd.s32 $0x4000, s9;
	s8 =	sadd.s32 $0x6000, s9  }
0x10: {  	s9 =	sadd.s32 $0x8000, s9;
	s23 =	simm.s32 $0x8A20;
	[dreg:$0x3] =	wrdreg s25  }
0x11: {  	s1 =	sadd.s32 s5, s1;
	s5 =	sadd.s32 s6, s2;
	[dreg:$0x4] =	wrdreg s26  }
0x12: {  	s10 =	sadd.s32 $0x22E00, s11;
	s11 =	sadd.s32 $0x2CA40, s11;
	s25 =	simm.s32 $0x9E20  }
0x13: {  	v0 =	vimm.f32 $0.0e+00;
	s26 =	simm.s32 $0x1;
	s12 =	sadd.s32 $0x36800, s1;
	s1 =	simm.s32 $0x6  }
.LBB2_1:
0x14: {  	s24 =	simm.s32 $0x100;
	s6 =	simm.s32 $0x0  }
.LBB2_2:
0x15: {  	p0 =	sne.s32 s24, $0x7F00;
	[tilespmem:s6+$0xB250] =	vst v0;
	s7 =	smov.u32 s24;
	s24 =	sadd.s32 $0x100, s24  }
.Ltmp0:
0x16: {  	[tilespmem:s6+$0xB240] =	vst v0;
	(pc) =	sbr.rel @p0 .LBB2_2-.Ltmp0, $3  }
0x17: {  	[tilespmem:s6+$0xB220] =	vst v0  }
0x18: {  	[tilespmem:s6+$0xB230] =	vst v0;
	_ =	sdelay $0x1  }
0x19: {  	s6 =	sshra.s32 s7, $0x2  }
0x1a: {  	[tilespmem:s6+$0xB250] =	vst v0  }
0x1b: {  	[tilespmem:s6+$0xB240] =	vst v0  }
0x1c: {  	[tilespmem:s6+$0xB220] =	vst v0  }
0x1d: {  	[tilespmem:s6+$0xB230] =	vst v0  }
0x1e: {  	[spmem:s5] =	stream.linear.scatter [tilespmem:s14], [sflag:$0xB], $0x2000, $0x38;
	[tilespmem:$0x17220] =	vst v63  }
0x1f: {  	_ =	swait.ge [sflag:s15], $0x2000  }
0x20: {  	[sflag:s15] =	ssyncset.done $0x0  }
0x21: {  	s24 =	rddreg [dreg:$0x3];
	[sflag:s15] =	ssyncadd.s32 $0xFFFFE000  }
0x22: {  	[spmem:s24] =	stream.linear.scatter [tilespmem:s14], [sflag:$0xB], $0x2000, $0x38;
	[tilespmem:$0x17220] =	vst v63  }
0x23: {  	_ =	swait.ge [sflag:s15], $0x2000  }
0x24: {  	[sflag:s15] =	ssyncset.done $0x0  }
0x25: {  	s7 =	rddreg [dreg:$0x4];
	[sflag:s15] =	ssyncadd.s32 $0xFFFFE000  }
0x26: {  	[spmem:s7] =	stream.linear.scatter [tilespmem:s14], [sflag:$0xB], $0x2000, $0x38;
	[tilespmem:$0x17220] =	vst v63  }
0x27: {  	_ =	swait.ge [sflag:s15], $0x2000  }
0x28: {  	[sflag:s15] =	ssyncset.done $0x0  }
0x29: {  	[sflag:s15] =	ssyncadd.s32 $0xFFFFE000  }
0x2a: {  	[spmem:s8] =	stream.linear.scatter [tilespmem:s14], [sflag:$0xB], $0x2000, $0x38;
	[tilespmem:$0x17220] =	vst v63  }
0x2b: {  	_ =	swait.ge [sflag:s15], $0x2000  }
0x2c: {  	[sflag:s15] =	ssyncset.done $0x0  }
0x2d: {  	[sflag:s15] =	ssyncadd.s32 $0xFFFFE000  }
0x2e: {  	[spmem:s9] =	stream.linear.scatter [tilespmem:s14], [sflag:$0xB], $0x2000, $0x38;
	[tilespmem:$0x17220] =	vst v63  }
0x2f: {  	_ =	swait.ge [sflag:s15], $0x2000  }
0x30: {  	[sflag:s15] =	ssyncset.done $0x0  }
0x31: {  	s24 =	simm.s32 $0x0;
	[sflag:s15] =	ssyncadd.s32 $0xFFFFE000  }
0x32: {  	[tilespmem:s24], [sflag:$0xB] =	stream.linear.gather [hbm4b:s10+s24], $0x2710, $0x38;
	[tilespmem:$0x17220] =	vst v63  }
0x33: {  	_ =	swait.ge [sflag:s15], $0x2710  }
0x34: {  	[sflag:s15] =	ssyncset.done $0x0  }
0x35: {  	s7 =	simm.s32 $0x2710;
	[sflag:s15] =	ssyncadd.s32 $0xFFFFD8F0  }
0x36: {  	[tilespmem:s7], [sflag:$0xB] =	stream.linear.gather [hbm4b:s11+s24], $0x2710, $0x38;
	[tilespmem:$0x17220] =	vst v63  }
0x37: {  	_ =	swait.ge [sflag:s15], $0x2710  }
0x38: {  	[sflag:s15] =	ssyncset.done $0x0  }
0x39: {  	[sflag:s15] =	ssyncadd.s32 $0xFFFFD8F0  }
0x3a: {  	[bflag:$0x0] =	sbarrier.arrive $0xFFFF  }
0x3b: {  	[tilespmem:s18], [sflag:$0x1] =	stream.indirect.gather [hbm4b:s4+s17], $0x40, s24, s17, $0xb8;
	[tilespmem:$0x17220] =	vst v63  }
0x3c: {  	_ = 	snop  }
0x3d: {  	[tilespmem:s19], [sflag:$0x2] =	stream.indirect.gather [hbm4b:s4+s17], $0x40, s17, s17, $0xb8;
	[tilespmem:$0x17220] =	vst v63  }
0x3e: {  	s7 =	simm.s32 $0xA0  }
0x3f: {  	[tilespmem:s21], [sflag:$0x3] =	stream.indirect.gather [hbm4b:s4+s17], $0x40, s7, s17, $0xb8;
	[tilespmem:$0x17220] =	vst v63  }
0x40: {  	s24 =	simm.s32 $0xF0  }
0x41: {  	[tilespmem:s23], [sflag:$0x4] =	stream.indirect.gather [hbm4b:s4+s17], $0x40, s24, s17, $0xb8;
	[tilespmem:$0x17220] =	vst v63  }
0x42: {  	s7 =	simm.s32 $0x140  }
0x43: {  	[tilespmem:s25], [sflag:$0x5] =	stream.indirect.gather [hbm4b:s4+s17], $0x40, s7, s17, $0xb8;
	[tilespmem:$0x17220] =	vst v63  }
0x44: {  	_ =	swait.ge [sflag:s26], $0x1400  }
0x45: {  	[sflag:s26] =	ssyncset.done $0x0  }
0x46: {  	s24 =	simm.s32 $0x2710;
	[sflag:s26] =	ssyncadd.s32 $0xFFFFEC00  }
0x47: {  	[spmem:s2] =	stream.indirect.scatter.add.f32 [tilespmem:s18], [sflag:$0x6], $0x40, s24, s17, $0xb8;
	[tilespmem:$0x17220] =	vst v63  }
0x48: {  	_ =	swait.ge [sflag:s28], $0x1400  }
0x49: {  	[sflag:s28] =	ssyncset.done $0x0  }
0x4a: {  	s7 =	simm.s32 $0x2760;
	[sflag:s28] =	ssyncadd.s32 $0xFFFFEC00  }
0x4b: {  	[spmem:s2] =	stream.indirect.scatter.add.f32 [tilespmem:s19], [sflag:$0x7], $0x40, s7, s17, $0xb8;
	[tilespmem:$0x17220] =	vst v63  }
0x4c: {  	_ =	swait.ge [sflag:s29], $0x1400  }
0x4d: {  	[sflag:s29] =	ssyncset.done $0x0  }
0x4e: {  	s24 =	simm.s32 $0x27B0;
	[sflag:s29] =	ssyncadd.s32 $0xFFFFEC00  }
0x4f: {  	[spmem:s2] =	stream.indirect.scatter.add.f32 [tilespmem:s21], [sflag:$0x8], $0x40, s24, s17, $0xb8;
	[tilespmem:$0x17220] =	vst v63  }
0x50: {  	_ =	swait.ge [sflag:s30], $0x1400  }
0x51: {  	[sflag:s30] =	ssyncset.done $0x0  }
0x52: {  	s7 =	simm.s32 $0x2800;
	[sflag:s30] =	ssyncadd.s32 $0xFFFFEC00  }
0x53: {  	[spmem:s2] =	stream.indirect.scatter.add.f32 [tilespmem:s23], [sflag:$0x9], $0x40, s7, s17, $0xb8;
	[tilespmem:$0x17220] =	vst v63  }
0x54: {  	_ =	swait.ge [sflag:s31], $0x1400  }
0x55: {  	[sflag:s31] =	ssyncset.done $0x0  }
0x56: {  	s24 =	simm.s32 $0x2850;
	[sflag:s31] =	ssyncadd.s32 $0xFFFFEC00  }
0x57: {  	[spmem:s2] =	stream.indirect.scatter.add.f32 [tilespmem:s25], [sflag:$0xA], $0x40, s24, s17, $0xb8;
	[tilespmem:$0x17220] =	vst v63  }
0x58: {  	_ =	swait.ge [sflag:s1], $0x1400  }
0x59: {  	[sflag:s1] =	ssyncset.done $0x0  }
0x5a: {  	s7 =	simm.s32 $0x190;
	[sflag:s1] =	ssyncadd.s32 $0xFFFFEC00  }
0x5b: {  	[tilespmem:s18], [sflag:$0x1] =	stream.indirect.gather [hbm4b:s4+s17], $0x40, s7, s17, $0xb8;
	[tilespmem:$0x17220] =	vst v63  }
0x5c: {  	_ =	swait.ge [sflag:s0], $0x1400  }
0x5d: {  	[sflag:s0] =	ssyncset.done $0x0  }
0x5e: {  	s24 =	simm.s32 $0x1E0;
	[sflag:s0] =	ssyncadd.s32 $0xFFFFEC00  }
0x5f: {  	[tilespmem:s19], [sflag:$0x2] =	stream.indirect.gather [hbm4b:s4+s17], $0x40, s24, s17, $0xb8;
	[tilespmem:$0x17220] =	vst v63  }
0x60: {  	_ =	swait.ge [sflag:s16], $0x1400  }
0x61: {  	[sflag:s16] =	ssyncset.done $0x0  }
0x62: {  	s7 =	simm.s32 $0x230;
	[sflag:s16] =	ssyncadd.s32 $0xFFFFEC00  }
0x63: {  	[tilespmem:s21], [sflag:$0x3] =	stream.indirect.gather [hbm4b:s4+s17], $0x40, s7, s17, $0xb8;
	[tilespmem:$0x17220] =	vst v63  }
0x64: {  	_ =	swait.ge [sflag:s20], $0x1400  }
0x65: {  	[sflag:s20] =	ssyncset.done $0x0  }
0x66: {  	s24 =	simm.s32 $0x280;
	[sflag:s20] =	ssyncadd.s32 $0xFFFFEC00  }
0x67: {  	[tilespmem:s23], [sflag:$0x4] =	stream.indirect.gather [hbm4b:s4+s17], $0x40, s24, s17, $0xb8;
	[tilespmem:$0x17220] =	vst v63  }
0x68: {  	_ =	swait.ge [sflag:s22], $0x1400  }
0x69: {  	[sflag:s22] =	ssyncset.done $0x0  }
0x6a: {  	s6 =	simm.s32 $0x2D0;
	s24 =	simm.s32 $0x640;
	[sflag:s22] =	ssyncadd.s32 $0xFFFFEC00  }
.LBB2_4:
0x6b: {  	[tilespmem:s25], [sflag:$0x5] =	stream.indirect.gather [hbm4b:s4+s17], $0x40, s6, s17, $0xb8;
	[tilespmem:$0x17220] =	vst v63  }
0x6c: {  	s6 =	smov.u32 s24  }
0x6d: {  	p0 =	sne.s32 s24, $0x8FC0;
	s24 =	sadd.s32 $0x640, s24;
	_ =	swait.ge [sflag:s26], $0x1400  }
0x6e: {  	s6 =	sshra.s32 s6, $0x2;
	[sflag:s26] =	ssyncset.done $0x0  }
0x6f: {  	s7 =	sadd.s32 $0x2710, s6;
	[sflag:s26] =	ssyncadd.s32 $0xFFFFEC00  }
0x70: {  	[spmem:s2] =	stream.indirect.scatter.add.f32 [tilespmem:s18], [sflag:$0x6], $0x40, s7, s17, $0xb8;
	[tilespmem:$0x17220] =	vst v63  }
0x71: {  	_ =	swait.ge [sflag:s28], $0x1400  }
0x72: {  	[sflag:s28] =	ssyncset.done $0x0  }
0x73: {  	s7 =	sadd.s32 $0x2760, s6;
	[sflag:s28] =	ssyncadd.s32 $0xFFFFEC00  }
0x74: {  	[spmem:s2] =	stream.indirect.scatter.add.f32 [tilespmem:s19], [sflag:$0x7], $0x40, s7, s17, $0xb8;
	[tilespmem:$0x17220] =	vst v63  }
0x75: {  	_ =	swait.ge [sflag:s29], $0x1400  }
0x76: {  	[sflag:s29] =	ssyncset.done $0x0  }
0x77: {  	s7 =	sadd.s32 $0x27B0, s6;
	[sflag:s29] =	ssyncadd.s32 $0xFFFFEC00  }
0x78: {  	[spmem:s2] =	stream.indirect.scatter.add.f32 [tilespmem:s21], [sflag:$0x8], $0x40, s7, s17, $0xb8;
	[tilespmem:$0x17220] =	vst v63  }
0x79: {  	_ =	swait.ge [sflag:s30], $0x1400  }
0x7a: {  	[sflag:s30] =	ssyncset.done $0x0  }
0x7b: {  	s7 =	sadd.s32 $0x2800, s6;
	[sflag:s30] =	ssyncadd.s32 $0xFFFFEC00  }
0x7c: {  	[spmem:s2] =	stream.indirect.scatter.add.f32 [tilespmem:s23], [sflag:$0x9], $0x40, s7, s17, $0xb8;
	[tilespmem:$0x17220] =	vst v63  }
0x7d: {  	_ =	swait.ge [sflag:s31], $0x1400  }
0x7e: {  	[sflag:s31] =	ssyncset.done $0x0  }
0x7f: {  	s7 =	sadd.s32 $0x2850, s6;
	[sflag:s31] =	ssyncadd.s32 $0xFFFFEC00  }
0x80: {  	[spmem:s2] =	stream.indirect.scatter.add.f32 [tilespmem:s25], [sflag:$0xA], $0x40, s7, s17, $0xb8;
	[tilespmem:$0x17220] =	vst v63  }
0x81: {  	_ =	swait.ge [sflag:s1], $0x1400  }
0x82: {  	[sflag:s1] =	ssyncset.done $0x0  }
0x83: {  	s7 =	sadd.s32 $0x190, s6;
	[sflag:s1] =	ssyncadd.s32 $0xFFFFEC00  }
0x84: {  	[tilespmem:s18], [sflag:$0x1] =	stream.indirect.gather [hbm4b:s4+s17], $0x40, s7, s17, $0xb8;
	[tilespmem:$0x17220] =	vst v63  }
0x85: {  	_ =	swait.ge [sflag:s0], $0x1400  }
0x86: {  	[sflag:s0] =	ssyncset.done $0x0  }
0x87: {  	s7 =	sadd.s32 $0x1E0, s6;
	[sflag:s0] =	ssyncadd.s32 $0xFFFFEC00  }
0x88: {  	[tilespmem:s19], [sflag:$0x2] =	stream.indirect.gather [hbm4b:s4+s17], $0x40, s7, s17, $0xb8;
	[tilespmem:$0x17220] =	vst v63  }
0x89: {  	_ =	swait.ge [sflag:s16], $0x1400  }
0x8a: {  	[sflag:s16] =	ssyncset.done $0x0  }
0x8b: {  	s7 =	sadd.s32 $0x230, s6;
	[sflag:s16] =	ssyncadd.s32 $0xFFFFEC00  }
0x8c: {  	[tilespmem:s21], [sflag:$0x3] =	stream.indirect.gather [hbm4b:s4+s17], $0x40, s7, s17, $0xb8;
	[tilespmem:$0x17220] =	vst v63  }
0x8d: {  	_ =	swait.ge [sflag:s20], $0x1400  }
0x8e: {  	[sflag:s20] =	ssyncset.done $0x0  }
.Ltmp1:
0x8f: {  	s7 =	sadd.s32 $0x280, s6;
	[sflag:s20] =	ssyncadd.s32 $0xFFFFEC00;
	(pc) =	sbr.rel @p0 .LBB2_4-.Ltmp1, $4  }
0x90: {  	[tilespmem:s23], [sflag:$0x4] =	stream.indirect.gather [hbm4b:s4+s17], $0x40, s7, s17, $0xb8;
	[tilespmem:$0x17220] =	vst v63  }
0x91: {  	_ =	swait.ge [sflag:s22], $0x1400  }
0x92: {  	[sflag:s22] =	ssyncset.done $0x0  }
0x93: {  	s6 =	sadd.s32 $0x2D0, s6;
	[sflag:s22] =	ssyncadd.s32 $0xFFFFEC00  }
0x94: {  	[tilespmem:s25], [sflag:$0x5] =	stream.indirect.gather [hbm4b:s4+s17], $0x40, s6, s17, $0xb8;
	[tilespmem:$0x17220] =	vst v63  }
0x95: {  	_ =	swait.ge [sflag:s26], $0x1400  }
0x96: {  	[sflag:s26] =	ssyncset.done $0x0  }
0x97: {  	s7 =	simm.s32 $0x4C90;
	[sflag:s26] =	ssyncadd.s32 $0xFFFFEC00  }
0x98: {  	[spmem:s2] =	stream.indirect.scatter.add.f32 [tilespmem:s18], [sflag:$0x6], $0x40, s7, s17, $0xb8;
	[tilespmem:$0x17220] =	vst v63  }
0x99: {  	_ =	swait.ge [sflag:s28], $0x1400  }
0x9a: {  	[sflag:s28] =	ssyncset.done $0x0  }
0x9b: {  	s24 =	simm.s32 $0x4CE0;
	[sflag:s28] =	ssyncadd.s32 $0xFFFFEC00  }
0x9c: {  	[spmem:s2] =	stream.indirect.scatter.add.f32 [tilespmem:s19], [sflag:$0x7], $0x40, s24, s17, $0xb8;
	[tilespmem:$0x17220] =	vst v63  }
0x9d: {  	_ =	swait.ge [sflag:s29], $0x1400  }
0x9e: {  	[sflag:s29] =	ssyncset.done $0x0  }
0x9f: {  	s7 =	simm.s32 $0x4D30;
	[sflag:s29] =	ssyncadd.s32 $0xFFFFEC00  }
0xa0: {  	[spmem:s2] =	stream.indirect.scatter.add.f32 [tilespmem:s21], [sflag:$0x8], $0x40, s7, s17, $0xb8;
	[tilespmem:$0x17220] =	vst v63  }
0xa1: {  	_ =	swait.ge [sflag:s30], $0x1400  }
0xa2: {  	[sflag:s30] =	ssyncset.done $0x0  }
0xa3: {  	s24 =	simm.s32 $0x4D80;
	[sflag:s30] =	ssyncadd.s32 $0xFFFFEC00  }
0xa4: {  	[spmem:s2] =	stream.indirect.scatter.add.f32 [tilespmem:s23], [sflag:$0x9], $0x40, s24, s17, $0xb8;
	[tilespmem:$0x17220] =	vst v63  }
0xa5: {  	_ =	swait.ge [sflag:s31], $0x1400  }
0xa6: {  	[sflag:s31] =	ssyncset.done $0x0  }
0xa7: {  	s7 =	simm.s32 $0x4DD0;
	[sflag:s31] =	ssyncadd.s32 $0xFFFFEC00  }
0xa8: {  	[spmem:s2] =	stream.indirect.scatter.add.f32 [tilespmem:s25], [sflag:$0xA], $0x40, s7, s17, $0xb8;
	[tilespmem:$0x17220] =	vst v63  }
0xa9: {  	_ =	swait.ge [sflag:s1], $0x1400  }
0xaa: {  	[sflag:s1] =	ssyncset.done $0x0  }
0xab: {  	[sflag:s1] =	ssyncadd.s32 $0xFFFFEC00  }
0xac: {  	_ =	swait.ge [sflag:s0], $0x1400  }
0xad: {  	[sflag:s0] =	ssyncset.done $0x0  }
0xae: {  	[sflag:s0] =	ssyncadd.s32 $0xFFFFEC00  }
0xaf: {  	_ =	swait.ge [sflag:s16], $0x1400  }
0xb0: {  	[sflag:s16] =	ssyncset.done $0x0  }
0xb1: {  	[sflag:s16] =	ssyncadd.s32 $0xFFFFEC00  }
0xb2: {  	_ =	swait.ge [sflag:s20], $0x1400  }
0xb3: {  	[sflag:s20] =	ssyncset.done $0x0  }
0xb4: {  	[sflag:s20] =	ssyncadd.s32 $0xFFFFEC00  }
0xb5: {  	s24 =	stileid.u32;
	_ =	swait.ge [sflag:s22], $0x1400  }
0xb6: {  	s3 =	sadd.s32 $0x1, s3;
	s6 =	sshll.u32 s24, $0x6;
	[sflag:s22] =	ssyncset.done $0x0  }
0xb7: {  	p0 =	sne.s32 s3, s13;
	s6 =	sor.u32 $0x1C0B, s6;
	[sflag:s22] =	ssyncadd.s32 $0xFFFFEC00  }
.Ltmp2:
0xb8: {  	s7 =	sshrl.u32 s5, $0x3;
	[bflag:$0x0] =	sbarrier.arrive $0xFFFF;
	(pc) =	sbr.rel @p0 .LBB2_1-.Ltmp2, $4  }
0xb9: {  	[hbm:s12], [sflag:s6] =	dma.local [spmem:s7], $0x1400  }
0xba: {  	_ =	swait.ge [sflag:s15], $0x1400  }
0xbb: {  	[sflag:s15] =	ssyncset.done $0x0  }
0xbc: {  	[sflag:s15] =	ssyncadd.s32 $0xFFFFEC00  }
0xbd: {  	_ =	sfence.sel $0x180000  }
0xbe: {  	[bflag:$0x0] =	sbarrier.arrive $0xFFFF  }
0xbf: {  	_ =	strace $0x9000004A  }
0xc0: {  	s0 =	stileid.u32;
	[bflag:$0x2] =	sbarrier.arrive $0xFFFF  }
0xc1: {  	p0 =	sne.s32 s0, $0x0;
	s0 =	rddreg [dreg:$0x2]  }
0xc2: {  	s0 =	sadd.s32 @!p0 $0x100000, s0  }
0xc3: {  	[sflag:s0] =	ssyncadd.tile.s32 @!p0 $0x1;
	_ =	shalt  }
.Lfunc_end2:
_tile_overlayer_lowered:
.L_overlay_start_2:
0xc4: {  	(tag) =	ssettag $0x2  }
0xc5: {  	s0 =	rddreg [dreg:$0x0];
	s2 =	stileid.u32  }
0xc6: {  	s1 =	rddreg [dreg:$0x1];
	p0 =	sne.s32 s2, $0x0  }
0xc7: {  	s3 =	rddreg [dreg:$0x2];
	[bflag:$0x3] =	sbarrier.arrive $0xFFFF;
	s2 =	simm.s32 @!p0 $0x1C0B  }
0xc8: {  	[timem:s3], [sflag:s2] =	dma.local @!p0 [hbm:s0], s1  }
0xc9: {  	s0 =	simm.s32 @!p0 $0xB  }
0xca: {  	_ =	swait.ge @!p0 [sflag:s0], s1  }
0xcb: {  	s1 =	ssub.s32 @!p0 $0x0, s1;
	[sflag:s0] =	ssyncset.done @!p0 $0x0  }
0xcc: {  	[sflag:s0] =	ssyncadd.s32 @!p0 s1  }
0xcd: {  	[bflag:$0x3] =	sbarrier.arrive $0xFFFF  }
0xce: {  	_ =	shalt  }

// kernel: kernel.15.cloned.1.call-start
scs
__scs_entry_jumppad:
0x0: {  	(pc) =	sbr.rel $0x88, $3  }
0x1: {  	(tag) =	ssettag $0x0;
	lr =	simm.s32 $0x1  }
0x2: {  	[smem:$0x3F99] =	sst lr;
	_ =	strace $0xD0000000  }
0x3: {  	_ = 	snop  }
0x4: {  	_ = 	snop  }
0x5: {  	_ = 	snop  }
0x6: {  	_ = 	snop  }
0x7: {  	_ = 	snop  }
__scs_overlays_trampoline_lowered:
0x8: {  	[smem:$0x3FA8] =	sst s0  }
0x9: {  	[smem:$0x3FA9] =	sst s1  }
0xa: {  	[smem:$0x3FAA] =	sst s2  }
0xb: {  	[smem:$0x3FAB] =	sst s3  }
0xc: {  	[smem:$0x3FAC] =	sst s4  }
0xd: {  	[smem:$0x3FAD] =	sst s5  }
0xe: {  	[smem:$0x3FAE] =	sst s6  }
0xf: {  	[smem:$0x3FAF] =	sst s7  }
0x10: {  	[smem:$0x3FB0] =	sst s8  }
0x11: {  	[smem:$0x3FB1] =	sst s9;
	s0 =	simm.s32 @!p0 $0x0  }
0x12: {  	s1 =	sld [smem:$0x3F97];
	s0 =	simm.s32 @p0 $0x1  }
0x13: {  	[smem:$0x3FB2] =	sst s0;
	s0 =	simm.s32 @!p1 $0x0  }
0x14: {  	s2 =	sld [smem:$0x3F96];
	s0 =	simm.s32 @p1 $0x1  }
0x15: {  	[smem:$0x3FB3] =	sst s0;
	s0 =	simm.s32 @!p2 $0x0  }
0x16: {  	s3 =	sld [smem:$0x3FDB];
	s0 =	simm.s32 @p2 $0x1  }
0x17: {  	s4 =	simm.s32 $0x1BF5;
	[smem:$0x3FB5] =	sst s0  }
0x18: {  	s0 =	sld [smem:$0x3F98];
	_ =	swait.ge [sflag:s4], $0x0  }
0x19: {  	s7 =	sld [smem:$0x3F99]  }
0x1a: {  	s8 =	sadd.s32 $0xFFFFE003, lr  }
0x1b: {  	s9 =	sadd.s32 $0xFFFFFEF7, lr;
	s5 =	simm.s32 $0xFFFFFFFF;
	p2 =	slt.u32 s8, $0xFFFFF086  }
0x1c: {  	p1 =	slt.u32 s9, $0xF7A;
	s5 =	simm.s32 @!p2 $0x0  }
0x1d: {  	s5 =	simm.s32 @p1 $0x1;
	p0 =	seq.s32 s7, s2  }
0x1e: {  	s7 =	smul.u32 @!p0 $0xF7A, s2;
	p2 =	seq.s32 @!p0 s5, $0x0  }
0x1f: {  	s9 =	smul.u32 $0xF7A, s1;
	s8 =	simm.s32 @!p0 $0x1BF5;
	p2 =	por !p2, p0  }
0x20: {  	[sflag:s8] =	ssyncset.s32 @!p0 $0xFFFFF086;
	s6 =	sadd.s32 @!p0 s3, s7;
	s7 =	simm.s32 @!p0 $0x108  }
0x21: {  	s3 =	sadd.s32 s3, s9;
	s6 =	sadd.s32 @!p0 $0x88, s6;
	s7 =	simm.s32 @p2 $0x1082  }
0x22: {  	[simem:s7], [sflag:s8] =	dma.local @!p0 [hbm:s6], $0xF7A  }
0x23: {  	s9 =	sor.u32 $0xD0000000, s2;
	s6 =	simm.s32 $0x108;
	_ =	swait.ge @!p0 [sflag:s8], $0x0  }
0x24: {  	s3 =	sadd.s32 $0x88, s3;
	s6 =	simm.s32 @!p1 $0x1082;
	[sflag:s4] =	ssyncset.s32 $0xFFFFF086  }
0x25: {  	[simem:s6], [sflag:s4] =	dma.local [hbm:s3], $0xF7A  }
0x26: {  	[smem:$0x3F99] =	sst s1;
	(tag) =	ssettag s2;
	_ =	strace s9  }
0x27: {  	s1 =	sld [smem:$0x3FA9]  }
0x28: {  	s2 =	sld [smem:$0x3FAA]  }
0x29: {  	s4 =	sld [smem:$0x3FAC]  }
0x2a: {  	p0 =	seq.s32 s5, $0x0;
	s5 =	sld [smem:$0x3FAD]  }
0x2b: {  	s6 =	sld [smem:$0x3FAE]  }
0x2c: {  	s7 =	sld [smem:$0x3FAF]  }
0x2d: {  	s3 =	simm.s32 $0x108;
	s8 =	sld [smem:$0x3FB0]  }
0x2e: {  	s3 =	simm.s32 @!p0 $0x1082;
	s9 =	sld [smem:$0x3FB1]  }
0x2f: {  	lr =	sadd.s32 s0, s3;
	s0 =	sld [smem:$0x3FA8]  }
0x30: {  	s3 =	sld [smem:$0x3FAB]  }
0x31: {  	[smem:$0x3FB4] =	sst s10  }
0x32: {  	s10 =	sld [smem:$0x3FB2];
	_ =	sdelay $0x3  }
0x33: {  	p0 =	seq.s32 s10, $0x1;
	s10 =	sld [smem:$0x3FB4];
	_ =	sdelay $0x3  }
0x34: {  	[smem:$0x3FB4] =	sst s10  }
0x35: {  	s10 =	sld [smem:$0x3FB3];
	_ =	sdelay $0x3  }
0x36: {  	p1 =	seq.s32 s10, $0x1;
	s10 =	sld [smem:$0x3FB4];
	_ =	sdelay $0x3  }
0x37: {  	[smem:$0x3FB4] =	sst s10  }
0x38: {  	s10 =	sld [smem:$0x3FB5]  }
0x39: {  	_ = 	snop;
	(pc) =	sbr.ind lr, $3  }
0x3a: {  	_ = 	snop  }
0x3b: {  	_ = 	snop  }
0x3c: {  	p2 =	seq.s32 s10, $0x1;
	s10 =	sld [smem:$0x3FB4]  }
0x3d: {  	_ =	shalt  }
0x3e: {  	_ =	shalt  }
0x3f: {  	_ =	shalt  }
0x40: {  	_ =	shalt  }
0x41: {  	_ =	shalt  }
0x42: {  	_ =	shalt  }
0x43: {  	_ =	shalt  }
0x44: {  	_ =	shalt  }
0x45: {  	_ =	shalt  }
0x46: {  	_ =	shalt  }
0x47: {  	_ =	shalt  }
0x48: {  	_ =	shalt  }
0x49: {  	_ =	shalt  }
0x4a: {  	_ =	shalt  }
0x4b: {  	_ =	shalt  }
0x4c: {  	_ =	shalt  }
0x4d: {  	_ =	shalt  }
0x4e: {  	_ =	shalt  }
0x4f: {  	_ =	shalt  }
0x50: {  	_ =	shalt  }
0x51: {  	_ =	shalt  }
0x52: {  	_ =	shalt  }
0x53: {  	_ =	shalt  }
0x54: {  	_ =	shalt  }
0x55: {  	_ =	shalt  }
0x56: {  	_ =	shalt  }
0x57: {  	_ =	shalt  }
0x58: {  	_ =	shalt  }
0x59: {  	_ =	shalt  }
0x5a: {  	_ =	shalt  }
0x5b: {  	_ =	shalt  }
0x5c: {  	_ =	shalt  }
0x5d: {  	_ =	shalt  }
0x5e: {  	_ =	shalt  }
0x5f: {  	_ =	shalt  }
0x60: {  	_ =	shalt  }
0x61: {  	_ =	shalt  }
0x62: {  	_ =	shalt  }
0x63: {  	_ =	shalt  }
0x64: {  	_ =	shalt  }
0x65: {  	_ =	shalt  }
0x66: {  	_ =	shalt  }
0x67: {  	_ =	shalt  }
0x68: {  	_ =	shalt  }
0x69: {  	_ =	shalt  }
0x6a: {  	_ =	shalt  }
0x6b: {  	_ =	shalt  }
0x6c: {  	_ =	shalt  }
0x6d: {  	_ =	shalt  }
0x6e: {  	_ =	shalt  }
0x6f: {  	_ =	shalt  }
0x70: {  	_ =	shalt  }
0x71: {  	_ =	shalt  }
0x72: {  	_ =	shalt  }
0x73: {  	_ =	shalt  }
0x74: {  	_ =	shalt  }
0x75: {  	_ =	shalt  }
0x76: {  	_ =	shalt  }
0x77: {  	_ =	shalt  }
0x78: {  	_ =	shalt  }
0x79: {  	_ =	shalt  }
0x7a: {  	_ =	shalt  }
0x7b: {  	_ =	shalt  }
0x7c: {  	_ =	shalt  }
0x7d: {  	_ =	shalt  }
0x7e: {  	_ =	shalt  }
0x7f: {  	_ =	shalt  }
0x80: {  	_ =	shalt  }
0x81: {  	_ =	shalt  }
0x82: {  	_ =	shalt  }
0x83: {  	_ =	shalt  }
0x84: {  	_ =	shalt  }
0x85: {  	_ =	shalt  }
0x86: {  	_ =	shalt  }
0x87: {  	_ =	shalt  }
.Lfunc_end0:
.L_simem_size_0:
called_computation.2_lowered:
.L_overlay_start_0:
0x88: {  	s2 =	sld [smem:$0x3FD9]  }
0x89: {  	s3 =	sld [smem:$0x3FFE];
	_ =	sdelay $0x1  }
0x8a: {  	s1 =	srdreg.scid  }
0x8b: {  	s0 =	sand.u32 $0x1, s1  }
0x8c: {  	s16 =	sshll.u32 s0, $0xA;
	s2 =	sadd.s32 s3, s2  }
0x8d: {  	s2 =	sadd.s32 s2, s16  }
0x8e: {  	[smem:$0x3FC0] =	sst s2  }
0x8f: {  	_ = 	snop  }
0x90: {  	(tm) =	ssettm $0x1  }
0x91: {  	s17 =	sld [smem:$0x3FFB];
	_ =	sdelay $0x3  }
0x92: {  	_ =	strace s17  }
0x93: {  	s2 =	sld [smem:$0x3FFC];
	_ =	sdelay $0x3  }
0x94: {  	_ =	strace s2  }
0x95: {  	s2 =	sld [smem:$0x3FFD];
	_ =	sdelay $0x3  }
0x96: {  	_ =	strace s2  }
0x97: {  	_ =	strace $0x8FFFFFFF  }
0x98: {  	s18 =	sld [smem:$0x3FDB];
	_ =	sdelay $0x1  }
0x99: {  	s19 =	simm.s32 $_scs_section_size  }
0x9a: {  	s4 =	simm.s32 $_size__tile_overlayer_lowered;
	s5 =	simm.s32 $_tile_overlayer_lowered  }
0x9b: {  	s22 =	simm.s32 $0x1BFF;
	s21 =	sshll.u32 s5, $0x1;
	s2 =	sadd.s32 s19, s18  }
0x9c: {  	s6 =	simm.s32 $0x0;
	s20 =	sshll.u32 s4, $0x1;
	s4 =	sadd.s32 s21, s2  }
0x9d: {  	[timem:s6], [sflag:s22] =	dma.local [hbm:s4], s20  }
0x9e: {  	_ =	swait.ge [sflag:s22], s20  }
0x9f: {  	s3 =	ssub.s32 $0x0, s20;
	[sflag:s22] =	ssyncset.done $0x0  }
0xa0: {  	[sflag:s22] =	ssyncadd.s32 s3;
	_ =	sdelay $0x1  }
0xa1: {  	s23 =	simm.s32 $0x1B8B  }
0xa2: {  	_ =	swait.ge [sflag:s23], $0x1  }
0xa3: {  	[sflag:s23] =	ssyncset.done $0x0  }
0xa4: {  	s25 =	simm.s32 $0x1B8E;
	s24 =	sld [smem:$0x3FFE];
	[sflag:s23] =	ssyncadd.s32 $0xFFFFFFFF  }
0xa5: {  	s26 =	simm.s32 $execute0_lowered;
	[smem:$0x3FD2] =	sst s25  }
0xa6: {  	s4 =	sshll.u32 s26, $0x1;
	_ =	strace $0x8000004C;
	[dreg:$0x1] =	wrdreg $0xFFFFFFFF  }
0xa7: {  	s28 =	simm.s32 $_size_execute0_lowered;
	s2 =	sadd.s32 s2, s4;
	[dreg:$0x0] =	wrdreg $0x0  }
0xa8: {  	s4 =	sshll.u32 s28, $0x1;
	[dreg:$0x2] =	wrdreg s2  }
0xa9: {  	[dreg:$0x3] =	wrdreg s4  }
0xaa: {  	[dreg:$0x4] =	wrdreg $0xC0  }
0xab: {  	_ =	task [dreg:s6], $0x5FFFF  }
0xac: {  	[dreg:$0x1] =	wrdreg $0xFFFFFFFF  }
0xad: {  	[dreg:$0x0] =	wrdreg $0x60  }
0xae: {  	[dreg:$0x2] =	wrdreg s24  }
0xaf: {  	[dreg:$0x3] =	wrdreg $0x90200  }
0xb0: {  	[dreg:$0x4] =	wrdreg $0x9  }
0xb1: {  	_ =	task.clear_ibuf [dreg:s6], $0x5FFFF;
	_ =	strace $0x9000004C  }
0xb2: {  	s29 =	simm.s32 $0x9;
	_ =	strace $0x8000004E  }
0xb3: {  	_ =	swait.ge [sflag:s29], $0x1  }
0xb4: {  	[sflag:s29] =	ssyncadd.s32 $0xFFFFFFFF  }
0xb5: {  	_ =	strace $0x9000004E  }
0xb6: {  	_ =	sfence  }
0xb7: {  	s30 =	sld [smem:$0x0];
	_ =	sdelay $0x2  }
0xb8: {  	s31 =	sshll.u32 s1, $0xD;
	s1 =	sshrl.u32 s1, $0x2  }
0xb9: {  	s3 =	sand.u32 $0x4000, s31;
	s1 =	sadd.s32 s1, s30  }
0xba: {  	s0 =	sor.u32 s3, s0;
	s1 =	sshll.u32 s1, $0x11  }
0xbb: {  	s0 =	sor.u32 s1, s0  }
0xbc: {  	s0 =	sadd.s32 $0x8F2B, s0  }
0xbd: {  	[sflag:s0] =	ssyncadd.remote.s32 $0x1  }
0xbe: {  	_ =	sfence.sel $0xFFFF  }
0xbf: {  	[dreg:$0x0] =	wrdreg $0xFFFFFFFF;
	(pc) =	sbr.abs _section_cstart, $3  }
0xc0: {  	[dreg:$0x1] =	wrdreg $0xFFFFFFFF  }
0xc1: {  	_ =	task.clear_ibuf [dreg:s6], $0x2FFFF;
	_ =	strace $0x9FFFFFFF  }
0xc2: {  	(tm) =	ssettm $0x7FFFFFFF  }
0xc3: {  	_ =	shalt  }
tec
execute0_lowered:
.L_overlay_start_1:
0x0: {  	(tag) =	ssettag $0x1  }
0x1: {  	s0 =	srdreg.scid  }
0x2: {  	s1 =	rddreg [dreg:$0x0];
	s8 =	stileid.u32  }
0x3: {  	s2 =	rddreg [dreg:$0x1];
	s14 =	simm.s32 $0x8020;
	s15 =	simm.s32 $0xB  }
0x4: {  	s17 =	simm.s32 $0x50;
	s18 =	simm.s32 $0x4E20;
	s19 =	simm.s32 $0x5820  }
0x5: {  	s21 =	simm.s32 $0x6220;
	s28 =	simm.s32 $0x2;
	s29 =	simm.s32 $0x3  }
0x6: {  	s30 =	simm.s32 $0x4;
	s31 =	simm.s32 $0x5;
	s16 =	simm.s32 $0x8  }
0x7: {  	s20 =	simm.s32 $0x9;
	s0 =	sand.u32 $0x1, s0;
	s6 =	smul.u32 $0x5000, s8  }
0x8: {  	s22 =	simm.s32 $0xA;
	s3 =	sshll.u32 s0, $0x4;
	s7 =	smul.u32 $0x50000, s0  }
0x9: {  	s0 =	ssub.s32 $0x2, s0;
	s4 =	sor.u32 s8, s3;
	s8 =	smul.u32 $0x14000, s8  }
0xa: {  	s3 =	simm.s32 $0x0;
	s24 =	sshrl.u32 s0, $0x1;
	s5 =	smul.u32 $0x2710, s4  }
0xb: {  	[smem:$0x7FF] =	sst s3;
	s4 =	sadd.s32 $0x2400, s1;
	s23 =	sadd.s32 s6, s7  }
0xc: {  	s0 =	ssub.s32 s0, s24;
	_ =	strace $0x8000004D;
	s8 =	sshrl.u32 s8, $0x2  }
0xd: {  	s13 =	smax.u32 s0, $0x1;
	s0 =	simm.s32 $0x7;
	s5 =	sshrl.u32 s5, $0x3  }
0xe: {  	s9 =	sadd.s32 s8, s2;
	s11 =	sadd.s32 s5, s1;
	s5 =	sshrl.u32 s23, $0x3  }
0xf: {  	s25 =	sadd.s32 $0x1000, s9;
	s26 =	sadd.s32 $0x2000, s9;
	s8 =	sadd.s32 $0x3000, s9  }
0x10: {  	s9 =	sadd.s32 $0x4000, s9;
	s23 =	simm.s32 $0x6C20;
	[dreg:$0x3] =	wrdreg s25  }
0x11: {  	s1 =	sadd.s32 s5, s1;
	s5 =	sadd.s32 s6, s2;
	[dreg:$0x4] =	wrdreg s26  }
0x12: {  	s10 =	sadd.s32 $0x22E00, s11;
	s11 =	sadd.s32 $0x2CA40, s11;
	s25 =	simm.s32 $0x7620  }
0x13: {  	v0 =	vimm.f32 $0.0e+00;
	s26 =	simm.s32 $0x1;
	s12 =	sadd.s32 $0xC200, s1;
	s1 =	simm.s32 $0x6  }
.LBB2_1:
0x14: {  	s6 =	simm.s32 $0x80;
	s24 =	simm.s32 $0x0  }
.LBB2_2:
0x15: {  	p0 =	sne.s32 s6, $0x3F80;
	[tilespmem:s24+$0x8020] =	vst v0;
	s7 =	smov.u32 s6;
	s6 =	sadd.s32 $0x80, s6  }
.Ltmp0:
0x16: {  	[tilespmem:s24+$0x8030] =	vst v0;
	(pc) =	sbr.rel @p0 .LBB2_2-.Ltmp0, $2  }
0x17: {  	_ =	sdelay $0x2  }
0x18: {  	s24 =	sshra.s32 s7, $0x2  }
0x19: {  	[tilespmem:s24+$0x8020] =	vst v0  }
0x1a: {  	[tilespmem:s24+$0x8030] =	vst v0  }
0x1b: {  	[spmem:s5] =	stream.linear.scatter [tilespmem:s14], [sflag:$0xB], $0x1000, $0x38;
	[tilespmem:$0xE020] =	vst v63  }
0x1c: {  	_ =	swait.ge [sflag:s15], $0x1000  }
0x1d: {  	[sflag:s15] =	ssyncset.done $0x0  }
0x1e: {  	s6 =	rddreg [dreg:$0x3];
	[sflag:s15] =	ssyncadd.s32 $0xFFFFF000  }
0x1f: {  	[spmem:s6] =	stream.linear.scatter [tilespmem:s14], [sflag:$0xB], $0x1000, $0x38;
	[tilespmem:$0xE020] =	vst v63  }
0x20: {  	_ =	swait.ge [sflag:s15], $0x1000  }
0x21: {  	[sflag:s15] =	ssyncset.done $0x0  }
0x22: {  	s7 =	rddreg [dreg:$0x4];
	[sflag:s15] =	ssyncadd.s32 $0xFFFFF000  }
0x23: {  	[spmem:s7] =	stream.linear.scatter [tilespmem:s14], [sflag:$0xB], $0x1000, $0x38;
	[tilespmem:$0xE020] =	vst v63  }
0x24: {  	_ =	swait.ge [sflag:s15], $0x1000  }
0x25: {  	[sflag:s15] =	ssyncset.done $0x0  }
0x26: {  	[sflag:s15] =	ssyncadd.s32 $0xFFFFF000  }
0x27: {  	[spmem:s8] =	stream.linear.scatter [tilespmem:s14], [sflag:$0xB], $0x1000, $0x38;
	[tilespmem:$0xE020] =	vst v63  }
0x28: {  	_ =	swait.ge [sflag:s15], $0x1000  }
0x29: {  	[sflag:s15] =	ssyncset.done $0x0  }
0x2a: {  	[sflag:s15] =	ssyncadd.s32 $0xFFFFF000  }
0x2b: {  	[spmem:s9] =	stream.linear.scatter [tilespmem:s14], [sflag:$0xB], $0x1000, $0x38;
	[tilespmem:$0xE020] =	vst v63  }
0x2c: {  	_ =	swait.ge [sflag:s15], $0x1000  }
0x2d: {  	[sflag:s15] =	ssyncset.done $0x0  }
0x2e: {  	s24 =	simm.s32 $0x0;
	[sflag:s15] =	ssyncadd.s32 $0xFFFFF000  }
0x2f: {  	[tilespmem:s24], [sflag:$0xB] =	stream.linear.gather [hbm4b:s10+s24], $0x2710, $0x38;
	[tilespmem:$0xE020] =	vst v63  }
0x30: {  	_ =	swait.ge [sflag:s15], $0x2710  }
0x31: {  	[sflag:s15] =	ssyncset.done $0x0  }
0x32: {  	s7 =	simm.s32 $0x2710;
	[sflag:s15] =	ssyncadd.s32 $0xFFFFD8F0  }
0x33: {  	[tilespmem:s7], [sflag:$0xB] =	stream.linear.gather [hbm4b:s11+s24], $0x2710, $0x38;
	[tilespmem:$0xE020] =	vst v63  }
0x34: {  	_ =	swait.ge [sflag:s15], $0x2710  }
0x35: {  	[sflag:s15] =	ssyncset.done $0x0  }
0x36: {  	[sflag:s15] =	ssyncadd.s32 $0xFFFFD8F0  }
0x37: {  	[bflag:$0x0] =	sbarrier.arrive $0xFFFF  }
0x38: {  	[tilespmem:s18], [sflag:$0x1] =	stream.indirect.gather [hbm4b:s4+s17], $0x20, s24, s17, $0xb8;
	[tilespmem:$0xE020] =	vst v63  }
0x39: {  	_ = 	snop  }
0x3a: {  	[tilespmem:s19], [sflag:$0x2] =	stream.indirect.gather [hbm4b:s4+s17], $0x20, s17, s17, $0xb8;
	[tilespmem:$0xE020] =	vst v63  }
0x3b: {  	s7 =	simm.s32 $0xA0  }
0x3c: {  	[tilespmem:s21], [sflag:$0x3] =	stream.indirect.gather [hbm4b:s4+s17], $0x20, s7, s17, $0xb8;
	[tilespmem:$0xE020] =	vst v63  }
0x3d: {  	s24 =	simm.s32 $0xF0  }
0x3e: {  	[tilespmem:s23], [sflag:$0x4] =	stream.indirect.gather [hbm4b:s4+s17], $0x20, s24, s17, $0xb8;
	[tilespmem:$0xE020] =	vst v63  }
0x3f: {  	s7 =	simm.s32 $0x140  }
0x40: {  	[tilespmem:s25], [sflag:$0x5] =	stream.indirect.gather [hbm4b:s4+s17], $0x20, s7, s17, $0xb8;
	[tilespmem:$0xE020] =	vst v63  }
0x41: {  	_ =	swait.ge [sflag:s26], $0xA00  }
0x42: {  	[sflag:s26] =	ssyncset.done $0x0  }
0x43: {  	s24 =	simm.s32 $0x2710;
	[sflag:s26] =	ssyncadd.s32 $0xFFFFF600  }
0x44: {  	[spmem:s2] =	stream.indirect.scatter.add.f32 [tilespmem:s18], [sflag:$0x6], $0x20, s24, s17, $0xb8;
	[tilespmem:$0xE020] =	vst v63  }
0x45: {  	_ =	swait.ge [sflag:s28], $0xA00  }
0x46: {  	[sflag:s28] =	ssyncset.done $0x0  }
0x47: {  	s7 =	simm.s32 $0x2760;
	[sflag:s28] =	ssyncadd.s32 $0xFFFFF600  }
0x48: {  	[spmem:s2] =	stream.indirect.scatter.add.f32 [tilespmem:s19], [sflag:$0x7], $0x20, s7, s17, $0xb8;
	[tilespmem:$0xE020] =	vst v63  }
0x49: {  	_ =	swait.ge [sflag:s29], $0xA00  }
0x4a: {  	[sflag:s29] =	ssyncset.done $0x0  }
0x4b: {  	s24 =	simm.s32 $0x27B0;
	[sflag:s29] =	ssyncadd.s32 $0xFFFFF600  }
0x4c: {  	[spmem:s2] =	stream.indirect.scatter.add.f32 [tilespmem:s21], [sflag:$0x8], $0x20, s24, s17, $0xb8;
	[tilespmem:$0xE020] =	vst v63  }
0x4d: {  	_ =	swait.ge [sflag:s30], $0xA00  }
0x4e: {  	[sflag:s30] =	ssyncset.done $0x0  }
0x4f: {  	s7 =	simm.s32 $0x2800;
	[sflag:s30] =	ssyncadd.s32 $0xFFFFF600  }
0x50: {  	[spmem:s2] =	stream.indirect.scatter.add.f32 [tilespmem:s23], [sflag:$0x9], $0x20, s7, s17, $0xb8;
	[tilespmem:$0xE020] =	vst v63  }
0x51: {  	_ =	swait.ge [sflag:s31], $0xA00  }
0x52: {  	[sflag:s31] =	ssyncset.done $0x0  }
0x53: {  	s24 =	simm.s32 $0x2850;
	[sflag:s31] =	ssyncadd.s32 $0xFFFFF600  }
0x54: {  	[spmem:s2] =	stream.indirect.scatter.add.f32 [tilespmem:s25], [sflag:$0xA], $0x20, s24, s17, $0xb8;
	[tilespmem:$0xE020] =	vst v63  }
0x55: {  	_ =	swait.ge [sflag:s1], $0xA00  }
0x56: {  	[sflag:s1] =	ssyncset.done $0x0  }
0x57: {  	s7 =	simm.s32 $0x190;
	[sflag:s1] =	ssyncadd.s32 $0xFFFFF600  }
0x58: {  	[tilespmem:s18], [sflag:$0x1] =	stream.indirect.gather [hbm4b:s4+s17], $0x20, s7, s17, $0xb8;
	[tilespmem:$0xE020] =	vst v63  }
0x59: {  	_ =	swait.ge [sflag:s0], $0xA00  }
0x5a: {  	[sflag:s0] =	ssyncset.done $0x0  }
0x5b: {  	s24 =	simm.s32 $0x1E0;
	[sflag:s0] =	ssyncadd.s32 $0xFFFFF600  }
0x5c: {  	[tilespmem:s19], [sflag:$0x2] =	stream.indirect.gather [hbm4b:s4+s17], $0x20, s24, s17, $0xb8;
	[tilespmem:$0xE020] =	vst v63  }
0x5d: {  	_ =	swait.ge [sflag:s16], $0xA00  }
0x5e: {  	[sflag:s16] =	ssyncset.done $0x0  }
0x5f: {  	s7 =	simm.s32 $0x230;
	[sflag:s16] =	ssyncadd.s32 $0xFFFFF600  }
0x60: {  	[tilespmem:s21], [sflag:$0x3] =	stream.indirect.gather [hbm4b:s4+s17], $0x20, s7, s17, $0xb8;
	[tilespmem:$0xE020] =	vst v63  }
0x61: {  	_ =	swait.ge [sflag:s20], $0xA00  }
0x62: {  	[sflag:s20] =	ssyncset.done $0x0  }
0x63: {  	s24 =	simm.s32 $0x280;
	[sflag:s20] =	ssyncadd.s32 $0xFFFFF600  }
0x64: {  	[tilespmem:s23], [sflag:$0x4] =	stream.indirect.gather [hbm4b:s4+s17], $0x20, s24, s17, $0xb8;
	[tilespmem:$0xE020] =	vst v63  }
0x65: {  	_ =	swait.ge [sflag:s22], $0xA00  }
0x66: {  	[sflag:s22] =	ssyncset.done $0x0  }
0x67: {  	s6 =	simm.s32 $0x2D0;
	s24 =	simm.s32 $0x640;
	[sflag:s22] =	ssyncadd.s32 $0xFFFFF600  }
.LBB2_4:
0x68: {  	[tilespmem:s25], [sflag:$0x5] =	stream.indirect.gather [hbm4b:s4+s17], $0x20, s6, s17, $0xb8;
	[tilespmem:$0xE020] =	vst v63  }
0x69: {  	s6 =	smov.u32 s24  }
0x6a: {  	p0 =	sne.s32 s24, $0x8FC0;
	s24 =	sadd.s32 $0x640, s24;
	_ =	swait.ge [sflag:s26], $0xA00  }
0x6b: {  	s6 =	sshra.s32 s6, $0x2;
	[sflag:s26] =	ssyncset.done $0x0  }
0x6c: {  	s7 =	sadd.s32 $0x2710, s6;
	[sflag:s26] =	ssyncadd.s32 $0xFFFFF600  }
0x6d: {  	[spmem:s2] =	stream.indirect.scatter.add.f32 [tilespmem:s18], [sflag:$0x6], $0x20, s7, s17, $0xb8;
	[tilespmem:$0xE020] =	vst v63  }
0x6e: {  	_ =	swait.ge [sflag:s28], $0xA00  }
0x6f: {  	[sflag:s28] =	ssyncset.done $0x0  }
0x70: {  	s7 =	sadd.s32 $0x2760, s6;
	[sflag:s28] =	ssyncadd.s32 $0xFFFFF600  }
0x71: {  	[spmem:s2] =	stream.indirect.scatter.add.f32 [tilespmem:s19], [sflag:$0x7], $0x20, s7, s17, $0xb8;
	[tilespmem:$0xE020] =	vst v63  }
0x72: {  	_ =	swait.ge [sflag:s29], $0xA00  }
0x73: {  	[sflag:s29] =	ssyncset.done $0x0  }
0x74: {  	s7 =	sadd.s32 $0x27B0, s6;
	[sflag:s29] =	ssyncadd.s32 $0xFFFFF600  }
0x75: {  	[spmem:s2] =	stream.indirect.scatter.add.f32 [tilespmem:s21], [sflag:$0x8], $0x20, s7, s17, $0xb8;
	[tilespmem:$0xE020] =	vst v63  }
0x76: {  	_ =	swait.ge [sflag:s30], $0xA00  }
0x77: {  	[sflag:s30] =	ssyncset.done $0x0  }
0x78: {  	s7 =	sadd.s32 $0x2800, s6;
	[sflag:s30] =	ssyncadd.s32 $0xFFFFF600  }
0x79: {  	[spmem:s2] =	stream.indirect.scatter.add.f32 [tilespmem:s23], [sflag:$0x9], $0x20, s7, s17, $0xb8;
	[tilespmem:$0xE020] =	vst v63  }
0x7a: {  	_ =	swait.ge [sflag:s31], $0xA00  }
0x7b: {  	[sflag:s31] =	ssyncset.done $0x0  }
0x7c: {  	s7 =	sadd.s32 $0x2850, s6;
	[sflag:s31] =	ssyncadd.s32 $0xFFFFF600  }
0x7d: {  	[spmem:s2] =	stream.indirect.scatter.add.f32 [tilespmem:s25], [sflag:$0xA], $0x20, s7, s17, $0xb8;
	[tilespmem:$0xE020] =	vst v63  }
0x7e: {  	_ =	swait.ge [sflag:s1], $0xA00  }
0x7f: {  	[sflag:s1] =	ssyncset.done $0x0  }
0x80: {  	s7 =	sadd.s32 $0x190, s6;
	[sflag:s1] =	ssyncadd.s32 $0xFFFFF600  }
0x81: {  	[tilespmem:s18], [sflag:$0x1] =	stream.indirect.gather [hbm4b:s4+s17], $0x20, s7, s17, $0xb8;
	[tilespmem:$0xE020] =	vst v63  }
0x82: {  	_ =	swait.ge [sflag:s0], $0xA00  }
0x83: {  	[sflag:s0] =	ssyncset.done $0x0  }
0x84: {  	s7 =	sadd.s32 $0x1E0, s6;
	[sflag:s0] =	ssyncadd.s32 $0xFFFFF600  }
0x85: {  	[tilespmem:s19], [sflag:$0x2] =	stream.indirect.gather [hbm4b:s4+s17], $0x20, s7, s17, $0xb8;
	[tilespmem:$0xE020] =	vst v63  }
0x86: {  	_ =	swait.ge [sflag:s16], $0xA00  }
0x87: {  	[sflag:s16] =	ssyncset.done $0x0  }
0x88: {  	s7 =	sadd.s32 $0x230, s6;
	[sflag:s16] =	ssyncadd.s32 $0xFFFFF600  }
0x89: {  	[tilespmem:s21], [sflag:$0x3] =	stream.indirect.gather [hbm4b:s4+s17], $0x20, s7, s17, $0xb8;
	[tilespmem:$0xE020] =	vst v63  }
0x8a: {  	_ =	swait.ge [sflag:s20], $0xA00  }
0x8b: {  	[sflag:s20] =	ssyncset.done $0x0  }
.Ltmp1:
0x8c: {  	s7 =	sadd.s32 $0x280, s6;
	[sflag:s20] =	ssyncadd.s32 $0xFFFFF600;
	(pc) =	sbr.rel @p0 .LBB2_4-.Ltmp1, $4  }
0x8d: {  	[tilespmem:s23], [sflag:$0x4] =	stream.indirect.gather [hbm4b:s4+s17], $0x20, s7, s17, $0xb8;
	[tilespmem:$0xE020] =	vst v63  }
0x8e: {  	_ =	swait.ge [sflag:s22], $0xA00  }
0x8f: {  	[sflag:s22] =	ssyncset.done $0x0  }
0x90: {  	s6 =	sadd.s32 $0x2D0, s6;
	[sflag:s22] =	ssyncadd.s32 $0xFFFFF600  }
0x91: {  	[tilespmem:s25], [sflag:$0x5] =	stream.indirect.gather [hbm4b:s4+s17], $0x20, s6, s17, $0xb8;
	[tilespmem:$0xE020] =	vst v63  }
0x92: {  	_ =	swait.ge [sflag:s26], $0xA00  }
0x93: {  	[sflag:s26] =	ssyncset.done $0x0  }
0x94: {  	s7 =	simm.s32 $0x4C90;
	[sflag:s26] =	ssyncadd.s32 $0xFFFFF600  }
0x95: {  	[spmem:s2] =	stream.indirect.scatter.add.f32 [tilespmem:s18], [sflag:$0x6], $0x20, s7, s17, $0xb8;
	[tilespmem:$0xE020] =	vst v63  }
0x96: {  	_ =	swait.ge [sflag:s28], $0xA00  }
0x97: {  	[sflag:s28] =	ssyncset.done $0x0  }
0x98: {  	s24 =	simm.s32 $0x4CE0;
	[sflag:s28] =	ssyncadd.s32 $0xFFFFF600  }
0x99: {  	[spmem:s2] =	stream.indirect.scatter.add.f32 [tilespmem:s19], [sflag:$0x7], $0x20, s24, s17, $0xb8;
	[tilespmem:$0xE020] =	vst v63  }
0x9a: {  	_ =	swait.ge [sflag:s29], $0xA00  }
0x9b: {  	[sflag:s29] =	ssyncset.done $0x0  }
0x9c: {  	s7 =	simm.s32 $0x4D30;
	[sflag:s29] =	ssyncadd.s32 $0xFFFFF600  }
0x9d: {  	[spmem:s2] =	stream.indirect.scatter.add.f32 [tilespmem:s21], [sflag:$0x8], $0x20, s7, s17, $0xb8;
	[tilespmem:$0xE020] =	vst v63  }
0x9e: {  	_ =	swait.ge [sflag:s30], $0xA00  }
0x9f: {  	[sflag:s30] =	ssyncset.done $0x0  }
0xa0: {  	s24 =	simm.s32 $0x4D80;
	[sflag:s30] =	ssyncadd.s32 $0xFFFFF600  }
0xa1: {  	[spmem:s2] =	stream.indirect.scatter.add.f32 [tilespmem:s23], [sflag:$0x9], $0x20, s24, s17, $0xb8;
	[tilespmem:$0xE020] =	vst v63  }
0xa2: {  	_ =	swait.ge [sflag:s31], $0xA00  }
0xa3: {  	[sflag:s31] =	ssyncset.done $0x0  }
0xa4: {  	s7 =	simm.s32 $0x4DD0;
	[sflag:s31] =	ssyncadd.s32 $0xFFFFF600  }
0xa5: {  	[spmem:s2] =	stream.indirect.scatter.add.f32 [tilespmem:s25], [sflag:$0xA], $0x20, s7, s17, $0xb8;
	[tilespmem:$0xE020] =	vst v63  }
0xa6: {  	_ =	swait.ge [sflag:s1], $0xA00  }
0xa7: {  	[sflag:s1] =	ssyncset.done $0x0  }
0xa8: {  	[sflag:s1] =	ssyncadd.s32 $0xFFFFF600  }
0xa9: {  	_ =	swait.ge [sflag:s0], $0xA00  }
0xaa: {  	[sflag:s0] =	ssyncset.done $0x0  }
0xab: {  	[sflag:s0] =	ssyncadd.s32 $0xFFFFF600  }
0xac: {  	_ =	swait.ge [sflag:s16], $0xA00  }
0xad: {  	[sflag:s16] =	ssyncset.done $0x0  }
0xae: {  	[sflag:s16] =	ssyncadd.s32 $0xFFFFF600  }
0xaf: {  	_ =	swait.ge [sflag:s20], $0xA00  }
0xb0: {  	[sflag:s20] =	ssyncset.done $0x0  }
0xb1: {  	[sflag:s20] =	ssyncadd.s32 $0xFFFFF600  }
0xb2: {  	s24 =	stileid.u32;
	_ =	swait.ge [sflag:s22], $0xA00  }
0xb3: {  	s3 =	sadd.s32 $0x1, s3;
	s6 =	sshll.u32 s24, $0x6;
	[sflag:s22] =	ssyncset.done $0x0  }
0xb4: {  	p0 =	sne.s32 s3, s13;
	s6 =	sor.u32 $0x1C0B, s6;
	[sflag:s22] =	ssyncadd.s32 $0xFFFFF600  }
.Ltmp2:
0xb5: {  	s7 =	sshrl.u32 s5, $0x3;
	[bflag:$0x0] =	sbarrier.arrive $0xFFFF;
	(pc) =	sbr.rel @p0 .LBB2_1-.Ltmp2, $4  }
0xb6: {  	[hbm:s12], [sflag:s6] =	dma.local [spmem:s7], $0xA00  }
0xb7: {  	_ =	swait.ge [sflag:s15], $0xA00  }
0xb8: {  	[sflag:s15] =	ssyncset.done $0x0  }
0xb9: {  	[sflag:s15] =	ssyncadd.s32 $0xFFFFF600  }
0xba: {  	_ =	sfence.sel $0x180000  }
0xbb: {  	[bflag:$0x0] =	sbarrier.arrive $0xFFFF  }
0xbc: {  	_ =	strace $0x9000004D  }
0xbd: {  	s0 =	stileid.u32;
	[bflag:$0x2] =	sbarrier.arrive $0xFFFF  }
0xbe: {  	p0 =	sne.s32 s0, $0x0;
	s0 =	rddreg [dreg:$0x2]  }
0xbf: {  	s0 =	sadd.s32 @!p0 $0x100000, s0  }
0xc0: {  	[sflag:s0] =	ssyncadd.tile.s32 @!p0 $0x1;
	_ =	shalt  }
.Lfunc_end2:
_tile_overlayer_lowered:
.L_overlay_start_2:
0xc1: {  	(tag) =	ssettag $0x2  }
0xc2: {  	s0 =	rddreg [dreg:$0x0];
	s2 =	stileid.u32  }
0xc3: {  	s1 =	rddreg [dreg:$0x1];
	p0 =	sne.s32 s2, $0x0  }
0xc4: {  	s3 =	rddreg [dreg:$0x2];
	[bflag:$0x3] =	sbarrier.arrive $0xFFFF;
	s2 =	simm.s32 @!p0 $0x1C0B  }
0xc5: {  	[timem:s3], [sflag:s2] =	dma.local @!p0 [hbm:s0], s1  }
0xc6: {  	s0 =	simm.s32 @!p0 $0xB  }
0xc7: {  	_ =	swait.ge @!p0 [sflag:s0], s1  }
0xc8: {  	s1 =	ssub.s32 @!p0 $0x0, s1;
	[sflag:s0] =	ssyncset.done @!p0 $0x0  }
0xc9: {  	[sflag:s0] =	ssyncadd.s32 @!p0 s1  }
0xca: {  	[bflag:$0x3] =	sbarrier.arrive $0xFFFF  }
0xcb: {  	_ =	shalt  }

// kernel: kernel.9.cloned.1.call-start
scs
__scs_entry_jumppad:
0x0: {  	(pc) =	sbr.rel $0x88, $3  }
0x1: {  	(tag) =	ssettag $0x0;
	lr =	simm.s32 $0x1  }
0x2: {  	[smem:$0x3F99] =	sst lr;
	_ =	strace $0xD0000000  }
0x3: {  	_ = 	snop  }
0x4: {  	_ = 	snop  }
0x5: {  	_ = 	snop  }
0x6: {  	_ = 	snop  }
0x7: {  	_ = 	snop  }
__scs_overlays_trampoline_lowered:
0x8: {  	[smem:$0x3FA8] =	sst s0  }
0x9: {  	[smem:$0x3FA9] =	sst s1  }
0xa: {  	[smem:$0x3FAA] =	sst s2  }
0xb: {  	[smem:$0x3FAB] =	sst s3  }
0xc: {  	[smem:$0x3FAC] =	sst s4  }
0xd: {  	[smem:$0x3FAD] =	sst s5  }
0xe: {  	[smem:$0x3FAE] =	sst s6  }
0xf: {  	[smem:$0x3FAF] =	sst s7  }
0x10: {  	[smem:$0x3FB0] =	sst s8  }
0x11: {  	[smem:$0x3FB1] =	sst s9;
	s0 =	simm.s32 @!p0 $0x0  }
0x12: {  	s1 =	sld [smem:$0x3F97];
	s0 =	simm.s32 @p0 $0x1  }
0x13: {  	[smem:$0x3FB2] =	sst s0;
	s0 =	simm.s32 @!p1 $0x0  }
0x14: {  	s2 =	sld [smem:$0x3F96];
	s0 =	simm.s32 @p1 $0x1  }
0x15: {  	[smem:$0x3FB3] =	sst s0;
	s0 =	simm.s32 @!p2 $0x0  }
0x16: {  	s3 =	sld [smem:$0x3FDB];
	s0 =	simm.s32 @p2 $0x1  }
0x17: {  	s4 =	simm.s32 $0x1BF5;
	[smem:$0x3FB5] =	sst s0  }
0x18: {  	s0 =	sld [smem:$0x3F98];
	_ =	swait.ge [sflag:s4], $0x0  }
0x19: {  	s7 =	sld [smem:$0x3F99]  }
0x1a: {  	s8 =	sadd.s32 $0xFFFFE003, lr  }
0x1b: {  	s9 =	sadd.s32 $0xFFFFFEF7, lr;
	s5 =	simm.s32 $0xFFFFFFFF;
	p2 =	slt.u32 s8, $0xFFFFF086  }
0x1c: {  	p1 =	slt.u32 s9, $0xF7A;
	s5 =	simm.s32 @!p2 $0x0  }
0x1d: {  	s5 =	simm.s32 @p1 $0x1;
	p0 =	seq.s32 s7, s2  }
0x1e: {  	s7 =	smul.u32 @!p0 $0xF7A, s2;
	p2 =	seq.s32 @!p0 s5, $0x0  }
0x1f: {  	s9 =	smul.u32 $0xF7A, s1;
	s8 =	simm.s32 @!p0 $0x1BF5;
	p2 =	por !p2, p0  }
0x20: {  	[sflag:s8] =	ssyncset.s32 @!p0 $0xFFFFF086;
	s6 =	sadd.s32 @!p0 s3, s7;
	s7 =	simm.s32 @!p0 $0x108  }
0x21: {  	s3 =	sadd.s32 s3, s9;
	s6 =	sadd.s32 @!p0 $0x88, s6;
	s7 =	simm.s32 @p2 $0x1082  }
0x22: {  	[simem:s7], [sflag:s8] =	dma.local @!p0 [hbm:s6], $0xF7A  }
0x23: {  	s9 =	sor.u32 $0xD0000000, s2;
	s6 =	simm.s32 $0x108;
	_ =	swait.ge @!p0 [sflag:s8], $0x0  }
0x24: {  	s3 =	sadd.s32 $0x88, s3;
	s6 =	simm.s32 @!p1 $0x1082;
	[sflag:s4] =	ssyncset.s32 $0xFFFFF086  }
0x25: {  	[simem:s6], [sflag:s4] =	dma.local [hbm:s3], $0xF7A  }
0x26: {  	[smem:$0x3F99] =	sst s1;
	(tag) =	ssettag s2;
	_ =	strace s9  }
0x27: {  	s1 =	sld [smem:$0x3FA9]  }
0x28: {  	s2 =	sld [smem:$0x3FAA]  }
0x29: {  	s4 =	sld [smem:$0x3FAC]  }
0x2a: {  	p0 =	seq.s32 s5, $0x0;
	s5 =	sld [smem:$0x3FAD]  }
0x2b: {  	s6 =	sld [smem:$0x3FAE]  }
0x2c: {  	s7 =	sld [smem:$0x3FAF]  }
0x2d: {  	s3 =	simm.s32 $0x108;
	s8 =	sld [smem:$0x3FB0]  }
0x2e: {  	s3 =	simm.s32 @!p0 $0x1082;
	s9 =	sld [smem:$0x3FB1]  }
0x2f: {  	lr =	sadd.s32 s0, s3;
	s0 =	sld [smem:$0x3FA8]  }
0x30: {  	s3 =	sld [smem:$0x3FAB]  }
0x31: {  	[smem:$0x3FB4] =	sst s10  }
0x32: {  	s10 =	sld [smem:$0x3FB2];
	_ =	sdelay $0x3  }
0x33: {  	p0 =	seq.s32 s10, $0x1;
	s10 =	sld [smem:$0x3FB4];
	_ =	sdelay $0x3  }
0x34: {  	[smem:$0x3FB4] =	sst s10  }
0x35: {  	s10 =	sld [smem:$0x3FB3];
	_ =	sdelay $0x3  }
0x36: {  	p1 =	seq.s32 s10, $0x1;
	s10 =	sld [smem:$0x3FB4];
	_ =	sdelay $0x3  }
0x37: {  	[smem:$0x3FB4] =	sst s10  }
0x38: {  	s10 =	sld [smem:$0x3FB5]  }
0x39: {  	_ = 	snop;
	(pc) =	sbr.ind lr, $3  }
0x3a: {  	_ = 	snop  }
0x3b: {  	_ = 	snop  }
0x3c: {  	p2 =	seq.s32 s10, $0x1;
	s10 =	sld [smem:$0x3FB4]  }
0x3d: {  	_ =	shalt  }
0x3e: {  	_ =	shalt  }
0x3f: {  	_ =	shalt  }
0x40: {  	_ =	shalt  }
0x41: {  	_ =	shalt  }
0x42: {  	_ =	shalt  }
0x43: {  	_ =	shalt  }
0x44: {  	_ =	shalt  }
0x45: {  	_ =	shalt  }
0x46: {  	_ =	shalt  }
0x47: {  	_ =	shalt  }
0x48: {  	_ =	shalt  }
0x49: {  	_ =	shalt  }
0x4a: {  	_ =	shalt  }
0x4b: {  	_ =	shalt  }
0x4c: {  	_ =	shalt  }
0x4d: {  	_ =	shalt  }
0x4e: {  	_ =	shalt  }
0x4f: {  	_ =	shalt  }
0x50: {  	_ =	shalt  }
0x51: {  	_ =	shalt  }
0x52: {  	_ =	shalt  }
0x53: {  	_ =	shalt  }
0x54: {  	_ =	shalt  }
0x55: {  	_ =	shalt  }
0x56: {  	_ =	shalt  }
0x57: {  	_ =	shalt  }
0x58: {  	_ =	shalt  }
0x59: {  	_ =	shalt  }
0x5a: {  	_ =	shalt  }
0x5b: {  	_ =	shalt  }
0x5c: {  	_ =	shalt  }
0x5d: {  	_ =	shalt  }
0x5e: {  	_ =	shalt  }
0x5f: {  	_ =	shalt  }
0x60: {  	_ =	shalt  }
0x61: {  	_ =	shalt  }
0x62: {  	_ =	shalt  }
0x63: {  	_ =	shalt  }
0x64: {  	_ =	shalt  }
0x65: {  	_ =	shalt  }
0x66: {  	_ =	shalt  }
0x67: {  	_ =	shalt  }
0x68: {  	_ =	shalt  }
0x69: {  	_ =	shalt  }
0x6a: {  	_ =	shalt  }
0x6b: {  	_ =	shalt  }
0x6c: {  	_ =	shalt  }
0x6d: {  	_ =	shalt  }
0x6e: {  	_ =	shalt  }
0x6f: {  	_ =	shalt  }
0x70: {  	_ =	shalt  }
0x71: {  	_ =	shalt  }
0x72: {  	_ =	shalt  }
0x73: {  	_ =	shalt  }
0x74: {  	_ =	shalt  }
0x75: {  	_ =	shalt  }
0x76: {  	_ =	shalt  }
0x77: {  	_ =	shalt  }
0x78: {  	_ =	shalt  }
0x79: {  	_ =	shalt  }
0x7a: {  	_ =	shalt  }
0x7b: {  	_ =	shalt  }
0x7c: {  	_ =	shalt  }
0x7d: {  	_ =	shalt  }
0x7e: {  	_ =	shalt  }
0x7f: {  	_ =	shalt  }
0x80: {  	_ =	shalt  }
0x81: {  	_ =	shalt  }
0x82: {  	_ =	shalt  }
0x83: {  	_ =	shalt  }
0x84: {  	_ =	shalt  }
0x85: {  	_ =	shalt  }
0x86: {  	_ =	shalt  }
0x87: {  	_ =	shalt  }
.Lfunc_end0:
.L_simem_size_0:
called_computation_lowered:
.L_overlay_start_0:
0x88: {  	s2 =	sld [smem:$0x3FD9]  }
0x89: {  	s3 =	sld [smem:$0x3FFE];
	_ =	sdelay $0x1  }
0x8a: {  	s1 =	srdreg.scid  }
0x8b: {  	s0 =	sand.u32 $0x1, s1  }
0x8c: {  	s16 =	sshll.u32 s0, $0xA;
	s2 =	sadd.s32 s3, s2  }
0x8d: {  	s2 =	sadd.s32 s2, s16  }
0x8e: {  	[smem:$0x3FC0] =	sst s2  }
0x8f: {  	_ = 	snop  }
0x90: {  	(tm) =	ssettm $0x1  }
0x91: {  	s17 =	sld [smem:$0x3FFB];
	_ =	sdelay $0x3  }
0x92: {  	_ =	strace s17  }
0x93: {  	s2 =	sld [smem:$0x3FFC];
	_ =	sdelay $0x3  }
0x94: {  	_ =	strace s2  }
0x95: {  	s2 =	sld [smem:$0x3FFD];
	_ =	sdelay $0x3  }
0x96: {  	_ =	strace s2  }
0x97: {  	_ =	strace $0x8FFFFFFF  }
0x98: {  	s18 =	sld [smem:$0x3FDB];
	_ =	sdelay $0x1  }
0x99: {  	s19 =	simm.s32 $_scs_section_size  }
0x9a: {  	s4 =	simm.s32 $_size__tile_overlayer_lowered;
	s5 =	simm.s32 $_tile_overlayer_lowered  }
0x9b: {  	s22 =	simm.s32 $0x1BFF;
	s21 =	sshll.u32 s5, $0x1;
	s2 =	sadd.s32 s19, s18  }
0x9c: {  	s6 =	simm.s32 $0x0;
	s20 =	sshll.u32 s4, $0x1;
	s4 =	sadd.s32 s21, s2  }
0x9d: {  	[timem:s6], [sflag:s22] =	dma.local [hbm:s4], s20  }
0x9e: {  	_ =	swait.ge [sflag:s22], s20  }
0x9f: {  	s3 =	ssub.s32 $0x0, s20;
	[sflag:s22] =	ssyncset.done $0x0  }
0xa0: {  	[sflag:s22] =	ssyncadd.s32 s3;
	_ =	sdelay $0x1  }
0xa1: {  	s23 =	simm.s32 $0x1B8B  }
0xa2: {  	_ =	swait.ge [sflag:s23], $0x1  }
0xa3: {  	[sflag:s23] =	ssyncset.done $0x0  }
0xa4: {  	s25 =	simm.s32 $0x1B8E;
	s24 =	sld [smem:$0x3FFE];
	[sflag:s23] =	ssyncadd.s32 $0xFFFFFFFF  }
0xa5: {  	s26 =	simm.s32 $execute0_lowered;
	[smem:$0x3FD2] =	sst s25  }
0xa6: {  	s4 =	sshll.u32 s26, $0x1;
	_ =	strace $0x80000046;
	[dreg:$0x1] =	wrdreg $0xFFFFFFFF  }
0xa7: {  	s28 =	simm.s32 $_size_execute0_lowered;
	s2 =	sadd.s32 s2, s4;
	[dreg:$0x0] =	wrdreg $0x0  }
0xa8: {  	s4 =	sshll.u32 s28, $0x1;
	[dreg:$0x2] =	wrdreg s2  }
0xa9: {  	[dreg:$0x3] =	wrdreg s4  }
0xaa: {  	[dreg:$0x4] =	wrdreg $0xC0  }
0xab: {  	_ =	task [dreg:s6], $0x5FFFF  }
0xac: {  	[dreg:$0x1] =	wrdreg $0xFFFFFFFF  }
0xad: {  	[dreg:$0x0] =	wrdreg $0x60  }
0xae: {  	[dreg:$0x2] =	wrdreg s24  }
0xaf: {  	[dreg:$0x3] =	wrdreg $0x92800  }
0xb0: {  	[dreg:$0x4] =	wrdreg $0x9  }
0xb1: {  	_ =	task.clear_ibuf [dreg:s6], $0x5FFFF;
	_ =	strace $0x90000046  }
0xb2: {  	s29 =	simm.s32 $0x9;
	_ =	strace $0x80000048  }
0xb3: {  	_ =	swait.ge [sflag:s29], $0x1  }
0xb4: {  	[sflag:s29] =	ssyncadd.s32 $0xFFFFFFFF  }
0xb5: {  	_ =	strace $0x90000048  }
0xb6: {  	_ =	sfence  }
0xb7: {  	s30 =	sld [smem:$0x0];
	_ =	sdelay $0x2  }
0xb8: {  	s31 =	sshll.u32 s1, $0xD;
	s1 =	sshrl.u32 s1, $0x2  }
0xb9: {  	s3 =	sand.u32 $0x4000, s31;
	s1 =	sadd.s32 s1, s30  }
0xba: {  	s0 =	sor.u32 s3, s0;
	s1 =	sshll.u32 s1, $0x11  }
0xbb: {  	s0 =	sor.u32 s1, s0  }
0xbc: {  	s0 =	sadd.s32 $0x8F2B, s0  }
0xbd: {  	[sflag:s0] =	ssyncadd.remote.s32 $0x1  }
0xbe: {  	_ =	sfence.sel $0xFFFF  }
0xbf: {  	[dreg:$0x0] =	wrdreg $0xFFFFFFFF;
	(pc) =	sbr.abs _section_cstart, $3  }
0xc0: {  	[dreg:$0x1] =	wrdreg $0xFFFFFFFF  }
0xc1: {  	_ =	task.clear_ibuf [dreg:s6], $0x2FFFF;
	_ =	strace $0x9FFFFFFF  }
0xc2: {  	(tm) =	ssettm $0x7FFFFFFF  }
0xc3: {  	_ =	shalt  }
tec
execute0_lowered:
.L_overlay_start_1:
0x0: {  	(tag) =	ssettag $0x1  }
0x1: {  	s3 =	rddreg [dreg:$0x0]  }
0x2: {  	s5 =	rddreg [dreg:$0x1]  }
0x3: {  	s0 =	rddreg [dreg:$0x2];
	s2 =	simm.s32 $0x0  }
0x4: {  	s1 =	stileid.u32;
	s4 =	srdreg.scid;
	s11 =	simm.s32 $0x400  }
0x5: {  	s12 =	simm.s32 $0x1400;
	s13 =	simm.s32 $0x14000;
	s14 =	simm.s32 $0x6800  }
0x6: {  	s15 =	simm.s32 $0x100;
	s16 =	simm.s32 $0x9000;
	[smem:$0x7FF] =	sst s2  }
0x7: {  	s6 =	sshll.u32 s1, $0xB;
	s4 =	sand.u32 $0x1, s4;
	s7 =	smul.u32 $0x500, s1  }
0x8: {  	s9 =	sshrl.u32 s1, $0x3;
	s28 =	sshll.u32 s1, $0x7;
	s29 =	smul.u32 $0x5000, s1  }
0x9: {  	_ =	strace $0x80000047;
	s6 =	sadd.s32 s6, s3;
	s8 =	sshll.u32 s4, $0x7  }
0xa: {  	s25 =	ssub.s32 $0x2, s4;
	s9 =	smul.u32 $0x50000, s9;
	s26 =	sshll.u32 s4, $0xF  }
0xb: {  	s4 =	sand.u32 $0x380, s28;
	s7 =	sor.u32 s8, s7;
	s10 =	sshrl.u32 s25, $0x1  }
0xc: {  	s31 =	sshrl.u32 s29, $0x2;
	s7 =	sshrl.u32 s7, $0x3;
	s8 =	ssub.s32 s25, s10  }
0xd: {  	s9 =	sshrl.u32 s9, $0x2;
	s10 =	simm.s32 $0x80;
	s7 =	sadd.s32 s7, s3  }
0xe: {  	s3 =	sadd.s32 s26, s6;
	s30 =	sadd.s32 s9, s5;
	s5 =	sadd.s32 s31, s5  }
0xf: {  	s9 =	simm.s32 $0x4000;
	s3 =	sadd.s32 $0x12400, s3;
	s4 =	sadd.s32 s4, s30  }
0x10: {  	v0 =	vimm.f32 $0.0e+00;
	v1 =	vimm.f32 $1.000000000e+00;
	s6 =	sadd.s32 $0x22400, s7;
	s7 =	smax.u32 s8, $0x1;
	s8 =	simm.s32 $0x1  }
.LBB2_1:
0x11: {  	s17 =	simm.s32 $0x40;
	s18 =	simm.s32 $0x0  }
.LBB2_2:
0x12: {  	p0 =	sne.s32 s17, $0x9FC0;
	[tilespmem:s18+$0x4000] =	vst v0;
	s18 =	smov.u32 s17;
	s17 =	sadd.s32 $0x40, s17  }
.Ltmp0:
0x13: {  	(pc) =	sbr.rel @p0 .LBB2_2-.Ltmp0, $2  }
0x14: {  	_ =	sdelay $0x2  }
0x15: {  	s18 =	sshra.s32 s18, $0x2  }
0x16: {  	[tilespmem:s18+$0x4000] =	vst v0;
	s17 =	simm.s32 $0x0  }
0x17: {  	[tilespmem:s17], [sflag:$0x1] =	stream.linear.gather [hbm4b:s3+s17], $0x3E80, $0x38;
	[tilespmem:$0xBA80] =	vst v63  }
0x18: {  	_ =	swait.ge [sflag:s8], $0x3E80  }
0x19: {  	[sflag:s8] =	ssyncset.done $0x0  }
0x1a: {  	[sflag:s8] =	ssyncadd.s32 $0xFFFFC180  }
.LBB2_4:
0x1b: {  	s18 =	sshra.s32 s17, $0x2  }
0x1c: {  	v2 =	vld [tilespmem:s18+$0x0];
	_ =	sdelay $0x7  }
0x1d: {  	[tilespmem:v2+s9+$0x0] =	vst.idx.add.f32.msk $0xffff, v1  }
0x1e: {  	v2 =	vld [tilespmem:s18+$0x10];
	_ =	sdelay $0x7  }
0x1f: {  	[tilespmem:v2+s9+$0x0] =	vst.idx.add.f32.msk $0xffff, v1  }
0x20: {  	v2 =	vld [tilespmem:s18+$0x20];
	_ =	sdelay $0x7  }
0x21: {  	[tilespmem:v2+s9+$0x0] =	vst.idx.add.f32.msk $0xffff, v1  }
0x22: {  	v2 =	vld [tilespmem:s18+$0x30];
	_ =	sdelay $0x7  }
0x23: {  	[tilespmem:v2+s9+$0x0] =	vst.idx.add.f32.msk $0xffff, v1  }
0x24: {  	v2 =	vld [tilespmem:s18+$0x40];
	_ =	sdelay $0x2  }
0x25: {  	p0 =	sne.s32 s17, $0xF800  }
.Ltmp1:
0x26: {  	_ = 	snop;
	(pc) =	sbr.rel @p0 .LBB2_4-.Ltmp1, $2  }
0x27: {  	_ =	sdelay $0x2  }
0x28: {  	s17 =	sadd.s32 $0x200, s17;
	[tilespmem:v2+s9+$0x0] =	vst.idx.add.f32.msk $0xffff, v1  }
0x29: {  	[spmem:s4] =	stream.strided.scatter [tilespmem:s9], [sflag:$0x1], $0x2800, s11, s10, $0x38;
	[tilespmem:$0xBA80] =	vst v63  }
0x2a: {  	_ =	swait.ge [sflag:s8], $0x2800  }
0x2b: {  	[sflag:s8] =	ssyncset.done $0x0  }
0x2c: {  	[sflag:s8] =	ssyncadd.s32 $0xFFFFD800  }
0x2d: {  	[bflag:$0x0] =	sbarrier.arrive $0xFFFF  }
0x2e: {  	[tilespmem:s14], [sflag:$0x1] =	stream.strided.gather [spmem:s5], $0x2800, s13, s12, $0x38;
	[tilespmem:$0xBA80] =	vst v63  }
0x2f: {  	s17 =	simm.s32 $0x0;
	_ =	swait.ge [sflag:s8], $0x2800  }
0x30: {  	s18 =	sand.u32 $0x70, s17;
	s17 =	sand.u32 $0x1C00, s17;
	[sflag:s8] =	ssyncset.done $0x0  }
0x31: {  	s17 =	sor.u32 s18, s17;
	[sflag:s8] =	ssyncadd.s32 $0xFFFFD800  }
0x32: {  	v2 =	vld [tilespmem:s17+$0x6880]  }
0x33: {  	v3 =	vld [tilespmem:s17+$0x6800];
	_ =	sdelay $0x1  }
0x34: {  	v4 =	vld [tilespmem:s17+$0x6900];
	_ =	sdelay $0x1  }
0x35: {  	v5 =	vld [tilespmem:s17+$0x6980]  }
0x36: {  	v2 =	vadd.f32 v2, v3  }
0x37: {  	v3 =	vld [tilespmem:s17+$0x6A00]  }
0x38: {  	v2 =	vadd.f32 v4, v2  }
0x39: {  	v56 =	vld [tilespmem:s17+$0x6A80]  }
0x3a: {  	v2 =	vadd.f32 v5, v2  }
0x3b: {  	v57 =	vld [tilespmem:s17+$0x6B00]  }
0x3c: {  	v2 =	vadd.f32 v3, v2  }
0x3d: {  	v3 =	vld [tilespmem:s17+$0x6B80]  }
0x3e: {  	v2 =	vadd.f32 v56, v2  }
0x3f: {  	v58 =	vld [tilespmem:s17+$0x7C00]  }
0x40: {  	v2 =	vadd.f32 v57, v2  }
0x41: {  	v59 =	vld [tilespmem:s17+$0x7C80]  }
0x42: {  	v2 =	vadd.f32 v3, v2  }
0x43: {  	v3 =	vld [tilespmem:s17+$0x7D00]  }
0x44: {  	v2 =	vadd.f32 v58, v2  }
0x45: {  	v60 =	vld [tilespmem:s17+$0x7D80]  }
0x46: {  	v2 =	vadd.f32 v59, v2  }
0x47: {  	v61 =	vld [tilespmem:s17+$0x7E00]  }
0x48: {  	v2 =	vadd.f32 v3, v2  }
0x49: {  	v3 =	vld [tilespmem:s17+$0x7E80]  }
0x4a: {  	v2 =	vadd.f32 v60, v2  }
0x4b: {  	v62 =	vld [tilespmem:s17+$0x7F00]  }
0x4c: {  	v2 =	vadd.f32 v61, v2  }
0x4d: {  	v63 =	vld [tilespmem:s17+$0x7F80]  }
0x4e: {  	v2 =	vadd.f32 v3, v2;
	_ =	sdelay $0x1  }
0x4f: {  	v2 =	vadd.f32 v62, v2;
	_ =	sdelay $0x1  }
0x50: {  	s31 =	simm.s32 $0x10;
	s19 =	simm.s32 $0x80;
	v2 =	vadd.f32 v63, v2  }
0x51: {  	s20 =	sand.u32 $0x1C00, s19;
	s18 =	sand.u32 $0x70, s31;
	s17 =	simm.s32 $0x9000  }
0x52: {  	s18 =	sor.u32 s18, s20;
	s20 =	simm.s32 $0x20;
	[tilespmem:s17+$0x0] =	vst v2  }
.LBB2_6:
0x53: {  	p0 =	sne.s32 s20, $0x270;
	v2 =	vld [tilespmem:s18+$0x6880]  }
0x54: {  	v3 =	vld [tilespmem:s18+$0x6800];
	_ =	sdelay $0x1  }
0x55: {  	v4 =	vld [tilespmem:s18+$0x6900];
	_ =	sdelay $0x1  }
0x56: {  	v5 =	vld [tilespmem:s18+$0x6980]  }
0x57: {  	v2 =	vadd.f32 v2, v3  }
0x58: {  	v3 =	vld [tilespmem:s18+$0x6A00]  }
0x59: {  	v2 =	vadd.f32 v4, v2  }
0x5a: {  	v4 =	vld [tilespmem:s18+$0x6A80]  }
0x5b: {  	v2 =	vadd.f32 v5, v2  }
0x5c: {  	v5 =	vld [tilespmem:s18+$0x6B00]  }
0x5d: {  	v2 =	vadd.f32 v3, v2  }
0x5e: {  	v3 =	vld [tilespmem:s18+$0x6B80]  }
0x5f: {  	v2 =	vadd.f32 v4, v2  }
0x60: {  	v4 =	vld [tilespmem:s18+$0x7C00]  }
0x61: {  	v2 =	vadd.f32 v5, v2  }
0x62: {  	v5 =	vld [tilespmem:s18+$0x7C80]  }
0x63: {  	v2 =	vadd.f32 v3, v2  }
0x64: {  	v3 =	vld [tilespmem:s18+$0x7D00]  }
0x65: {  	v2 =	vadd.f32 v4, v2  }
0x66: {  	v4 =	vld [tilespmem:s18+$0x7D80]  }
0x67: {  	v2 =	vadd.f32 v5, v2  }
0x68: {  	v5 =	vld [tilespmem:s18+$0x7E00]  }
0x69: {  	v2 =	vadd.f32 v3, v2  }
0x6a: {  	v3 =	vld [tilespmem:s18+$0x7E80]  }
0x6b: {  	v2 =	vadd.f32 v4, v2  }
0x6c: {  	v4 =	vld [tilespmem:s18+$0x7F00]  }
0x6d: {  	v2 =	vadd.f32 v5, v2  }
0x6e: {  	v5 =	vld [tilespmem:s18+$0x7F80]  }
0x6f: {  	v2 =	vadd.f32 v3, v2;
	_ =	sdelay $0x1  }
.Ltmp2:
0x70: {  	v2 =	vadd.f32 v4, v2;
	(pc) =	sbr.rel @p0 .LBB2_6-.Ltmp2, $4  }
0x71: {  	_ = 	snop  }
0x72: {  	s19 =	sadd.s32 $0x80, s19;
	v2 =	vadd.f32 v5, v2  }
0x73: {  	s17 =	sadd.s32 $0x10, s17;
	s21 =	sand.u32 $0x1C00, s19;
	s18 =	sand.u32 $0x70, s20  }
0x74: {  	s20 =	sadd.s32 $0x10, s20;
	s18 =	sor.u32 s18, s21;
	[tilespmem:s17+$0x0] =	vst v2  }
0x75: {  	v2 =	vld [tilespmem:s18+$0x6880]  }
0x76: {  	v3 =	vld [tilespmem:s18+$0x6800];
	_ =	sdelay $0x1  }
0x77: {  	v4 =	vld [tilespmem:s18+$0x6900];
	_ =	sdelay $0x1  }
0x78: {  	v5 =	vld [tilespmem:s18+$0x6980]  }
0x79: {  	v2 =	vadd.f32 v2, v3  }
0x7a: {  	v3 =	vld [tilespmem:s18+$0x6A00]  }
0x7b: {  	v2 =	vadd.f32 v4, v2  }
0x7c: {  	v56 =	vld [tilespmem:s18+$0x6A80]  }
0x7d: {  	v2 =	vadd.f32 v5, v2  }
0x7e: {  	v57 =	vld [tilespmem:s18+$0x6B00]  }
0x7f: {  	v2 =	vadd.f32 v3, v2  }
0x80: {  	v3 =	vld [tilespmem:s18+$0x6B80]  }
0x81: {  	v2 =	vadd.f32 v56, v2  }
0x82: {  	v58 =	vld [tilespmem:s18+$0x7C00]  }
0x83: {  	v2 =	vadd.f32 v57, v2  }
0x84: {  	v59 =	vld [tilespmem:s18+$0x7C80]  }
0x85: {  	v2 =	vadd.f32 v3, v2  }
0x86: {  	v3 =	vld [tilespmem:s18+$0x7D00]  }
0x87: {  	v2 =	vadd.f32 v58, v2  }
0x88: {  	v60 =	vld [tilespmem:s18+$0x7D80]  }
0x89: {  	v2 =	vadd.f32 v59, v2  }
0x8a: {  	v61 =	vld [tilespmem:s18+$0x7E00]  }
0x8b: {  	v2 =	vadd.f32 v3, v2  }
0x8c: {  	v3 =	vld [tilespmem:s18+$0x7E80]  }
0x8d: {  	v2 =	vadd.f32 v60, v2  }
0x8e: {  	v62 =	vld [tilespmem:s18+$0x7F00]  }
0x8f: {  	v2 =	vadd.f32 v61, v2  }
0x90: {  	v63 =	vld [tilespmem:s18+$0x7F80]  }
0x91: {  	v2 =	vadd.f32 v3, v2;
	_ =	sdelay $0x1  }
0x92: {  	v2 =	vadd.f32 v62, v2;
	_ =	sdelay $0x1  }
0x93: {  	s2 =	sadd.s32 $0x1, s2;
	v2 =	vadd.f32 v63, v2  }
0x94: {  	s17 =	sadd.s32 $0x10, s17;
	p0 =	sne.s32 s2, s7  }
.Ltmp3:
0x95: {  	[tilespmem:s17+$0x0] =	vst v2;
	(pc) =	sbr.rel @p0 .LBB2_1-.Ltmp3, $4  }
0x96: {  	[hbm4b:s6+s10] =	stream.strided.scatter [tilespmem:s16], [sflag:$0x1], $0x280, s15, s10, $0x38;
	[tilespmem:$0xBA80] =	vst v63  }
0x97: {  	_ =	swait.ge [sflag:s8], $0x280  }
0x98: {  	[sflag:s8] =	ssyncset.done $0x0  }
0x99: {  	[sflag:s8] =	ssyncadd.s32 $0xFFFFFD80  }
0x9a: {  	_ =	sfence.sel $0x180000  }
0x9b: {  	[bflag:$0x0] =	sbarrier.arrive $0xFFFF  }
0x9c: {  	p0 =	sne.s32 s1, $0x0;
	_ =	strace $0x90000047  }
0x9d: {  	s0 =	sadd.s32 @!p0 $0x100000, s0;
	[bflag:$0x2] =	sbarrier.arrive $0xFFFF  }
0x9e: {  	[sflag:s0] =	ssyncadd.tile.s32 @!p0 $0x1;
	_ =	shalt  }
.Lfunc_end2:
_tile_overlayer_lowered:
.L_overlay_start_2:
0x9f: {  	(tag) =	ssettag $0x2  }
0xa0: {  	s0 =	rddreg [dreg:$0x0];
	s2 =	stileid.u32  }
0xa1: {  	s1 =	rddreg [dreg:$0x1];
	p0 =	sne.s32 s2, $0x0  }
0xa2: {  	s3 =	rddreg [dreg:$0x2];
	[bflag:$0x3] =	sbarrier.arrive $0xFFFF;
	s2 =	simm.s32 @!p0 $0x1C01  }
0xa3: {  	[timem:s3], [sflag:s2] =	dma.local @!p0 [hbm:s0], s1  }
0xa4: {  	s0 =	simm.s32 @!p0 $0x1  }
0xa5: {  	_ =	swait.ge @!p0 [sflag:s0], s1  }
0xa6: {  	s1 =	ssub.s32 @!p0 $0x0, s1;
	[sflag:s0] =	ssyncset.done @!p0 $0x0  }
0xa7: {  	[sflag:s0] =	ssyncadd.s32 @!p0 s1  }
0xa8: {  	[bflag:$0x3] =	sbarrier.arrive $0xFFFF  }
0xa9: {  	_ =	shalt  }

</sc_bundles>
